<compile_context>
chip_gen: v7x
topology: tpu7x:2x2x1
jax: 0.10.2.dev20260603
libtpu: 0.0.44.dev20260713+nightly
codegen_flags: <defaults>
</compile_context>

<pallas_src>
import functools

import jax
import jax.numpy as jnp
from jax import lax
from jax.experimental import pallas as pl
from jax.experimental.pallas import tpu as pltpu
from jax.experimental.pallas import tpu_sc as plsc

_N = 10000
_E = 160000
_IN = 256
_HID = 512
_OUT = 256

_NC = 2
_NS = 16
_CHUNK = 128
_EPAD = 163840
_NCHUNKS = _EPAD // _CHUNK
_CPT = _NCHUNKS // _NS
_ZROWS = 632
_ACC_ROWS = _NS * _ZROWS


def _fill_rows(ref, nrows, val):
    v = jnp.full((16,), val, jnp.float32)
    ncol = ref.shape[1]

    def body(i, carry):
        for j in range(ncol // 16):
            ref[i, pl.ds(j * 16, 16)] = v
        return carry

    lax.fori_loop(0, nrows, body, 0)


def _zero_slice(acc, zbuf, zbase):
    for k in range(_ZROWS // _CHUNK):
        pltpu.sync_copy(zbuf, acc.at[pl.ds(zbase + k * _CHUNK, _CHUNK)])
    rem = _ZROWS % _CHUNK
    if rem:
        pltpu.sync_copy(zbuf.at[pl.ds(0, rem)],
                        acc.at[pl.ds(zbase + (_ZROWS // _CHUNK) * _CHUNK, rem)])


_W = 16
_NWIN = _CPT // _W
_DW = 8
_QC = 64


def _seg_body(compute_deg, table, src2, dst2, *rest):
    if compute_deg:
        (out_agg, out_deg, src_w, dst_w, buf0, buf1, acc, sem0, sem1) = rest
    else:
        (out_agg, src_w, dst_w, buf0, buf1, acc, sem0, sem1) = rest
    c = lax.axis_index("c")
    s = lax.axis_index("s")
    zbase = s * _ZROWS

    bufs = (buf0, buf1)
    sems = (sem0, sem1)

    _fill_rows(buf0, _CHUNK, 0.0)
    _zero_slice(acc, buf0, zbase)

    if compute_deg:
        _fill_rows(buf1, _CHUNK, 1.0)
        plsc.subcore_barrier()

        def dwin(w, carry):
            base = c * (_NS * _DEG_CPT) + s * _DEG_CPT + w * _DW
            pltpu.sync_copy(dst2.at[pl.ds(base, _DW)], dst_w.at[pl.ds(0, _DW)])
            for j in range(_DW):
                pltpu.sync_copy(buf1, acc.at[dst_w.at[j]], add=True)
            return carry

        lax.fori_loop(0, _DEG_CPT // _DW, dwin, 0)

        plsc.subcore_barrier()
        pltpu.sync_copy(acc.at[pl.ds(zbase, _ZROWS)],
                        out_deg.at[c, pl.ds(zbase, _ZROWS)])
        _zero_slice(acc, buf0, zbase)

    plsc.subcore_barrier()

    def window(w, carry):
        base = s * _CPT + w * _W
        pltpu.sync_copy(src2.at[c, pl.ds(base, _W)], src_w)
        pltpu.sync_copy(dst2.at[pl.ds(base, _W)], dst_w)
        cps = [None, None]
        cps[0] = pltpu.async_copy(table.at[src_w.at[0]], buf0, sem0)
        for j in range(_W):
            nxt = (j + 1) % 2
            if j + 1 < _W:
                cps[nxt] = pltpu.async_copy(table.at[src_w.at[j + 1]],
                                            bufs[nxt], sems[nxt])
            cps[j % 2].wait()
            pltpu.sync_copy(bufs[j % 2], acc.at[dst_w.at[j]], add=True)
        return carry

    lax.fori_loop(0, _NWIN, window, 0)

    plsc.subcore_barrier()

    pltpu.sync_copy(acc.at[pl.ds(zbase, _ZROWS)],
                    out_agg.at[c, pl.ds(zbase, _ZROWS)])


_DEG_CPT = _NCHUNKS // (_NC * _NS)


def _make_seg(compute_deg):
    mesh = plsc.VectorSubcoreMesh(core_axis_name="c", subcore_axis_name="s",
                                  num_cores=_NC, num_subcores=_NS)
    out_type = [jax.ShapeDtypeStruct((_NC, _ACC_ROWS, 128), jnp.float32)]
    if compute_deg:
        out_type.append(
            jax.ShapeDtypeStruct((_NC, _ACC_ROWS, 128), jnp.float32))
    scratch = [
        pltpu.VMEM((_W, _CHUNK), jnp.int32),
        pltpu.VMEM((_W, _CHUNK), jnp.int32),
        pltpu.VMEM((_CHUNK, 128), jnp.float32),
        pltpu.VMEM((_CHUNK, 128), jnp.float32),
        pltpu.VMEM_SHARED((_ACC_ROWS, 128), jnp.float32),
        pltpu.SemaphoreType.DMA,
        pltpu.SemaphoreType.DMA,
    ]
    return pl.kernel(
        functools.partial(_seg_body, compute_deg),
        out_type=tuple(out_type), mesh=mesh, scratch_types=scratch)


_BN = 400


def _tc1_body(agg_ref, x_ref, deg_ref, w1l_ref, w1r_ref, b1_ref,
              w2l_ref, w2r_ref, b2_ref, p4_ref, r_ref):
    deg = deg_ref[0, :, 0:1] + deg_ref[1, :, 0:1]
    inv = 1.0 / jnp.maximum(deg, 1.0)
    ssum = jnp.dot(agg_ref[0], w1l_ref[:128, :],
                   preferred_element_type=jnp.float32)
    ssum = ssum + jnp.dot(agg_ref[1], w1l_ref[128:, :],
                          preferred_element_type=jnp.float32)
    h = ssum * inv + jnp.dot(x_ref[...], w1r_ref[...],
                             preferred_element_type=jnp.float32) + b1_ref[...]
    h = jnp.maximum(h, 0.0)
    p = jnp.dot(h, w2l_ref[...], preferred_element_type=jnp.float32)
    p4_ref[0] = p[:, :128]
    p4_ref[1] = p[:, 128:]
    r_ref[...] = jnp.dot(h, w2r_ref[...],
                         preferred_element_type=jnp.float32) + b2_ref[...]


def _tc2_body(agg_ref, deg_ref, r_ref, out_ref):
    deg = deg_ref[0, :, 0:1] + deg_ref[1, :, 0:1]
    inv = 1.0 / jnp.maximum(deg, 1.0)
    out_ref[...] = jnp.concatenate(
        [agg_ref[0], agg_ref[1]], axis=1) * inv + r_ref[...]


def _tc1(agg1, x, deg, W1_l, W1_r, b1, W2_l, W2_r, b2):
    grid = (_N // _BN,)
    return pl.pallas_call(
        _tc1_body,
        grid=grid,
        in_specs=[
            pl.BlockSpec((_NC, _BN, 128), lambda i: (0, i, 0)),
            pl.BlockSpec((_BN, _IN), lambda i: (i, 0)),
            pl.BlockSpec((_NC, _BN, 128), lambda i: (0, i, 0)),
            pl.BlockSpec((_IN, _HID), lambda i: (0, 0)),
            pl.BlockSpec((_IN, _HID), lambda i: (0, 0)),
            pl.BlockSpec((1, _HID), lambda i: (0, 0)),
            pl.BlockSpec((_HID, _OUT), lambda i: (0, 0)),
            pl.BlockSpec((_HID, _OUT), lambda i: (0, 0)),
            pl.BlockSpec((1, _OUT), lambda i: (0, 0)),
        ],
        out_specs=[
            pl.BlockSpec((_NC, _BN, 128), lambda i: (0, i, 0)),
            pl.BlockSpec((_BN, _OUT), lambda i: (i, 0)),
        ],
        out_shape=[
            jax.ShapeDtypeStruct((_NC, _N, 128), jnp.float32),
            jax.ShapeDtypeStruct((_N, _OUT), jnp.float32),
        ],
    )(agg1, x, deg, W1_l, W1_r, b1, W2_l, W2_r, b2)


def _tc2(agg2, deg, r):
    grid = (_N // _BN,)
    return pl.pallas_call(
        _tc2_body,
        grid=grid,
        in_specs=[
            pl.BlockSpec((_NC, _BN, 128), lambda i: (0, i, 0)),
            pl.BlockSpec((_NC, _BN, 128), lambda i: (0, i, 0)),
            pl.BlockSpec((_BN, _OUT), lambda i: (i, 0)),
        ],
        out_specs=pl.BlockSpec((_BN, _OUT), lambda i: (i, 0)),
        out_shape=jax.ShapeDtypeStruct((_N, _OUT), jnp.float32),
    )(agg2, deg, r)


def kernel(x, edge_index, W1_l, W1_r, b1, W2_l, W2_r, b2):
    src = edge_index[0]
    dst = edge_index[1]
    pad = _EPAD - _E
    iota = jnp.arange(pad, dtype=jnp.int32)
    src_p = jnp.concatenate([src, iota * 37 % _N])
    dst_p = jnp.concatenate([dst, _N + iota % (_ACC_ROWS - _N)])
    src2 = jnp.stack([src_p, src_p + _N]).reshape(_NC, _NCHUNKS, _CHUNK)
    dst2 = dst_p.reshape(_NCHUNKS, _CHUNK)
    x2 = jnp.concatenate([x[:, :128], x[:, 128:]], axis=0)

    agg1, deg = _make_seg(True)(x2, src2, dst2)
    p2, r = _tc1(agg1, x, deg, W1_l, W1_r, b1.reshape(1, _HID),
                 W2_l, W2_r, b2.reshape(1, _OUT))
    agg2, = _make_seg(False)(p2.reshape(_NC * _N, 128), src2, dst2)
    return _tc2(agg2, deg, r)

# --- scband reference (transcript-rebuilt; emitter-appended) ---
"""Pipeline reference for scband-sage-91173565759959 (READ-ONLY COPY).

The authoritative reference and input builder live on the scoring server;
editing this copy changes nothing except your own understanding.
"""

import jax, jax.numpy as jnp
import numpy as np

N = 10000
E = 160000
IN = 256
HID = 512
OUT = 256


def setup_inputs(seed: int = 0) -> dict:
    key = jax.random.key(seed)
    ks = jax.random.split(key, 9)
    x = jax.random.normal(ks[0], (N, IN), dtype=jnp.float32)
    edge_index = jax.random.randint(ks[1], (2, E), 0, N, dtype=jnp.int32)
    # SAGEConv layer 1 params (PyG SAGEConv: out = aggr_mean(x_j) @ W_l + x_i @ W_r + b)
    W1_l = jax.random.normal(ks[2], (IN, HID), dtype=jnp.float32) * (1.0 / np.sqrt(IN))
    W1_r = jax.random.normal(ks[3], (IN, HID), dtype=jnp.float32) * (1.0 / np.sqrt(IN))
    b1 = jnp.zeros((HID,), dtype=jnp.float32)
    # SAGEConv layer 2 params
    W2_l = jax.random.normal(ks[4], (HID, OUT), dtype=jnp.float32) * (1.0 / np.sqrt(HID))
    W2_r = jax.random.normal(ks[5], (HID, OUT), dtype=jnp.float32) * (1.0 / np.sqrt(HID))
    b2 = jnp.zeros((OUT,), dtype=jnp.float32)
    return {"x": x, "edge_index": edge_index, "W1_l": W1_l, "W1_r": W1_r, "b1": b1, "W2_l": W2_l, "W2_r": W2_r, "b2": b2}


def _sage_conv(h, edge_index, Wl, Wr, b):
    src = edge_index[0]
    dst = edge_index[1]
    msgs = h[src]  # gather source-node features per edge
    agg = jax.ops.segment_sum(msgs, dst, num_segments=N)
    deg = jax.ops.segment_sum(jnp.ones((E,), dtype=h.dtype), dst, num_segments=N)
    agg = agg / jnp.clip(deg, 1.0)[:, None]  # mean aggregation
    return agg @ Wl + h @ Wr + b


def reference(x, edge_index, W1_l, W1_r, b1, W2_l, W2_r, b2):
    h = _sage_conv(x, edge_index, W1_l, W1_r, b1)
    h = jax.nn.relu(h)
    # dropout is identity in eval mode
    h = _sage_conv(h, edge_index, W2_l, W2_r, b2)
    return h

if __name__ == "__main__":
    import jax
    _d = setup_inputs()
    print(jax.jit(kernel)(*tuple(_d.values())))

</pallas_src>

<mosaic_0001>
#map = affine_map<(d0, d1) -> (0, 0)>
#map1 = affine_map<(d0, d1) -> (0, 0, 0)>
module attributes {stable_mosaic.version = 14 : i64} {
  func.func @_seg_body(%arg0: i32, %arg1: i32, %arg2: memref<20000x128xf32, #tpu.memory_space<hbm>>, %arg3: memref<2x1280x128xi32, #tpu.memory_space<hbm>>, %arg4: memref<1280x128xi32, #tpu.memory_space<hbm>>, %arg5: memref<2x10112x128xf32, #tpu.memory_space<hbm>>, %arg6: memref<2x10112x128xf32, #tpu.memory_space<hbm>>, %arg7: memref<16x128xi32, #tpu.memory_space<vmem>>, %arg8: memref<16x128xi32, #tpu.memory_space<vmem>>, %arg9: memref<128x128xf32, #tpu.memory_space<vmem>>, %arg10: memref<128x128xf32, #tpu.memory_space<vmem>>, %arg11: memref<10112x128xf32, #tpu.memory_space<vmem_shared>>, %arg12: memref<!tpu.dma_semaphore, #tpu.memory_space<semaphore_mem>>, %arg13: memref<!tpu.dma_semaphore, #tpu.memory_space<semaphore_mem>>) attributes {dimension_semantics = [#tpu.dimension_semantics<core_parallel>, #tpu.dimension_semantics<subcore_parallel>], iteration_bounds = array<i64: 2, 16>, scalar_prefetch = 0 : i64, scratch_operands = 7 : i64, tpu.core_type = #tpu.core_type<sc_vector_subcore>, window_params = [{transform_indices = #map}, {transform_indices = #map1}, {transform_indices = #map}, {transform_indices = #map1}, {transform_indices = #map1}]} {
    %mul3A = arith.constant 632 : i32
    %mul3A_0 = arith.muli %arg1, %mul3A : i32
    %broadcast_in_dim3A = arith.constant 0.000000e+00 : f32
    %broadcast_in_dim3A_1 = vector.broadcast %broadcast_in_dim3A : f32 to vector<16xf32>
    %scan3A = arith.constant 0 : i32
    %scan3A_2 = arith.constant 0 : i32
    %scan3A_3 = arith.constant 128 : i32
    %scan3A_4 = arith.addi %scan3A_2, %scan3A_3 : i32
    %scan3A_5 = arith.constant 1 : i32
    scf.for %scan3A_49 = %scan3A_2 to %scan3A_4 step %scan3A_5  : i32 {
      %swap3A = arith.index_cast %scan3A_49 : i32 to index
      %swap3A_50 = arith.constant 0 : index
      %swap3A_51 = tpu.vector_load %arg9[%swap3A, %swap3A_50] {strides = array<i32>} : memref<128x128xf32, #tpu.memory_space<vmem>>, vector<1x16xf32>,
      %swap3A_52 = vector.shape_cast %swap3A_51 : vector<1x16xf32> to vector<16xf32>
      %swap3A_53 = vector.shape_cast %broadcast_in_dim3A_1 : vector<16xf32> to vector<1x16xf32>
      tpu.vector_store %arg9[%swap3A, %swap3A_50], %swap3A_53 {strides = array<i32>} : memref<128x128xf32, #tpu.memory_space<vmem>>, vector<1x16xf32>,
      %swap3A_54 = arith.index_cast %scan3A_49 : i32 to index
      %swap3A_55 = arith.constant 16 : index
      %swap3A_56 = tpu.vector_load %arg9[%swap3A_54, %swap3A_55] {strides = array<i32>} : memref<128x128xf32, #tpu.memory_space<vmem>>, vector<1x16xf32>,
      %swap3A_57 = vector.shape_cast %swap3A_56 : vector<1x16xf32> to vector<16xf32>
      %swap3A_58 = vector.shape_cast %broadcast_in_dim3A_1 : vector<16xf32> to vector<1x16xf32>
      tpu.vector_store %arg9[%swap3A_54, %swap3A_55], %swap3A_58 {strides = array<i32>} : memref<128x128xf32, #tpu.memory_space<vmem>>, vector<1x16xf32>,
      %swap3A_59 = arith.index_cast %scan3A_49 : i32 to index
      %swap3A_60 = arith.constant 32 : index
      %swap3A_61 = tpu.vector_load %arg9[%swap3A_59, %swap3A_60] {strides = array<i32>} : memref<128x128xf32, #tpu.memory_space<vmem>>, vector<1x16xf32>,
      %swap3A_62 = vector.shape_cast %swap3A_61 : vector<1x16xf32> to vector<16xf32>
      %swap3A_63 = vector.shape_cast %broadcast_in_dim3A_1 : vector<16xf32> to vector<1x16xf32>
      tpu.vector_store %arg9[%swap3A_59, %swap3A_60], %swap3A_63 {strides = array<i32>} : memref<128x128xf32, #tpu.memory_space<vmem>>, vector<1x16xf32>,
      %swap3A_64 = arith.index_cast %scan3A_49 : i32 to index
      %swap3A_65 = arith.constant 48 : index
      %swap3A_66 = tpu.vector_load %arg9[%swap3A_64, %swap3A_65] {strides = array<i32>} : memref<128x128xf32, #tpu.memory_space<vmem>>, vector<1x16xf32>,
      %swap3A_67 = vector.shape_cast %swap3A_66 : vector<1x16xf32> to vector<16xf32>
      %swap3A_68 = vector.shape_cast %broadcast_in_dim3A_1 : vector<16xf32> to vector<1x16xf32>
      tpu.vector_store %arg9[%swap3A_64, %swap3A_65], %swap3A_68 {strides = array<i32>} : memref<128x128xf32, #tpu.memory_space<vmem>>, vector<1x16xf32>,
      %swap3A_69 = arith.index_cast %scan3A_49 : i32 to index
      %swap3A_70 = arith.constant 64 : index
      %swap3A_71 = tpu.vector_load %arg9[%swap3A_69, %swap3A_70] {strides = array<i32>} : memref<128x128xf32, #tpu.memory_space<vmem>>, vector<1x16xf32>,
      %swap3A_72 = vector.shape_cast %swap3A_71 : vector<1x16xf32> to vector<16xf32>
      %swap3A_73 = vector.shape_cast %broadcast_in_dim3A_1 : vector<16xf32> to vector<1x16xf32>
      tpu.vector_store %arg9[%swap3A_69, %swap3A_70], %swap3A_73 {strides = array<i32>} : memref<128x128xf32, #tpu.memory_space<vmem>>, vector<1x16xf32>,
      %swap3A_74 = arith.index_cast %scan3A_49 : i32 to index
      %swap3A_75 = arith.constant 80 : index
      %swap3A_76 = tpu.vector_load %arg9[%swap3A_74, %swap3A_75] {strides = array<i32>} : memref<128x128xf32, #tpu.memory_space<vmem>>, vector<1x16xf32>,
      %swap3A_77 = vector.shape_cast %swap3A_76 : vector<1x16xf32> to vector<16xf32>
      %swap3A_78 = vector.shape_cast %broadcast_in_dim3A_1 : vector<16xf32> to vector<1x16xf32>
      tpu.vector_store %arg9[%swap3A_74, %swap3A_75], %swap3A_78 {strides = array<i32>} : memref<128x128xf32, #tpu.memory_space<vmem>>, vector<1x16xf32>,
      %swap3A_79 = arith.index_cast %scan3A_49 : i32 to index
      %swap3A_80 = arith.constant 96 : index
      %swap3A_81 = tpu.vector_load %arg9[%swap3A_79, %swap3A_80] {strides = array<i32>} : memref<128x128xf32, #tpu.memory_space<vmem>>, vector<1x16xf32>,
      %swap3A_82 = vector.shape_cast %swap3A_81 : vector<1x16xf32> to vector<16xf32>
      %swap3A_83 = vector.shape_cast %broadcast_in_dim3A_1 : vector<16xf32> to vector<1x16xf32>
      tpu.vector_store %arg9[%swap3A_79, %swap3A_80], %swap3A_83 {strides = array<i32>} : memref<128x128xf32, #tpu.memory_space<vmem>>, vector<1x16xf32>,
      %swap3A_84 = arith.index_cast %scan3A_49 : i32 to index
      %swap3A_85 = arith.constant 112 : index
      %swap3A_86 = tpu.vector_load %arg9[%swap3A_84, %swap3A_85] {strides = array<i32>} : memref<128x128xf32, #tpu.memory_space<vmem>>, vector<1x16xf32>,
      %swap3A_87 = vector.shape_cast %swap3A_86 : vector<1x16xf32> to vector<16xf32>
      %swap3A_88 = vector.shape_cast %broadcast_in_dim3A_1 : vector<16xf32> to vector<1x16xf32>
      tpu.vector_store %arg9[%swap3A_84, %swap3A_85], %swap3A_88 {strides = array<i32>} : memref<128x128xf32, #tpu.memory_space<vmem>>, vector<1x16xf32>,
    }
    %scan3A_6 = arith.constant 128 : i32
    %add3A = arith.constant 0 : i32
    %add3A_7 = arith.addi %mul3A_0, %add3A : i32
    "tpu.region"() ({
      %run_scoped3A = tpu.sem_alloc : memref<!tpu.dma_semaphore, #tpu.memory_space<semaphore_mem>>
      %dma_start3A = arith.constant 0 : i32
      %dma_start3A_49 = tpu.memref_slice %arg11[%add3A_7, %dma_start3A] : memref<10112x128xf32, #tpu.memory_space<vmem_shared>> -> memref<128x128xf32, #tpu.memory_space<vmem_shared>>
      %dma_start3A_50 = arith.constant 0 : i32
      %dma_start3A_51 = tpu.memref_slice %arg11[%add3A_7, %dma_start3A_50] : memref<10112x128xf32, #tpu.memory_space<vmem_shared>> -> memref<128x128xf32, #tpu.memory_space<vmem_shared>>
      tpu.enqueue_dma source(%arg9 : memref<128x128xf32, #tpu.memory_space<vmem>>) target(%dma_start3A_51 : memref<128x128xf32, #tpu.memory_space<vmem_shared>>) target_semaphore(%run_scoped3A : memref<!tpu.dma_semaphore, #tpu.memory_space<semaphore_mem>>)
      %dma_wait3A = arith.constant 0 : i32
      %dma_wait3A_52 = tpu.memref_slice %arg11[%add3A_7, %dma_wait3A] : memref<10112x128xf32, #tpu.memory_space<vmem_shared>> -> memref<128x128xf32, #tpu.memory_space<vmem_shared>>
      %dma_wait3A_53 = arith.constant 0 : i32
      %dma_wait3A_54 = tpu.memref_slice %arg11[%add3A_7, %dma_wait3A_53] : memref<10112x128xf32, #tpu.memory_space<vmem_shared>> -> memref<128x128xf32, #tpu.memory_space<vmem_shared>>
      tpu.wait_dma2 semaphore(%run_scoped3A : memref<!tpu.dma_semaphore, #tpu.memory_space<semaphore_mem>>) src(%arg9 : memref<128x128xf32, #tpu.memory_space<vmem>>) dst(%dma_wait3A_54 : memref<128x128xf32, #tpu.memory_space<vmem_shared>>)
      tpu.yield
    }) : () -> ()
    %add3A_8 = arith.constant 128 : i32
    %add3A_9 = arith.addi %mul3A_0, %add3A_8 : i32
    "tpu.region"() ({
      %run_scoped3A = tpu.sem_alloc : memref<!tpu.dma_semaphore, #tpu.memory_space<semaphore_mem>>
      %dma_start3A = arith.constant 0 : i32
      %dma_start3A_49 = tpu.memref_slice %arg11[%add3A_9, %dma_start3A] : memref<10112x128xf32, #tpu.memory_space<vmem_shared>> -> memref<128x128xf32, #tpu.memory_space<vmem_shared>>
      %dma_start3A_50 = arith.constant 0 : i32
      %dma_start3A_51 = tpu.memref_slice %arg11[%add3A_9, %dma_start3A_50] : memref<10112x128xf32, #tpu.memory_space<vmem_shared>> -> memref<128x128xf32, #tpu.memory_space<vmem_shared>>
      tpu.enqueue_dma source(%arg9 : memref<128x128xf32, #tpu.memory_space<vmem>>) target(%dma_start3A_51 : memref<128x128xf32, #tpu.memory_space<vmem_shared>>) target_semaphore(%run_scoped3A : memref<!tpu.dma_semaphore, #tpu.memory_space<semaphore_mem>>)
      %dma_wait3A = arith.constant 0 : i32
      %dma_wait3A_52 = tpu.memref_slice %arg11[%add3A_9, %dma_wait3A] : memref<10112x128xf32, #tpu.memory_space<vmem_shared>> -> memref<128x128xf32, #tpu.memory_space<vmem_shared>>
      %dma_wait3A_53 = arith.constant 0 : i32
      %dma_wait3A_54 = tpu.memref_slice %arg11[%add3A_9, %dma_wait3A_53] : memref<10112x128xf32, #tpu.memory_space<vmem_shared>> -> memref<128x128xf32, #tpu.memory_space<vmem_shared>>
      tpu.wait_dma2 semaphore(%run_scoped3A : memref<!tpu.dma_semaphore, #tpu.memory_space<semaphore_mem>>) src(%arg9 : memref<128x128xf32, #tpu.memory_space<vmem>>) dst(%dma_wait3A_54 : memref<128x128xf32, #tpu.memory_space<vmem_shared>>)
      tpu.yield
    }) : () -> ()
    %add3A_10 = arith.constant 256 : i32
    %add3A_11 = arith.addi %mul3A_0, %add3A_10 : i32
    "tpu.region"() ({
      %run_scoped3A = tpu.sem_alloc : memref<!tpu.dma_semaphore, #tpu.memory_space<semaphore_mem>>
      %dma_start3A = arith.constant 0 : i32
      %dma_start3A_49 = tpu.memref_slice %arg11[%add3A_11, %dma_start3A] : memref<10112x128xf32, #tpu.memory_space<vmem_shared>> -> memref<128x128xf32, #tpu.memory_space<vmem_shared>>
      %dma_start3A_50 = arith.constant 0 : i32
      %dma_start3A_51 = tpu.memref_slice %arg11[%add3A_11, %dma_start3A_50] : memref<10112x128xf32, #tpu.memory_space<vmem_shared>> -> memref<128x128xf32, #tpu.memory_space<vmem_shared>>
      tpu.enqueue_dma source(%arg9 : memref<128x128xf32, #tpu.memory_space<vmem>>) target(%dma_start3A_51 : memref<128x128xf32, #tpu.memory_space<vmem_shared>>) target_semaphore(%run_scoped3A : memref<!tpu.dma_semaphore, #tpu.memory_space<semaphore_mem>>)
      %dma_wait3A = arith.constant 0 : i32
      %dma_wait3A_52 = tpu.memref_slice %arg11[%add3A_11, %dma_wait3A] : memref<10112x128xf32, #tpu.memory_space<vmem_shared>> -> memref<128x128xf32, #tpu.memory_space<vmem_shared>>
      %dma_wait3A_53 = arith.constant 0 : i32
      %dma_wait3A_54 = tpu.memref_slice %arg11[%add3A_11, %dma_wait3A_53] : memref<10112x128xf32, #tpu.memory_space<vmem_shared>> -> memref<128x128xf32, #tpu.memory_space<vmem_shared>>
      tpu.wait_dma2 semaphore(%run_scoped3A : memref<!tpu.dma_semaphore, #tpu.memory_space<semaphore_mem>>) src(%arg9 : memref<128x128xf32, #tpu.memory_space<vmem>>) dst(%dma_wait3A_54 : memref<128x128xf32, #tpu.memory_space<vmem_shared>>)
      tpu.yield
    }) : () -> ()
    %add3A_12 = arith.constant 384 : i32
    %add3A_13 = arith.addi %mul3A_0, %add3A_12 : i32
    "tpu.region"() ({
      %run_scoped3A = tpu.sem_alloc : memref<!tpu.dma_semaphore, #tpu.memory_space<semaphore_mem>>
      %dma_start3A = arith.constant 0 : i32
      %dma_start3A_49 = tpu.memref_slice %arg11[%add3A_13, %dma_start3A] : memref<10112x128xf32, #tpu.memory_space<vmem_shared>> -> memref<128x128xf32, #tpu.memory_space<vmem_shared>>
      %dma_start3A_50 = arith.constant 0 : i32
      %dma_start3A_51 = tpu.memref_slice %arg11[%add3A_13, %dma_start3A_50] : memref<10112x128xf32, #tpu.memory_space<vmem_shared>> -> memref<128x128xf32, #tpu.memory_space<vmem_shared>>
      tpu.enqueue_dma source(%arg9 : memref<128x128xf32, #tpu.memory_space<vmem>>) target(%dma_start3A_51 : memref<128x128xf32, #tpu.memory_space<vmem_shared>>) target_semaphore(%run_scoped3A : memref<!tpu.dma_semaphore, #tpu.memory_space<semaphore_mem>>)
      %dma_wait3A = arith.constant 0 : i32
      %dma_wait3A_52 = tpu.memref_slice %arg11[%add3A_13, %dma_wait3A] : memref<10112x128xf32, #tpu.memory_space<vmem_shared>> -> memref<128x128xf32, #tpu.memory_space<vmem_shared>>
      %dma_wait3A_53 = arith.constant 0 : i32
      %dma_wait3A_54 = tpu.memref_slice %arg11[%add3A_13, %dma_wait3A_53] : memref<10112x128xf32, #tpu.memory_space<vmem_shared>> -> memref<128x128xf32, #tpu.memory_space<vmem_shared>>
      tpu.wait_dma2 semaphore(%run_scoped3A : memref<!tpu.dma_semaphore, #tpu.memory_space<semaphore_mem>>) src(%arg9 : memref<128x128xf32, #tpu.memory_space<vmem>>) dst(%dma_wait3A_54 : memref<128x128xf32, #tpu.memory_space<vmem_shared>>)
      tpu.yield
    }) : () -> ()
    %add3A_14 = arith.constant 512 : i32
    %add3A_15 = arith.addi %mul3A_0, %add3A_14 : i32
    "tpu.region"() ({
      %run_scoped3A = tpu.sem_alloc : memref<!tpu.dma_semaphore, #tpu.memory_space<semaphore_mem>>
      %dma_start3A = arith.constant 0 : i32
      %dma_start3A_49 = arith.constant 0 : i32
      %dma_start3A_50 = tpu.memref_slice %arg9[%dma_start3A, %dma_start3A_49] : memref<128x128xf32, #tpu.memory_space<vmem>> -> memref<120x128xf32, #tpu.memory_space<vmem>>
      %dma_start3A_51 = arith.constant 0 : i32
      %dma_start3A_52 = tpu.memref_slice %arg11[%add3A_15, %dma_start3A_51] : memref<10112x128xf32, #tpu.memory_space<vmem_shared>> -> memref<120x128xf32, #tpu.memory_space<vmem_shared>>
      %dma_start3A_53 = arith.constant 0 : i32
      %dma_start3A_54 = tpu.memref_slice %arg11[%add3A_15, %dma_start3A_53] : memref<10112x128xf32, #tpu.memory_space<vmem_shared>> -> memref<120x128xf32, #tpu.memory_space<vmem_shared>>
      %dma_start3A_55 = arith.constant 0 : i32
      %dma_start3A_56 = arith.constant 0 : i32
      %dma_start3A_57 = tpu.memref_slice %arg9[%dma_start3A_55, %dma_start3A_56] : memref<128x128xf32, #tpu.memory_space<vmem>> -> memref<120x128xf32, #tpu.memory_space<vmem>>
      tpu.enqueue_dma source(%dma_start3A_57 : memref<120x128xf32, #tpu.memory_space<vmem>>) target(%dma_start3A_54 : memref<120x128xf32, #tpu.memory_space<vmem_shared>>) target_semaphore(%run_scoped3A : memref<!tpu.dma_semaphore, #tpu.memory_space<semaphore_mem>>)
      %dma_wait3A = arith.constant 0 : i32
      %dma_wait3A_58 = arith.constant 0 : i32
      %dma_wait3A_59 = tpu.memref_slice %arg9[%dma_wait3A, %dma_wait3A_58] : memref<128x128xf32, #tpu.memory_space<vmem>> -> memref<120x128xf32, #tpu.memory_space<vmem>>
      %dma_wait3A_60 = arith.constant 0 : i32
      %dma_wait3A_61 = tpu.memref_slice %arg11[%add3A_15, %dma_wait3A_60] : memref<10112x128xf32, #tpu.memory_space<vmem_shared>> -> memref<120x128xf32, #tpu.memory_space<vmem_shared>>
      %dma_wait3A_62 = arith.constant 0 : i32
      %dma_wait3A_63 = tpu.memref_slice %arg11[%add3A_15, %dma_wait3A_62] : memref<10112x128xf32, #tpu.memory_space<vmem_shared>> -> memref<120x128xf32, #tpu.memory_space<vmem_shared>>
      %dma_wait3A_64 = arith.constant 0 : i32
      %dma_wait3A_65 = arith.constant 0 : i32
      %dma_wait3A_66 = tpu.memref_slice %arg9[%dma_wait3A_64, %dma_wait3A_65] : memref<128x128xf32, #tpu.memory_space<vmem>> -> memref<120x128xf32, #tpu.memory_space<vmem>>
      tpu.wait_dma2 semaphore(%run_scoped3A : memref<!tpu.dma_semaphore, #tpu.memory_space<semaphore_mem>>) src(%dma_wait3A_66 : memref<120x128xf32, #tpu.memory_space<vmem>>) dst(%dma_wait3A_63 : memref<120x128xf32, #tpu.memory_space<vmem_shared>>)
      tpu.yield
    }) : () -> ()
    %broadcast_in_dim3A_16 = arith.constant 1.000000e+00 : f32
    %broadcast_in_dim3A_17 = vector.broadcast %broadcast_in_dim3A_16 : f32 to vector<16xf32>
    %scan3A_18 = arith.constant 0 : i32
    %scan3A_19 = arith.constant 0 : i32
    %scan3A_20 = arith.constant 128 : i32
    %scan3A_21 = arith.addi %scan3A_19, %scan3A_20 : i32
    %scan3A_22 = arith.constant 1 : i32
    scf.for %scan3A_49 = %scan3A_19 to %scan3A_21 step %scan3A_22  : i32 {
      %swap3A = arith.index_cast %scan3A_49 : i32 to index
      %swap3A_50 = arith.constant 0 : index
      %swap3A_51 = tpu.vector_load %arg10[%swap3A, %swap3A_50] {strides = array<i32>} : memref<128x128xf32, #tpu.memory_space<vmem>>, vector<1x16xf32>,
      %swap3A_52 = vector.shape_cast %swap3A_51 : vector<1x16xf32> to vector<16xf32>
      %swap3A_53 = vector.shape_cast %broadcast_in_dim3A_17 : vector<16xf32> to vector<1x16xf32>
      tpu.vector_store %arg10[%swap3A, %swap3A_50], %swap3A_53 {strides = array<i32>} : memref<128x128xf32, #tpu.memory_space<vmem>>, vector<1x16xf32>,
      %swap3A_54 = arith.index_cast %scan3A_49 : i32 to index
      %swap3A_55 = arith.constant 16 : index
      %swap3A_56 = tpu.vector_load %arg10[%swap3A_54, %swap3A_55] {strides = array<i32>} : memref<128x128xf32, #tpu.memory_space<vmem>>, vector<1x16xf32>,
      %swap3A_57 = vector.shape_cast %swap3A_56 : vector<1x16xf32> to vector<16xf32>
      %swap3A_58 = vector.shape_cast %broadcast_in_dim3A_17 : vector<16xf32> to vector<1x16xf32>
      tpu.vector_store %arg10[%swap3A_54, %swap3A_55], %swap3A_58 {strides = array<i32>} : memref<128x128xf32, #tpu.memory_space<vmem>>, vector<1x16xf32>,
      %swap3A_59 = arith.index_cast %scan3A_49 : i32 to index
      %swap3A_60 = arith.constant 32 : index
      %swap3A_61 = tpu.vector_load %arg10[%swap3A_59, %swap3A_60] {strides = array<i32>} : memref<128x128xf32, #tpu.memory_space<vmem>>, vector<1x16xf32>,
      %swap3A_62 = vector.shape_cast %swap3A_61 : vector<1x16xf32> to vector<16xf32>
      %swap3A_63 = vector.shape_cast %broadcast_in_dim3A_17 : vector<16xf32> to vector<1x16xf32>
      tpu.vector_store %arg10[%swap3A_59, %swap3A_60], %swap3A_63 {strides = array<i32>} : memref<128x128xf32, #tpu.memory_space<vmem>>, vector<1x16xf32>,
      %swap3A_64 = arith.index_cast %scan3A_49 : i32 to index
      %swap3A_65 = arith.constant 48 : index
      %swap3A_66 = tpu.vector_load %arg10[%swap3A_64, %swap3A_65] {strides = array<i32>} : memref<128x128xf32, #tpu.memory_space<vmem>>, vector<1x16xf32>,
      %swap3A_67 = vector.shape_cast %swap3A_66 : vector<1x16xf32> to vector<16xf32>
      %swap3A_68 = vector.shape_cast %broadcast_in_dim3A_17 : vector<16xf32> to vector<1x16xf32>
      tpu.vector_store %arg10[%swap3A_64, %swap3A_65], %swap3A_68 {strides = array<i32>} : memref<128x128xf32, #tpu.memory_space<vmem>>, vector<1x16xf32>,
      %swap3A_69 = arith.index_cast %scan3A_49 : i32 to index
      %swap3A_70 = arith.constant 64 : index
      %swap3A_71 = tpu.vector_load %arg10[%swap3A_69, %swap3A_70] {strides = array<i32>} : memref<128x128xf32, #tpu.memory_space<vmem>>, vector<1x16xf32>,
      %swap3A_72 = vector.shape_cast %swap3A_71 : vector<1x16xf32> to vector<16xf32>
      %swap3A_73 = vector.shape_cast %broadcast_in_dim3A_17 : vector<16xf32> to vector<1x16xf32>
      tpu.vector_store %arg10[%swap3A_69, %swap3A_70], %swap3A_73 {strides = array<i32>} : memref<128x128xf32, #tpu.memory_space<vmem>>, vector<1x16xf32>,
      %swap3A_74 = arith.index_cast %scan3A_49 : i32 to index
      %swap3A_75 = arith.constant 80 : index
      %swap3A_76 = tpu.vector_load %arg10[%swap3A_74, %swap3A_75] {strides = array<i32>} : memref<128x128xf32, #tpu.memory_space<vmem>>, vector<1x16xf32>,
      %swap3A_77 = vector.shape_cast %swap3A_76 : vector<1x16xf32> to vector<16xf32>
      %swap3A_78 = vector.shape_cast %broadcast_in_dim3A_17 : vector<16xf32> to vector<1x16xf32>
      tpu.vector_store %arg10[%swap3A_74, %swap3A_75], %swap3A_78 {strides = array<i32>} : memref<128x128xf32, #tpu.memory_space<vmem>>, vector<1x16xf32>,
      %swap3A_79 = arith.index_cast %scan3A_49 : i32 to index
      %swap3A_80 = arith.constant 96 : index
      %swap3A_81 = tpu.vector_load %arg10[%swap3A_79, %swap3A_80] {strides = array<i32>} : memref<128x128xf32, #tpu.memory_space<vmem>>, vector<1x16xf32>,
      %swap3A_82 = vector.shape_cast %swap3A_81 : vector<1x16xf32> to vector<16xf32>
      %swap3A_83 = vector.shape_cast %broadcast_in_dim3A_17 : vector<16xf32> to vector<1x16xf32>
      tpu.vector_store %arg10[%swap3A_79, %swap3A_80], %swap3A_83 {strides = array<i32>} : memref<128x128xf32, #tpu.memory_space<vmem>>, vector<1x16xf32>,
      %swap3A_84 = arith.index_cast %scan3A_49 : i32 to index
      %swap3A_85 = arith.constant 112 : index
      %swap3A_86 = tpu.vector_load %arg10[%swap3A_84, %swap3A_85] {strides = array<i32>} : memref<128x128xf32, #tpu.memory_space<vmem>>, vector<1x16xf32>,
      %swap3A_87 = vector.shape_cast %swap3A_86 : vector<1x16xf32> to vector<16xf32>
      %swap3A_88 = vector.shape_cast %broadcast_in_dim3A_17 : vector<16xf32> to vector<1x16xf32>
      tpu.vector_store %arg10[%swap3A_84, %swap3A_85], %swap3A_88 {strides = array<i32>} : memref<128x128xf32, #tpu.memory_space<vmem>>, vector<1x16xf32>,
    }
    %scan3A_23 = arith.constant 128 : i32
    %barrier3A = arith.constant 0 : index
    tpu.barrier barrier_id(%barrier3A)
    %scan3A_24 = arith.constant 0 : i32
    %scan3A_25 = arith.constant 0 : i32
    %scan3A_26 = arith.constant 5 : i32
    %scan3A_27 = arith.addi %scan3A_25, %scan3A_26 : i32
    %scan3A_28 = arith.constant 1 : i32
    scf.for %scan3A_49 = %scan3A_25 to %scan3A_27 step %scan3A_28  : i32 {
      %mul3A_50 = arith.constant 640 : i32
      %mul3A_51 = arith.muli %arg0, %mul3A_50 : i32
      %mul3A_52 = arith.constant 40 : i32
      %mul3A_53 = arith.muli %arg1, %mul3A_52 : i32
      %add3A_54 = arith.addi %mul3A_51, %mul3A_53 : i32
      %mul3A_55 = arith.constant 8 : i32
      %mul3A_56 = arith.muli %scan3A_49, %mul3A_55 : i32
      %add3A_57 = arith.addi %add3A_54, %mul3A_56 : i32
      "tpu.region"() ({
        %run_scoped3A_65 = tpu.sem_alloc : memref<!tpu.dma_semaphore, #tpu.memory_space<semaphore_mem>>
        %dma_start3A = arith.constant 0 : i32
        %dma_start3A_66 = arith.constant 0 : i32
        %dma_start3A_67 = tpu.memref_slice %arg8[%dma_start3A, %dma_start3A_66] : memref<16x128xi32, #tpu.memory_space<vmem>> -> memref<8x128xi32, #tpu.memory_space<vmem>>
        %dma_start3A_68 = arith.constant 0 : i32
        %dma_start3A_69 = tpu.memref_slice %arg4[%add3A_57, %dma_start3A_68] : memref<1280x128xi32, #tpu.memory_space<hbm>> -> memref<8x128xi32, #tpu.memory_space<hbm>>
        %dma_start3A_70 = arith.constant 0 : i32
        %dma_start3A_71 = arith.constant 0 : i32
        %dma_start3A_72 = tpu.memref_slice %arg8[%dma_start3A_70, %dma_start3A_71] : memref<16x128xi32, #tpu.memory_space<vmem>> -> memref<8x128xi32, #tpu.memory_space<vmem>>
        %dma_start3A_73 = arith.constant 0 : i32
        %dma_start3A_74 = tpu.memref_slice %arg4[%add3A_57, %dma_start3A_73] : memref<1280x128xi32, #tpu.memory_space<hbm>> -> memref<8x128xi32, #tpu.memory_space<hbm>>
        tpu.enqueue_dma source(%dma_start3A_74 : memref<8x128xi32, #tpu.memory_space<hbm>>) target(%dma_start3A_72 : memref<8x128xi32, #tpu.memory_space<vmem>>) target_semaphore(%run_scoped3A_65 : memref<!tpu.dma_semaphore, #tpu.memory_space<semaphore_mem>>)
        %dma_wait3A = arith.constant 0 : i32
        %dma_wait3A_75 = arith.constant 0 : i32
        %dma_wait3A_76 = tpu.memref_slice %arg8[%dma_wait3A, %dma_wait3A_75] : memref<16x128xi32, #tpu.memory_space<vmem>> -> memref<8x128xi32, #tpu.memory_space<vmem>>
        %dma_wait3A_77 = arith.constant 0 : i32
        %dma_wait3A_78 = tpu.memref_slice %arg4[%add3A_57, %dma_wait3A_77] : memref<1280x128xi32, #tpu.memory_space<hbm>> -> memref<8x128xi32, #tpu.memory_space<hbm>>
        %dma_wait3A_79 = arith.constant 0 : i32
        %dma_wait3A_80 = arith.constant 0 : i32
        %dma_wait3A_81 = tpu.memref_slice %arg8[%dma_wait3A_79, %dma_wait3A_80] : memref<16x128xi32, #tpu.memory_space<vmem>> -> memref<8x128xi32, #tpu.memory_space<vmem>>
        %dma_wait3A_82 = arith.constant 0 : i32
        %dma_wait3A_83 = tpu.memref_slice %arg4[%add3A_57, %dma_wait3A_82] : memref<1280x128xi32, #tpu.memory_space<hbm>> -> memref<8x128xi32, #tpu.memory_space<hbm>>
        tpu.wait_dma2 semaphore(%run_scoped3A_65 : memref<!tpu.dma_semaphore, #tpu.memory_space<semaphore_mem>>) src(%dma_wait3A_83 : memref<8x128xi32, #tpu.memory_space<hbm>>) dst(%dma_wait3A_81 : memref<8x128xi32, #tpu.memory_space<vmem>>)
        tpu.yield
      }) : () -> ()
      %run_scoped3A = arith.constant 0 : i32
      "tpu.region"() ({
        %run_scoped3A_65 = tpu.sem_alloc : memref<!tpu.dma_semaphore, #tpu.memory_space<semaphore_mem>>
        %dma_start3A = arith.constant 0 : i32
        %dma_start3A_66 = tpu.memref_slice %arg8[%run_scoped3A, %dma_start3A] : memref<16x128xi32, #tpu.memory_space<vmem>> -> memref<1x128xi32, #tpu.memory_space<vmem>>
        %dma_start3A_67 = tpu.memref_squeeze %dma_start3A_66 : memref<1x128xi32, #tpu.memory_space<vmem>> -> memref<128xi32, #tpu.memory_space<vmem>>
        %dma_start3A_68 = arith.constant 0 : i32
        %dma_start3A_69 = arith.constant 0 : i32
        %dma_start3A_70 = tpu.memref_slice %arg11[%dma_start3A_68, %dma_start3A_69] : memref<10112x128xf32, #tpu.memory_space<vmem_shared>> -> memref<10112x128xf32, #tpu.memory_space<vmem_shared>>
        tpu.enqueue_indirect_dma source(%arg10 : memref<128x128xf32, #tpu.memory_space<vmem>>) target(%dma_start3A_70 : memref<10112x128xf32, #tpu.memory_space<vmem_shared>>) offsets(%dma_start3A_67 : memref<128xi32, #tpu.memory_space<vmem>>) semaphore(%run_scoped3A_65 : memref<!tpu.dma_semaphore, #tpu.memory_space<semaphore_mem>>) {add = true}
        %dma_wait3A = arith.constant 0 : i32
        %dma_wait3A_71 = tpu.memref_slice %arg8[%run_scoped3A, %dma_wait3A] : memref<16x128xi32, #tpu.memory_space<vmem>> -> memref<1x128xi32, #tpu.memory_space<vmem>>
        %dma_wait3A_72 = tpu.memref_squeeze %dma_wait3A_71 : memref<1x128xi32, #tpu.memory_space<vmem>> -> memref<128xi32, #tpu.memory_space<vmem>>
        %dma_wait3A_73 = arith.constant 0 : i32
        %dma_wait3A_74 = arith.constant 0 : i32
        %dma_wait3A_75 = tpu.memref_slice %arg11[%dma_wait3A_73, %dma_wait3A_74] : memref<10112x128xf32, #tpu.memory_space<vmem_shared>> -> memref<10112x128xf32, #tpu.memory_space<vmem_shared>>
        tpu.wait_indirect_dma semaphore(%run_scoped3A_65 : memref<!tpu.dma_semaphore, #tpu.memory_space<semaphore_mem>>) src(%arg10 : memref<128x128xf32, #tpu.memory_space<vmem>>) dst(%dma_wait3A_75 : memref<10112x128xf32, #tpu.memory_space<vmem_shared>>)
        tpu.yield
      }) : () -> ()
      %run_scoped3A_58 = arith.constant 1 : i32
      "tpu.region"() ({
        %run_scoped3A_65 = tpu.sem_alloc : memref<!tpu.dma_semaphore, #tpu.memory_space<semaphore_mem>>
        %dma_start3A = arith.constant 0 : i32
        %dma_start3A_66 = tpu.memref_slice %arg8[%run_scoped3A_58, %dma_start3A] : memref<16x128xi32, #tpu.memory_space<vmem>> -> memref<1x128xi32, #tpu.memory_space<vmem>>
        %dma_start3A_67 = tpu.memref_squeeze %dma_start3A_66 : memref<1x128xi32, #tpu.memory_space<vmem>> -> memref<128xi32, #tpu.memory_space<vmem>>
        %dma_start3A_68 = arith.constant 0 : i32
        %dma_start3A_69 = arith.constant 0 : i32
        %dma_start3A_70 = tpu.memref_slice %arg11[%dma_start3A_68, %dma_start3A_69] : memref<10112x128xf32, #tpu.memory_space<vmem_shared>> -> memref<10112x128xf32, #tpu.memory_space<vmem_shared>>
        tpu.enqueue_indirect_dma source(%arg10 : memref<128x128xf32, #tpu.memory_space<vmem>>) target(%dma_start3A_70 : memref<10112x128xf32, #tpu.memory_space<vmem_shared>>) offsets(%dma_start3A_67 : memref<128xi32, #tpu.memory_space<vmem>>) semaphore(%run_scoped3A_65 : memref<!tpu.dma_semaphore, #tpu.memory_space<semaphore_mem>>) {add = true}
        %dma_wait3A = arith.constant 0 : i32
        %dma_wait3A_71 = tpu.memref_slice %arg8[%run_scoped3A_58, %dma_wait3A] : memref<16x128xi32, #tpu.memory_space<vmem>> -> memref<1x128xi32, #tpu.memory_space<vmem>>
        %dma_wait3A_72 = tpu.memref_squeeze %dma_wait3A_71 : memref<1x128xi32, #tpu.memory_space<vmem>> -> memref<128xi32, #tpu.memory_space<vmem>>
        %dma_wait3A_73 = arith.constant 0 : i32
        %dma_wait3A_74 = arith.constant 0 : i32
        %dma_wait3A_75 = tpu.memref_slice %arg11[%dma_wait3A_73, %dma_wait3A_74] : memref<10112x128xf32, #tpu.memory_space<vmem_shared>> -> memref<10112x128xf32, #tpu.memory_space<vmem_shared>>
        tpu.wait_indirect_dma semaphore(%run_scoped3A_65 : memref<!tpu.dma_semaphore, #tpu.memory_space<semaphore_mem>>) src(%arg10 : memref<128x128xf32, #tpu.memory_space<vmem>>) dst(%dma_wait3A_75 : memref<10112x128xf32, #tpu.memory_space<vmem_shared>>)
        tpu.yield
      }) : () -> ()
      %run_scoped3A_59 = arith.constant 2 : i32
      "tpu.region"() ({
        %run_scoped3A_65 = tpu.sem_alloc : memref<!tpu.dma_semaphore, #tpu.memory_space<semaphore_mem>>
        %dma_start3A = arith.constant 0 : i32
        %dma_start3A_66 = tpu.memref_slice %arg8[%run_scoped3A_59, %dma_start3A] : memref<16x128xi32, #tpu.memory_space<vmem>> -> memref<1x128xi32, #tpu.memory_space<vmem>>
        %dma_start3A_67 = tpu.memref_squeeze %dma_start3A_66 : memref<1x128xi32, #tpu.memory_space<vmem>> -> memref<128xi32, #tpu.memory_space<vmem>>
        %dma_start3A_68 = arith.constant 0 : i32
        %dma_start3A_69 = arith.constant 0 : i32
        %dma_start3A_70 = tpu.memref_slice %arg11[%dma_start3A_68, %dma_start3A_69] : memref<10112x128xf32, #tpu.memory_space<vmem_shared>> -> memref<10112x128xf32, #tpu.memory_space<vmem_shared>>
        tpu.enqueue_indirect_dma source(%arg10 : memref<128x128xf32, #tpu.memory_space<vmem>>) target(%dma_start3A_70 : memref<10112x128xf32, #tpu.memory_space<vmem_shared>>) offsets(%dma_start3A_67 : memref<128xi32, #tpu.memory_space<vmem>>) semaphore(%run_scoped3A_65 : memref<!tpu.dma_semaphore, #tpu.memory_space<semaphore_mem>>) {add = true}
        %dma_wait3A = arith.constant 0 : i32
        %dma_wait3A_71 = tpu.memref_slice %arg8[%run_scoped3A_59, %dma_wait3A] : memref<16x128xi32, #tpu.memory_space<vmem>> -> memref<1x128xi32, #tpu.memory_space<vmem>>
        %dma_wait3A_72 = tpu.memref_squeeze %dma_wait3A_71 : memref<1x128xi32, #tpu.memory_space<vmem>> -> memref<128xi32, #tpu.memory_space<vmem>>
        %dma_wait3A_73 = arith.constant 0 : i32
        %dma_wait3A_74 = arith.constant 0 : i32
        %dma_wait3A_75 = tpu.memref_slice %arg11[%dma_wait3A_73, %dma_wait3A_74] : memref<10112x128xf32, #tpu.memory_space<vmem_shared>> -> memref<10112x128xf32, #tpu.memory_space<vmem_shared>>
        tpu.wait_indirect_dma semaphore(%run_scoped3A_65 : memref<!tpu.dma_semaphore, #tpu.memory_space<semaphore_mem>>) src(%arg10 : memref<128x128xf32, #tpu.memory_space<vmem>>) dst(%dma_wait3A_75 : memref<10112x128xf32, #tpu.memory_space<vmem_shared>>)
        tpu.yield
      }) : () -> ()
      %run_scoped3A_60 = arith.constant 3 : i32
      "tpu.region"() ({
        %run_scoped3A_65 = tpu.sem_alloc : memref<!tpu.dma_semaphore, #tpu.memory_space<semaphore_mem>>
        %dma_start3A = arith.constant 0 : i32
        %dma_start3A_66 = tpu.memref_slice %arg8[%run_scoped3A_60, %dma_start3A] : memref<16x128xi32, #tpu.memory_space<vmem>> -> memref<1x128xi32, #tpu.memory_space<vmem>>
        %dma_start3A_67 = tpu.memref_squeeze %dma_start3A_66 : memref<1x128xi32, #tpu.memory_space<vmem>> -> memref<128xi32, #tpu.memory_space<vmem>>
        %dma_start3A_68 = arith.constant 0 : i32
        %dma_start3A_69 = arith.constant 0 : i32
        %dma_start3A_70 = tpu.memref_slice %arg11[%dma_start3A_68, %dma_start3A_69] : memref<10112x128xf32, #tpu.memory_space<vmem_shared>> -> memref<10112x128xf32, #tpu.memory_space<vmem_shared>>
        tpu.enqueue_indirect_dma source(%arg10 : memref<128x128xf32, #tpu.memory_space<vmem>>) target(%dma_start3A_70 : memref<10112x128xf32, #tpu.memory_space<vmem_shared>>) offsets(%dma_start3A_67 : memref<128xi32, #tpu.memory_space<vmem>>) semaphore(%run_scoped3A_65 : memref<!tpu.dma_semaphore, #tpu.memory_space<semaphore_mem>>) {add = true}
        %dma_wait3A = arith.constant 0 : i32
        %dma_wait3A_71 = tpu.memref_slice %arg8[%run_scoped3A_60, %dma_wait3A] : memref<16x128xi32, #tpu.memory_space<vmem>> -> memref<1x128xi32, #tpu.memory_space<vmem>>
        %dma_wait3A_72 = tpu.memref_squeeze %dma_wait3A_71 : memref<1x128xi32, #tpu.memory_space<vmem>> -> memref<128xi32, #tpu.memory_space<vmem>>
        %dma_wait3A_73 = arith.constant 0 : i32
        %dma_wait3A_74 = arith.constant 0 : i32
        %dma_wait3A_75 = tpu.memref_slice %arg11[%dma_wait3A_73, %dma_wait3A_74] : memref<10112x128xf32, #tpu.memory_space<vmem_shared>> -> memref<10112x128xf32, #tpu.memory_space<vmem_shared>>
        tpu.wait_indirect_dma semaphore(%run_scoped3A_65 : memref<!tpu.dma_semaphore, #tpu.memory_space<semaphore_mem>>) src(%arg10 : memref<128x128xf32, #tpu.memory_space<vmem>>) dst(%dma_wait3A_75 : memref<10112x128xf32, #tpu.memory_space<vmem_shared>>)
        tpu.yield
      }) : () -> ()
      %run_scoped3A_61 = arith.constant 4 : i32
      "tpu.region"() ({
        %run_scoped3A_65 = tpu.sem_alloc : memref<!tpu.dma_semaphore, #tpu.memory_space<semaphore_mem>>
        %dma_start3A = arith.constant 0 : i32
        %dma_start3A_66 = tpu.memref_slice %arg8[%run_scoped3A_61, %dma_start3A] : memref<16x128xi32, #tpu.memory_space<vmem>> -> memref<1x128xi32, #tpu.memory_space<vmem>>
        %dma_start3A_67 = tpu.memref_squeeze %dma_start3A_66 : memref<1x128xi32, #tpu.memory_space<vmem>> -> memref<128xi32, #tpu.memory_space<vmem>>
        %dma_start3A_68 = arith.constant 0 : i32
        %dma_start3A_69 = arith.constant 0 : i32
        %dma_start3A_70 = tpu.memref_slice %arg11[%dma_start3A_68, %dma_start3A_69] : memref<10112x128xf32, #tpu.memory_space<vmem_shared>> -> memref<10112x128xf32, #tpu.memory_space<vmem_shared>>
        tpu.enqueue_indirect_dma source(%arg10 : memref<128x128xf32, #tpu.memory_space<vmem>>) target(%dma_start3A_70 : memref<10112x128xf32, #tpu.memory_space<vmem_shared>>) offsets(%dma_start3A_67 : memref<128xi32, #tpu.memory_space<vmem>>) semaphore(%run_scoped3A_65 : memref<!tpu.dma_semaphore, #tpu.memory_space<semaphore_mem>>) {add = true}
        %dma_wait3A = arith.constant 0 : i32
        %dma_wait3A_71 = tpu.memref_slice %arg8[%run_scoped3A_61, %dma_wait3A] : memref<16x128xi32, #tpu.memory_space<vmem>> -> memref<1x128xi32, #tpu.memory_space<vmem>>
        %dma_wait3A_72 = tpu.memref_squeeze %dma_wait3A_71 : memref<1x128xi32, #tpu.memory_space<vmem>> -> memref<128xi32, #tpu.memory_space<vmem>>
        %dma_wait3A_73 = arith.constant 0 : i32
        %dma_wait3A_74 = arith.constant 0 : i32
        %dma_wait3A_75 = tpu.memref_slice %arg11[%dma_wait3A_73, %dma_wait3A_74] : memref<10112x128xf32, #tpu.memory_space<vmem_shared>> -> memref<10112x128xf32, #tpu.memory_space<vmem_shared>>
        tpu.wait_indirect_dma semaphore(%run_scoped3A_65 : memref<!tpu.dma_semaphore, #tpu.memory_space<semaphore_mem>>) src(%arg10 : memref<128x128xf32, #tpu.memory_space<vmem>>) dst(%dma_wait3A_75 : memref<10112x128xf32, #tpu.memory_space<vmem_shared>>)
        tpu.yield
      }) : () -> ()
      %run_scoped3A_62 = arith.constant 5 : i32
      "tpu.region"() ({
        %run_scoped3A_65 = tpu.sem_alloc : memref<!tpu.dma_semaphore, #tpu.memory_space<semaphore_mem>>
        %dma_start3A = arith.constant 0 : i32
        %dma_start3A_66 = tpu.memref_slice %arg8[%run_scoped3A_62, %dma_start3A] : memref<16x128xi32, #tpu.memory_space<vmem>> -> memref<1x128xi32, #tpu.memory_space<vmem>>
        %dma_start3A_67 = tpu.memref_squeeze %dma_start3A_66 : memref<1x128xi32, #tpu.memory_space<vmem>> -> memref<128xi32, #tpu.memory_space<vmem>>
        %dma_start3A_68 = arith.constant 0 : i32
        %dma_start3A_69 = arith.constant 0 : i32
        %dma_start3A_70 = tpu.memref_slice %arg11[%dma_start3A_68, %dma_start3A_69] : memref<10112x128xf32, #tpu.memory_space<vmem_shared>> -> memref<10112x128xf32, #tpu.memory_space<vmem_shared>>
        tpu.enqueue_indirect_dma source(%arg10 : memref<128x128xf32, #tpu.memory_space<vmem>>) target(%dma_start3A_70 : memref<10112x128xf32, #tpu.memory_space<vmem_shared>>) offsets(%dma_start3A_67 : memref<128xi32, #tpu.memory_space<vmem>>) semaphore(%run_scoped3A_65 : memref<!tpu.dma_semaphore, #tpu.memory_space<semaphore_mem>>) {add = true}
        %dma_wait3A = arith.constant 0 : i32
        %dma_wait3A_71 = tpu.memref_slice %arg8[%run_scoped3A_62, %dma_wait3A] : memref<16x128xi32, #tpu.memory_space<vmem>> -> memref<1x128xi32, #tpu.memory_space<vmem>>
        %dma_wait3A_72 = tpu.memref_squeeze %dma_wait3A_71 : memref<1x128xi32, #tpu.memory_space<vmem>> -> memref<128xi32, #tpu.memory_space<vmem>>
        %dma_wait3A_73 = arith.constant 0 : i32
        %dma_wait3A_74 = arith.constant 0 : i32
        %dma_wait3A_75 = tpu.memref_slice %arg11[%dma_wait3A_73, %dma_wait3A_74] : memref<10112x128xf32, #tpu.memory_space<vmem_shared>> -> memref<10112x128xf32, #tpu.memory_space<vmem_shared>>
        tpu.wait_indirect_dma semaphore(%run_scoped3A_65 : memref<!tpu.dma_semaphore, #tpu.memory_space<semaphore_mem>>) src(%arg10 : memref<128x128xf32, #tpu.memory_space<vmem>>) dst(%dma_wait3A_75 : memref<10112x128xf32, #tpu.memory_space<vmem_shared>>)
        tpu.yield
      }) : () -> ()
      %run_scoped3A_63 = arith.constant 6 : i32
      "tpu.region"() ({
        %run_scoped3A_65 = tpu.sem_alloc : memref<!tpu.dma_semaphore, #tpu.memory_space<semaphore_mem>>
        %dma_start3A = arith.constant 0 : i32
        %dma_start3A_66 = tpu.memref_slice %arg8[%run_scoped3A_63, %dma_start3A] : memref<16x128xi32, #tpu.memory_space<vmem>> -> memref<1x128xi32, #tpu.memory_space<vmem>>
        %dma_start3A_67 = tpu.memref_squeeze %dma_start3A_66 : memref<1x128xi32, #tpu.memory_space<vmem>> -> memref<128xi32, #tpu.memory_space<vmem>>
        %dma_start3A_68 = arith.constant 0 : i32
        %dma_start3A_69 = arith.constant 0 : i32
        %dma_start3A_70 = tpu.memref_slice %arg11[%dma_start3A_68, %dma_start3A_69] : memref<10112x128xf32, #tpu.memory_space<vmem_shared>> -> memref<10112x128xf32, #tpu.memory_space<vmem_shared>>
        tpu.enqueue_indirect_dma source(%arg10 : memref<128x128xf32, #tpu.memory_space<vmem>>) target(%dma_start3A_70 : memref<10112x128xf32, #tpu.memory_space<vmem_shared>>) offsets(%dma_start3A_67 : memref<128xi32, #tpu.memory_space<vmem>>) semaphore(%run_scoped3A_65 : memref<!tpu.dma_semaphore, #tpu.memory_space<semaphore_mem>>) {add = true}
        %dma_wait3A = arith.constant 0 : i32
        %dma_wait3A_71 = tpu.memref_slice %arg8[%run_scoped3A_63, %dma_wait3A] : memref<16x128xi32, #tpu.memory_space<vmem>> -> memref<1x128xi32, #tpu.memory_space<vmem>>
        %dma_wait3A_72 = tpu.memref_squeeze %dma_wait3A_71 : memref<1x128xi32, #tpu.memory_space<vmem>> -> memref<128xi32, #tpu.memory_space<vmem>>
        %dma_wait3A_73 = arith.constant 0 : i32
        %dma_wait3A_74 = arith.constant 0 : i32
        %dma_wait3A_75 = tpu.memref_slice %arg11[%dma_wait3A_73, %dma_wait3A_74] : memref<10112x128xf32, #tpu.memory_space<vmem_shared>> -> memref<10112x128xf32, #tpu.memory_space<vmem_shared>>
        tpu.wait_indirect_dma semaphore(%run_scoped3A_65 : memref<!tpu.dma_semaphore, #tpu.memory_space<semaphore_mem>>) src(%arg10 : memref<128x128xf32, #tpu.memory_space<vmem>>) dst(%dma_wait3A_75 : memref<10112x128xf32, #tpu.memory_space<vmem_shared>>)
        tpu.yield
      }) : () -> ()
      %run_scoped3A_64 = arith.constant 7 : i32
      "tpu.region"() ({
        %run_scoped3A_65 = tpu.sem_alloc : memref<!tpu.dma_semaphore, #tpu.memory_space<semaphore_mem>>
        %dma_start3A = arith.constant 0 : i32
        %dma_start3A_66 = tpu.memref_slice %arg8[%run_scoped3A_64, %dma_start3A] : memref<16x128xi32, #tpu.memory_space<vmem>> -> memref<1x128xi32, #tpu.memory_space<vmem>>
        %dma_start3A_67 = tpu.memref_squeeze %dma_start3A_66 : memref<1x128xi32, #tpu.memory_space<vmem>> -> memref<128xi32, #tpu.memory_space<vmem>>
        %dma_start3A_68 = arith.constant 0 : i32
        %dma_start3A_69 = arith.constant 0 : i32
        %dma_start3A_70 = tpu.memref_slice %arg11[%dma_start3A_68, %dma_start3A_69] : memref<10112x128xf32, #tpu.memory_space<vmem_shared>> -> memref<10112x128xf32, #tpu.memory_space<vmem_shared>>
        tpu.enqueue_indirect_dma source(%arg10 : memref<128x128xf32, #tpu.memory_space<vmem>>) target(%dma_start3A_70 : memref<10112x128xf32, #tpu.memory_space<vmem_shared>>) offsets(%dma_start3A_67 : memref<128xi32, #tpu.memory_space<vmem>>) semaphore(%run_scoped3A_65 : memref<!tpu.dma_semaphore, #tpu.memory_space<semaphore_mem>>) {add = true}
        %dma_wait3A = arith.constant 0 : i32
        %dma_wait3A_71 = tpu.memref_slice %arg8[%run_scoped3A_64, %dma_wait3A] : memref<16x128xi32, #tpu.memory_space<vmem>> -> memref<1x128xi32, #tpu.memory_space<vmem>>
        %dma_wait3A_72 = tpu.memref_squeeze %dma_wait3A_71 : memref<1x128xi32, #tpu.memory_space<vmem>> -> memref<128xi32, #tpu.memory_space<vmem>>
        %dma_wait3A_73 = arith.constant 0 : i32
        %dma_wait3A_74 = arith.constant 0 : i32
        %dma_wait3A_75 = tpu.memref_slice %arg11[%dma_wait3A_73, %dma_wait3A_74] : memref<10112x128xf32, #tpu.memory_space<vmem_shared>> -> memref<10112x128xf32, #tpu.memory_space<vmem_shared>>
        tpu.wait_indirect_dma semaphore(%run_scoped3A_65 : memref<!tpu.dma_semaphore, #tpu.memory_space<semaphore_mem>>) src(%arg10 : memref<128x128xf32, #tpu.memory_space<vmem>>) dst(%dma_wait3A_75 : memref<10112x128xf32, #tpu.memory_space<vmem_shared>>)
        tpu.yield
      }) : () -> ()
    }
    %scan3A_29 = arith.constant 5 : i32
    %barrier3A_30 = arith.constant 0 : index
    tpu.barrier barrier_id(%barrier3A_30)
    "tpu.region"() ({
      %run_scoped3A = tpu.sem_alloc : memref<!tpu.dma_semaphore, #tpu.memory_space<semaphore_mem>>
      %dma_start3A = arith.constant 0 : i32
      %dma_start3A_49 = tpu.memref_slice %arg6[%arg0, %mul3A_0, %dma_start3A] : memref<2x10112x128xf32, #tpu.memory_space<hbm>> -> memref<1x632x128xf32, #tpu.memory_space<hbm>>
      %dma_start3A_50 = tpu.memref_squeeze %dma_start3A_49 : memref<1x632x128xf32, #tpu.memory_space<hbm>> -> memref<632x128xf32, #tpu.memory_space<hbm>>
      %dma_start3A_51 = arith.constant 0 : i32
      %dma_start3A_52 = tpu.memref_slice %arg11[%mul3A_0, %dma_start3A_51] : memref<10112x128xf32, #tpu.memory_space<vmem_shared>> -> memref<632x128xf32, #tpu.memory_space<vmem_shared>>
      tpu.enqueue_dma source(%dma_start3A_52 : memref<632x128xf32, #tpu.memory_space<vmem_shared>>) target(%dma_start3A_50 : memref<632x128xf32, #tpu.memory_space<hbm>>) target_semaphore(%run_scoped3A : memref<!tpu.dma_semaphore, #tpu.memory_space<semaphore_mem>>)
      %dma_wait3A = arith.constant 0 : i32
      %dma_wait3A_53 = tpu.memref_slice %arg6[%arg0, %mul3A_0, %dma_wait3A] : memref<2x10112x128xf32, #tpu.memory_space<hbm>> -> memref<1x632x128xf32, #tpu.memory_space<hbm>>
      %dma_wait3A_54 = tpu.memref_squeeze %dma_wait3A_53 : memref<1x632x128xf32, #tpu.memory_space<hbm>> -> memref<632x128xf32, #tpu.memory_space<hbm>>
      %dma_wait3A_55 = arith.constant 0 : i32
      %dma_wait3A_56 = tpu.memref_slice %arg11[%mul3A_0, %dma_wait3A_55] : memref<10112x128xf32, #tpu.memory_space<vmem_shared>> -> memref<632x128xf32, #tpu.memory_space<vmem_shared>>
      tpu.wait_dma2 semaphore(%run_scoped3A : memref<!tpu.dma_semaphore, #tpu.memory_space<semaphore_mem>>) src(%dma_wait3A_56 : memref<632x128xf32, #tpu.memory_space<vmem_shared>>) dst(%dma_wait3A_54 : memref<632x128xf32, #tpu.memory_space<hbm>>)
      tpu.yield
    }) : () -> ()
    %add3A_31 = arith.constant 0 : i32
    %add3A_32 = arith.addi %mul3A_0, %add3A_31 : i32
    "tpu.region"() ({
      %run_scoped3A = tpu.sem_alloc : memref<!tpu.dma_semaphore, #tpu.memory_space<semaphore_mem>>
      %dma_start3A = arith.constant 0 : i32
      %dma_start3A_49 = tpu.memref_slice %arg11[%add3A_32, %dma_start3A] : memref<10112x128xf32, #tpu.memory_space<vmem_shared>> -> memref<128x128xf32, #tpu.memory_space<vmem_shared>>
      %dma_start3A_50 = arith.constant 0 : i32
      %dma_start3A_51 = tpu.memref_slice %arg11[%add3A_32, %dma_start3A_50] : memref<10112x128xf32, #tpu.memory_space<vmem_shared>> -> memref<128x128xf32, #tpu.memory_space<vmem_shared>>
      tpu.enqueue_dma source(%arg9 : memref<128x128xf32, #tpu.memory_space<vmem>>) target(%dma_start3A_51 : memref<128x128xf32, #tpu.memory_space<vmem_shared>>) target_semaphore(%run_scoped3A : memref<!tpu.dma_semaphore, #tpu.memory_space<semaphore_mem>>)
      %dma_wait3A = arith.constant 0 : i32
      %dma_wait3A_52 = tpu.memref_slice %arg11[%add3A_32, %dma_wait3A] : memref<10112x128xf32, #tpu.memory_space<vmem_shared>> -> memref<128x128xf32, #tpu.memory_space<vmem_shared>>
      %dma_wait3A_53 = arith.constant 0 : i32
      %dma_wait3A_54 = tpu.memref_slice %arg11[%add3A_32, %dma_wait3A_53] : memref<10112x128xf32, #tpu.memory_space<vmem_shared>> -> memref<128x128xf32, #tpu.memory_space<vmem_shared>>
      tpu.wait_dma2 semaphore(%run_scoped3A : memref<!tpu.dma_semaphore, #tpu.memory_space<semaphore_mem>>) src(%arg9 : memref<128x128xf32, #tpu.memory_space<vmem>>) dst(%dma_wait3A_54 : memref<128x128xf32, #tpu.memory_space<vmem_shared>>)
      tpu.yield
    }) : () -> ()
    %add3A_33 = arith.constant 128 : i32
    %add3A_34 = arith.addi %mul3A_0, %add3A_33 : i32
    "tpu.region"() ({
      %run_scoped3A = tpu.sem_alloc : memref<!tpu.dma_semaphore, #tpu.memory_space<semaphore_mem>>
      %dma_start3A = arith.constant 0 : i32
      %dma_start3A_49 = tpu.memref_slice %arg11[%add3A_34, %dma_start3A] : memref<10112x128xf32, #tpu.memory_space<vmem_shared>> -> memref<128x128xf32, #tpu.memory_space<vmem_shared>>
      %dma_start3A_50 = arith.constant 0 : i32
      %dma_start3A_51 = tpu.memref_slice %arg11[%add3A_34, %dma_start3A_50] : memref<10112x128xf32, #tpu.memory_space<vmem_shared>> -> memref<128x128xf32, #tpu.memory_space<vmem_shared>>
      tpu.enqueue_dma source(%arg9 : memref<128x128xf32, #tpu.memory_space<vmem>>) target(%dma_start3A_51 : memref<128x128xf32, #tpu.memory_space<vmem_shared>>) target_semaphore(%run_scoped3A : memref<!tpu.dma_semaphore, #tpu.memory_space<semaphore_mem>>)
      %dma_wait3A = arith.constant 0 : i32
      %dma_wait3A_52 = tpu.memref_slice %arg11[%add3A_34, %dma_wait3A] : memref<10112x128xf32, #tpu.memory_space<vmem_shared>> -> memref<128x128xf32, #tpu.memory_space<vmem_shared>>
      %dma_wait3A_53 = arith.constant 0 : i32
      %dma_wait3A_54 = tpu.memref_slice %arg11[%add3A_34, %dma_wait3A_53] : memref<10112x128xf32, #tpu.memory_space<vmem_shared>> -> memref<128x128xf32, #tpu.memory_space<vmem_shared>>
      tpu.wait_dma2 semaphore(%run_scoped3A : memref<!tpu.dma_semaphore, #tpu.memory_space<semaphore_mem>>) src(%arg9 : memref<128x128xf32, #tpu.memory_space<vmem>>) dst(%dma_wait3A_54 : memref<128x128xf32, #tpu.memory_space<vmem_shared>>)
      tpu.yield
    }) : () -> ()
    %add3A_35 = arith.constant 256 : i32
    %add3A_36 = arith.addi %mul3A_0, %add3A_35 : i32
    "tpu.region"() ({
      %run_scoped3A = tpu.sem_alloc : memref<!tpu.dma_semaphore, #tpu.memory_space<semaphore_mem>>
      %dma_start3A = arith.constant 0 : i32
      %dma_start3A_49 = tpu.memref_slice %arg11[%add3A_36, %dma_start3A] : memref<10112x128xf32, #tpu.memory_space<vmem_shared>> -> memref<128x128xf32, #tpu.memory_space<vmem_shared>>
      %dma_start3A_50 = arith.constant 0 : i32
      %dma_start3A_51 = tpu.memref_slice %arg11[%add3A_36, %dma_start3A_50] : memref<10112x128xf32, #tpu.memory_space<vmem_shared>> -> memref<128x128xf32, #tpu.memory_space<vmem_shared>>
      tpu.enqueue_dma source(%arg9 : memref<128x128xf32, #tpu.memory_space<vmem>>) target(%dma_start3A_51 : memref<128x128xf32, #tpu.memory_space<vmem_shared>>) target_semaphore(%run_scoped3A : memref<!tpu.dma_semaphore, #tpu.memory_space<semaphore_mem>>)
      %dma_wait3A = arith.constant 0 : i32
      %dma_wait3A_52 = tpu.memref_slice %arg11[%add3A_36, %dma_wait3A] : memref<10112x128xf32, #tpu.memory_space<vmem_shared>> -> memref<128x128xf32, #tpu.memory_space<vmem_shared>>
      %dma_wait3A_53 = arith.constant 0 : i32
      %dma_wait3A_54 = tpu.memref_slice %arg11[%add3A_36, %dma_wait3A_53] : memref<10112x128xf32, #tpu.memory_space<vmem_shared>> -> memref<128x128xf32, #tpu.memory_space<vmem_shared>>
      tpu.wait_dma2 semaphore(%run_scoped3A : memref<!tpu.dma_semaphore, #tpu.memory_space<semaphore_mem>>) src(%arg9 : memref<128x128xf32, #tpu.memory_space<vmem>>) dst(%dma_wait3A_54 : memref<128x128xf32, #tpu.memory_space<vmem_shared>>)
      tpu.yield
    }) : () -> ()
    %add3A_37 = arith.constant 384 : i32
    %add3A_38 = arith.addi %mul3A_0, %add3A_37 : i32
    "tpu.region"() ({
      %run_scoped3A = tpu.sem_alloc : memref<!tpu.dma_semaphore, #tpu.memory_space<semaphore_mem>>
      %dma_start3A = arith.constant 0 : i32
      %dma_start3A_49 = tpu.memref_slice %arg11[%add3A_38, %dma_start3A] : memref<10112x128xf32, #tpu.memory_space<vmem_shared>> -> memref<128x128xf32, #tpu.memory_space<vmem_shared>>
      %dma_start3A_50 = arith.constant 0 : i32
      %dma_start3A_51 = tpu.memref_slice %arg11[%add3A_38, %dma_start3A_50] : memref<10112x128xf32, #tpu.memory_space<vmem_shared>> -> memref<128x128xf32, #tpu.memory_space<vmem_shared>>
      tpu.enqueue_dma source(%arg9 : memref<128x128xf32, #tpu.memory_space<vmem>>) target(%dma_start3A_51 : memref<128x128xf32, #tpu.memory_space<vmem_shared>>) target_semaphore(%run_scoped3A : memref<!tpu.dma_semaphore, #tpu.memory_space<semaphore_mem>>)
      %dma_wait3A = arith.constant 0 : i32
      %dma_wait3A_52 = tpu.memref_slice %arg11[%add3A_38, %dma_wait3A] : memref<10112x128xf32, #tpu.memory_space<vmem_shared>> -> memref<128x128xf32, #tpu.memory_space<vmem_shared>>
      %dma_wait3A_53 = arith.constant 0 : i32
      %dma_wait3A_54 = tpu.memref_slice %arg11[%add3A_38, %dma_wait3A_53] : memref<10112x128xf32, #tpu.memory_space<vmem_shared>> -> memref<128x128xf32, #tpu.memory_space<vmem_shared>>
      tpu.wait_dma2 semaphore(%run_scoped3A : memref<!tpu.dma_semaphore, #tpu.memory_space<semaphore_mem>>) src(%arg9 : memref<128x128xf32, #tpu.memory_space<vmem>>) dst(%dma_wait3A_54 : memref<128x128xf32, #tpu.memory_space<vmem_shared>>)
      tpu.yield
    }) : () -> ()
    %add3A_39 = arith.constant 512 : i32
    %add3A_40 = arith.addi %mul3A_0, %add3A_39 : i32
    "tpu.region"() ({
      %run_scoped3A = tpu.sem_alloc : memref<!tpu.dma_semaphore, #tpu.memory_space<semaphore_mem>>
      %dma_start3A = arith.constant 0 : i32
      %dma_start3A_49 = arith.constant 0 : i32
      %dma_start3A_50 = tpu.memref_slice %arg9[%dma_start3A, %dma_start3A_49] : memref<128x128xf32, #tpu.memory_space<vmem>> -> memref<120x128xf32, #tpu.memory_space<vmem>>
      %dma_start3A_51 = arith.constant 0 : i32
      %dma_start3A_52 = tpu.memref_slice %arg11[%add3A_40, %dma_start3A_51] : memref<10112x128xf32, #tpu.memory_space<vmem_shared>> -> memref<120x128xf32, #tpu.memory_space<vmem_shared>>
      %dma_start3A_53 = arith.constant 0 : i32
      %dma_start3A_54 = tpu.memref_slice %arg11[%add3A_40, %dma_start3A_53] : memref<10112x128xf32, #tpu.memory_space<vmem_shared>> -> memref<120x128xf32, #tpu.memory_space<vmem_shared>>
      %dma_start3A_55 = arith.constant 0 : i32
      %dma_start3A_56 = arith.constant 0 : i32
      %dma_start3A_57 = tpu.memref_slice %arg9[%dma_start3A_55, %dma_start3A_56] : memref<128x128xf32, #tpu.memory_space<vmem>> -> memref<120x128xf32, #tpu.memory_space<vmem>>
      tpu.enqueue_dma source(%dma_start3A_57 : memref<120x128xf32, #tpu.memory_space<vmem>>) target(%dma_start3A_54 : memref<120x128xf32, #tpu.memory_space<vmem_shared>>) target_semaphore(%run_scoped3A : memref<!tpu.dma_semaphore, #tpu.memory_space<semaphore_mem>>)
      %dma_wait3A = arith.constant 0 : i32
      %dma_wait3A_58 = arith.constant 0 : i32
      %dma_wait3A_59 = tpu.memref_slice %arg9[%dma_wait3A, %dma_wait3A_58] : memref<128x128xf32, #tpu.memory_space<vmem>> -> memref<120x128xf32, #tpu.memory_space<vmem>>
      %dma_wait3A_60 = arith.constant 0 : i32
      %dma_wait3A_61 = tpu.memref_slice %arg11[%add3A_40, %dma_wait3A_60] : memref<10112x128xf32, #tpu.memory_space<vmem_shared>> -> memref<120x128xf32, #tpu.memory_space<vmem_shared>>
      %dma_wait3A_62 = arith.constant 0 : i32
      %dma_wait3A_63 = tpu.memref_slice %arg11[%add3A_40, %dma_wait3A_62] : memref<10112x128xf32, #tpu.memory_space<vmem_shared>> -> memref<120x128xf32, #tpu.memory_space<vmem_shared>>
      %dma_wait3A_64 = arith.constant 0 : i32
      %dma_wait3A_65 = arith.constant 0 : i32
      %dma_wait3A_66 = tpu.memref_slice %arg9[%dma_wait3A_64, %dma_wait3A_65] : memref<128x128xf32, #tpu.memory_space<vmem>> -> memref<120x128xf32, #tpu.memory_space<vmem>>
      tpu.wait_dma2 semaphore(%run_scoped3A : memref<!tpu.dma_semaphore, #tpu.memory_space<semaphore_mem>>) src(%dma_wait3A_66 : memref<120x128xf32, #tpu.memory_space<vmem>>) dst(%dma_wait3A_63 : memref<120x128xf32, #tpu.memory_space<vmem_shared>>)
      tpu.yield
    }) : () -> ()
    %barrier3A_41 = arith.constant 0 : index
    tpu.barrier barrier_id(%barrier3A_41)
    %scan3A_42 = arith.constant 0 : i32
    %scan3A_43 = arith.constant 0 : i32
    %scan3A_44 = arith.constant 5 : i32
    %scan3A_45 = arith.addi %scan3A_43, %scan3A_44 : i32
    %scan3A_46 = arith.constant 1 : i32
    scf.for %scan3A_49 = %scan3A_43 to %scan3A_45 step %scan3A_46  : i32 {
      %mul3A_50 = arith.constant 80 : i32
      %mul3A_51 = arith.muli %arg1, %mul3A_50 : i32
      %mul3A_52 = arith.constant 16 : i32
      %mul3A_53 = arith.muli %scan3A_49, %mul3A_52 : i32
      %add3A_54 = arith.addi %mul3A_51, %mul3A_53 : i32
      "tpu.region"() ({
        %run_scoped3A_292 = tpu.sem_alloc : memref<!tpu.dma_semaphore, #tpu.memory_space<semaphore_mem>>
        %dma_start3A_293 = arith.constant 0 : i32
        %dma_start3A_294 = tpu.memref_slice %arg3[%arg0, %add3A_54, %dma_start3A_293] : memref<2x1280x128xi32, #tpu.memory_space<hbm>> -> memref<1x16x128xi32, #tpu.memory_space<hbm>>
        %dma_start3A_295 = tpu.memref_squeeze %dma_start3A_294 : memref<1x16x128xi32, #tpu.memory_space<hbm>> -> memref<16x128xi32, #tpu.memory_space<hbm>>
        %dma_start3A_296 = arith.constant 0 : i32
        %dma_start3A_297 = tpu.memref_slice %arg3[%arg0, %add3A_54, %dma_start3A_296] : memref<2x1280x128xi32, #tpu.memory_space<hbm>> -> memref<1x16x128xi32, #tpu.memory_space<hbm>>
        %dma_start3A_298 = tpu.memref_squeeze %dma_start3A_297 : memref<1x16x128xi32, #tpu.memory_space<hbm>> -> memref<16x128xi32, #tpu.memory_space<hbm>>
        tpu.enqueue_dma source(%dma_start3A_298 : memref<16x128xi32, #tpu.memory_space<hbm>>) target(%arg7 : memref<16x128xi32, #tpu.memory_space<vmem>>) target_semaphore(%run_scoped3A_292 : memref<!tpu.dma_semaphore, #tpu.memory_space<semaphore_mem>>)
        %dma_wait3A_299 = arith.constant 0 : i32
        %dma_wait3A_300 = tpu.memref_slice %arg3[%arg0, %add3A_54, %dma_wait3A_299] : memref<2x1280x128xi32, #tpu.memory_space<hbm>> -> memref<1x16x128xi32, #tpu.memory_space<hbm>>
        %dma_wait3A_301 = tpu.memref_squeeze %dma_wait3A_300 : memref<1x16x128xi32, #tpu.memory_space<hbm>> -> memref<16x128xi32, #tpu.memory_space<hbm>>
        %dma_wait3A_302 = arith.constant 0 : i32
        %dma_wait3A_303 = tpu.memref_slice %arg3[%arg0, %add3A_54, %dma_wait3A_302] : memref<2x1280x128xi32, #tpu.memory_space<hbm>> -> memref<1x16x128xi32, #tpu.memory_space<hbm>>
        %dma_wait3A_304 = tpu.memref_squeeze %dma_wait3A_303 : memref<1x16x128xi32, #tpu.memory_space<hbm>> -> memref<16x128xi32, #tpu.memory_space<hbm>>
        tpu.wait_dma2 semaphore(%run_scoped3A_292 : memref<!tpu.dma_semaphore, #tpu.memory_space<semaphore_mem>>) src(%dma_wait3A_304 : memref<16x128xi32, #tpu.memory_space<hbm>>) dst(%arg7 : memref<16x128xi32, #tpu.memory_space<vmem>>)
        tpu.yield
      }) : () -> ()
      "tpu.region"() ({
        %run_scoped3A_292 = tpu.sem_alloc : memref<!tpu.dma_semaphore, #tpu.memory_space<semaphore_mem>>
        %dma_start3A_293 = arith.constant 0 : i32
        %dma_start3A_294 = tpu.memref_slice %arg4[%add3A_54, %dma_start3A_293] : memref<1280x128xi32, #tpu.memory_space<hbm>> -> memref<16x128xi32, #tpu.memory_space<hbm>>
        %dma_start3A_295 = arith.constant 0 : i32
        %dma_start3A_296 = tpu.memref_slice %arg4[%add3A_54, %dma_start3A_295] : memref<1280x128xi32, #tpu.memory_space<hbm>> -> memref<16x128xi32, #tpu.memory_space<hbm>>
        tpu.enqueue_dma source(%dma_start3A_296 : memref<16x128xi32, #tpu.memory_space<hbm>>) target(%arg8 : memref<16x128xi32, #tpu.memory_space<vmem>>) target_semaphore(%run_scoped3A_292 : memref<!tpu.dma_semaphore, #tpu.memory_space<semaphore_mem>>)
        %dma_wait3A_297 = arith.constant 0 : i32
        %dma_wait3A_298 = tpu.memref_slice %arg4[%add3A_54, %dma_wait3A_297] : memref<1280x128xi32, #tpu.memory_space<hbm>> -> memref<16x128xi32, #tpu.memory_space<hbm>>
        %dma_wait3A_299 = arith.constant 0 : i32
        %dma_wait3A_300 = tpu.memref_slice %arg4[%add3A_54, %dma_wait3A_299] : memref<1280x128xi32, #tpu.memory_space<hbm>> -> memref<16x128xi32, #tpu.memory_space<hbm>>
        tpu.wait_dma2 semaphore(%run_scoped3A_292 : memref<!tpu.dma_semaphore, #tpu.memory_space<semaphore_mem>>) src(%dma_wait3A_300 : memref<16x128xi32, #tpu.memory_space<hbm>>) dst(%arg8 : memref<16x128xi32, #tpu.memory_space<vmem>>)
        tpu.yield
      }) : () -> ()
      %dma_start3A = arith.constant 0 : i32
      %dma_start3A_55 = arith.constant 0 : i32
      %dma_start3A_56 = tpu.memref_slice %arg7[%dma_start3A, %dma_start3A_55] : memref<16x128xi32, #tpu.memory_space<vmem>> -> memref<1x128xi32, #tpu.memory_space<vmem>>
      %dma_start3A_57 = tpu.memref_squeeze %dma_start3A_56 : memref<1x128xi32, #tpu.memory_space<vmem>> -> memref<128xi32, #tpu.memory_space<vmem>>
      %dma_start3A_58 = arith.constant 0 : i32
      %dma_start3A_59 = arith.constant 0 : i32
      %dma_start3A_60 = tpu.memref_slice %arg2[%dma_start3A_58, %dma_start3A_59] : memref<20000x128xf32, #tpu.memory_space<hbm>> -> memref<20000x128xf32, #tpu.memory_space<hbm>>
      tpu.enqueue_indirect_dma source(%dma_start3A_60 : memref<20000x128xf32, #tpu.memory_space<hbm>>) target(%arg9 : memref<128x128xf32, #tpu.memory_space<vmem>>) offsets(%dma_start3A_57 : memref<128xi32, #tpu.memory_space<vmem>>) semaphore(%arg12 : memref<!tpu.dma_semaphore, #tpu.memory_space<semaphore_mem>>)
      %dma_start3A_61 = arith.constant 1 : i32
      %dma_start3A_62 = arith.constant 0 : i32
      %dma_start3A_63 = tpu.memref_slice %arg7[%dma_start3A_61, %dma_start3A_62] : memref<16x128xi32, #tpu.memory_space<vmem>> -> memref<1x128xi32, #tpu.memory_space<vmem>>
      %dma_start3A_64 = tpu.memref_squeeze %dma_start3A_63 : memref<1x128xi32, #tpu.memory_space<vmem>> -> memref<128xi32, #tpu.memory_space<vmem>>
      %dma_start3A_65 = arith.constant 0 : i32
      %dma_start3A_66 = arith.constant 0 : i32
      %dma_start3A_67 = tpu.memref_slice %arg2[%dma_start3A_65, %dma_start3A_66] : memref<20000x128xf32, #tpu.memory_space<hbm>> -> memref<20000x128xf32, #tpu.memory_space<hbm>>
      tpu.enqueue_indirect_dma source(%dma_start3A_67 : memref<20000x128xf32, #tpu.memory_space<hbm>>) target(%arg10 : memref<128x128xf32, #tpu.memory_space<vmem>>) offsets(%dma_start3A_64 : memref<128xi32, #tpu.memory_space<vmem>>) semaphore(%arg13 : memref<!tpu.dma_semaphore, #tpu.memory_space<semaphore_mem>>)
      %dma_wait3A = arith.constant 0 : i32
      %dma_wait3A_68 = arith.constant 0 : i32
      %dma_wait3A_69 = tpu.memref_slice %arg7[%dma_wait3A, %dma_wait3A_68] : memref<16x128xi32, #tpu.memory_space<vmem>> -> memref<1x128xi32, #tpu.memory_space<vmem>>
      %dma_wait3A_70 = tpu.memref_squeeze %dma_wait3A_69 : memref<1x128xi32, #tpu.memory_space<vmem>> -> memref<128xi32, #tpu.memory_space<vmem>>
      %dma_wait3A_71 = arith.constant 0 : i32
      %dma_wait3A_72 = arith.constant 0 : i32
      %dma_wait3A_73 = tpu.memref_slice %arg2[%dma_wait3A_71, %dma_wait3A_72] : memref<20000x128xf32, #tpu.memory_space<hbm>> -> memref<20000x128xf32, #tpu.memory_space<hbm>>
      tpu.wait_indirect_dma semaphore(%arg12 : memref<!tpu.dma_semaphore, #tpu.memory_space<semaphore_mem>>) src(%dma_wait3A_73 : memref<20000x128xf32, #tpu.memory_space<hbm>>) dst(%arg9 : memref<128x128xf32, #tpu.memory_space<vmem>>)
      %run_scoped3A = arith.constant 0 : i32
      "tpu.region"() ({
        %run_scoped3A_292 = tpu.sem_alloc : memref<!tpu.dma_semaphore, #tpu.memory_space<semaphore_mem>>
        %dma_start3A_293 = arith.constant 0 : i32
        %dma_start3A_294 = tpu.memref_slice %arg8[%run_scoped3A, %dma_start3A_293] : memref<16x128xi32, #tpu.memory_space<vmem>> -> memref<1x128xi32, #tpu.memory_space<vmem>>
        %dma_start3A_295 = tpu.memref_squeeze %dma_start3A_294 : memref<1x128xi32, #tpu.memory_space<vmem>> -> memref<128xi32, #tpu.memory_space<vmem>>
        %dma_start3A_296 = arith.constant 0 : i32
        %dma_start3A_297 = arith.constant 0 : i32
        %dma_start3A_298 = tpu.memref_slice %arg11[%dma_start3A_296, %dma_start3A_297] : memref<10112x128xf32, #tpu.memory_space<vmem_shared>> -> memref<10112x128xf32, #tpu.memory_space<vmem_shared>>
        tpu.enqueue_indirect_dma source(%arg9 : memref<128x128xf32, #tpu.memory_space<vmem>>) target(%dma_start3A_298 : memref<10112x128xf32, #tpu.memory_space<vmem_shared>>) offsets(%dma_start3A_295 : memref<128xi32, #tpu.memory_space<vmem>>) semaphore(%run_scoped3A_292 : memref<!tpu.dma_semaphore, #tpu.memory_space<semaphore_mem>>) {add = true}
        %dma_wait3A_299 = arith.constant 0 : i32
        %dma_wait3A_300 = tpu.memref_slice %arg8[%run_scoped3A, %dma_wait3A_299] : memref<16x128xi32, #tpu.memory_space<vmem>> -> memref<1x128xi32, #tpu.memory_space<vmem>>
        %dma_wait3A_301 = tpu.memref_squeeze %dma_wait3A_300 : memref<1x128xi32, #tpu.memory_space<vmem>> -> memref<128xi32, #tpu.memory_space<vmem>>
        %dma_wait3A_302 = arith.constant 0 : i32
        %dma_wait3A_303 = arith.constant 0 : i32
        %dma_wait3A_304 = tpu.memref_slice %arg11[%dma_wait3A_302, %dma_wait3A_303] : memref<10112x128xf32, #tpu.memory_space<vmem_shared>> -> memref<10112x128xf32, #tpu.memory_space<vmem_shared>>
        tpu.wait_indirect_dma semaphore(%run_scoped3A_292 : memref<!tpu.dma_semaphore, #tpu.memory_space<semaphore_mem>>) src(%arg9 : memref<128x128xf32, #tpu.memory_space<vmem>>) dst(%dma_wait3A_304 : memref<10112x128xf32, #tpu.memory_space<vmem_shared>>)
        tpu.yield
      }) : () -> ()
      %dma_start3A_74 = arith.constant 2 : i32
      %dma_start3A_75 = arith.constant 0 : i32
      %dma_start3A_76 = tpu.memref_slice %arg7[%dma_start3A_74, %dma_start3A_75] : memref<16x128xi32, #tpu.memory_space<vmem>> -> memref<1x128xi32, #tpu.memory_space<vmem>>
      %dma_start3A_77 = tpu.memref_squeeze %dma_start3A_76 : memref<1x128xi32, #tpu.memory_space<vmem>> -> memref<128xi32, #tpu.memory_space<vmem>>
      %dma_start3A_78 = arith.constant 0 : i32
      %dma_start3A_79 = arith.constant 0 : i32
      %dma_start3A_80 = tpu.memref_slice %arg2[%dma_start3A_78, %dma_start3A_79] : memref<20000x128xf32, #tpu.memory_space<hbm>> -> memref<20000x128xf32, #tpu.memory_space<hbm>>
      tpu.enqueue_indirect_dma source(%dma_start3A_80 : memref<20000x128xf32, #tpu.memory_space<hbm>>) target(%arg9 : memref<128x128xf32, #tpu.memory_space<vmem>>) offsets(%dma_start3A_77 : memref<128xi32, #tpu.memory_space<vmem>>) semaphore(%arg12 : memref<!tpu.dma_semaphore, #tpu.memory_space<semaphore_mem>>)
      %dma_wait3A_81 = arith.constant 1 : i32
      %dma_wait3A_82 = arith.constant 0 : i32
      %dma_wait3A_83 = tpu.memref_slice %arg7[%dma_wait3A_81, %dma_wait3A_82] : memref<16x128xi32, #tpu.memory_space<vmem>> -> memref<1x128xi32, #tpu.memory_space<vmem>>
      %dma_wait3A_84 = tpu.memref_squeeze %dma_wait3A_83 : memref<1x128xi32, #tpu.memory_space<vmem>> -> memref<128xi32, #tpu.memory_space<vmem>>
      %dma_wait3A_85 = arith.constant 0 : i32
      %dma_wait3A_86 = arith.constant 0 : i32
      %dma_wait3A_87 = tpu.memref_slice %arg2[%dma_wait3A_85, %dma_wait3A_86] : memref<20000x128xf32, #tpu.memory_space<hbm>> -> memref<20000x128xf32, #tpu.memory_space<hbm>>
      tpu.wait_indirect_dma semaphore(%arg13 : memref<!tpu.dma_semaphore, #tpu.memory_space<semaphore_mem>>) src(%dma_wait3A_87 : memref<20000x128xf32, #tpu.memory_space<hbm>>) dst(%arg10 : memref<128x128xf32, #tpu.memory_space<vmem>>)
      %run_scoped3A_88 = arith.constant 1 : i32
      "tpu.region"() ({
        %run_scoped3A_292 = tpu.sem_alloc : memref<!tpu.dma_semaphore, #tpu.memory_space<semaphore_mem>>
        %dma_start3A_293 = arith.constant 0 : i32
        %dma_start3A_294 = tpu.memref_slice %arg8[%run_scoped3A_88, %dma_start3A_293] : memref<16x128xi32, #tpu.memory_space<vmem>> -> memref<1x128xi32, #tpu.memory_space<vmem>>
        %dma_start3A_295 = tpu.memref_squeeze %dma_start3A_294 : memref<1x128xi32, #tpu.memory_space<vmem>> -> memref<128xi32, #tpu.memory_space<vmem>>
        %dma_start3A_296 = arith.constant 0 : i32
        %dma_start3A_297 = arith.constant 0 : i32
        %dma_start3A_298 = tpu.memref_slice %arg11[%dma_start3A_296, %dma_start3A_297] : memref<10112x128xf32, #tpu.memory_space<vmem_shared>> -> memref<10112x128xf32, #tpu.memory_space<vmem_shared>>
        tpu.enqueue_indirect_dma source(%arg10 : memref<128x128xf32, #tpu.memory_space<vmem>>) target(%dma_start3A_298 : memref<10112x128xf32, #tpu.memory_space<vmem_shared>>) offsets(%dma_start3A_295 : memref<128xi32, #tpu.memory_space<vmem>>) semaphore(%run_scoped3A_292 : memref<!tpu.dma_semaphore, #tpu.memory_space<semaphore_mem>>) {add = true}
        %dma_wait3A_299 = arith.constant 0 : i32
        %dma_wait3A_300 = tpu.memref_slice %arg8[%run_scoped3A_88, %dma_wait3A_299] : memref<16x128xi32, #tpu.memory_space<vmem>> -> memref<1x128xi32, #tpu.memory_space<vmem>>
        %dma_wait3A_301 = tpu.memref_squeeze %dma_wait3A_300 : memref<1x128xi32, #tpu.memory_space<vmem>> -> memref<128xi32, #tpu.memory_space<vmem>>
        %dma_wait3A_302 = arith.constant 0 : i32
        %dma_wait3A_303 = arith.constant 0 : i32
        %dma_wait3A_304 = tpu.memref_slice %arg11[%dma_wait3A_302, %dma_wait3A_303] : memref<10112x128xf32, #tpu.memory_space<vmem_shared>> -> memref<10112x128xf32, #tpu.memory_space<vmem_shared>>
        tpu.wait_indirect_dma semaphore(%run_scoped3A_292 : memref<!tpu.dma_semaphore, #tpu.memory_space<semaphore_mem>>) src(%arg10 : memref<128x128xf32, #tpu.memory_space<vmem>>) dst(%dma_wait3A_304 : memref<10112x128xf32, #tpu.memory_space<vmem_shared>>)
        tpu.yield
      }) : () -> ()
      %dma_start3A_89 = arith.constant 3 : i32
      %dma_start3A_90 = arith.constant 0 : i32
      %dma_start3A_91 = tpu.memref_slice %arg7[%dma_start3A_89, %dma_start3A_90] : memref<16x128xi32, #tpu.memory_space<vmem>> -> memref<1x128xi32, #tpu.memory_space<vmem>>
      %dma_start3A_92 = tpu.memref_squeeze %dma_start3A_91 : memref<1x128xi32, #tpu.memory_space<vmem>> -> memref<128xi32, #tpu.memory_space<vmem>>
      %dma_start3A_93 = arith.constant 0 : i32
      %dma_start3A_94 = arith.constant 0 : i32
      %dma_start3A_95 = tpu.memref_slice %arg2[%dma_start3A_93, %dma_start3A_94] : memref<20000x128xf32, #tpu.memory_space<hbm>> -> memref<20000x128xf32, #tpu.memory_space<hbm>>
      tpu.enqueue_indirect_dma source(%dma_start3A_95 : memref<20000x128xf32, #tpu.memory_space<hbm>>) target(%arg10 : memref<128x128xf32, #tpu.memory_space<vmem>>) offsets(%dma_start3A_92 : memref<128xi32, #tpu.memory_space<vmem>>) semaphore(%arg13 : memref<!tpu.dma_semaphore, #tpu.memory_space<semaphore_mem>>)
      %dma_wait3A_96 = arith.constant 2 : i32
      %dma_wait3A_97 = arith.constant 0 : i32
      %dma_wait3A_98 = tpu.memref_slice %arg7[%dma_wait3A_96, %dma_wait3A_97] : memref<16x128xi32, #tpu.memory_space<vmem>> -> memref<1x128xi32, #tpu.memory_space<vmem>>
      %dma_wait3A_99 = tpu.memref_squeeze %dma_wait3A_98 : memref<1x128xi32, #tpu.memory_space<vmem>> -> memref<128xi32, #tpu.memory_space<vmem>>
      %dma_wait3A_100 = arith.constant 0 : i32
      %dma_wait3A_101 = arith.constant 0 : i32
      %dma_wait3A_102 = tpu.memref_slice %arg2[%dma_wait3A_100, %dma_wait3A_101] : memref<20000x128xf32, #tpu.memory_space<hbm>> -> memref<20000x128xf32, #tpu.memory_space<hbm>>
      tpu.wait_indirect_dma semaphore(%arg12 : memref<!tpu.dma_semaphore, #tpu.memory_space<semaphore_mem>>) src(%dma_wait3A_102 : memref<20000x128xf32, #tpu.memory_space<hbm>>) dst(%arg9 : memref<128x128xf32, #tpu.memory_space<vmem>>)
      %run_scoped3A_103 = arith.constant 2 : i32
      "tpu.region"() ({
        %run_scoped3A_292 = tpu.sem_alloc : memref<!tpu.dma_semaphore, #tpu.memory_space<semaphore_mem>>
        %dma_start3A_293 = arith.constant 0 : i32
        %dma_start3A_294 = tpu.memref_slice %arg8[%run_scoped3A_103, %dma_start3A_293] : memref<16x128xi32, #tpu.memory_space<vmem>> -> memref<1x128xi32, #tpu.memory_space<vmem>>
        %dma_start3A_295 = tpu.memref_squeeze %dma_start3A_294 : memref<1x128xi32, #tpu.memory_space<vmem>> -> memref<128xi32, #tpu.memory_space<vmem>>
        %dma_start3A_296 = arith.constant 0 : i32
        %dma_start3A_297 = arith.constant 0 : i32
        %dma_start3A_298 = tpu.memref_slice %arg11[%dma_start3A_296, %dma_start3A_297] : memref<10112x128xf32, #tpu.memory_space<vmem_shared>> -> memref<10112x128xf32, #tpu.memory_space<vmem_shared>>
        tpu.enqueue_indirect_dma source(%arg9 : memref<128x128xf32, #tpu.memory_space<vmem>>) target(%dma_start3A_298 : memref<10112x128xf32, #tpu.memory_space<vmem_shared>>) offsets(%dma_start3A_295 : memref<128xi32, #tpu.memory_space<vmem>>) semaphore(%run_scoped3A_292 : memref<!tpu.dma_semaphore, #tpu.memory_space<semaphore_mem>>) {add = true}
        %dma_wait3A_299 = arith.constant 0 : i32
        %dma_wait3A_300 = tpu.memref_slice %arg8[%run_scoped3A_103, %dma_wait3A_299] : memref<16x128xi32, #tpu.memory_space<vmem>> -> memref<1x128xi32, #tpu.memory_space<vmem>>
        %dma_wait3A_301 = tpu.memref_squeeze %dma_wait3A_300 : memref<1x128xi32, #tpu.memory_space<vmem>> -> memref<128xi32, #tpu.memory_space<vmem>>
        %dma_wait3A_302 = arith.constant 0 : i32
        %dma_wait3A_303 = arith.constant 0 : i32
        %dma_wait3A_304 = tpu.memref_slice %arg11[%dma_wait3A_302, %dma_wait3A_303] : memref<10112x128xf32, #tpu.memory_space<vmem_shared>> -> memref<10112x128xf32, #tpu.memory_space<vmem_shared>>
        tpu.wait_indirect_dma semaphore(%run_scoped3A_292 : memref<!tpu.dma_semaphore, #tpu.memory_space<semaphore_mem>>) src(%arg9 : memref<128x128xf32, #tpu.memory_space<vmem>>) dst(%dma_wait3A_304 : memref<10112x128xf32, #tpu.memory_space<vmem_shared>>)
        tpu.yield
      }) : () -> ()
      %dma_start3A_104 = arith.constant 4 : i32
      %dma_start3A_105 = arith.constant 0 : i32
      %dma_start3A_106 = tpu.memref_slice %arg7[%dma_start3A_104, %dma_start3A_105] : memref<16x128xi32, #tpu.memory_space<vmem>> -> memref<1x128xi32, #tpu.memory_space<vmem>>
      %dma_start3A_107 = tpu.memref_squeeze %dma_start3A_106 : memref<1x128xi32, #tpu.memory_space<vmem>> -> memref<128xi32, #tpu.memory_space<vmem>>
      %dma_start3A_108 = arith.constant 0 : i32
      %dma_start3A_109 = arith.constant 0 : i32
      %dma_start3A_110 = tpu.memref_slice %arg2[%dma_start3A_108, %dma_start3A_109] : memref<20000x128xf32, #tpu.memory_space<hbm>> -> memref<20000x128xf32, #tpu.memory_space<hbm>>
      tpu.enqueue_indirect_dma source(%dma_start3A_110 : memref<20000x128xf32, #tpu.memory_space<hbm>>) target(%arg9 : memref<128x128xf32, #tpu.memory_space<vmem>>) offsets(%dma_start3A_107 : memref<128xi32, #tpu.memory_space<vmem>>) semaphore(%arg12 : memref<!tpu.dma_semaphore, #tpu.memory_space<semaphore_mem>>)
      %dma_wait3A_111 = arith.constant 3 : i32
      %dma_wait3A_112 = arith.constant 0 : i32
      %dma_wait3A_113 = tpu.memref_slice %arg7[%dma_wait3A_111, %dma_wait3A_112] : memref<16x128xi32, #tpu.memory_space<vmem>> -> memref<1x128xi32, #tpu.memory_space<vmem>>
      %dma_wait3A_114 = tpu.memref_squeeze %dma_wait3A_113 : memref<1x128xi32, #tpu.memory_space<vmem>> -> memref<128xi32, #tpu.memory_space<vmem>>
      %dma_wait3A_115 = arith.constant 0 : i32
      %dma_wait3A_116 = arith.constant 0 : i32
      %dma_wait3A_117 = tpu.memref_slice %arg2[%dma_wait3A_115, %dma_wait3A_116] : memref<20000x128xf32, #tpu.memory_space<hbm>> -> memref<20000x128xf32, #tpu.memory_space<hbm>>
      tpu.wait_indirect_dma semaphore(%arg13 : memref<!tpu.dma_semaphore, #tpu.memory_space<semaphore_mem>>) src(%dma_wait3A_117 : memref<20000x128xf32, #tpu.memory_space<hbm>>) dst(%arg10 : memref<128x128xf32, #tpu.memory_space<vmem>>)
      %run_scoped3A_118 = arith.constant 3 : i32
      "tpu.region"() ({
        %run_scoped3A_292 = tpu.sem_alloc : memref<!tpu.dma_semaphore, #tpu.memory_space<semaphore_mem>>
        %dma_start3A_293 = arith.constant 0 : i32
        %dma_start3A_294 = tpu.memref_slice %arg8[%run_scoped3A_118, %dma_start3A_293] : memref<16x128xi32, #tpu.memory_space<vmem>> -> memref<1x128xi32, #tpu.memory_space<vmem>>
        %dma_start3A_295 = tpu.memref_squeeze %dma_start3A_294 : memref<1x128xi32, #tpu.memory_space<vmem>> -> memref<128xi32, #tpu.memory_space<vmem>>
        %dma_start3A_296 = arith.constant 0 : i32
        %dma_start3A_297 = arith.constant 0 : i32
        %dma_start3A_298 = tpu.memref_slice %arg11[%dma_start3A_296, %dma_start3A_297] : memref<10112x128xf32, #tpu.memory_space<vmem_shared>> -> memref<10112x128xf32, #tpu.memory_space<vmem_shared>>
        tpu.enqueue_indirect_dma source(%arg10 : memref<128x128xf32, #tpu.memory_space<vmem>>) target(%dma_start3A_298 : memref<10112x128xf32, #tpu.memory_space<vmem_shared>>) offsets(%dma_start3A_295 : memref<128xi32, #tpu.memory_space<vmem>>) semaphore(%run_scoped3A_292 : memref<!tpu.dma_semaphore, #tpu.memory_space<semaphore_mem>>) {add = true}
        %dma_wait3A_299 = arith.constant 0 : i32
        %dma_wait3A_300 = tpu.memref_slice %arg8[%run_scoped3A_118, %dma_wait3A_299] : memref<16x128xi32, #tpu.memory_space<vmem>> -> memref<1x128xi32, #tpu.memory_space<vmem>>
        %dma_wait3A_301 = tpu.memref_squeeze %dma_wait3A_300 : memref<1x128xi32, #tpu.memory_space<vmem>> -> memref<128xi32, #tpu.memory_space<vmem>>
        %dma_wait3A_302 = arith.constant 0 : i32
        %dma_wait3A_303 = arith.constant 0 : i32
        %dma_wait3A_304 = tpu.memref_slice %arg11[%dma_wait3A_302, %dma_wait3A_303] : memref<10112x128xf32, #tpu.memory_space<vmem_shared>> -> memref<10112x128xf32, #tpu.memory_space<vmem_shared>>
        tpu.wait_indirect_dma semaphore(%run_scoped3A_292 : memref<!tpu.dma_semaphore, #tpu.memory_space<semaphore_mem>>) src(%arg10 : memref<128x128xf32, #tpu.memory_space<vmem>>) dst(%dma_wait3A_304 : memref<10112x128xf32, #tpu.memory_space<vmem_shared>>)
        tpu.yield
      }) : () -> ()
      %dma_start3A_119 = arith.constant 5 : i32
      %dma_start3A_120 = arith.constant 0 : i32
      %dma_start3A_121 = tpu.memref_slice %arg7[%dma_start3A_119, %dma_start3A_120] : memref<16x128xi32, #tpu.memory_space<vmem>> -> memref<1x128xi32, #tpu.memory_space<vmem>>
      %dma_start3A_122 = tpu.memref_squeeze %dma_start3A_121 : memref<1x128xi32, #tpu.memory_space<vmem>> -> memref<128xi32, #tpu.memory_space<vmem>>
      %dma_start3A_123 = arith.constant 0 : i32
      %dma_start3A_124 = arith.constant 0 : i32
      %dma_start3A_125 = tpu.memref_slice %arg2[%dma_start3A_123, %dma_start3A_124] : memref<20000x128xf32, #tpu.memory_space<hbm>> -> memref<20000x128xf32, #tpu.memory_space<hbm>>
      tpu.enqueue_indirect_dma source(%dma_start3A_125 : memref<20000x128xf32, #tpu.memory_space<hbm>>) target(%arg10 : memref<128x128xf32, #tpu.memory_space<vmem>>) offsets(%dma_start3A_122 : memref<128xi32, #tpu.memory_space<vmem>>) semaphore(%arg13 : memref<!tpu.dma_semaphore, #tpu.memory_space<semaphore_mem>>)
      %dma_wait3A_126 = arith.constant 4 : i32
      %dma_wait3A_127 = arith.constant 0 : i32
      %dma_wait3A_128 = tpu.memref_slice %arg7[%dma_wait3A_126, %dma_wait3A_127] : memref<16x128xi32, #tpu.memory_space<vmem>> -> memref<1x128xi32, #tpu.memory_space<vmem>>
      %dma_wait3A_129 = tpu.memref_squeeze %dma_wait3A_128 : memref<1x128xi32, #tpu.memory_space<vmem>> -> memref<128xi32, #tpu.memory_space<vmem>>
      %dma_wait3A_130 = arith.constant 0 : i32
      %dma_wait3A_131 = arith.constant 0 : i32
      %dma_wait3A_132 = tpu.memref_slice %arg2[%dma_wait3A_130, %dma_wait3A_131] : memref<20000x128xf32, #tpu.memory_space<hbm>> -> memref<20000x128xf32, #tpu.memory_space<hbm>>
      tpu.wait_indirect_dma semaphore(%arg12 : memref<!tpu.dma_semaphore, #tpu.memory_space<semaphore_mem>>) src(%dma_wait3A_132 : memref<20000x128xf32, #tpu.memory_space<hbm>>) dst(%arg9 : memref<128x128xf32, #tpu.memory_space<vmem>>)
      %run_scoped3A_133 = arith.constant 4 : i32
      "tpu.region"() ({
        %run_scoped3A_292 = tpu.sem_alloc : memref<!tpu.dma_semaphore, #tpu.memory_space<semaphore_mem>>
        %dma_start3A_293 = arith.constant 0 : i32
        %dma_start3A_294 = tpu.memref_slice %arg8[%run_scoped3A_133, %dma_start3A_293] : memref<16x128xi32, #tpu.memory_space<vmem>> -> memref<1x128xi32, #tpu.memory_space<vmem>>
        %dma_start3A_295 = tpu.memref_squeeze %dma_start3A_294 : memref<1x128xi32, #tpu.memory_space<vmem>> -> memref<128xi32, #tpu.memory_space<vmem>>
        %dma_start3A_296 = arith.constant 0 : i32
        %dma_start3A_297 = arith.constant 0 : i32
        %dma_start3A_298 = tpu.memref_slice %arg11[%dma_start3A_296, %dma_start3A_297] : memref<10112x128xf32, #tpu.memory_space<vmem_shared>> -> memref<10112x128xf32, #tpu.memory_space<vmem_shared>>
        tpu.enqueue_indirect_dma source(%arg9 : memref<128x128xf32, #tpu.memory_space<vmem>>) target(%dma_start3A_298 : memref<10112x128xf32, #tpu.memory_space<vmem_shared>>) offsets(%dma_start3A_295 : memref<128xi32, #tpu.memory_space<vmem>>) semaphore(%run_scoped3A_292 : memref<!tpu.dma_semaphore, #tpu.memory_space<semaphore_mem>>) {add = true}
        %dma_wait3A_299 = arith.constant 0 : i32
        %dma_wait3A_300 = tpu.memref_slice %arg8[%run_scoped3A_133, %dma_wait3A_299] : memref<16x128xi32, #tpu.memory_space<vmem>> -> memref<1x128xi32, #tpu.memory_space<vmem>>
        %dma_wait3A_301 = tpu.memref_squeeze %dma_wait3A_300 : memref<1x128xi32, #tpu.memory_space<vmem>> -> memref<128xi32, #tpu.memory_space<vmem>>
        %dma_wait3A_302 = arith.constant 0 : i32
        %dma_wait3A_303 = arith.constant 0 : i32
        %dma_wait3A_304 = tpu.memref_slice %arg11[%dma_wait3A_302, %dma_wait3A_303] : memref<10112x128xf32, #tpu.memory_space<vmem_shared>> -> memref<10112x128xf32, #tpu.memory_space<vmem_shared>>
        tpu.wait_indirect_dma semaphore(%run_scoped3A_292 : memref<!tpu.dma_semaphore, #tpu.memory_space<semaphore_mem>>) src(%arg9 : memref<128x128xf32, #tpu.memory_space<vmem>>) dst(%dma_wait3A_304 : memref<10112x128xf32, #tpu.memory_space<vmem_shared>>)
        tpu.yield
      }) : () -> ()
      %dma_start3A_134 = arith.constant 6 : i32
      %dma_start3A_135 = arith.constant 0 : i32
      %dma_start3A_136 = tpu.memref_slice %arg7[%dma_start3A_134, %dma_start3A_135] : memref<16x128xi32, #tpu.memory_space<vmem>> -> memref<1x128xi32, #tpu.memory_space<vmem>>
      %dma_start3A_137 = tpu.memref_squeeze %dma_start3A_136 : memref<1x128xi32, #tpu.memory_space<vmem>> -> memref<128xi32, #tpu.memory_space<vmem>>
      %dma_start3A_138 = arith.constant 0 : i32
      %dma_start3A_139 = arith.constant 0 : i32
      %dma_start3A_140 = tpu.memref_slice %arg2[%dma_start3A_138, %dma_start3A_139] : memref<20000x128xf32, #tpu.memory_space<hbm>> -> memref<20000x128xf32, #tpu.memory_space<hbm>>
      tpu.enqueue_indirect_dma source(%dma_start3A_140 : memref<20000x128xf32, #tpu.memory_space<hbm>>) target(%arg9 : memref<128x128xf32, #tpu.memory_space<vmem>>) offsets(%dma_start3A_137 : memref<128xi32, #tpu.memory_space<vmem>>) semaphore(%arg12 : memref<!tpu.dma_semaphore, #tpu.memory_space<semaphore_mem>>)
      %dma_wait3A_141 = arith.constant 5 : i32
      %dma_wait3A_142 = arith.constant 0 : i32
      %dma_wait3A_143 = tpu.memref_slice %arg7[%dma_wait3A_141, %dma_wait3A_142] : memref<16x128xi32, #tpu.memory_space<vmem>> -> memref<1x128xi32, #tpu.memory_space<vmem>>
      %dma_wait3A_144 = tpu.memref_squeeze %dma_wait3A_143 : memref<1x128xi32, #tpu.memory_space<vmem>> -> memref<128xi32, #tpu.memory_space<vmem>>
      %dma_wait3A_145 = arith.constant 0 : i32
      %dma_wait3A_146 = arith.constant 0 : i32
      %dma_wait3A_147 = tpu.memref_slice %arg2[%dma_wait3A_145, %dma_wait3A_146] : memref<20000x128xf32, #tpu.memory_space<hbm>> -> memref<20000x128xf32, #tpu.memory_space<hbm>>
      tpu.wait_indirect_dma semaphore(%arg13 : memref<!tpu.dma_semaphore, #tpu.memory_space<semaphore_mem>>) src(%dma_wait3A_147 : memref<20000x128xf32, #tpu.memory_space<hbm>>) dst(%arg10 : memref<128x128xf32, #tpu.memory_space<vmem>>)
      %run_scoped3A_148 = arith.constant 5 : i32
      "tpu.region"() ({
        %run_scoped3A_292 = tpu.sem_alloc : memref<!tpu.dma_semaphore, #tpu.memory_space<semaphore_mem>>
        %dma_start3A_293 = arith.constant 0 : i32
        %dma_start3A_294 = tpu.memref_slice %arg8[%run_scoped3A_148, %dma_start3A_293] : memref<16x128xi32, #tpu.memory_space<vmem>> -> memref<1x128xi32, #tpu.memory_space<vmem>>
        %dma_start3A_295 = tpu.memref_squeeze %dma_start3A_294 : memref<1x128xi32, #tpu.memory_space<vmem>> -> memref<128xi32, #tpu.memory_space<vmem>>
        %dma_start3A_296 = arith.constant 0 : i32
        %dma_start3A_297 = arith.constant 0 : i32
        %dma_start3A_298 = tpu.memref_slice %arg11[%dma_start3A_296, %dma_start3A_297] : memref<10112x128xf32, #tpu.memory_space<vmem_shared>> -> memref<10112x128xf32, #tpu.memory_space<vmem_shared>>
        tpu.enqueue_indirect_dma source(%arg10 : memref<128x128xf32, #tpu.memory_space<vmem>>) target(%dma_start3A_298 : memref<10112x128xf32, #tpu.memory_space<vmem_shared>>) offsets(%dma_start3A_295 : memref<128xi32, #tpu.memory_space<vmem>>) semaphore(%run_scoped3A_292 : memref<!tpu.dma_semaphore, #tpu.memory_space<semaphore_mem>>) {add = true}
        %dma_wait3A_299 = arith.constant 0 : i32
        %dma_wait3A_300 = tpu.memref_slice %arg8[%run_scoped3A_148, %dma_wait3A_299] : memref<16x128xi32, #tpu.memory_space<vmem>> -> memref<1x128xi32, #tpu.memory_space<vmem>>
        %dma_wait3A_301 = tpu.memref_squeeze %dma_wait3A_300 : memref<1x128xi32, #tpu.memory_space<vmem>> -> memref<128xi32, #tpu.memory_space<vmem>>
        %dma_wait3A_302 = arith.constant 0 : i32
        %dma_wait3A_303 = arith.constant 0 : i32
        %dma_wait3A_304 = tpu.memref_slice %arg11[%dma_wait3A_302, %dma_wait3A_303] : memref<10112x128xf32, #tpu.memory_space<vmem_shared>> -> memref<10112x128xf32, #tpu.memory_space<vmem_shared>>
        tpu.wait_indirect_dma semaphore(%run_scoped3A_292 : memref<!tpu.dma_semaphore, #tpu.memory_space<semaphore_mem>>) src(%arg10 : memref<128x128xf32, #tpu.memory_space<vmem>>) dst(%dma_wait3A_304 : memref<10112x128xf32, #tpu.memory_space<vmem_shared>>)
        tpu.yield
      }) : () -> ()
      %dma_start3A_149 = arith.constant 7 : i32
      %dma_start3A_150 = arith.constant 0 : i32
      %dma_start3A_151 = tpu.memref_slice %arg7[%dma_start3A_149, %dma_start3A_150] : memref<16x128xi32, #tpu.memory_space<vmem>> -> memref<1x128xi32, #tpu.memory_space<vmem>>
      %dma_start3A_152 = tpu.memref_squeeze %dma_start3A_151 : memref<1x128xi32, #tpu.memory_space<vmem>> -> memref<128xi32, #tpu.memory_space<vmem>>
      %dma_start3A_153 = arith.constant 0 : i32
      %dma_start3A_154 = arith.constant 0 : i32
      %dma_start3A_155 = tpu.memref_slice %arg2[%dma_start3A_153, %dma_start3A_154] : memref<20000x128xf32, #tpu.memory_space<hbm>> -> memref<20000x128xf32, #tpu.memory_space<hbm>>
      tpu.enqueue_indirect_dma source(%dma_start3A_155 : memref<20000x128xf32, #tpu.memory_space<hbm>>) target(%arg10 : memref<128x128xf32, #tpu.memory_space<vmem>>) offsets(%dma_start3A_152 : memref<128xi32, #tpu.memory_space<vmem>>) semaphore(%arg13 : memref<!tpu.dma_semaphore, #tpu.memory_space<semaphore_mem>>)
      %dma_wait3A_156 = arith.constant 6 : i32
      %dma_wait3A_157 = arith.constant 0 : i32
      %dma_wait3A_158 = tpu.memref_slice %arg7[%dma_wait3A_156, %dma_wait3A_157] : memref<16x128xi32, #tpu.memory_space<vmem>> -> memref<1x128xi32, #tpu.memory_space<vmem>>
      %dma_wait3A_159 = tpu.memref_squeeze %dma_wait3A_158 : memref<1x128xi32, #tpu.memory_space<vmem>> -> memref<128xi32, #tpu.memory_space<vmem>>
      %dma_wait3A_160 = arith.constant 0 : i32
      %dma_wait3A_161 = arith.constant 0 : i32
      %dma_wait3A_162 = tpu.memref_slice %arg2[%dma_wait3A_160, %dma_wait3A_161] : memref<20000x128xf32, #tpu.memory_space<hbm>> -> memref<20000x128xf32, #tpu.memory_space<hbm>>
      tpu.wait_indirect_dma semaphore(%arg12 : memref<!tpu.dma_semaphore, #tpu.memory_space<semaphore_mem>>) src(%dma_wait3A_162 : memref<20000x128xf32, #tpu.memory_space<hbm>>) dst(%arg9 : memref<128x128xf32, #tpu.memory_space<vmem>>)
      %run_scoped3A_163 = arith.constant 6 : i32
      "tpu.region"() ({
        %run_scoped3A_292 = tpu.sem_alloc : memref<!tpu.dma_semaphore, #tpu.memory_space<semaphore_mem>>
        %dma_start3A_293 = arith.constant 0 : i32
        %dma_start3A_294 = tpu.memref_slice %arg8[%run_scoped3A_163, %dma_start3A_293] : memref<16x128xi32, #tpu.memory_space<vmem>> -> memref<1x128xi32, #tpu.memory_space<vmem>>
        %dma_start3A_295 = tpu.memref_squeeze %dma_start3A_294 : memref<1x128xi32, #tpu.memory_space<vmem>> -> memref<128xi32, #tpu.memory_space<vmem>>
        %dma_start3A_296 = arith.constant 0 : i32
        %dma_start3A_297 = arith.constant 0 : i32
        %dma_start3A_298 = tpu.memref_slice %arg11[%dma_start3A_296, %dma_start3A_297] : memref<10112x128xf32, #tpu.memory_space<vmem_shared>> -> memref<10112x128xf32, #tpu.memory_space<vmem_shared>>
        tpu.enqueue_indirect_dma source(%arg9 : memref<128x128xf32, #tpu.memory_space<vmem>>) target(%dma_start3A_298 : memref<10112x128xf32, #tpu.memory_space<vmem_shared>>) offsets(%dma_start3A_295 : memref<128xi32, #tpu.memory_space<vmem>>) semaphore(%run_scoped3A_292 : memref<!tpu.dma_semaphore, #tpu.memory_space<semaphore_mem>>) {add = true}
        %dma_wait3A_299 = arith.constant 0 : i32
        %dma_wait3A_300 = tpu.memref_slice %arg8[%run_scoped3A_163, %dma_wait3A_299] : memref<16x128xi32, #tpu.memory_space<vmem>> -> memref<1x128xi32, #tpu.memory_space<vmem>>
        %dma_wait3A_301 = tpu.memref_squeeze %dma_wait3A_300 : memref<1x128xi32, #tpu.memory_space<vmem>> -> memref<128xi32, #tpu.memory_space<vmem>>
        %dma_wait3A_302 = arith.constant 0 : i32
        %dma_wait3A_303 = arith.constant 0 : i32
        %dma_wait3A_304 = tpu.memref_slice %arg11[%dma_wait3A_302, %dma_wait3A_303] : memref<10112x128xf32, #tpu.memory_space<vmem_shared>> -> memref<10112x128xf32, #tpu.memory_space<vmem_shared>>
        tpu.wait_indirect_dma semaphore(%run_scoped3A_292 : memref<!tpu.dma_semaphore, #tpu.memory_space<semaphore_mem>>) src(%arg9 : memref<128x128xf32, #tpu.memory_space<vmem>>) dst(%dma_wait3A_304 : memref<10112x128xf32, #tpu.memory_space<vmem_shared>>)
        tpu.yield
      }) : () -> ()
      %dma_start3A_164 = arith.constant 8 : i32
      %dma_start3A_165 = arith.constant 0 : i32
      %dma_start3A_166 = tpu.memref_slice %arg7[%dma_start3A_164, %dma_start3A_165] : memref<16x128xi32, #tpu.memory_space<vmem>> -> memref<1x128xi32, #tpu.memory_space<vmem>>
      %dma_start3A_167 = tpu.memref_squeeze %dma_start3A_166 : memref<1x128xi32, #tpu.memory_space<vmem>> -> memref<128xi32, #tpu.memory_space<vmem>>
      %dma_start3A_168 = arith.constant 0 : i32
      %dma_start3A_169 = arith.constant 0 : i32
      %dma_start3A_170 = tpu.memref_slice %arg2[%dma_start3A_168, %dma_start3A_169] : memref<20000x128xf32, #tpu.memory_space<hbm>> -> memref<20000x128xf32, #tpu.memory_space<hbm>>
      tpu.enqueue_indirect_dma source(%dma_start3A_170 : memref<20000x128xf32, #tpu.memory_space<hbm>>) target(%arg9 : memref<128x128xf32, #tpu.memory_space<vmem>>) offsets(%dma_start3A_167 : memref<128xi32, #tpu.memory_space<vmem>>) semaphore(%arg12 : memref<!tpu.dma_semaphore, #tpu.memory_space<semaphore_mem>>)
      %dma_wait3A_171 = arith.constant 7 : i32
      %dma_wait3A_172 = arith.constant 0 : i32
      %dma_wait3A_173 = tpu.memref_slice %arg7[%dma_wait3A_171, %dma_wait3A_172] : memref<16x128xi32, #tpu.memory_space<vmem>> -> memref<1x128xi32, #tpu.memory_space<vmem>>
      %dma_wait3A_174 = tpu.memref_squeeze %dma_wait3A_173 : memref<1x128xi32, #tpu.memory_space<vmem>> -> memref<128xi32, #tpu.memory_space<vmem>>
      %dma_wait3A_175 = arith.constant 0 : i32
      %dma_wait3A_176 = arith.constant 0 : i32
      %dma_wait3A_177 = tpu.memref_slice %arg2[%dma_wait3A_175, %dma_wait3A_176] : memref<20000x128xf32, #tpu.memory_space<hbm>> -> memref<20000x128xf32, #tpu.memory_space<hbm>>
      tpu.wait_indirect_dma semaphore(%arg13 : memref<!tpu.dma_semaphore, #tpu.memory_space<semaphore_mem>>) src(%dma_wait3A_177 : memref<20000x128xf32, #tpu.memory_space<hbm>>) dst(%arg10 : memref<128x128xf32, #tpu.memory_space<vmem>>)
      %run_scoped3A_178 = arith.constant 7 : i32
      "tpu.region"() ({
        %run_scoped3A_292 = tpu.sem_alloc : memref<!tpu.dma_semaphore, #tpu.memory_space<semaphore_mem>>
        %dma_start3A_293 = arith.constant 0 : i32
        %dma_start3A_294 = tpu.memref_slice %arg8[%run_scoped3A_178, %dma_start3A_293] : memref<16x128xi32, #tpu.memory_space<vmem>> -> memref<1x128xi32, #tpu.memory_space<vmem>>
        %dma_start3A_295 = tpu.memref_squeeze %dma_start3A_294 : memref<1x128xi32, #tpu.memory_space<vmem>> -> memref<128xi32, #tpu.memory_space<vmem>>
        %dma_start3A_296 = arith.constant 0 : i32
        %dma_start3A_297 = arith.constant 0 : i32
        %dma_start3A_298 = tpu.memref_slice %arg11[%dma_start3A_296, %dma_start3A_297] : memref<10112x128xf32, #tpu.memory_space<vmem_shared>> -> memref<10112x128xf32, #tpu.memory_space<vmem_shared>>
        tpu.enqueue_indirect_dma source(%arg10 : memref<128x128xf32, #tpu.memory_space<vmem>>) target(%dma_start3A_298 : memref<10112x128xf32, #tpu.memory_space<vmem_shared>>) offsets(%dma_start3A_295 : memref<128xi32, #tpu.memory_space<vmem>>) semaphore(%run_scoped3A_292 : memref<!tpu.dma_semaphore, #tpu.memory_space<semaphore_mem>>) {add = true}
        %dma_wait3A_299 = arith.constant 0 : i32
        %dma_wait3A_300 = tpu.memref_slice %arg8[%run_scoped3A_178, %dma_wait3A_299] : memref<16x128xi32, #tpu.memory_space<vmem>> -> memref<1x128xi32, #tpu.memory_space<vmem>>
        %dma_wait3A_301 = tpu.memref_squeeze %dma_wait3A_300 : memref<1x128xi32, #tpu.memory_space<vmem>> -> memref<128xi32, #tpu.memory_space<vmem>>
        %dma_wait3A_302 = arith.constant 0 : i32
        %dma_wait3A_303 = arith.constant 0 : i32
        %dma_wait3A_304 = tpu.memref_slice %arg11[%dma_wait3A_302, %dma_wait3A_303] : memref<10112x128xf32, #tpu.memory_space<vmem_shared>> -> memref<10112x128xf32, #tpu.memory_space<vmem_shared>>
        tpu.wait_indirect_dma semaphore(%run_scoped3A_292 : memref<!tpu.dma_semaphore, #tpu.memory_space<semaphore_mem>>) src(%arg10 : memref<128x128xf32, #tpu.memory_space<vmem>>) dst(%dma_wait3A_304 : memref<10112x128xf32, #tpu.memory_space<vmem_shared>>)
        tpu.yield
      }) : () -> ()
      %dma_start3A_179 = arith.constant 9 : i32
      %dma_start3A_180 = arith.constant 0 : i32
      %dma_start3A_181 = tpu.memref_slice %arg7[%dma_start3A_179, %dma_start3A_180] : memref<16x128xi32, #tpu.memory_space<vmem>> -> memref<1x128xi32, #tpu.memory_space<vmem>>
      %dma_start3A_182 = tpu.memref_squeeze %dma_start3A_181 : memref<1x128xi32, #tpu.memory_space<vmem>> -> memref<128xi32, #tpu.memory_space<vmem>>
      %dma_start3A_183 = arith.constant 0 : i32
      %dma_start3A_184 = arith.constant 0 : i32
      %dma_start3A_185 = tpu.memref_slice %arg2[%dma_start3A_183, %dma_start3A_184] : memref<20000x128xf32, #tpu.memory_space<hbm>> -> memref<20000x128xf32, #tpu.memory_space<hbm>>
      tpu.enqueue_indirect_dma source(%dma_start3A_185 : memref<20000x128xf32, #tpu.memory_space<hbm>>) target(%arg10 : memref<128x128xf32, #tpu.memory_space<vmem>>) offsets(%dma_start3A_182 : memref<128xi32, #tpu.memory_space<vmem>>) semaphore(%arg13 : memref<!tpu.dma_semaphore, #tpu.memory_space<semaphore_mem>>)
      %dma_wait3A_186 = arith.constant 8 : i32
      %dma_wait3A_187 = arith.constant 0 : i32
      %dma_wait3A_188 = tpu.memref_slice %arg7[%dma_wait3A_186, %dma_wait3A_187] : memref<16x128xi32, #tpu.memory_space<vmem>> -> memref<1x128xi32, #tpu.memory_space<vmem>>
      %dma_wait3A_189 = tpu.memref_squeeze %dma_wait3A_188 : memref<1x128xi32, #tpu.memory_space<vmem>> -> memref<128xi32, #tpu.memory_space<vmem>>
      %dma_wait3A_190 = arith.constant 0 : i32
      %dma_wait3A_191 = arith.constant 0 : i32
      %dma_wait3A_192 = tpu.memref_slice %arg2[%dma_wait3A_190, %dma_wait3A_191] : memref<20000x128xf32, #tpu.memory_space<hbm>> -> memref<20000x128xf32, #tpu.memory_space<hbm>>
      tpu.wait_indirect_dma semaphore(%arg12 : memref<!tpu.dma_semaphore, #tpu.memory_space<semaphore_mem>>) src(%dma_wait3A_192 : memref<20000x128xf32, #tpu.memory_space<hbm>>) dst(%arg9 : memref<128x128xf32, #tpu.memory_space<vmem>>)
      %run_scoped3A_193 = arith.constant 8 : i32
      "tpu.region"() ({
        %run_scoped3A_292 = tpu.sem_alloc : memref<!tpu.dma_semaphore, #tpu.memory_space<semaphore_mem>>
        %dma_start3A_293 = arith.constant 0 : i32
        %dma_start3A_294 = tpu.memref_slice %arg8[%run_scoped3A_193, %dma_start3A_293] : memref<16x128xi32, #tpu.memory_space<vmem>> -> memref<1x128xi32, #tpu.memory_space<vmem>>
        %dma_start3A_295 = tpu.memref_squeeze %dma_start3A_294 : memref<1x128xi32, #tpu.memory_space<vmem>> -> memref<128xi32, #tpu.memory_space<vmem>>
        %dma_start3A_296 = arith.constant 0 : i32
        %dma_start3A_297 = arith.constant 0 : i32
        %dma_start3A_298 = tpu.memref_slice %arg11[%dma_start3A_296, %dma_start3A_297] : memref<10112x128xf32, #tpu.memory_space<vmem_shared>> -> memref<10112x128xf32, #tpu.memory_space<vmem_shared>>
        tpu.enqueue_indirect_dma source(%arg9 : memref<128x128xf32, #tpu.memory_space<vmem>>) target(%dma_start3A_298 : memref<10112x128xf32, #tpu.memory_space<vmem_shared>>) offsets(%dma_start3A_295 : memref<128xi32, #tpu.memory_space<vmem>>) semaphore(%run_scoped3A_292 : memref<!tpu.dma_semaphore, #tpu.memory_space<semaphore_mem>>) {add = true}
        %dma_wait3A_299 = arith.constant 0 : i32
        %dma_wait3A_300 = tpu.memref_slice %arg8[%run_scoped3A_193, %dma_wait3A_299] : memref<16x128xi32, #tpu.memory_space<vmem>> -> memref<1x128xi32, #tpu.memory_space<vmem>>
        %dma_wait3A_301 = tpu.memref_squeeze %dma_wait3A_300 : memref<1x128xi32, #tpu.memory_space<vmem>> -> memref<128xi32, #tpu.memory_space<vmem>>
        %dma_wait3A_302 = arith.constant 0 : i32
        %dma_wait3A_303 = arith.constant 0 : i32
        %dma_wait3A_304 = tpu.memref_slice %arg11[%dma_wait3A_302, %dma_wait3A_303] : memref<10112x128xf32, #tpu.memory_space<vmem_shared>> -> memref<10112x128xf32, #tpu.memory_space<vmem_shared>>
        tpu.wait_indirect_dma semaphore(%run_scoped3A_292 : memref<!tpu.dma_semaphore, #tpu.memory_space<semaphore_mem>>) src(%arg9 : memref<128x128xf32, #tpu.memory_space<vmem>>) dst(%dma_wait3A_304 : memref<10112x128xf32, #tpu.memory_space<vmem_shared>>)
        tpu.yield
      }) : () -> ()
      %dma_start3A_194 = arith.constant 10 : i32
      %dma_start3A_195 = arith.constant 0 : i32
      %dma_start3A_196 = tpu.memref_slice %arg7[%dma_start3A_194, %dma_start3A_195] : memref<16x128xi32, #tpu.memory_space<vmem>> -> memref<1x128xi32, #tpu.memory_space<vmem>>
      %dma_start3A_197 = tpu.memref_squeeze %dma_start3A_196 : memref<1x128xi32, #tpu.memory_space<vmem>> -> memref<128xi32, #tpu.memory_space<vmem>>
      %dma_start3A_198 = arith.constant 0 : i32
      %dma_start3A_199 = arith.constant 0 : i32
      %dma_start3A_200 = tpu.memref_slice %arg2[%dma_start3A_198, %dma_start3A_199] : memref<20000x128xf32, #tpu.memory_space<hbm>> -> memref<20000x128xf32, #tpu.memory_space<hbm>>
      tpu.enqueue_indirect_dma source(%dma_start3A_200 : memref<20000x128xf32, #tpu.memory_space<hbm>>) target(%arg9 : memref<128x128xf32, #tpu.memory_space<vmem>>) offsets(%dma_start3A_197 : memref<128xi32, #tpu.memory_space<vmem>>) semaphore(%arg12 : memref<!tpu.dma_semaphore, #tpu.memory_space<semaphore_mem>>)
      %dma_wait3A_201 = arith.constant 9 : i32
      %dma_wait3A_202 = arith.constant 0 : i32
      %dma_wait3A_203 = tpu.memref_slice %arg7[%dma_wait3A_201, %dma_wait3A_202] : memref<16x128xi32, #tpu.memory_space<vmem>> -> memref<1x128xi32, #tpu.memory_space<vmem>>
      %dma_wait3A_204 = tpu.memref_squeeze %dma_wait3A_203 : memref<1x128xi32, #tpu.memory_space<vmem>> -> memref<128xi32, #tpu.memory_space<vmem>>
      %dma_wait3A_205 = arith.constant 0 : i32
      %dma_wait3A_206 = arith.constant 0 : i32
      %dma_wait3A_207 = tpu.memref_slice %arg2[%dma_wait3A_205, %dma_wait3A_206] : memref<20000x128xf32, #tpu.memory_space<hbm>> -> memref<20000x128xf32, #tpu.memory_space<hbm>>
      tpu.wait_indirect_dma semaphore(%arg13 : memref<!tpu.dma_semaphore, #tpu.memory_space<semaphore_mem>>) src(%dma_wait3A_207 : memref<20000x128xf32, #tpu.memory_space<hbm>>) dst(%arg10 : memref<128x128xf32, #tpu.memory_space<vmem>>)
      %run_scoped3A_208 = arith.constant 9 : i32
      "tpu.region"() ({
        %run_scoped3A_292 = tpu.sem_alloc : memref<!tpu.dma_semaphore, #tpu.memory_space<semaphore_mem>>
        %dma_start3A_293 = arith.constant 0 : i32
        %dma_start3A_294 = tpu.memref_slice %arg8[%run_scoped3A_208, %dma_start3A_293] : memref<16x128xi32, #tpu.memory_space<vmem>> -> memref<1x128xi32, #tpu.memory_space<vmem>>
        %dma_start3A_295 = tpu.memref_squeeze %dma_start3A_294 : memref<1x128xi32, #tpu.memory_space<vmem>> -> memref<128xi32, #tpu.memory_space<vmem>>
        %dma_start3A_296 = arith.constant 0 : i32
        %dma_start3A_297 = arith.constant 0 : i32
        %dma_start3A_298 = tpu.memref_slice %arg11[%dma_start3A_296, %dma_start3A_297] : memref<10112x128xf32, #tpu.memory_space<vmem_shared>> -> memref<10112x128xf32, #tpu.memory_space<vmem_shared>>
        tpu.enqueue_indirect_dma source(%arg10 : memref<128x128xf32, #tpu.memory_space<vmem>>) target(%dma_start3A_298 : memref<10112x128xf32, #tpu.memory_space<vmem_shared>>) offsets(%dma_start3A_295 : memref<128xi32, #tpu.memory_space<vmem>>) semaphore(%run_scoped3A_292 : memref<!tpu.dma_semaphore, #tpu.memory_space<semaphore_mem>>) {add = true}
        %dma_wait3A_299 = arith.constant 0 : i32
        %dma_wait3A_300 = tpu.memref_slice %arg8[%run_scoped3A_208, %dma_wait3A_299] : memref<16x128xi32, #tpu.memory_space<vmem>> -> memref<1x128xi32, #tpu.memory_space<vmem>>
        %dma_wait3A_301 = tpu.memref_squeeze %dma_wait3A_300 : memref<1x128xi32, #tpu.memory_space<vmem>> -> memref<128xi32, #tpu.memory_space<vmem>>
        %dma_wait3A_302 = arith.constant 0 : i32
        %dma_wait3A_303 = arith.constant 0 : i32
        %dma_wait3A_304 = tpu.memref_slice %arg11[%dma_wait3A_302, %dma_wait3A_303] : memref<10112x128xf32, #tpu.memory_space<vmem_shared>> -> memref<10112x128xf32, #tpu.memory_space<vmem_shared>>
        tpu.wait_indirect_dma semaphore(%run_scoped3A_292 : memref<!tpu.dma_semaphore, #tpu.memory_space<semaphore_mem>>) src(%arg10 : memref<128x128xf32, #tpu.memory_space<vmem>>) dst(%dma_wait3A_304 : memref<10112x128xf32, #tpu.memory_space<vmem_shared>>)
        tpu.yield
      }) : () -> ()
      %dma_start3A_209 = arith.constant 11 : i32
      %dma_start3A_210 = arith.constant 0 : i32
      %dma_start3A_211 = tpu.memref_slice %arg7[%dma_start3A_209, %dma_start3A_210] : memref<16x128xi32, #tpu.memory_space<vmem>> -> memref<1x128xi32, #tpu.memory_space<vmem>>
      %dma_start3A_212 = tpu.memref_squeeze %dma_start3A_211 : memref<1x128xi32, #tpu.memory_space<vmem>> -> memref<128xi32, #tpu.memory_space<vmem>>
      %dma_start3A_213 = arith.constant 0 : i32
      %dma_start3A_214 = arith.constant 0 : i32
      %dma_start3A_215 = tpu.memref_slice %arg2[%dma_start3A_213, %dma_start3A_214] : memref<20000x128xf32, #tpu.memory_space<hbm>> -> memref<20000x128xf32, #tpu.memory_space<hbm>>
      tpu.enqueue_indirect_dma source(%dma_start3A_215 : memref<20000x128xf32, #tpu.memory_space<hbm>>) target(%arg10 : memref<128x128xf32, #tpu.memory_space<vmem>>) offsets(%dma_start3A_212 : memref<128xi32, #tpu.memory_space<vmem>>) semaphore(%arg13 : memref<!tpu.dma_semaphore, #tpu.memory_space<semaphore_mem>>)
      %dma_wait3A_216 = arith.constant 10 : i32
      %dma_wait3A_217 = arith.constant 0 : i32
      %dma_wait3A_218 = tpu.memref_slice %arg7[%dma_wait3A_216, %dma_wait3A_217] : memref<16x128xi32, #tpu.memory_space<vmem>> -> memref<1x128xi32, #tpu.memory_space<vmem>>
      %dma_wait3A_219 = tpu.memref_squeeze %dma_wait3A_218 : memref<1x128xi32, #tpu.memory_space<vmem>> -> memref<128xi32, #tpu.memory_space<vmem>>
      %dma_wait3A_220 = arith.constant 0 : i32
      %dma_wait3A_221 = arith.constant 0 : i32
      %dma_wait3A_222 = tpu.memref_slice %arg2[%dma_wait3A_220, %dma_wait3A_221] : memref<20000x128xf32, #tpu.memory_space<hbm>> -> memref<20000x128xf32, #tpu.memory_space<hbm>>
      tpu.wait_indirect_dma semaphore(%arg12 : memref<!tpu.dma_semaphore, #tpu.memory_space<semaphore_mem>>) src(%dma_wait3A_222 : memref<20000x128xf32, #tpu.memory_space<hbm>>) dst(%arg9 : memref<128x128xf32, #tpu.memory_space<vmem>>)
      %run_scoped3A_223 = arith.constant 10 : i32
      "tpu.region"() ({
        %run_scoped3A_292 = tpu.sem_alloc : memref<!tpu.dma_semaphore, #tpu.memory_space<semaphore_mem>>
        %dma_start3A_293 = arith.constant 0 : i32
        %dma_start3A_294 = tpu.memref_slice %arg8[%run_scoped3A_223, %dma_start3A_293] : memref<16x128xi32, #tpu.memory_space<vmem>> -> memref<1x128xi32, #tpu.memory_space<vmem>>
        %dma_start3A_295 = tpu.memref_squeeze %dma_start3A_294 : memref<1x128xi32, #tpu.memory_space<vmem>> -> memref<128xi32, #tpu.memory_space<vmem>>
        %dma_start3A_296 = arith.constant 0 : i32
        %dma_start3A_297 = arith.constant 0 : i32
        %dma_start3A_298 = tpu.memref_slice %arg11[%dma_start3A_296, %dma_start3A_297] : memref<10112x128xf32, #tpu.memory_space<vmem_shared>> -> memref<10112x128xf32, #tpu.memory_space<vmem_shared>>
        tpu.enqueue_indirect_dma source(%arg9 : memref<128x128xf32, #tpu.memory_space<vmem>>) target(%dma_start3A_298 : memref<10112x128xf32, #tpu.memory_space<vmem_shared>>) offsets(%dma_start3A_295 : memref<128xi32, #tpu.memory_space<vmem>>) semaphore(%run_scoped3A_292 : memref<!tpu.dma_semaphore, #tpu.memory_space<semaphore_mem>>) {add = true}
        %dma_wait3A_299 = arith.constant 0 : i32
        %dma_wait3A_300 = tpu.memref_slice %arg8[%run_scoped3A_223, %dma_wait3A_299] : memref<16x128xi32, #tpu.memory_space<vmem>> -> memref<1x128xi32, #tpu.memory_space<vmem>>
        %dma_wait3A_301 = tpu.memref_squeeze %dma_wait3A_300 : memref<1x128xi32, #tpu.memory_space<vmem>> -> memref<128xi32, #tpu.memory_space<vmem>>
        %dma_wait3A_302 = arith.constant 0 : i32
        %dma_wait3A_303 = arith.constant 0 : i32
        %dma_wait3A_304 = tpu.memref_slice %arg11[%dma_wait3A_302, %dma_wait3A_303] : memref<10112x128xf32, #tpu.memory_space<vmem_shared>> -> memref<10112x128xf32, #tpu.memory_space<vmem_shared>>
        tpu.wait_indirect_dma semaphore(%run_scoped3A_292 : memref<!tpu.dma_semaphore, #tpu.memory_space<semaphore_mem>>) src(%arg9 : memref<128x128xf32, #tpu.memory_space<vmem>>) dst(%dma_wait3A_304 : memref<10112x128xf32, #tpu.memory_space<vmem_shared>>)
        tpu.yield
      }) : () -> ()
      %dma_start3A_224 = arith.constant 12 : i32
      %dma_start3A_225 = arith.constant 0 : i32
      %dma_start3A_226 = tpu.memref_slice %arg7[%dma_start3A_224, %dma_start3A_225] : memref<16x128xi32, #tpu.memory_space<vmem>> -> memref<1x128xi32, #tpu.memory_space<vmem>>
      %dma_start3A_227 = tpu.memref_squeeze %dma_start3A_226 : memref<1x128xi32, #tpu.memory_space<vmem>> -> memref<128xi32, #tpu.memory_space<vmem>>
      %dma_start3A_228 = arith.constant 0 : i32
      %dma_start3A_229 = arith.constant 0 : i32
      %dma_start3A_230 = tpu.memref_slice %arg2[%dma_start3A_228, %dma_start3A_229] : memref<20000x128xf32, #tpu.memory_space<hbm>> -> memref<20000x128xf32, #tpu.memory_space<hbm>>
      tpu.enqueue_indirect_dma source(%dma_start3A_230 : memref<20000x128xf32, #tpu.memory_space<hbm>>) target(%arg9 : memref<128x128xf32, #tpu.memory_space<vmem>>) offsets(%dma_start3A_227 : memref<128xi32, #tpu.memory_space<vmem>>) semaphore(%arg12 : memref<!tpu.dma_semaphore, #tpu.memory_space<semaphore_mem>>)
      %dma_wait3A_231 = arith.constant 11 : i32
      %dma_wait3A_232 = arith.constant 0 : i32
      %dma_wait3A_233 = tpu.memref_slice %arg7[%dma_wait3A_231, %dma_wait3A_232] : memref<16x128xi32, #tpu.memory_space<vmem>> -> memref<1x128xi32, #tpu.memory_space<vmem>>
      %dma_wait3A_234 = tpu.memref_squeeze %dma_wait3A_233 : memref<1x128xi32, #tpu.memory_space<vmem>> -> memref<128xi32, #tpu.memory_space<vmem>>
      %dma_wait3A_235 = arith.constant 0 : i32
      %dma_wait3A_236 = arith.constant 0 : i32
      %dma_wait3A_237 = tpu.memref_slice %arg2[%dma_wait3A_235, %dma_wait3A_236] : memref<20000x128xf32, #tpu.memory_space<hbm>> -> memref<20000x128xf32, #tpu.memory_space<hbm>>
      tpu.wait_indirect_dma semaphore(%arg13 : memref<!tpu.dma_semaphore, #tpu.memory_space<semaphore_mem>>) src(%dma_wait3A_237 : memref<20000x128xf32, #tpu.memory_space<hbm>>) dst(%arg10 : memref<128x128xf32, #tpu.memory_space<vmem>>)
      %run_scoped3A_238 = arith.constant 11 : i32
      "tpu.region"() ({
        %run_scoped3A_292 = tpu.sem_alloc : memref<!tpu.dma_semaphore, #tpu.memory_space<semaphore_mem>>
        %dma_start3A_293 = arith.constant 0 : i32
        %dma_start3A_294 = tpu.memref_slice %arg8[%run_scoped3A_238, %dma_start3A_293] : memref<16x128xi32, #tpu.memory_space<vmem>> -> memref<1x128xi32, #tpu.memory_space<vmem>>
        %dma_start3A_295 = tpu.memref_squeeze %dma_start3A_294 : memref<1x128xi32, #tpu.memory_space<vmem>> -> memref<128xi32, #tpu.memory_space<vmem>>
        %dma_start3A_296 = arith.constant 0 : i32
        %dma_start3A_297 = arith.constant 0 : i32
        %dma_start3A_298 = tpu.memref_slice %arg11[%dma_start3A_296, %dma_start3A_297] : memref<10112x128xf32, #tpu.memory_space<vmem_shared>> -> memref<10112x128xf32, #tpu.memory_space<vmem_shared>>
        tpu.enqueue_indirect_dma source(%arg10 : memref<128x128xf32, #tpu.memory_space<vmem>>) target(%dma_start3A_298 : memref<10112x128xf32, #tpu.memory_space<vmem_shared>>) offsets(%dma_start3A_295 : memref<128xi32, #tpu.memory_space<vmem>>) semaphore(%run_scoped3A_292 : memref<!tpu.dma_semaphore, #tpu.memory_space<semaphore_mem>>) {add = true}
        %dma_wait3A_299 = arith.constant 0 : i32
        %dma_wait3A_300 = tpu.memref_slice %arg8[%run_scoped3A_238, %dma_wait3A_299] : memref<16x128xi32, #tpu.memory_space<vmem>> -> memref<1x128xi32, #tpu.memory_space<vmem>>
        %dma_wait3A_301 = tpu.memref_squeeze %dma_wait3A_300 : memref<1x128xi32, #tpu.memory_space<vmem>> -> memref<128xi32, #tpu.memory_space<vmem>>
        %dma_wait3A_302 = arith.constant 0 : i32
        %dma_wait3A_303 = arith.constant 0 : i32
        %dma_wait3A_304 = tpu.memref_slice %arg11[%dma_wait3A_302, %dma_wait3A_303] : memref<10112x128xf32, #tpu.memory_space<vmem_shared>> -> memref<10112x128xf32, #tpu.memory_space<vmem_shared>>
        tpu.wait_indirect_dma semaphore(%run_scoped3A_292 : memref<!tpu.dma_semaphore, #tpu.memory_space<semaphore_mem>>) src(%arg10 : memref<128x128xf32, #tpu.memory_space<vmem>>) dst(%dma_wait3A_304 : memref<10112x128xf32, #tpu.memory_space<vmem_shared>>)
        tpu.yield
      }) : () -> ()
      %dma_start3A_239 = arith.constant 13 : i32
      %dma_start3A_240 = arith.constant 0 : i32
      %dma_start3A_241 = tpu.memref_slice %arg7[%dma_start3A_239, %dma_start3A_240] : memref<16x128xi32, #tpu.memory_space<vmem>> -> memref<1x128xi32, #tpu.memory_space<vmem>>
      %dma_start3A_242 = tpu.memref_squeeze %dma_start3A_241 : memref<1x128xi32, #tpu.memory_space<vmem>> -> memref<128xi32, #tpu.memory_space<vmem>>
      %dma_start3A_243 = arith.constant 0 : i32
      %dma_start3A_244 = arith.constant 0 : i32
      %dma_start3A_245 = tpu.memref_slice %arg2[%dma_start3A_243, %dma_start3A_244] : memref<20000x128xf32, #tpu.memory_space<hbm>> -> memref<20000x128xf32, #tpu.memory_space<hbm>>
      tpu.enqueue_indirect_dma source(%dma_start3A_245 : memref<20000x128xf32, #tpu.memory_space<hbm>>) target(%arg10 : memref<128x128xf32, #tpu.memory_space<vmem>>) offsets(%dma_start3A_242 : memref<128xi32, #tpu.memory_space<vmem>>) semaphore(%arg13 : memref<!tpu.dma_semaphore, #tpu.memory_space<semaphore_mem>>)
      %dma_wait3A_246 = arith.constant 12 : i32
      %dma_wait3A_247 = arith.constant 0 : i32
      %dma_wait3A_248 = tpu.memref_slice %arg7[%dma_wait3A_246, %dma_wait3A_247] : memref<16x128xi32, #tpu.memory_space<vmem>> -> memref<1x128xi32, #tpu.memory_space<vmem>>
      %dma_wait3A_249 = tpu.memref_squeeze %dma_wait3A_248 : memref<1x128xi32, #tpu.memory_space<vmem>> -> memref<128xi32, #tpu.memory_space<vmem>>
      %dma_wait3A_250 = arith.constant 0 : i32
      %dma_wait3A_251 = arith.constant 0 : i32
      %dma_wait3A_252 = tpu.memref_slice %arg2[%dma_wait3A_250, %dma_wait3A_251] : memref<20000x128xf32, #tpu.memory_space<hbm>> -> memref<20000x128xf32, #tpu.memory_space<hbm>>
      tpu.wait_indirect_dma semaphore(%arg12 : memref<!tpu.dma_semaphore, #tpu.memory_space<semaphore_mem>>) src(%dma_wait3A_252 : memref<20000x128xf32, #tpu.memory_space<hbm>>) dst(%arg9 : memref<128x128xf32, #tpu.memory_space<vmem>>)
      %run_scoped3A_253 = arith.constant 12 : i32
      "tpu.region"() ({
        %run_scoped3A_292 = tpu.sem_alloc : memref<!tpu.dma_semaphore, #tpu.memory_space<semaphore_mem>>
        %dma_start3A_293 = arith.constant 0 : i32
        %dma_start3A_294 = tpu.memref_slice %arg8[%run_scoped3A_253, %dma_start3A_293] : memref<16x128xi32, #tpu.memory_space<vmem>> -> memref<1x128xi32, #tpu.memory_space<vmem>>
        %dma_start3A_295 = tpu.memref_squeeze %dma_start3A_294 : memref<1x128xi32, #tpu.memory_space<vmem>> -> memref<128xi32, #tpu.memory_space<vmem>>
        %dma_start3A_296 = arith.constant 0 : i32
        %dma_start3A_297 = arith.constant 0 : i32
        %dma_start3A_298 = tpu.memref_slice %arg11[%dma_start3A_296, %dma_start3A_297] : memref<10112x128xf32, #tpu.memory_space<vmem_shared>> -> memref<10112x128xf32, #tpu.memory_space<vmem_shared>>
        tpu.enqueue_indirect_dma source(%arg9 : memref<128x128xf32, #tpu.memory_space<vmem>>) target(%dma_start3A_298 : memref<10112x128xf32, #tpu.memory_space<vmem_shared>>) offsets(%dma_start3A_295 : memref<128xi32, #tpu.memory_space<vmem>>) semaphore(%run_scoped3A_292 : memref<!tpu.dma_semaphore, #tpu.memory_space<semaphore_mem>>) {add = true}
        %dma_wait3A_299 = arith.constant 0 : i32
        %dma_wait3A_300 = tpu.memref_slice %arg8[%run_scoped3A_253, %dma_wait3A_299] : memref<16x128xi32, #tpu.memory_space<vmem>> -> memref<1x128xi32, #tpu.memory_space<vmem>>
        %dma_wait3A_301 = tpu.memref_squeeze %dma_wait3A_300 : memref<1x128xi32, #tpu.memory_space<vmem>> -> memref<128xi32, #tpu.memory_space<vmem>>
        %dma_wait3A_302 = arith.constant 0 : i32
        %dma_wait3A_303 = arith.constant 0 : i32
        %dma_wait3A_304 = tpu.memref_slice %arg11[%dma_wait3A_302, %dma_wait3A_303] : memref<10112x128xf32, #tpu.memory_space<vmem_shared>> -> memref<10112x128xf32, #tpu.memory_space<vmem_shared>>
        tpu.wait_indirect_dma semaphore(%run_scoped3A_292 : memref<!tpu.dma_semaphore, #tpu.memory_space<semaphore_mem>>) src(%arg9 : memref<128x128xf32, #tpu.memory_space<vmem>>) dst(%dma_wait3A_304 : memref<10112x128xf32, #tpu.memory_space<vmem_shared>>)
        tpu.yield
      }) : () -> ()
      %dma_start3A_254 = arith.constant 14 : i32
      %dma_start3A_255 = arith.constant 0 : i32
      %dma_start3A_256 = tpu.memref_slice %arg7[%dma_start3A_254, %dma_start3A_255] : memref<16x128xi32, #tpu.memory_space<vmem>> -> memref<1x128xi32, #tpu.memory_space<vmem>>
      %dma_start3A_257 = tpu.memref_squeeze %dma_start3A_256 : memref<1x128xi32, #tpu.memory_space<vmem>> -> memref<128xi32, #tpu.memory_space<vmem>>
      %dma_start3A_258 = arith.constant 0 : i32
      %dma_start3A_259 = arith.constant 0 : i32
      %dma_start3A_260 = tpu.memref_slice %arg2[%dma_start3A_258, %dma_start3A_259] : memref<20000x128xf32, #tpu.memory_space<hbm>> -> memref<20000x128xf32, #tpu.memory_space<hbm>>
      tpu.enqueue_indirect_dma source(%dma_start3A_260 : memref<20000x128xf32, #tpu.memory_space<hbm>>) target(%arg9 : memref<128x128xf32, #tpu.memory_space<vmem>>) offsets(%dma_start3A_257 : memref<128xi32, #tpu.memory_space<vmem>>) semaphore(%arg12 : memref<!tpu.dma_semaphore, #tpu.memory_space<semaphore_mem>>)
      %dma_wait3A_261 = arith.constant 13 : i32
      %dma_wait3A_262 = arith.constant 0 : i32
      %dma_wait3A_263 = tpu.memref_slice %arg7[%dma_wait3A_261, %dma_wait3A_262] : memref<16x128xi32, #tpu.memory_space<vmem>> -> memref<1x128xi32, #tpu.memory_space<vmem>>
      %dma_wait3A_264 = tpu.memref_squeeze %dma_wait3A_263 : memref<1x128xi32, #tpu.memory_space<vmem>> -> memref<128xi32, #tpu.memory_space<vmem>>
      %dma_wait3A_265 = arith.constant 0 : i32
      %dma_wait3A_266 = arith.constant 0 : i32
      %dma_wait3A_267 = tpu.memref_slice %arg2[%dma_wait3A_265, %dma_wait3A_266] : memref<20000x128xf32, #tpu.memory_space<hbm>> -> memref<20000x128xf32, #tpu.memory_space<hbm>>
      tpu.wait_indirect_dma semaphore(%arg13 : memref<!tpu.dma_semaphore, #tpu.memory_space<semaphore_mem>>) src(%dma_wait3A_267 : memref<20000x128xf32, #tpu.memory_space<hbm>>) dst(%arg10 : memref<128x128xf32, #tpu.memory_space<vmem>>)
      %run_scoped3A_268 = arith.constant 13 : i32
      "tpu.region"() ({
        %run_scoped3A_292 = tpu.sem_alloc : memref<!tpu.dma_semaphore, #tpu.memory_space<semaphore_mem>>
        %dma_start3A_293 = arith.constant 0 : i32
        %dma_start3A_294 = tpu.memref_slice %arg8[%run_scoped3A_268, %dma_start3A_293] : memref<16x128xi32, #tpu.memory_space<vmem>> -> memref<1x128xi32, #tpu.memory_space<vmem>>
        %dma_start3A_295 = tpu.memref_squeeze %dma_start3A_294 : memref<1x128xi32, #tpu.memory_space<vmem>> -> memref<128xi32, #tpu.memory_space<vmem>>
        %dma_start3A_296 = arith.constant 0 : i32
        %dma_start3A_297 = arith.constant 0 : i32
        %dma_start3A_298 = tpu.memref_slice %arg11[%dma_start3A_296, %dma_start3A_297] : memref<10112x128xf32, #tpu.memory_space<vmem_shared>> -> memref<10112x128xf32, #tpu.memory_space<vmem_shared>>
        tpu.enqueue_indirect_dma source(%arg10 : memref<128x128xf32, #tpu.memory_space<vmem>>) target(%dma_start3A_298 : memref<10112x128xf32, #tpu.memory_space<vmem_shared>>) offsets(%dma_start3A_295 : memref<128xi32, #tpu.memory_space<vmem>>) semaphore(%run_scoped3A_292 : memref<!tpu.dma_semaphore, #tpu.memory_space<semaphore_mem>>) {add = true}
        %dma_wait3A_299 = arith.constant 0 : i32
        %dma_wait3A_300 = tpu.memref_slice %arg8[%run_scoped3A_268, %dma_wait3A_299] : memref<16x128xi32, #tpu.memory_space<vmem>> -> memref<1x128xi32, #tpu.memory_space<vmem>>
        %dma_wait3A_301 = tpu.memref_squeeze %dma_wait3A_300 : memref<1x128xi32, #tpu.memory_space<vmem>> -> memref<128xi32, #tpu.memory_space<vmem>>
        %dma_wait3A_302 = arith.constant 0 : i32
        %dma_wait3A_303 = arith.constant 0 : i32
        %dma_wait3A_304 = tpu.memref_slice %arg11[%dma_wait3A_302, %dma_wait3A_303] : memref<10112x128xf32, #tpu.memory_space<vmem_shared>> -> memref<10112x128xf32, #tpu.memory_space<vmem_shared>>
        tpu.wait_indirect_dma semaphore(%run_scoped3A_292 : memref<!tpu.dma_semaphore, #tpu.memory_space<semaphore_mem>>) src(%arg10 : memref<128x128xf32, #tpu.memory_space<vmem>>) dst(%dma_wait3A_304 : memref<10112x128xf32, #tpu.memory_space<vmem_shared>>)
        tpu.yield
      }) : () -> ()
      %dma_start3A_269 = arith.constant 15 : i32
      %dma_start3A_270 = arith.constant 0 : i32
      %dma_start3A_271 = tpu.memref_slice %arg7[%dma_start3A_269, %dma_start3A_270] : memref<16x128xi32, #tpu.memory_space<vmem>> -> memref<1x128xi32, #tpu.memory_space<vmem>>
      %dma_start3A_272 = tpu.memref_squeeze %dma_start3A_271 : memref<1x128xi32, #tpu.memory_space<vmem>> -> memref<128xi32, #tpu.memory_space<vmem>>
      %dma_start3A_273 = arith.constant 0 : i32
      %dma_start3A_274 = arith.constant 0 : i32
      %dma_start3A_275 = tpu.memref_slice %arg2[%dma_start3A_273, %dma_start3A_274] : memref<20000x128xf32, #tpu.memory_space<hbm>> -> memref<20000x128xf32, #tpu.memory_space<hbm>>
      tpu.enqueue_indirect_dma source(%dma_start3A_275 : memref<20000x128xf32, #tpu.memory_space<hbm>>) target(%arg10 : memref<128x128xf32, #tpu.memory_space<vmem>>) offsets(%dma_start3A_272 : memref<128xi32, #tpu.memory_space<vmem>>) semaphore(%arg13 : memref<!tpu.dma_semaphore, #tpu.memory_space<semaphore_mem>>)
      %dma_wait3A_276 = arith.constant 14 : i32
      %dma_wait3A_277 = arith.constant 0 : i32
      %dma_wait3A_278 = tpu.memref_slice %arg7[%dma_wait3A_276, %dma_wait3A_277] : memref<16x128xi32, #tpu.memory_space<vmem>> -> memref<1x128xi32, #tpu.memory_space<vmem>>
      %dma_wait3A_279 = tpu.memref_squeeze %dma_wait3A_278 : memref<1x128xi32, #tpu.memory_space<vmem>> -> memref<128xi32, #tpu.memory_space<vmem>>
      %dma_wait3A_280 = arith.constant 0 : i32
      %dma_wait3A_281 = arith.constant 0 : i32
      %dma_wait3A_282 = tpu.memref_slice %arg2[%dma_wait3A_280, %dma_wait3A_281] : memref<20000x128xf32, #tpu.memory_space<hbm>> -> memref<20000x128xf32, #tpu.memory_space<hbm>>
      tpu.wait_indirect_dma semaphore(%arg12 : memref<!tpu.dma_semaphore, #tpu.memory_space<semaphore_mem>>) src(%dma_wait3A_282 : memref<20000x128xf32, #tpu.memory_space<hbm>>) dst(%arg9 : memref<128x128xf32, #tpu.memory_space<vmem>>)
      %run_scoped3A_283 = arith.constant 14 : i32
      "tpu.region"() ({
        %run_scoped3A_292 = tpu.sem_alloc : memref<!tpu.dma_semaphore, #tpu.memory_space<semaphore_mem>>
        %dma_start3A_293 = arith.constant 0 : i32
        %dma_start3A_294 = tpu.memref_slice %arg8[%run_scoped3A_283, %dma_start3A_293] : memref<16x128xi32, #tpu.memory_space<vmem>> -> memref<1x128xi32, #tpu.memory_space<vmem>>
        %dma_start3A_295 = tpu.memref_squeeze %dma_start3A_294 : memref<1x128xi32, #tpu.memory_space<vmem>> -> memref<128xi32, #tpu.memory_space<vmem>>
        %dma_start3A_296 = arith.constant 0 : i32
        %dma_start3A_297 = arith.constant 0 : i32
        %dma_start3A_298 = tpu.memref_slice %arg11[%dma_start3A_296, %dma_start3A_297] : memref<10112x128xf32, #tpu.memory_space<vmem_shared>> -> memref<10112x128xf32, #tpu.memory_space<vmem_shared>>
        tpu.enqueue_indirect_dma source(%arg9 : memref<128x128xf32, #tpu.memory_space<vmem>>) target(%dma_start3A_298 : memref<10112x128xf32, #tpu.memory_space<vmem_shared>>) offsets(%dma_start3A_295 : memref<128xi32, #tpu.memory_space<vmem>>) semaphore(%run_scoped3A_292 : memref<!tpu.dma_semaphore, #tpu.memory_space<semaphore_mem>>) {add = true}
        %dma_wait3A_299 = arith.constant 0 : i32
        %dma_wait3A_300 = tpu.memref_slice %arg8[%run_scoped3A_283, %dma_wait3A_299] : memref<16x128xi32, #tpu.memory_space<vmem>> -> memref<1x128xi32, #tpu.memory_space<vmem>>
        %dma_wait3A_301 = tpu.memref_squeeze %dma_wait3A_300 : memref<1x128xi32, #tpu.memory_space<vmem>> -> memref<128xi32, #tpu.memory_space<vmem>>
        %dma_wait3A_302 = arith.constant 0 : i32
        %dma_wait3A_303 = arith.constant 0 : i32
        %dma_wait3A_304 = tpu.memref_slice %arg11[%dma_wait3A_302, %dma_wait3A_303] : memref<10112x128xf32, #tpu.memory_space<vmem_shared>> -> memref<10112x128xf32, #tpu.memory_space<vmem_shared>>
        tpu.wait_indirect_dma semaphore(%run_scoped3A_292 : memref<!tpu.dma_semaphore, #tpu.memory_space<semaphore_mem>>) src(%arg9 : memref<128x128xf32, #tpu.memory_space<vmem>>) dst(%dma_wait3A_304 : memref<10112x128xf32, #tpu.memory_space<vmem_shared>>)
        tpu.yield
      }) : () -> ()
      %dma_wait3A_284 = arith.constant 15 : i32
      %dma_wait3A_285 = arith.constant 0 : i32
      %dma_wait3A_286 = tpu.memref_slice %arg7[%dma_wait3A_284, %dma_wait3A_285] : memref<16x128xi32, #tpu.memory_space<vmem>> -> memref<1x128xi32, #tpu.memory_space<vmem>>
      %dma_wait3A_287 = tpu.memref_squeeze %dma_wait3A_286 : memref<1x128xi32, #tpu.memory_space<vmem>> -> memref<128xi32, #tpu.memory_space<vmem>>
      %dma_wait3A_288 = arith.constant 0 : i32
      %dma_wait3A_289 = arith.constant 0 : i32
      %dma_wait3A_290 = tpu.memref_slice %arg2[%dma_wait3A_288, %dma_wait3A_289] : memref<20000x128xf32, #tpu.memory_space<hbm>> -> memref<20000x128xf32, #tpu.memory_space<hbm>>
      tpu.wait_indirect_dma semaphore(%arg13 : memref<!tpu.dma_semaphore, #tpu.memory_space<semaphore_mem>>) src(%dma_wait3A_290 : memref<20000x128xf32, #tpu.memory_space<hbm>>) dst(%arg10 : memref<128x128xf32, #tpu.memory_space<vmem>>)
      %run_scoped3A_291 = arith.constant 15 : i32
      "tpu.region"() ({
        %run_scoped3A_292 = tpu.sem_alloc : memref<!tpu.dma_semaphore, #tpu.memory_space<semaphore_mem>>
        %dma_start3A_293 = arith.constant 0 : i32
        %dma_start3A_294 = tpu.memref_slice %arg8[%run_scoped3A_291, %dma_start3A_293] : memref<16x128xi32, #tpu.memory_space<vmem>> -> memref<1x128xi32, #tpu.memory_space<vmem>>
        %dma_start3A_295 = tpu.memref_squeeze %dma_start3A_294 : memref<1x128xi32, #tpu.memory_space<vmem>> -> memref<128xi32, #tpu.memory_space<vmem>>
        %dma_start3A_296 = arith.constant 0 : i32
        %dma_start3A_297 = arith.constant 0 : i32
        %dma_start3A_298 = tpu.memref_slice %arg11[%dma_start3A_296, %dma_start3A_297] : memref<10112x128xf32, #tpu.memory_space<vmem_shared>> -> memref<10112x128xf32, #tpu.memory_space<vmem_shared>>
        tpu.enqueue_indirect_dma source(%arg10 : memref<128x128xf32, #tpu.memory_space<vmem>>) target(%dma_start3A_298 : memref<10112x128xf32, #tpu.memory_space<vmem_shared>>) offsets(%dma_start3A_295 : memref<128xi32, #tpu.memory_space<vmem>>) semaphore(%run_scoped3A_292 : memref<!tpu.dma_semaphore, #tpu.memory_space<semaphore_mem>>) {add = true}
        %dma_wait3A_299 = arith.constant 0 : i32
        %dma_wait3A_300 = tpu.memref_slice %arg8[%run_scoped3A_291, %dma_wait3A_299] : memref<16x128xi32, #tpu.memory_space<vmem>> -> memref<1x128xi32, #tpu.memory_space<vmem>>
        %dma_wait3A_301 = tpu.memref_squeeze %dma_wait3A_300 : memref<1x128xi32, #tpu.memory_space<vmem>> -> memref<128xi32, #tpu.memory_space<vmem>>
        %dma_wait3A_302 = arith.constant 0 : i32
        %dma_wait3A_303 = arith.constant 0 : i32
        %dma_wait3A_304 = tpu.memref_slice %arg11[%dma_wait3A_302, %dma_wait3A_303] : memref<10112x128xf32, #tpu.memory_space<vmem_shared>> -> memref<10112x128xf32, #tpu.memory_space<vmem_shared>>
        tpu.wait_indirect_dma semaphore(%run_scoped3A_292 : memref<!tpu.dma_semaphore, #tpu.memory_space<semaphore_mem>>) src(%arg10 : memref<128x128xf32, #tpu.memory_space<vmem>>) dst(%dma_wait3A_304 : memref<10112x128xf32, #tpu.memory_space<vmem_shared>>)
        tpu.yield
      }) : () -> ()
    }
    %scan3A_47 = arith.constant 5 : i32
    %barrier3A_48 = arith.constant 0 : index
    tpu.barrier barrier_id(%barrier3A_48)
    "tpu.region"() ({
      %run_scoped3A = tpu.sem_alloc : memref<!tpu.dma_semaphore, #tpu.memory_space<semaphore_mem>>
      %dma_start3A = arith.constant 0 : i32
      %dma_start3A_49 = tpu.memref_slice %arg5[%arg0, %mul3A_0, %dma_start3A] : memref<2x10112x128xf32, #tpu.memory_space<hbm>> -> memref<1x632x128xf32, #tpu.memory_space<hbm>>
      %dma_start3A_50 = tpu.memref_squeeze %dma_start3A_49 : memref<1x632x128xf32, #tpu.memory_space<hbm>> -> memref<632x128xf32, #tpu.memory_space<hbm>>
      %dma_start3A_51 = arith.constant 0 : i32
      %dma_start3A_52 = tpu.memref_slice %arg11[%mul3A_0, %dma_start3A_51] : memref<10112x128xf32, #tpu.memory_space<vmem_shared>> -> memref<632x128xf32, #tpu.memory_space<vmem_shared>>
      tpu.enqueue_dma source(%dma_start3A_52 : memref<632x128xf32, #tpu.memory_space<vmem_shared>>) target(%dma_start3A_50 : memref<632x128xf32, #tpu.memory_space<hbm>>) target_semaphore(%run_scoped3A : memref<!tpu.dma_semaphore, #tpu.memory_space<semaphore_mem>>)
      %dma_wait3A = arith.constant 0 : i32
      %dma_wait3A_53 = tpu.memref_slice %arg5[%arg0, %mul3A_0, %dma_wait3A] : memref<2x10112x128xf32, #tpu.memory_space<hbm>> -> memref<1x632x128xf32, #tpu.memory_space<hbm>>
      %dma_wait3A_54 = tpu.memref_squeeze %dma_wait3A_53 : memref<1x632x128xf32, #tpu.memory_space<hbm>> -> memref<632x128xf32, #tpu.memory_space<hbm>>
      %dma_wait3A_55 = arith.constant 0 : i32
      %dma_wait3A_56 = tpu.memref_slice %arg11[%mul3A_0, %dma_wait3A_55] : memref<10112x128xf32, #tpu.memory_space<vmem_shared>> -> memref<632x128xf32, #tpu.memory_space<vmem_shared>>
      tpu.wait_dma2 semaphore(%run_scoped3A : memref<!tpu.dma_semaphore, #tpu.memory_space<semaphore_mem>>) src(%dma_wait3A_56 : memref<632x128xf32, #tpu.memory_space<vmem_shared>>) dst(%dma_wait3A_54 : memref<632x128xf32, #tpu.memory_space<hbm>>)
      tpu.yield
    }) : () -> ()
    return
  }
}

#map = affine_map<(d0, d1) -> (0, 0)>
#map1 = affine_map<(d0, d1) -> (0, 0, 0)>
module attributes {stable_mosaic.version = 14 : i64} {
  func.func @_seg_body(%arg0: i32, %arg1: i32, %arg2: memref<20000x128xf32, #tpu.memory_space<hbm>>, %arg3: memref<2x1280x128xi32, #tpu.memory_space<hbm>>, %arg4: memref<1280x128xi32, #tpu.memory_space<hbm>>, %arg5: memref<2x10112x128xf32, #tpu.memory_space<hbm>>, %arg6: memref<16x128xi32, #tpu.memory_space<vmem>>, %arg7: memref<16x128xi32, #tpu.memory_space<vmem>>, %arg8: memref<128x128xf32, #tpu.memory_space<vmem>>, %arg9: memref<128x128xf32, #tpu.memory_space<vmem>>, %arg10: memref<10112x128xf32, #tpu.memory_space<vmem_shared>>, %arg11: memref<!tpu.dma_semaphore, #tpu.memory_space<semaphore_mem>>, %arg12: memref<!tpu.dma_semaphore, #tpu.memory_space<semaphore_mem>>) attributes {dimension_semantics = [#tpu.dimension_semantics<core_parallel>, #tpu.dimension_semantics<subcore_parallel>], iteration_bounds = array<i64: 2, 16>, scalar_prefetch = 0 : i64, scratch_operands = 7 : i64, tpu.core_type = #tpu.core_type<sc_vector_subcore>, window_params = [{transform_indices = #map}, {transform_indices = #map1}, {transform_indices = #map}, {transform_indices = #map1}]} {
    %mul3A = arith.constant 632 : i32
    %mul3A_0 = arith.muli %arg1, %mul3A : i32
    %broadcast_in_dim3A = arith.constant 0.000000e+00 : f32
    %broadcast_in_dim3A_1 = vector.broadcast %broadcast_in_dim3A : f32 to vector<16xf32>
    %scan3A = arith.constant 0 : i32
    %scan3A_2 = arith.constant 0 : i32
    %scan3A_3 = arith.constant 128 : i32
    %scan3A_4 = arith.addi %scan3A_2, %scan3A_3 : i32
    %scan3A_5 = arith.constant 1 : i32
    scf.for %scan3A_23 = %scan3A_2 to %scan3A_4 step %scan3A_5  : i32 {
      %swap3A = arith.index_cast %scan3A_23 : i32 to index
      %swap3A_24 = arith.constant 0 : index
      %swap3A_25 = tpu.vector_load %arg8[%swap3A, %swap3A_24] {strides = array<i32>} : memref<128x128xf32, #tpu.memory_space<vmem>>, vector<1x16xf32>,
      %swap3A_26 = vector.shape_cast %swap3A_25 : vector<1x16xf32> to vector<16xf32>
      %swap3A_27 = vector.shape_cast %broadcast_in_dim3A_1 : vector<16xf32> to vector<1x16xf32>
      tpu.vector_store %arg8[%swap3A, %swap3A_24], %swap3A_27 {strides = array<i32>} : memref<128x128xf32, #tpu.memory_space<vmem>>, vector<1x16xf32>,
      %swap3A_28 = arith.index_cast %scan3A_23 : i32 to index
      %swap3A_29 = arith.constant 16 : index
      %swap3A_30 = tpu.vector_load %arg8[%swap3A_28, %swap3A_29] {strides = array<i32>} : memref<128x128xf32, #tpu.memory_space<vmem>>, vector<1x16xf32>,
      %swap3A_31 = vector.shape_cast %swap3A_30 : vector<1x16xf32> to vector<16xf32>
      %swap3A_32 = vector.shape_cast %broadcast_in_dim3A_1 : vector<16xf32> to vector<1x16xf32>
      tpu.vector_store %arg8[%swap3A_28, %swap3A_29], %swap3A_32 {strides = array<i32>} : memref<128x128xf32, #tpu.memory_space<vmem>>, vector<1x16xf32>,
      %swap3A_33 = arith.index_cast %scan3A_23 : i32 to index
      %swap3A_34 = arith.constant 32 : index
      %swap3A_35 = tpu.vector_load %arg8[%swap3A_33, %swap3A_34] {strides = array<i32>} : memref<128x128xf32, #tpu.memory_space<vmem>>, vector<1x16xf32>,
      %swap3A_36 = vector.shape_cast %swap3A_35 : vector<1x16xf32> to vector<16xf32>
      %swap3A_37 = vector.shape_cast %broadcast_in_dim3A_1 : vector<16xf32> to vector<1x16xf32>
      tpu.vector_store %arg8[%swap3A_33, %swap3A_34], %swap3A_37 {strides = array<i32>} : memref<128x128xf32, #tpu.memory_space<vmem>>, vector<1x16xf32>,
      %swap3A_38 = arith.index_cast %scan3A_23 : i32 to index
      %swap3A_39 = arith.constant 48 : index
      %swap3A_40 = tpu.vector_load %arg8[%swap3A_38, %swap3A_39] {strides = array<i32>} : memref<128x128xf32, #tpu.memory_space<vmem>>, vector<1x16xf32>,
      %swap3A_41 = vector.shape_cast %swap3A_40 : vector<1x16xf32> to vector<16xf32>
      %swap3A_42 = vector.shape_cast %broadcast_in_dim3A_1 : vector<16xf32> to vector<1x16xf32>
      tpu.vector_store %arg8[%swap3A_38, %swap3A_39], %swap3A_42 {strides = array<i32>} : memref<128x128xf32, #tpu.memory_space<vmem>>, vector<1x16xf32>,
      %swap3A_43 = arith.index_cast %scan3A_23 : i32 to index
      %swap3A_44 = arith.constant 64 : index
      %swap3A_45 = tpu.vector_load %arg8[%swap3A_43, %swap3A_44] {strides = array<i32>} : memref<128x128xf32, #tpu.memory_space<vmem>>, vector<1x16xf32>,
      %swap3A_46 = vector.shape_cast %swap3A_45 : vector<1x16xf32> to vector<16xf32>
      %swap3A_47 = vector.shape_cast %broadcast_in_dim3A_1 : vector<16xf32> to vector<1x16xf32>
      tpu.vector_store %arg8[%swap3A_43, %swap3A_44], %swap3A_47 {strides = array<i32>} : memref<128x128xf32, #tpu.memory_space<vmem>>, vector<1x16xf32>,
      %swap3A_48 = arith.index_cast %scan3A_23 : i32 to index
      %swap3A_49 = arith.constant 80 : index
      %swap3A_50 = tpu.vector_load %arg8[%swap3A_48, %swap3A_49] {strides = array<i32>} : memref<128x128xf32, #tpu.memory_space<vmem>>, vector<1x16xf32>,
      %swap3A_51 = vector.shape_cast %swap3A_50 : vector<1x16xf32> to vector<16xf32>
      %swap3A_52 = vector.shape_cast %broadcast_in_dim3A_1 : vector<16xf32> to vector<1x16xf32>
      tpu.vector_store %arg8[%swap3A_48, %swap3A_49], %swap3A_52 {strides = array<i32>} : memref<128x128xf32, #tpu.memory_space<vmem>>, vector<1x16xf32>,
      %swap3A_53 = arith.index_cast %scan3A_23 : i32 to index
      %swap3A_54 = arith.constant 96 : index
      %swap3A_55 = tpu.vector_load %arg8[%swap3A_53, %swap3A_54] {strides = array<i32>} : memref<128x128xf32, #tpu.memory_space<vmem>>, vector<1x16xf32>,
      %swap3A_56 = vector.shape_cast %swap3A_55 : vector<1x16xf32> to vector<16xf32>
      %swap3A_57 = vector.shape_cast %broadcast_in_dim3A_1 : vector<16xf32> to vector<1x16xf32>
      tpu.vector_store %arg8[%swap3A_53, %swap3A_54], %swap3A_57 {strides = array<i32>} : memref<128x128xf32, #tpu.memory_space<vmem>>, vector<1x16xf32>,
      %swap3A_58 = arith.index_cast %scan3A_23 : i32 to index
      %swap3A_59 = arith.constant 112 : index
      %swap3A_60 = tpu.vector_load %arg8[%swap3A_58, %swap3A_59] {strides = array<i32>} : memref<128x128xf32, #tpu.memory_space<vmem>>, vector<1x16xf32>,
      %swap3A_61 = vector.shape_cast %swap3A_60 : vector<1x16xf32> to vector<16xf32>
      %swap3A_62 = vector.shape_cast %broadcast_in_dim3A_1 : vector<16xf32> to vector<1x16xf32>
      tpu.vector_store %arg8[%swap3A_58, %swap3A_59], %swap3A_62 {strides = array<i32>} : memref<128x128xf32, #tpu.memory_space<vmem>>, vector<1x16xf32>,
    }
    %scan3A_6 = arith.constant 128 : i32
    %add3A = arith.constant 0 : i32
    %add3A_7 = arith.addi %mul3A_0, %add3A : i32
    "tpu.region"() ({
      %run_scoped3A = tpu.sem_alloc : memref<!tpu.dma_semaphore, #tpu.memory_space<semaphore_mem>>
      %dma_start3A = arith.constant 0 : i32
      %dma_start3A_23 = tpu.memref_slice %arg10[%add3A_7, %dma_start3A] : memref<10112x128xf32, #tpu.memory_space<vmem_shared>> -> memref<128x128xf32, #tpu.memory_space<vmem_shared>>
      %dma_start3A_24 = arith.constant 0 : i32
      %dma_start3A_25 = tpu.memref_slice %arg10[%add3A_7, %dma_start3A_24] : memref<10112x128xf32, #tpu.memory_space<vmem_shared>> -> memref<128x128xf32, #tpu.memory_space<vmem_shared>>
      tpu.enqueue_dma source(%arg8 : memref<128x128xf32, #tpu.memory_space<vmem>>) target(%dma_start3A_25 : memref<128x128xf32, #tpu.memory_space<vmem_shared>>) target_semaphore(%run_scoped3A : memref<!tpu.dma_semaphore, #tpu.memory_space<semaphore_mem>>)
      %dma_wait3A = arith.constant 0 : i32
      %dma_wait3A_26 = tpu.memref_slice %arg10[%add3A_7, %dma_wait3A] : memref<10112x128xf32, #tpu.memory_space<vmem_shared>> -> memref<128x128xf32, #tpu.memory_space<vmem_shared>>
      %dma_wait3A_27 = arith.constant 0 : i32
      %dma_wait3A_28 = tpu.memref_slice %arg10[%add3A_7, %dma_wait3A_27] : memref<10112x128xf32, #tpu.memory_space<vmem_shared>> -> memref<128x128xf32, #tpu.memory_space<vmem_shared>>
      tpu.wait_dma2 semaphore(%run_scoped3A : memref<!tpu.dma_semaphore, #tpu.memory_space<semaphore_mem>>) src(%arg8 : memref<128x128xf32, #tpu.memory_space<vmem>>) dst(%dma_wait3A_28 : memref<128x128xf32, #tpu.memory_space<vmem_shared>>)
      tpu.yield
    }) : () -> ()
    %add3A_8 = arith.constant 128 : i32
    %add3A_9 = arith.addi %mul3A_0, %add3A_8 : i32
    "tpu.region"() ({
      %run_scoped3A = tpu.sem_alloc : memref<!tpu.dma_semaphore, #tpu.memory_space<semaphore_mem>>
      %dma_start3A = arith.constant 0 : i32
      %dma_start3A_23 = tpu.memref_slice %arg10[%add3A_9, %dma_start3A] : memref<10112x128xf32, #tpu.memory_space<vmem_shared>> -> memref<128x128xf32, #tpu.memory_space<vmem_shared>>
      %dma_start3A_24 = arith.constant 0 : i32
      %dma_start3A_25 = tpu.memref_slice %arg10[%add3A_9, %dma_start3A_24] : memref<10112x128xf32, #tpu.memory_space<vmem_shared>> -> memref<128x128xf32, #tpu.memory_space<vmem_shared>>
      tpu.enqueue_dma source(%arg8 : memref<128x128xf32, #tpu.memory_space<vmem>>) target(%dma_start3A_25 : memref<128x128xf32, #tpu.memory_space<vmem_shared>>) target_semaphore(%run_scoped3A : memref<!tpu.dma_semaphore, #tpu.memory_space<semaphore_mem>>)
      %dma_wait3A = arith.constant 0 : i32
      %dma_wait3A_26 = tpu.memref_slice %arg10[%add3A_9, %dma_wait3A] : memref<10112x128xf32, #tpu.memory_space<vmem_shared>> -> memref<128x128xf32, #tpu.memory_space<vmem_shared>>
      %dma_wait3A_27 = arith.constant 0 : i32
      %dma_wait3A_28 = tpu.memref_slice %arg10[%add3A_9, %dma_wait3A_27] : memref<10112x128xf32, #tpu.memory_space<vmem_shared>> -> memref<128x128xf32, #tpu.memory_space<vmem_shared>>
      tpu.wait_dma2 semaphore(%run_scoped3A : memref<!tpu.dma_semaphore, #tpu.memory_space<semaphore_mem>>) src(%arg8 : memref<128x128xf32, #tpu.memory_space<vmem>>) dst(%dma_wait3A_28 : memref<128x128xf32, #tpu.memory_space<vmem_shared>>)
      tpu.yield
    }) : () -> ()
    %add3A_10 = arith.constant 256 : i32
    %add3A_11 = arith.addi %mul3A_0, %add3A_10 : i32
    "tpu.region"() ({
      %run_scoped3A = tpu.sem_alloc : memref<!tpu.dma_semaphore, #tpu.memory_space<semaphore_mem>>
      %dma_start3A = arith.constant 0 : i32
      %dma_start3A_23 = tpu.memref_slice %arg10[%add3A_11, %dma_start3A] : memref<10112x128xf32, #tpu.memory_space<vmem_shared>> -> memref<128x128xf32, #tpu.memory_space<vmem_shared>>
      %dma_start3A_24 = arith.constant 0 : i32
      %dma_start3A_25 = tpu.memref_slice %arg10[%add3A_11, %dma_start3A_24] : memref<10112x128xf32, #tpu.memory_space<vmem_shared>> -> memref<128x128xf32, #tpu.memory_space<vmem_shared>>
      tpu.enqueue_dma source(%arg8 : memref<128x128xf32, #tpu.memory_space<vmem>>) target(%dma_start3A_25 : memref<128x128xf32, #tpu.memory_space<vmem_shared>>) target_semaphore(%run_scoped3A : memref<!tpu.dma_semaphore, #tpu.memory_space<semaphore_mem>>)
      %dma_wait3A = arith.constant 0 : i32
      %dma_wait3A_26 = tpu.memref_slice %arg10[%add3A_11, %dma_wait3A] : memref<10112x128xf32, #tpu.memory_space<vmem_shared>> -> memref<128x128xf32, #tpu.memory_space<vmem_shared>>
      %dma_wait3A_27 = arith.constant 0 : i32
      %dma_wait3A_28 = tpu.memref_slice %arg10[%add3A_11, %dma_wait3A_27] : memref<10112x128xf32, #tpu.memory_space<vmem_shared>> -> memref<128x128xf32, #tpu.memory_space<vmem_shared>>
      tpu.wait_dma2 semaphore(%run_scoped3A : memref<!tpu.dma_semaphore, #tpu.memory_space<semaphore_mem>>) src(%arg8 : memref<128x128xf32, #tpu.memory_space<vmem>>) dst(%dma_wait3A_28 : memref<128x128xf32, #tpu.memory_space<vmem_shared>>)
      tpu.yield
    }) : () -> ()
    %add3A_12 = arith.constant 384 : i32
    %add3A_13 = arith.addi %mul3A_0, %add3A_12 : i32
    "tpu.region"() ({
      %run_scoped3A = tpu.sem_alloc : memref<!tpu.dma_semaphore, #tpu.memory_space<semaphore_mem>>
      %dma_start3A = arith.constant 0 : i32
      %dma_start3A_23 = tpu.memref_slice %arg10[%add3A_13, %dma_start3A] : memref<10112x128xf32, #tpu.memory_space<vmem_shared>> -> memref<128x128xf32, #tpu.memory_space<vmem_shared>>
      %dma_start3A_24 = arith.constant 0 : i32
      %dma_start3A_25 = tpu.memref_slice %arg10[%add3A_13, %dma_start3A_24] : memref<10112x128xf32, #tpu.memory_space<vmem_shared>> -> memref<128x128xf32, #tpu.memory_space<vmem_shared>>
      tpu.enqueue_dma source(%arg8 : memref<128x128xf32, #tpu.memory_space<vmem>>) target(%dma_start3A_25 : memref<128x128xf32, #tpu.memory_space<vmem_shared>>) target_semaphore(%run_scoped3A : memref<!tpu.dma_semaphore, #tpu.memory_space<semaphore_mem>>)
      %dma_wait3A = arith.constant 0 : i32
      %dma_wait3A_26 = tpu.memref_slice %arg10[%add3A_13, %dma_wait3A] : memref<10112x128xf32, #tpu.memory_space<vmem_shared>> -> memref<128x128xf32, #tpu.memory_space<vmem_shared>>
      %dma_wait3A_27 = arith.constant 0 : i32
      %dma_wait3A_28 = tpu.memref_slice %arg10[%add3A_13, %dma_wait3A_27] : memref<10112x128xf32, #tpu.memory_space<vmem_shared>> -> memref<128x128xf32, #tpu.memory_space<vmem_shared>>
      tpu.wait_dma2 semaphore(%run_scoped3A : memref<!tpu.dma_semaphore, #tpu.memory_space<semaphore_mem>>) src(%arg8 : memref<128x128xf32, #tpu.memory_space<vmem>>) dst(%dma_wait3A_28 : memref<128x128xf32, #tpu.memory_space<vmem_shared>>)
      tpu.yield
    }) : () -> ()
    %add3A_14 = arith.constant 512 : i32
    %add3A_15 = arith.addi %mul3A_0, %add3A_14 : i32
    "tpu.region"() ({
      %run_scoped3A = tpu.sem_alloc : memref<!tpu.dma_semaphore, #tpu.memory_space<semaphore_mem>>
      %dma_start3A = arith.constant 0 : i32
      %dma_start3A_23 = arith.constant 0 : i32
      %dma_start3A_24 = tpu.memref_slice %arg8[%dma_start3A, %dma_start3A_23] : memref<128x128xf32, #tpu.memory_space<vmem>> -> memref<120x128xf32, #tpu.memory_space<vmem>>
      %dma_start3A_25 = arith.constant 0 : i32
      %dma_start3A_26 = tpu.memref_slice %arg10[%add3A_15, %dma_start3A_25] : memref<10112x128xf32, #tpu.memory_space<vmem_shared>> -> memref<120x128xf32, #tpu.memory_space<vmem_shared>>
      %dma_start3A_27 = arith.constant 0 : i32
      %dma_start3A_28 = tpu.memref_slice %arg10[%add3A_15, %dma_start3A_27] : memref<10112x128xf32, #tpu.memory_space<vmem_shared>> -> memref<120x128xf32, #tpu.memory_space<vmem_shared>>
      %dma_start3A_29 = arith.constant 0 : i32
      %dma_start3A_30 = arith.constant 0 : i32
      %dma_start3A_31 = tpu.memref_slice %arg8[%dma_start3A_29, %dma_start3A_30] : memref<128x128xf32, #tpu.memory_space<vmem>> -> memref<120x128xf32, #tpu.memory_space<vmem>>
      tpu.enqueue_dma source(%dma_start3A_31 : memref<120x128xf32, #tpu.memory_space<vmem>>) target(%dma_start3A_28 : memref<120x128xf32, #tpu.memory_space<vmem_shared>>) target_semaphore(%run_scoped3A : memref<!tpu.dma_semaphore, #tpu.memory_space<semaphore_mem>>)
      %dma_wait3A = arith.constant 0 : i32
      %dma_wait3A_32 = arith.constant 0 : i32
      %dma_wait3A_33 = tpu.memref_slice %arg8[%dma_wait3A, %dma_wait3A_32] : memref<128x128xf32, #tpu.memory_space<vmem>> -> memref<120x128xf32, #tpu.memory_space<vmem>>
      %dma_wait3A_34 = arith.constant 0 : i32
      %dma_wait3A_35 = tpu.memref_slice %arg10[%add3A_15, %dma_wait3A_34] : memref<10112x128xf32, #tpu.memory_space<vmem_shared>> -> memref<120x128xf32, #tpu.memory_space<vmem_shared>>
      %dma_wait3A_36 = arith.constant 0 : i32
      %dma_wait3A_37 = tpu.memref_slice %arg10[%add3A_15, %dma_wait3A_36] : memref<10112x128xf32, #tpu.memory_space<vmem_shared>> -> memref<120x128xf32, #tpu.memory_space<vmem_shared>>
      %dma_wait3A_38 = arith.constant 0 : i32
      %dma_wait3A_39 = arith.constant 0 : i32
      %dma_wait3A_40 = tpu.memref_slice %arg8[%dma_wait3A_38, %dma_wait3A_39] : memref<128x128xf32, #tpu.memory_space<vmem>> -> memref<120x128xf32, #tpu.memory_space<vmem>>
      tpu.wait_dma2 semaphore(%run_scoped3A : memref<!tpu.dma_semaphore, #tpu.memory_space<semaphore_mem>>) src(%dma_wait3A_40 : memref<120x128xf32, #tpu.memory_space<vmem>>) dst(%dma_wait3A_37 : memref<120x128xf32, #tpu.memory_space<vmem_shared>>)
      tpu.yield
    }) : () -> ()
    %barrier3A = arith.constant 0 : index
    tpu.barrier barrier_id(%barrier3A)
    %scan3A_16 = arith.constant 0 : i32
    %scan3A_17 = arith.constant 0 : i32
    %scan3A_18 = arith.constant 5 : i32
    %scan3A_19 = arith.addi %scan3A_17, %scan3A_18 : i32
    %scan3A_20 = arith.constant 1 : i32
    scf.for %scan3A_23 = %scan3A_17 to %scan3A_19 step %scan3A_20  : i32 {
      %mul3A_24 = arith.constant 80 : i32
      %mul3A_25 = arith.muli %arg1, %mul3A_24 : i32
      %mul3A_26 = arith.constant 16 : i32
      %mul3A_27 = arith.muli %scan3A_23, %mul3A_26 : i32
      %add3A_28 = arith.addi %mul3A_25, %mul3A_27 : i32
      "tpu.region"() ({
        %run_scoped3A_266 = tpu.sem_alloc : memref<!tpu.dma_semaphore, #tpu.memory_space<semaphore_mem>>
        %dma_start3A_267 = arith.constant 0 : i32
        %dma_start3A_268 = tpu.memref_slice %arg3[%arg0, %add3A_28, %dma_start3A_267] : memref<2x1280x128xi32, #tpu.memory_space<hbm>> -> memref<1x16x128xi32, #tpu.memory_space<hbm>>
        %dma_start3A_269 = tpu.memref_squeeze %dma_start3A_268 : memref<1x16x128xi32, #tpu.memory_space<hbm>> -> memref<16x128xi32, #tpu.memory_space<hbm>>
        %dma_start3A_270 = arith.constant 0 : i32
        %dma_start3A_271 = tpu.memref_slice %arg3[%arg0, %add3A_28, %dma_start3A_270] : memref<2x1280x128xi32, #tpu.memory_space<hbm>> -> memref<1x16x128xi32, #tpu.memory_space<hbm>>
        %dma_start3A_272 = tpu.memref_squeeze %dma_start3A_271 : memref<1x16x128xi32, #tpu.memory_space<hbm>> -> memref<16x128xi32, #tpu.memory_space<hbm>>
        tpu.enqueue_dma source(%dma_start3A_272 : memref<16x128xi32, #tpu.memory_space<hbm>>) target(%arg6 : memref<16x128xi32, #tpu.memory_space<vmem>>) target_semaphore(%run_scoped3A_266 : memref<!tpu.dma_semaphore, #tpu.memory_space<semaphore_mem>>)
        %dma_wait3A_273 = arith.constant 0 : i32
        %dma_wait3A_274 = tpu.memref_slice %arg3[%arg0, %add3A_28, %dma_wait3A_273] : memref<2x1280x128xi32, #tpu.memory_space<hbm>> -> memref<1x16x128xi32, #tpu.memory_space<hbm>>
        %dma_wait3A_275 = tpu.memref_squeeze %dma_wait3A_274 : memref<1x16x128xi32, #tpu.memory_space<hbm>> -> memref<16x128xi32, #tpu.memory_space<hbm>>
        %dma_wait3A_276 = arith.constant 0 : i32
        %dma_wait3A_277 = tpu.memref_slice %arg3[%arg0, %add3A_28, %dma_wait3A_276] : memref<2x1280x128xi32, #tpu.memory_space<hbm>> -> memref<1x16x128xi32, #tpu.memory_space<hbm>>
        %dma_wait3A_278 = tpu.memref_squeeze %dma_wait3A_277 : memref<1x16x128xi32, #tpu.memory_space<hbm>> -> memref<16x128xi32, #tpu.memory_space<hbm>>
        tpu.wait_dma2 semaphore(%run_scoped3A_266 : memref<!tpu.dma_semaphore, #tpu.memory_space<semaphore_mem>>) src(%dma_wait3A_278 : memref<16x128xi32, #tpu.memory_space<hbm>>) dst(%arg6 : memref<16x128xi32, #tpu.memory_space<vmem>>)
        tpu.yield
      }) : () -> ()
      "tpu.region"() ({
        %run_scoped3A_266 = tpu.sem_alloc : memref<!tpu.dma_semaphore, #tpu.memory_space<semaphore_mem>>
        %dma_start3A_267 = arith.constant 0 : i32
        %dma_start3A_268 = tpu.memref_slice %arg4[%add3A_28, %dma_start3A_267] : memref<1280x128xi32, #tpu.memory_space<hbm>> -> memref<16x128xi32, #tpu.memory_space<hbm>>
        %dma_start3A_269 = arith.constant 0 : i32
        %dma_start3A_270 = tpu.memref_slice %arg4[%add3A_28, %dma_start3A_269] : memref<1280x128xi32, #tpu.memory_space<hbm>> -> memref<16x128xi32, #tpu.memory_space<hbm>>
        tpu.enqueue_dma source(%dma_start3A_270 : memref<16x128xi32, #tpu.memory_space<hbm>>) target(%arg7 : memref<16x128xi32, #tpu.memory_space<vmem>>) target_semaphore(%run_scoped3A_266 : memref<!tpu.dma_semaphore, #tpu.memory_space<semaphore_mem>>)
        %dma_wait3A_271 = arith.constant 0 : i32
        %dma_wait3A_272 = tpu.memref_slice %arg4[%add3A_28, %dma_wait3A_271] : memref<1280x128xi32, #tpu.memory_space<hbm>> -> memref<16x128xi32, #tpu.memory_space<hbm>>
        %dma_wait3A_273 = arith.constant 0 : i32
        %dma_wait3A_274 = tpu.memref_slice %arg4[%add3A_28, %dma_wait3A_273] : memref<1280x128xi32, #tpu.memory_space<hbm>> -> memref<16x128xi32, #tpu.memory_space<hbm>>
        tpu.wait_dma2 semaphore(%run_scoped3A_266 : memref<!tpu.dma_semaphore, #tpu.memory_space<semaphore_mem>>) src(%dma_wait3A_274 : memref<16x128xi32, #tpu.memory_space<hbm>>) dst(%arg7 : memref<16x128xi32, #tpu.memory_space<vmem>>)
        tpu.yield
      }) : () -> ()
      %dma_start3A = arith.constant 0 : i32
      %dma_start3A_29 = arith.constant 0 : i32
      %dma_start3A_30 = tpu.memref_slice %arg6[%dma_start3A, %dma_start3A_29] : memref<16x128xi32, #tpu.memory_space<vmem>> -> memref<1x128xi32, #tpu.memory_space<vmem>>
      %dma_start3A_31 = tpu.memref_squeeze %dma_start3A_30 : memref<1x128xi32, #tpu.memory_space<vmem>> -> memref<128xi32, #tpu.memory_space<vmem>>
      %dma_start3A_32 = arith.constant 0 : i32
      %dma_start3A_33 = arith.constant 0 : i32
      %dma_start3A_34 = tpu.memref_slice %arg2[%dma_start3A_32, %dma_start3A_33] : memref<20000x128xf32, #tpu.memory_space<hbm>> -> memref<20000x128xf32, #tpu.memory_space<hbm>>
      tpu.enqueue_indirect_dma source(%dma_start3A_34 : memref<20000x128xf32, #tpu.memory_space<hbm>>) target(%arg8 : memref<128x128xf32, #tpu.memory_space<vmem>>) offsets(%dma_start3A_31 : memref<128xi32, #tpu.memory_space<vmem>>) semaphore(%arg11 : memref<!tpu.dma_semaphore, #tpu.memory_space<semaphore_mem>>)
      %dma_start3A_35 = arith.constant 1 : i32
      %dma_start3A_36 = arith.constant 0 : i32
      %dma_start3A_37 = tpu.memref_slice %arg6[%dma_start3A_35, %dma_start3A_36] : memref<16x128xi32, #tpu.memory_space<vmem>> -> memref<1x128xi32, #tpu.memory_space<vmem>>
      %dma_start3A_38 = tpu.memref_squeeze %dma_start3A_37 : memref<1x128xi32, #tpu.memory_space<vmem>> -> memref<128xi32, #tpu.memory_space<vmem>>
      %dma_start3A_39 = arith.constant 0 : i32
      %dma_start3A_40 = arith.constant 0 : i32
      %dma_start3A_41 = tpu.memref_slice %arg2[%dma_start3A_39, %dma_start3A_40] : memref<20000x128xf32, #tpu.memory_space<hbm>> -> memref<20000x128xf32, #tpu.memory_space<hbm>>
      tpu.enqueue_indirect_dma source(%dma_start3A_41 : memref<20000x128xf32, #tpu.memory_space<hbm>>) target(%arg9 : memref<128x128xf32, #tpu.memory_space<vmem>>) offsets(%dma_start3A_38 : memref<128xi32, #tpu.memory_space<vmem>>) semaphore(%arg12 : memref<!tpu.dma_semaphore, #tpu.memory_space<semaphore_mem>>)
      %dma_wait3A = arith.constant 0 : i32
      %dma_wait3A_42 = arith.constant 0 : i32
      %dma_wait3A_43 = tpu.memref_slice %arg6[%dma_wait3A, %dma_wait3A_42] : memref<16x128xi32, #tpu.memory_space<vmem>> -> memref<1x128xi32, #tpu.memory_space<vmem>>
      %dma_wait3A_44 = tpu.memref_squeeze %dma_wait3A_43 : memref<1x128xi32, #tpu.memory_space<vmem>> -> memref<128xi32, #tpu.memory_space<vmem>>
      %dma_wait3A_45 = arith.constant 0 : i32
      %dma_wait3A_46 = arith.constant 0 : i32
      %dma_wait3A_47 = tpu.memref_slice %arg2[%dma_wait3A_45, %dma_wait3A_46] : memref<20000x128xf32, #tpu.memory_space<hbm>> -> memref<20000x128xf32, #tpu.memory_space<hbm>>
      tpu.wait_indirect_dma semaphore(%arg11 : memref<!tpu.dma_semaphore, #tpu.memory_space<semaphore_mem>>) src(%dma_wait3A_47 : memref<20000x128xf32, #tpu.memory_space<hbm>>) dst(%arg8 : memref<128x128xf32, #tpu.memory_space<vmem>>)
      %run_scoped3A = arith.constant 0 : i32
      "tpu.region"() ({
        %run_scoped3A_266 = tpu.sem_alloc : memref<!tpu.dma_semaphore, #tpu.memory_space<semaphore_mem>>
        %dma_start3A_267 = arith.constant 0 : i32
        %dma_start3A_268 = tpu.memref_slice %arg7[%run_scoped3A, %dma_start3A_267] : memref<16x128xi32, #tpu.memory_space<vmem>> -> memref<1x128xi32, #tpu.memory_space<vmem>>
        %dma_start3A_269 = tpu.memref_squeeze %dma_start3A_268 : memref<1x128xi32, #tpu.memory_space<vmem>> -> memref<128xi32, #tpu.memory_space<vmem>>
        %dma_start3A_270 = arith.constant 0 : i32
        %dma_start3A_271 = arith.constant 0 : i32
        %dma_start3A_272 = tpu.memref_slice %arg10[%dma_start3A_270, %dma_start3A_271] : memref<10112x128xf32, #tpu.memory_space<vmem_shared>> -> memref<10112x128xf32, #tpu.memory_space<vmem_shared>>
        tpu.enqueue_indirect_dma source(%arg8 : memref<128x128xf32, #tpu.memory_space<vmem>>) target(%dma_start3A_272 : memref<10112x128xf32, #tpu.memory_space<vmem_shared>>) offsets(%dma_start3A_269 : memref<128xi32, #tpu.memory_space<vmem>>) semaphore(%run_scoped3A_266 : memref<!tpu.dma_semaphore, #tpu.memory_space<semaphore_mem>>) {add = true}
        %dma_wait3A_273 = arith.constant 0 : i32
        %dma_wait3A_274 = tpu.memref_slice %arg7[%run_scoped3A, %dma_wait3A_273] : memref<16x128xi32, #tpu.memory_space<vmem>> -> memref<1x128xi32, #tpu.memory_space<vmem>>
        %dma_wait3A_275 = tpu.memref_squeeze %dma_wait3A_274 : memref<1x128xi32, #tpu.memory_space<vmem>> -> memref<128xi32, #tpu.memory_space<vmem>>
        %dma_wait3A_276 = arith.constant 0 : i32
        %dma_wait3A_277 = arith.constant 0 : i32
        %dma_wait3A_278 = tpu.memref_slice %arg10[%dma_wait3A_276, %dma_wait3A_277] : memref<10112x128xf32, #tpu.memory_space<vmem_shared>> -> memref<10112x128xf32, #tpu.memory_space<vmem_shared>>
        tpu.wait_indirect_dma semaphore(%run_scoped3A_266 : memref<!tpu.dma_semaphore, #tpu.memory_space<semaphore_mem>>) src(%arg8 : memref<128x128xf32, #tpu.memory_space<vmem>>) dst(%dma_wait3A_278 : memref<10112x128xf32, #tpu.memory_space<vmem_shared>>)
        tpu.yield
      }) : () -> ()
      %dma_start3A_48 = arith.constant 2 : i32
      %dma_start3A_49 = arith.constant 0 : i32
      %dma_start3A_50 = tpu.memref_slice %arg6[%dma_start3A_48, %dma_start3A_49] : memref<16x128xi32, #tpu.memory_space<vmem>> -> memref<1x128xi32, #tpu.memory_space<vmem>>
      %dma_start3A_51 = tpu.memref_squeeze %dma_start3A_50 : memref<1x128xi32, #tpu.memory_space<vmem>> -> memref<128xi32, #tpu.memory_space<vmem>>
      %dma_start3A_52 = arith.constant 0 : i32
      %dma_start3A_53 = arith.constant 0 : i32
      %dma_start3A_54 = tpu.memref_slice %arg2[%dma_start3A_52, %dma_start3A_53] : memref<20000x128xf32, #tpu.memory_space<hbm>> -> memref<20000x128xf32, #tpu.memory_space<hbm>>
      tpu.enqueue_indirect_dma source(%dma_start3A_54 : memref<20000x128xf32, #tpu.memory_space<hbm>>) target(%arg8 : memref<128x128xf32, #tpu.memory_space<vmem>>) offsets(%dma_start3A_51 : memref<128xi32, #tpu.memory_space<vmem>>) semaphore(%arg11 : memref<!tpu.dma_semaphore, #tpu.memory_space<semaphore_mem>>)
      %dma_wait3A_55 = arith.constant 1 : i32
      %dma_wait3A_56 = arith.constant 0 : i32
      %dma_wait3A_57 = tpu.memref_slice %arg6[%dma_wait3A_55, %dma_wait3A_56] : memref<16x128xi32, #tpu.memory_space<vmem>> -> memref<1x128xi32, #tpu.memory_space<vmem>>
      %dma_wait3A_58 = tpu.memref_squeeze %dma_wait3A_57 : memref<1x128xi32, #tpu.memory_space<vmem>> -> memref<128xi32, #tpu.memory_space<vmem>>
      %dma_wait3A_59 = arith.constant 0 : i32
      %dma_wait3A_60 = arith.constant 0 : i32
      %dma_wait3A_61 = tpu.memref_slice %arg2[%dma_wait3A_59, %dma_wait3A_60] : memref<20000x128xf32, #tpu.memory_space<hbm>> -> memref<20000x128xf32, #tpu.memory_space<hbm>>
      tpu.wait_indirect_dma semaphore(%arg12 : memref<!tpu.dma_semaphore, #tpu.memory_space<semaphore_mem>>) src(%dma_wait3A_61 : memref<20000x128xf32, #tpu.memory_space<hbm>>) dst(%arg9 : memref<128x128xf32, #tpu.memory_space<vmem>>)
      %run_scoped3A_62 = arith.constant 1 : i32
      "tpu.region"() ({
        %run_scoped3A_266 = tpu.sem_alloc : memref<!tpu.dma_semaphore, #tpu.memory_space<semaphore_mem>>
        %dma_start3A_267 = arith.constant 0 : i32
        %dma_start3A_268 = tpu.memref_slice %arg7[%run_scoped3A_62, %dma_start3A_267] : memref<16x128xi32, #tpu.memory_space<vmem>> -> memref<1x128xi32, #tpu.memory_space<vmem>>
        %dma_start3A_269 = tpu.memref_squeeze %dma_start3A_268 : memref<1x128xi32, #tpu.memory_space<vmem>> -> memref<128xi32, #tpu.memory_space<vmem>>
        %dma_start3A_270 = arith.constant 0 : i32
        %dma_start3A_271 = arith.constant 0 : i32
        %dma_start3A_272 = tpu.memref_slice %arg10[%dma_start3A_270, %dma_start3A_271] : memref<10112x128xf32, #tpu.memory_space<vmem_shared>> -> memref<10112x128xf32, #tpu.memory_space<vmem_shared>>
        tpu.enqueue_indirect_dma source(%arg9 : memref<128x128xf32, #tpu.memory_space<vmem>>) target(%dma_start3A_272 : memref<10112x128xf32, #tpu.memory_space<vmem_shared>>) offsets(%dma_start3A_269 : memref<128xi32, #tpu.memory_space<vmem>>) semaphore(%run_scoped3A_266 : memref<!tpu.dma_semaphore, #tpu.memory_space<semaphore_mem>>) {add = true}
        %dma_wait3A_273 = arith.constant 0 : i32
        %dma_wait3A_274 = tpu.memref_slice %arg7[%run_scoped3A_62, %dma_wait3A_273] : memref<16x128xi32, #tpu.memory_space<vmem>> -> memref<1x128xi32, #tpu.memory_space<vmem>>
        %dma_wait3A_275 = tpu.memref_squeeze %dma_wait3A_274 : memref<1x128xi32, #tpu.memory_space<vmem>> -> memref<128xi32, #tpu.memory_space<vmem>>
        %dma_wait3A_276 = arith.constant 0 : i32
        %dma_wait3A_277 = arith.constant 0 : i32
        %dma_wait3A_278 = tpu.memref_slice %arg10[%dma_wait3A_276, %dma_wait3A_277] : memref<10112x128xf32, #tpu.memory_space<vmem_shared>> -> memref<10112x128xf32, #tpu.memory_space<vmem_shared>>
        tpu.wait_indirect_dma semaphore(%run_scoped3A_266 : memref<!tpu.dma_semaphore, #tpu.memory_space<semaphore_mem>>) src(%arg9 : memref<128x128xf32, #tpu.memory_space<vmem>>) dst(%dma_wait3A_278 : memref<10112x128xf32, #tpu.memory_space<vmem_shared>>)
        tpu.yield
      }) : () -> ()
      %dma_start3A_63 = arith.constant 3 : i32
      %dma_start3A_64 = arith.constant 0 : i32
      %dma_start3A_65 = tpu.memref_slice %arg6[%dma_start3A_63, %dma_start3A_64] : memref<16x128xi32, #tpu.memory_space<vmem>> -> memref<1x128xi32, #tpu.memory_space<vmem>>
      %dma_start3A_66 = tpu.memref_squeeze %dma_start3A_65 : memref<1x128xi32, #tpu.memory_space<vmem>> -> memref<128xi32, #tpu.memory_space<vmem>>
      %dma_start3A_67 = arith.constant 0 : i32
      %dma_start3A_68 = arith.constant 0 : i32
      %dma_start3A_69 = tpu.memref_slice %arg2[%dma_start3A_67, %dma_start3A_68] : memref<20000x128xf32, #tpu.memory_space<hbm>> -> memref<20000x128xf32, #tpu.memory_space<hbm>>
      tpu.enqueue_indirect_dma source(%dma_start3A_69 : memref<20000x128xf32, #tpu.memory_space<hbm>>) target(%arg9 : memref<128x128xf32, #tpu.memory_space<vmem>>) offsets(%dma_start3A_66 : memref<128xi32, #tpu.memory_space<vmem>>) semaphore(%arg12 : memref<!tpu.dma_semaphore, #tpu.memory_space<semaphore_mem>>)
      %dma_wait3A_70 = arith.constant 2 : i32
      %dma_wait3A_71 = arith.constant 0 : i32
      %dma_wait3A_72 = tpu.memref_slice %arg6[%dma_wait3A_70, %dma_wait3A_71] : memref<16x128xi32, #tpu.memory_space<vmem>> -> memref<1x128xi32, #tpu.memory_space<vmem>>
      %dma_wait3A_73 = tpu.memref_squeeze %dma_wait3A_72 : memref<1x128xi32, #tpu.memory_space<vmem>> -> memref<128xi32, #tpu.memory_space<vmem>>
      %dma_wait3A_74 = arith.constant 0 : i32
      %dma_wait3A_75 = arith.constant 0 : i32
      %dma_wait3A_76 = tpu.memref_slice %arg2[%dma_wait3A_74, %dma_wait3A_75] : memref<20000x128xf32, #tpu.memory_space<hbm>> -> memref<20000x128xf32, #tpu.memory_space<hbm>>
      tpu.wait_indirect_dma semaphore(%arg11 : memref<!tpu.dma_semaphore, #tpu.memory_space<semaphore_mem>>) src(%dma_wait3A_76 : memref<20000x128xf32, #tpu.memory_space<hbm>>) dst(%arg8 : memref<128x128xf32, #tpu.memory_space<vmem>>)
      %run_scoped3A_77 = arith.constant 2 : i32
      "tpu.region"() ({
        %run_scoped3A_266 = tpu.sem_alloc : memref<!tpu.dma_semaphore, #tpu.memory_space<semaphore_mem>>
        %dma_start3A_267 = arith.constant 0 : i32
        %dma_start3A_268 = tpu.memref_slice %arg7[%run_scoped3A_77, %dma_start3A_267] : memref<16x128xi32, #tpu.memory_space<vmem>> -> memref<1x128xi32, #tpu.memory_space<vmem>>
        %dma_start3A_269 = tpu.memref_squeeze %dma_start3A_268 : memref<1x128xi32, #tpu.memory_space<vmem>> -> memref<128xi32, #tpu.memory_space<vmem>>
        %dma_start3A_270 = arith.constant 0 : i32
        %dma_start3A_271 = arith.constant 0 : i32
        %dma_start3A_272 = tpu.memref_slice %arg10[%dma_start3A_270, %dma_start3A_271] : memref<10112x128xf32, #tpu.memory_space<vmem_shared>> -> memref<10112x128xf32, #tpu.memory_space<vmem_shared>>
        tpu.enqueue_indirect_dma source(%arg8 : memref<128x128xf32, #tpu.memory_space<vmem>>) target(%dma_start3A_272 : memref<10112x128xf32, #tpu.memory_space<vmem_shared>>) offsets(%dma_start3A_269 : memref<128xi32, #tpu.memory_space<vmem>>) semaphore(%run_scoped3A_266 : memref<!tpu.dma_semaphore, #tpu.memory_space<semaphore_mem>>) {add = true}
        %dma_wait3A_273 = arith.constant 0 : i32
        %dma_wait3A_274 = tpu.memref_slice %arg7[%run_scoped3A_77, %dma_wait3A_273] : memref<16x128xi32, #tpu.memory_space<vmem>> -> memref<1x128xi32, #tpu.memory_space<vmem>>
        %dma_wait3A_275 = tpu.memref_squeeze %dma_wait3A_274 : memref<1x128xi32, #tpu.memory_space<vmem>> -> memref<128xi32, #tpu.memory_space<vmem>>
        %dma_wait3A_276 = arith.constant 0 : i32
        %dma_wait3A_277 = arith.constant 0 : i32
        %dma_wait3A_278 = tpu.memref_slice %arg10[%dma_wait3A_276, %dma_wait3A_277] : memref<10112x128xf32, #tpu.memory_space<vmem_shared>> -> memref<10112x128xf32, #tpu.memory_space<vmem_shared>>
        tpu.wait_indirect_dma semaphore(%run_scoped3A_266 : memref<!tpu.dma_semaphore, #tpu.memory_space<semaphore_mem>>) src(%arg8 : memref<128x128xf32, #tpu.memory_space<vmem>>) dst(%dma_wait3A_278 : memref<10112x128xf32, #tpu.memory_space<vmem_shared>>)
        tpu.yield
      }) : () -> ()
      %dma_start3A_78 = arith.constant 4 : i32
      %dma_start3A_79 = arith.constant 0 : i32
      %dma_start3A_80 = tpu.memref_slice %arg6[%dma_start3A_78, %dma_start3A_79] : memref<16x128xi32, #tpu.memory_space<vmem>> -> memref<1x128xi32, #tpu.memory_space<vmem>>
      %dma_start3A_81 = tpu.memref_squeeze %dma_start3A_80 : memref<1x128xi32, #tpu.memory_space<vmem>> -> memref<128xi32, #tpu.memory_space<vmem>>
      %dma_start3A_82 = arith.constant 0 : i32
      %dma_start3A_83 = arith.constant 0 : i32
      %dma_start3A_84 = tpu.memref_slice %arg2[%dma_start3A_82, %dma_start3A_83] : memref<20000x128xf32, #tpu.memory_space<hbm>> -> memref<20000x128xf32, #tpu.memory_space<hbm>>
      tpu.enqueue_indirect_dma source(%dma_start3A_84 : memref<20000x128xf32, #tpu.memory_space<hbm>>) target(%arg8 : memref<128x128xf32, #tpu.memory_space<vmem>>) offsets(%dma_start3A_81 : memref<128xi32, #tpu.memory_space<vmem>>) semaphore(%arg11 : memref<!tpu.dma_semaphore, #tpu.memory_space<semaphore_mem>>)
      %dma_wait3A_85 = arith.constant 3 : i32
      %dma_wait3A_86 = arith.constant 0 : i32
      %dma_wait3A_87 = tpu.memref_slice %arg6[%dma_wait3A_85, %dma_wait3A_86] : memref<16x128xi32, #tpu.memory_space<vmem>> -> memref<1x128xi32, #tpu.memory_space<vmem>>
      %dma_wait3A_88 = tpu.memref_squeeze %dma_wait3A_87 : memref<1x128xi32, #tpu.memory_space<vmem>> -> memref<128xi32, #tpu.memory_space<vmem>>
      %dma_wait3A_89 = arith.constant 0 : i32
      %dma_wait3A_90 = arith.constant 0 : i32
      %dma_wait3A_91 = tpu.memref_slice %arg2[%dma_wait3A_89, %dma_wait3A_90] : memref<20000x128xf32, #tpu.memory_space<hbm>> -> memref<20000x128xf32, #tpu.memory_space<hbm>>
      tpu.wait_indirect_dma semaphore(%arg12 : memref<!tpu.dma_semaphore, #tpu.memory_space<semaphore_mem>>) src(%dma_wait3A_91 : memref<20000x128xf32, #tpu.memory_space<hbm>>) dst(%arg9 : memref<128x128xf32, #tpu.memory_space<vmem>>)
      %run_scoped3A_92 = arith.constant 3 : i32
      "tpu.region"() ({
        %run_scoped3A_266 = tpu.sem_alloc : memref<!tpu.dma_semaphore, #tpu.memory_space<semaphore_mem>>
        %dma_start3A_267 = arith.constant 0 : i32
        %dma_start3A_268 = tpu.memref_slice %arg7[%run_scoped3A_92, %dma_start3A_267] : memref<16x128xi32, #tpu.memory_space<vmem>> -> memref<1x128xi32, #tpu.memory_space<vmem>>
        %dma_start3A_269 = tpu.memref_squeeze %dma_start3A_268 : memref<1x128xi32, #tpu.memory_space<vmem>> -> memref<128xi32, #tpu.memory_space<vmem>>
        %dma_start3A_270 = arith.constant 0 : i32
        %dma_start3A_271 = arith.constant 0 : i32
        %dma_start3A_272 = tpu.memref_slice %arg10[%dma_start3A_270, %dma_start3A_271] : memref<10112x128xf32, #tpu.memory_space<vmem_shared>> -> memref<10112x128xf32, #tpu.memory_space<vmem_shared>>
        tpu.enqueue_indirect_dma source(%arg9 : memref<128x128xf32, #tpu.memory_space<vmem>>) target(%dma_start3A_272 : memref<10112x128xf32, #tpu.memory_space<vmem_shared>>) offsets(%dma_start3A_269 : memref<128xi32, #tpu.memory_space<vmem>>) semaphore(%run_scoped3A_266 : memref<!tpu.dma_semaphore, #tpu.memory_space<semaphore_mem>>) {add = true}
        %dma_wait3A_273 = arith.constant 0 : i32
        %dma_wait3A_274 = tpu.memref_slice %arg7[%run_scoped3A_92, %dma_wait3A_273] : memref<16x128xi32, #tpu.memory_space<vmem>> -> memref<1x128xi32, #tpu.memory_space<vmem>>
        %dma_wait3A_275 = tpu.memref_squeeze %dma_wait3A_274 : memref<1x128xi32, #tpu.memory_space<vmem>> -> memref<128xi32, #tpu.memory_space<vmem>>
        %dma_wait3A_276 = arith.constant 0 : i32
        %dma_wait3A_277 = arith.constant 0 : i32
        %dma_wait3A_278 = tpu.memref_slice %arg10[%dma_wait3A_276, %dma_wait3A_277] : memref<10112x128xf32, #tpu.memory_space<vmem_shared>> -> memref<10112x128xf32, #tpu.memory_space<vmem_shared>>
        tpu.wait_indirect_dma semaphore(%run_scoped3A_266 : memref<!tpu.dma_semaphore, #tpu.memory_space<semaphore_mem>>) src(%arg9 : memref<128x128xf32, #tpu.memory_space<vmem>>) dst(%dma_wait3A_278 : memref<10112x128xf32, #tpu.memory_space<vmem_shared>>)
        tpu.yield
      }) : () -> ()
      %dma_start3A_93 = arith.constant 5 : i32
      %dma_start3A_94 = arith.constant 0 : i32
      %dma_start3A_95 = tpu.memref_slice %arg6[%dma_start3A_93, %dma_start3A_94] : memref<16x128xi32, #tpu.memory_space<vmem>> -> memref<1x128xi32, #tpu.memory_space<vmem>>
      %dma_start3A_96 = tpu.memref_squeeze %dma_start3A_95 : memref<1x128xi32, #tpu.memory_space<vmem>> -> memref<128xi32, #tpu.memory_space<vmem>>
      %dma_start3A_97 = arith.constant 0 : i32
      %dma_start3A_98 = arith.constant 0 : i32
      %dma_start3A_99 = tpu.memref_slice %arg2[%dma_start3A_97, %dma_start3A_98] : memref<20000x128xf32, #tpu.memory_space<hbm>> -> memref<20000x128xf32, #tpu.memory_space<hbm>>
      tpu.enqueue_indirect_dma source(%dma_start3A_99 : memref<20000x128xf32, #tpu.memory_space<hbm>>) target(%arg9 : memref<128x128xf32, #tpu.memory_space<vmem>>) offsets(%dma_start3A_96 : memref<128xi32, #tpu.memory_space<vmem>>) semaphore(%arg12 : memref<!tpu.dma_semaphore, #tpu.memory_space<semaphore_mem>>)
      %dma_wait3A_100 = arith.constant 4 : i32
      %dma_wait3A_101 = arith.constant 0 : i32
      %dma_wait3A_102 = tpu.memref_slice %arg6[%dma_wait3A_100, %dma_wait3A_101] : memref<16x128xi32, #tpu.memory_space<vmem>> -> memref<1x128xi32, #tpu.memory_space<vmem>>
      %dma_wait3A_103 = tpu.memref_squeeze %dma_wait3A_102 : memref<1x128xi32, #tpu.memory_space<vmem>> -> memref<128xi32, #tpu.memory_space<vmem>>
      %dma_wait3A_104 = arith.constant 0 : i32
      %dma_wait3A_105 = arith.constant 0 : i32
      %dma_wait3A_106 = tpu.memref_slice %arg2[%dma_wait3A_104, %dma_wait3A_105] : memref<20000x128xf32, #tpu.memory_space<hbm>> -> memref<20000x128xf32, #tpu.memory_space<hbm>>
      tpu.wait_indirect_dma semaphore(%arg11 : memref<!tpu.dma_semaphore, #tpu.memory_space<semaphore_mem>>) src(%dma_wait3A_106 : memref<20000x128xf32, #tpu.memory_space<hbm>>) dst(%arg8 : memref<128x128xf32, #tpu.memory_space<vmem>>)
      %run_scoped3A_107 = arith.constant 4 : i32
      "tpu.region"() ({
        %run_scoped3A_266 = tpu.sem_alloc : memref<!tpu.dma_semaphore, #tpu.memory_space<semaphore_mem>>
        %dma_start3A_267 = arith.constant 0 : i32
        %dma_start3A_268 = tpu.memref_slice %arg7[%run_scoped3A_107, %dma_start3A_267] : memref<16x128xi32, #tpu.memory_space<vmem>> -> memref<1x128xi32, #tpu.memory_space<vmem>>
        %dma_start3A_269 = tpu.memref_squeeze %dma_start3A_268 : memref<1x128xi32, #tpu.memory_space<vmem>> -> memref<128xi32, #tpu.memory_space<vmem>>
        %dma_start3A_270 = arith.constant 0 : i32
        %dma_start3A_271 = arith.constant 0 : i32
        %dma_start3A_272 = tpu.memref_slice %arg10[%dma_start3A_270, %dma_start3A_271] : memref<10112x128xf32, #tpu.memory_space<vmem_shared>> -> memref<10112x128xf32, #tpu.memory_space<vmem_shared>>
        tpu.enqueue_indirect_dma source(%arg8 : memref<128x128xf32, #tpu.memory_space<vmem>>) target(%dma_start3A_272 : memref<10112x128xf32, #tpu.memory_space<vmem_shared>>) offsets(%dma_start3A_269 : memref<128xi32, #tpu.memory_space<vmem>>) semaphore(%run_scoped3A_266 : memref<!tpu.dma_semaphore, #tpu.memory_space<semaphore_mem>>) {add = true}
        %dma_wait3A_273 = arith.constant 0 : i32
        %dma_wait3A_274 = tpu.memref_slice %arg7[%run_scoped3A_107, %dma_wait3A_273] : memref<16x128xi32, #tpu.memory_space<vmem>> -> memref<1x128xi32, #tpu.memory_space<vmem>>
        %dma_wait3A_275 = tpu.memref_squeeze %dma_wait3A_274 : memref<1x128xi32, #tpu.memory_space<vmem>> -> memref<128xi32, #tpu.memory_space<vmem>>
        %dma_wait3A_276 = arith.constant 0 : i32
        %dma_wait3A_277 = arith.constant 0 : i32
        %dma_wait3A_278 = tpu.memref_slice %arg10[%dma_wait3A_276, %dma_wait3A_277] : memref<10112x128xf32, #tpu.memory_space<vmem_shared>> -> memref<10112x128xf32, #tpu.memory_space<vmem_shared>>
        tpu.wait_indirect_dma semaphore(%run_scoped3A_266 : memref<!tpu.dma_semaphore, #tpu.memory_space<semaphore_mem>>) src(%arg8 : memref<128x128xf32, #tpu.memory_space<vmem>>) dst(%dma_wait3A_278 : memref<10112x128xf32, #tpu.memory_space<vmem_shared>>)
        tpu.yield
      }) : () -> ()
      %dma_start3A_108 = arith.constant 6 : i32
      %dma_start3A_109 = arith.constant 0 : i32
      %dma_start3A_110 = tpu.memref_slice %arg6[%dma_start3A_108, %dma_start3A_109] : memref<16x128xi32, #tpu.memory_space<vmem>> -> memref<1x128xi32, #tpu.memory_space<vmem>>
      %dma_start3A_111 = tpu.memref_squeeze %dma_start3A_110 : memref<1x128xi32, #tpu.memory_space<vmem>> -> memref<128xi32, #tpu.memory_space<vmem>>
      %dma_start3A_112 = arith.constant 0 : i32
      %dma_start3A_113 = arith.constant 0 : i32
      %dma_start3A_114 = tpu.memref_slice %arg2[%dma_start3A_112, %dma_start3A_113] : memref<20000x128xf32, #tpu.memory_space<hbm>> -> memref<20000x128xf32, #tpu.memory_space<hbm>>
      tpu.enqueue_indirect_dma source(%dma_start3A_114 : memref<20000x128xf32, #tpu.memory_space<hbm>>) target(%arg8 : memref<128x128xf32, #tpu.memory_space<vmem>>) offsets(%dma_start3A_111 : memref<128xi32, #tpu.memory_space<vmem>>) semaphore(%arg11 : memref<!tpu.dma_semaphore, #tpu.memory_space<semaphore_mem>>)
      %dma_wait3A_115 = arith.constant 5 : i32
      %dma_wait3A_116 = arith.constant 0 : i32
      %dma_wait3A_117 = tpu.memref_slice %arg6[%dma_wait3A_115, %dma_wait3A_116] : memref<16x128xi32, #tpu.memory_space<vmem>> -> memref<1x128xi32, #tpu.memory_space<vmem>>
      %dma_wait3A_118 = tpu.memref_squeeze %dma_wait3A_117 : memref<1x128xi32, #tpu.memory_space<vmem>> -> memref<128xi32, #tpu.memory_space<vmem>>
      %dma_wait3A_119 = arith.constant 0 : i32
      %dma_wait3A_120 = arith.constant 0 : i32
      %dma_wait3A_121 = tpu.memref_slice %arg2[%dma_wait3A_119, %dma_wait3A_120] : memref<20000x128xf32, #tpu.memory_space<hbm>> -> memref<20000x128xf32, #tpu.memory_space<hbm>>
      tpu.wait_indirect_dma semaphore(%arg12 : memref<!tpu.dma_semaphore, #tpu.memory_space<semaphore_mem>>) src(%dma_wait3A_121 : memref<20000x128xf32, #tpu.memory_space<hbm>>) dst(%arg9 : memref<128x128xf32, #tpu.memory_space<vmem>>)
      %run_scoped3A_122 = arith.constant 5 : i32
      "tpu.region"() ({
        %run_scoped3A_266 = tpu.sem_alloc : memref<!tpu.dma_semaphore, #tpu.memory_space<semaphore_mem>>
        %dma_start3A_267 = arith.constant 0 : i32
        %dma_start3A_268 = tpu.memref_slice %arg7[%run_scoped3A_122, %dma_start3A_267] : memref<16x128xi32, #tpu.memory_space<vmem>> -> memref<1x128xi32, #tpu.memory_space<vmem>>
        %dma_start3A_269 = tpu.memref_squeeze %dma_start3A_268 : memref<1x128xi32, #tpu.memory_space<vmem>> -> memref<128xi32, #tpu.memory_space<vmem>>
        %dma_start3A_270 = arith.constant 0 : i32
        %dma_start3A_271 = arith.constant 0 : i32
        %dma_start3A_272 = tpu.memref_slice %arg10[%dma_start3A_270, %dma_start3A_271] : memref<10112x128xf32, #tpu.memory_space<vmem_shared>> -> memref<10112x128xf32, #tpu.memory_space<vmem_shared>>
        tpu.enqueue_indirect_dma source(%arg9 : memref<128x128xf32, #tpu.memory_space<vmem>>) target(%dma_start3A_272 : memref<10112x128xf32, #tpu.memory_space<vmem_shared>>) offsets(%dma_start3A_269 : memref<128xi32, #tpu.memory_space<vmem>>) semaphore(%run_scoped3A_266 : memref<!tpu.dma_semaphore, #tpu.memory_space<semaphore_mem>>) {add = true}
        %dma_wait3A_273 = arith.constant 0 : i32
        %dma_wait3A_274 = tpu.memref_slice %arg7[%run_scoped3A_122, %dma_wait3A_273] : memref<16x128xi32, #tpu.memory_space<vmem>> -> memref<1x128xi32, #tpu.memory_space<vmem>>
        %dma_wait3A_275 = tpu.memref_squeeze %dma_wait3A_274 : memref<1x128xi32, #tpu.memory_space<vmem>> -> memref<128xi32, #tpu.memory_space<vmem>>
        %dma_wait3A_276 = arith.constant 0 : i32
        %dma_wait3A_277 = arith.constant 0 : i32
        %dma_wait3A_278 = tpu.memref_slice %arg10[%dma_wait3A_276, %dma_wait3A_277] : memref<10112x128xf32, #tpu.memory_space<vmem_shared>> -> memref<10112x128xf32, #tpu.memory_space<vmem_shared>>
        tpu.wait_indirect_dma semaphore(%run_scoped3A_266 : memref<!tpu.dma_semaphore, #tpu.memory_space<semaphore_mem>>) src(%arg9 : memref<128x128xf32, #tpu.memory_space<vmem>>) dst(%dma_wait3A_278 : memref<10112x128xf32, #tpu.memory_space<vmem_shared>>)
        tpu.yield
      }) : () -> ()
      %dma_start3A_123 = arith.constant 7 : i32
      %dma_start3A_124 = arith.constant 0 : i32
      %dma_start3A_125 = tpu.memref_slice %arg6[%dma_start3A_123, %dma_start3A_124] : memref<16x128xi32, #tpu.memory_space<vmem>> -> memref<1x128xi32, #tpu.memory_space<vmem>>
      %dma_start3A_126 = tpu.memref_squeeze %dma_start3A_125 : memref<1x128xi32, #tpu.memory_space<vmem>> -> memref<128xi32, #tpu.memory_space<vmem>>
      %dma_start3A_127 = arith.constant 0 : i32
      %dma_start3A_128 = arith.constant 0 : i32
      %dma_start3A_129 = tpu.memref_slice %arg2[%dma_start3A_127, %dma_start3A_128] : memref<20000x128xf32, #tpu.memory_space<hbm>> -> memref<20000x128xf32, #tpu.memory_space<hbm>>
      tpu.enqueue_indirect_dma source(%dma_start3A_129 : memref<20000x128xf32, #tpu.memory_space<hbm>>) target(%arg9 : memref<128x128xf32, #tpu.memory_space<vmem>>) offsets(%dma_start3A_126 : memref<128xi32, #tpu.memory_space<vmem>>) semaphore(%arg12 : memref<!tpu.dma_semaphore, #tpu.memory_space<semaphore_mem>>)
      %dma_wait3A_130 = arith.constant 6 : i32
      %dma_wait3A_131 = arith.constant 0 : i32
      %dma_wait3A_132 = tpu.memref_slice %arg6[%dma_wait3A_130, %dma_wait3A_131] : memref<16x128xi32, #tpu.memory_space<vmem>> -> memref<1x128xi32, #tpu.memory_space<vmem>>
      %dma_wait3A_133 = tpu.memref_squeeze %dma_wait3A_132 : memref<1x128xi32, #tpu.memory_space<vmem>> -> memref<128xi32, #tpu.memory_space<vmem>>
      %dma_wait3A_134 = arith.constant 0 : i32
      %dma_wait3A_135 = arith.constant 0 : i32
      %dma_wait3A_136 = tpu.memref_slice %arg2[%dma_wait3A_134, %dma_wait3A_135] : memref<20000x128xf32, #tpu.memory_space<hbm>> -> memref<20000x128xf32, #tpu.memory_space<hbm>>
      tpu.wait_indirect_dma semaphore(%arg11 : memref<!tpu.dma_semaphore, #tpu.memory_space<semaphore_mem>>) src(%dma_wait3A_136 : memref<20000x128xf32, #tpu.memory_space<hbm>>) dst(%arg8 : memref<128x128xf32, #tpu.memory_space<vmem>>)
      %run_scoped3A_137 = arith.constant 6 : i32
      "tpu.region"() ({
        %run_scoped3A_266 = tpu.sem_alloc : memref<!tpu.dma_semaphore, #tpu.memory_space<semaphore_mem>>
        %dma_start3A_267 = arith.constant 0 : i32
        %dma_start3A_268 = tpu.memref_slice %arg7[%run_scoped3A_137, %dma_start3A_267] : memref<16x128xi32, #tpu.memory_space<vmem>> -> memref<1x128xi32, #tpu.memory_space<vmem>>
        %dma_start3A_269 = tpu.memref_squeeze %dma_start3A_268 : memref<1x128xi32, #tpu.memory_space<vmem>> -> memref<128xi32, #tpu.memory_space<vmem>>
        %dma_start3A_270 = arith.constant 0 : i32
        %dma_start3A_271 = arith.constant 0 : i32
        %dma_start3A_272 = tpu.memref_slice %arg10[%dma_start3A_270, %dma_start3A_271] : memref<10112x128xf32, #tpu.memory_space<vmem_shared>> -> memref<10112x128xf32, #tpu.memory_space<vmem_shared>>
        tpu.enqueue_indirect_dma source(%arg8 : memref<128x128xf32, #tpu.memory_space<vmem>>) target(%dma_start3A_272 : memref<10112x128xf32, #tpu.memory_space<vmem_shared>>) offsets(%dma_start3A_269 : memref<128xi32, #tpu.memory_space<vmem>>) semaphore(%run_scoped3A_266 : memref<!tpu.dma_semaphore, #tpu.memory_space<semaphore_mem>>) {add = true}
        %dma_wait3A_273 = arith.constant 0 : i32
        %dma_wait3A_274 = tpu.memref_slice %arg7[%run_scoped3A_137, %dma_wait3A_273] : memref<16x128xi32, #tpu.memory_space<vmem>> -> memref<1x128xi32, #tpu.memory_space<vmem>>
        %dma_wait3A_275 = tpu.memref_squeeze %dma_wait3A_274 : memref<1x128xi32, #tpu.memory_space<vmem>> -> memref<128xi32, #tpu.memory_space<vmem>>
        %dma_wait3A_276 = arith.constant 0 : i32
        %dma_wait3A_277 = arith.constant 0 : i32
        %dma_wait3A_278 = tpu.memref_slice %arg10[%dma_wait3A_276, %dma_wait3A_277] : memref<10112x128xf32, #tpu.memory_space<vmem_shared>> -> memref<10112x128xf32, #tpu.memory_space<vmem_shared>>
        tpu.wait_indirect_dma semaphore(%run_scoped3A_266 : memref<!tpu.dma_semaphore, #tpu.memory_space<semaphore_mem>>) src(%arg8 : memref<128x128xf32, #tpu.memory_space<vmem>>) dst(%dma_wait3A_278 : memref<10112x128xf32, #tpu.memory_space<vmem_shared>>)
        tpu.yield
      }) : () -> ()
      %dma_start3A_138 = arith.constant 8 : i32
      %dma_start3A_139 = arith.constant 0 : i32
      %dma_start3A_140 = tpu.memref_slice %arg6[%dma_start3A_138, %dma_start3A_139] : memref<16x128xi32, #tpu.memory_space<vmem>> -> memref<1x128xi32, #tpu.memory_space<vmem>>
      %dma_start3A_141 = tpu.memref_squeeze %dma_start3A_140 : memref<1x128xi32, #tpu.memory_space<vmem>> -> memref<128xi32, #tpu.memory_space<vmem>>
      %dma_start3A_142 = arith.constant 0 : i32
      %dma_start3A_143 = arith.constant 0 : i32
      %dma_start3A_144 = tpu.memref_slice %arg2[%dma_start3A_142, %dma_start3A_143] : memref<20000x128xf32, #tpu.memory_space<hbm>> -> memref<20000x128xf32, #tpu.memory_space<hbm>>
      tpu.enqueue_indirect_dma source(%dma_start3A_144 : memref<20000x128xf32, #tpu.memory_space<hbm>>) target(%arg8 : memref<128x128xf32, #tpu.memory_space<vmem>>) offsets(%dma_start3A_141 : memref<128xi32, #tpu.memory_space<vmem>>) semaphore(%arg11 : memref<!tpu.dma_semaphore, #tpu.memory_space<semaphore_mem>>)
      %dma_wait3A_145 = arith.constant 7 : i32
      %dma_wait3A_146 = arith.constant 0 : i32
      %dma_wait3A_147 = tpu.memref_slice %arg6[%dma_wait3A_145, %dma_wait3A_146] : memref<16x128xi32, #tpu.memory_space<vmem>> -> memref<1x128xi32, #tpu.memory_space<vmem>>
      %dma_wait3A_148 = tpu.memref_squeeze %dma_wait3A_147 : memref<1x128xi32, #tpu.memory_space<vmem>> -> memref<128xi32, #tpu.memory_space<vmem>>
      %dma_wait3A_149 = arith.constant 0 : i32
      %dma_wait3A_150 = arith.constant 0 : i32
      %dma_wait3A_151 = tpu.memref_slice %arg2[%dma_wait3A_149, %dma_wait3A_150] : memref<20000x128xf32, #tpu.memory_space<hbm>> -> memref<20000x128xf32, #tpu.memory_space<hbm>>
      tpu.wait_indirect_dma semaphore(%arg12 : memref<!tpu.dma_semaphore, #tpu.memory_space<semaphore_mem>>) src(%dma_wait3A_151 : memref<20000x128xf32, #tpu.memory_space<hbm>>) dst(%arg9 : memref<128x128xf32, #tpu.memory_space<vmem>>)
      %run_scoped3A_152 = arith.constant 7 : i32
      "tpu.region"() ({
        %run_scoped3A_266 = tpu.sem_alloc : memref<!tpu.dma_semaphore, #tpu.memory_space<semaphore_mem>>
        %dma_start3A_267 = arith.constant 0 : i32
        %dma_start3A_268 = tpu.memref_slice %arg7[%run_scoped3A_152, %dma_start3A_267] : memref<16x128xi32, #tpu.memory_space<vmem>> -> memref<1x128xi32, #tpu.memory_space<vmem>>
        %dma_start3A_269 = tpu.memref_squeeze %dma_start3A_268 : memref<1x128xi32, #tpu.memory_space<vmem>> -> memref<128xi32, #tpu.memory_space<vmem>>
        %dma_start3A_270 = arith.constant 0 : i32
        %dma_start3A_271 = arith.constant 0 : i32
        %dma_start3A_272 = tpu.memref_slice %arg10[%dma_start3A_270, %dma_start3A_271] : memref<10112x128xf32, #tpu.memory_space<vmem_shared>> -> memref<10112x128xf32, #tpu.memory_space<vmem_shared>>
        tpu.enqueue_indirect_dma source(%arg9 : memref<128x128xf32, #tpu.memory_space<vmem>>) target(%dma_start3A_272 : memref<10112x128xf32, #tpu.memory_space<vmem_shared>>) offsets(%dma_start3A_269 : memref<128xi32, #tpu.memory_space<vmem>>) semaphore(%run_scoped3A_266 : memref<!tpu.dma_semaphore, #tpu.memory_space<semaphore_mem>>) {add = true}
        %dma_wait3A_273 = arith.constant 0 : i32
        %dma_wait3A_274 = tpu.memref_slice %arg7[%run_scoped3A_152, %dma_wait3A_273] : memref<16x128xi32, #tpu.memory_space<vmem>> -> memref<1x128xi32, #tpu.memory_space<vmem>>
        %dma_wait3A_275 = tpu.memref_squeeze %dma_wait3A_274 : memref<1x128xi32, #tpu.memory_space<vmem>> -> memref<128xi32, #tpu.memory_space<vmem>>
        %dma_wait3A_276 = arith.constant 0 : i32
        %dma_wait3A_277 = arith.constant 0 : i32
        %dma_wait3A_278 = tpu.memref_slice %arg10[%dma_wait3A_276, %dma_wait3A_277] : memref<10112x128xf32, #tpu.memory_space<vmem_shared>> -> memref<10112x128xf32, #tpu.memory_space<vmem_shared>>
        tpu.wait_indirect_dma semaphore(%run_scoped3A_266 : memref<!tpu.dma_semaphore, #tpu.memory_space<semaphore_mem>>) src(%arg9 : memref<128x128xf32, #tpu.memory_space<vmem>>) dst(%dma_wait3A_278 : memref<10112x128xf32, #tpu.memory_space<vmem_shared>>)
        tpu.yield
      }) : () -> ()
      %dma_start3A_153 = arith.constant 9 : i32
      %dma_start3A_154 = arith.constant 0 : i32
      %dma_start3A_155 = tpu.memref_slice %arg6[%dma_start3A_153, %dma_start3A_154] : memref<16x128xi32, #tpu.memory_space<vmem>> -> memref<1x128xi32, #tpu.memory_space<vmem>>
      %dma_start3A_156 = tpu.memref_squeeze %dma_start3A_155 : memref<1x128xi32, #tpu.memory_space<vmem>> -> memref<128xi32, #tpu.memory_space<vmem>>
      %dma_start3A_157 = arith.constant 0 : i32
      %dma_start3A_158 = arith.constant 0 : i32
      %dma_start3A_159 = tpu.memref_slice %arg2[%dma_start3A_157, %dma_start3A_158] : memref<20000x128xf32, #tpu.memory_space<hbm>> -> memref<20000x128xf32, #tpu.memory_space<hbm>>
      tpu.enqueue_indirect_dma source(%dma_start3A_159 : memref<20000x128xf32, #tpu.memory_space<hbm>>) target(%arg9 : memref<128x128xf32, #tpu.memory_space<vmem>>) offsets(%dma_start3A_156 : memref<128xi32, #tpu.memory_space<vmem>>) semaphore(%arg12 : memref<!tpu.dma_semaphore, #tpu.memory_space<semaphore_mem>>)
      %dma_wait3A_160 = arith.constant 8 : i32
      %dma_wait3A_161 = arith.constant 0 : i32
      %dma_wait3A_162 = tpu.memref_slice %arg6[%dma_wait3A_160, %dma_wait3A_161] : memref<16x128xi32, #tpu.memory_space<vmem>> -> memref<1x128xi32, #tpu.memory_space<vmem>>
      %dma_wait3A_163 = tpu.memref_squeeze %dma_wait3A_162 : memref<1x128xi32, #tpu.memory_space<vmem>> -> memref<128xi32, #tpu.memory_space<vmem>>
      %dma_wait3A_164 = arith.constant 0 : i32
      %dma_wait3A_165 = arith.constant 0 : i32
      %dma_wait3A_166 = tpu.memref_slice %arg2[%dma_wait3A_164, %dma_wait3A_165] : memref<20000x128xf32, #tpu.memory_space<hbm>> -> memref<20000x128xf32, #tpu.memory_space<hbm>>
      tpu.wait_indirect_dma semaphore(%arg11 : memref<!tpu.dma_semaphore, #tpu.memory_space<semaphore_mem>>) src(%dma_wait3A_166 : memref<20000x128xf32, #tpu.memory_space<hbm>>) dst(%arg8 : memref<128x128xf32, #tpu.memory_space<vmem>>)
      %run_scoped3A_167 = arith.constant 8 : i32
      "tpu.region"() ({
        %run_scoped3A_266 = tpu.sem_alloc : memref<!tpu.dma_semaphore, #tpu.memory_space<semaphore_mem>>
        %dma_start3A_267 = arith.constant 0 : i32
        %dma_start3A_268 = tpu.memref_slice %arg7[%run_scoped3A_167, %dma_start3A_267] : memref<16x128xi32, #tpu.memory_space<vmem>> -> memref<1x128xi32, #tpu.memory_space<vmem>>
        %dma_start3A_269 = tpu.memref_squeeze %dma_start3A_268 : memref<1x128xi32, #tpu.memory_space<vmem>> -> memref<128xi32, #tpu.memory_space<vmem>>
        %dma_start3A_270 = arith.constant 0 : i32
        %dma_start3A_271 = arith.constant 0 : i32
        %dma_start3A_272 = tpu.memref_slice %arg10[%dma_start3A_270, %dma_start3A_271] : memref<10112x128xf32, #tpu.memory_space<vmem_shared>> -> memref<10112x128xf32, #tpu.memory_space<vmem_shared>>
        tpu.enqueue_indirect_dma source(%arg8 : memref<128x128xf32, #tpu.memory_space<vmem>>) target(%dma_start3A_272 : memref<10112x128xf32, #tpu.memory_space<vmem_shared>>) offsets(%dma_start3A_269 : memref<128xi32, #tpu.memory_space<vmem>>) semaphore(%run_scoped3A_266 : memref<!tpu.dma_semaphore, #tpu.memory_space<semaphore_mem>>) {add = true}
        %dma_wait3A_273 = arith.constant 0 : i32
        %dma_wait3A_274 = tpu.memref_slice %arg7[%run_scoped3A_167, %dma_wait3A_273] : memref<16x128xi32, #tpu.memory_space<vmem>> -> memref<1x128xi32, #tpu.memory_space<vmem>>
        %dma_wait3A_275 = tpu.memref_squeeze %dma_wait3A_274 : memref<1x128xi32, #tpu.memory_space<vmem>> -> memref<128xi32, #tpu.memory_space<vmem>>
        %dma_wait3A_276 = arith.constant 0 : i32
        %dma_wait3A_277 = arith.constant 0 : i32
        %dma_wait3A_278 = tpu.memref_slice %arg10[%dma_wait3A_276, %dma_wait3A_277] : memref<10112x128xf32, #tpu.memory_space<vmem_shared>> -> memref<10112x128xf32, #tpu.memory_space<vmem_shared>>
        tpu.wait_indirect_dma semaphore(%run_scoped3A_266 : memref<!tpu.dma_semaphore, #tpu.memory_space<semaphore_mem>>) src(%arg8 : memref<128x128xf32, #tpu.memory_space<vmem>>) dst(%dma_wait3A_278 : memref<10112x128xf32, #tpu.memory_space<vmem_shared>>)
        tpu.yield
      }) : () -> ()
      %dma_start3A_168 = arith.constant 10 : i32
      %dma_start3A_169 = arith.constant 0 : i32
      %dma_start3A_170 = tpu.memref_slice %arg6[%dma_start3A_168, %dma_start3A_169] : memref<16x128xi32, #tpu.memory_space<vmem>> -> memref<1x128xi32, #tpu.memory_space<vmem>>
      %dma_start3A_171 = tpu.memref_squeeze %dma_start3A_170 : memref<1x128xi32, #tpu.memory_space<vmem>> -> memref<128xi32, #tpu.memory_space<vmem>>
      %dma_start3A_172 = arith.constant 0 : i32
      %dma_start3A_173 = arith.constant 0 : i32
      %dma_start3A_174 = tpu.memref_slice %arg2[%dma_start3A_172, %dma_start3A_173] : memref<20000x128xf32, #tpu.memory_space<hbm>> -> memref<20000x128xf32, #tpu.memory_space<hbm>>
      tpu.enqueue_indirect_dma source(%dma_start3A_174 : memref<20000x128xf32, #tpu.memory_space<hbm>>) target(%arg8 : memref<128x128xf32, #tpu.memory_space<vmem>>) offsets(%dma_start3A_171 : memref<128xi32, #tpu.memory_space<vmem>>) semaphore(%arg11 : memref<!tpu.dma_semaphore, #tpu.memory_space<semaphore_mem>>)
      %dma_wait3A_175 = arith.constant 9 : i32
      %dma_wait3A_176 = arith.constant 0 : i32
      %dma_wait3A_177 = tpu.memref_slice %arg6[%dma_wait3A_175, %dma_wait3A_176] : memref<16x128xi32, #tpu.memory_space<vmem>> -> memref<1x128xi32, #tpu.memory_space<vmem>>
      %dma_wait3A_178 = tpu.memref_squeeze %dma_wait3A_177 : memref<1x128xi32, #tpu.memory_space<vmem>> -> memref<128xi32, #tpu.memory_space<vmem>>
      %dma_wait3A_179 = arith.constant 0 : i32
      %dma_wait3A_180 = arith.constant 0 : i32
      %dma_wait3A_181 = tpu.memref_slice %arg2[%dma_wait3A_179, %dma_wait3A_180] : memref<20000x128xf32, #tpu.memory_space<hbm>> -> memref<20000x128xf32, #tpu.memory_space<hbm>>
      tpu.wait_indirect_dma semaphore(%arg12 : memref<!tpu.dma_semaphore, #tpu.memory_space<semaphore_mem>>) src(%dma_wait3A_181 : memref<20000x128xf32, #tpu.memory_space<hbm>>) dst(%arg9 : memref<128x128xf32, #tpu.memory_space<vmem>>)
      %run_scoped3A_182 = arith.constant 9 : i32
      "tpu.region"() ({
        %run_scoped3A_266 = tpu.sem_alloc : memref<!tpu.dma_semaphore, #tpu.memory_space<semaphore_mem>>
        %dma_start3A_267 = arith.constant 0 : i32
        %dma_start3A_268 = tpu.memref_slice %arg7[%run_scoped3A_182, %dma_start3A_267] : memref<16x128xi32, #tpu.memory_space<vmem>> -> memref<1x128xi32, #tpu.memory_space<vmem>>
        %dma_start3A_269 = tpu.memref_squeeze %dma_start3A_268 : memref<1x128xi32, #tpu.memory_space<vmem>> -> memref<128xi32, #tpu.memory_space<vmem>>
        %dma_start3A_270 = arith.constant 0 : i32
        %dma_start3A_271 = arith.constant 0 : i32
        %dma_start3A_272 = tpu.memref_slice %arg10[%dma_start3A_270, %dma_start3A_271] : memref<10112x128xf32, #tpu.memory_space<vmem_shared>> -> memref<10112x128xf32, #tpu.memory_space<vmem_shared>>
        tpu.enqueue_indirect_dma source(%arg9 : memref<128x128xf32, #tpu.memory_space<vmem>>) target(%dma_start3A_272 : memref<10112x128xf32, #tpu.memory_space<vmem_shared>>) offsets(%dma_start3A_269 : memref<128xi32, #tpu.memory_space<vmem>>) semaphore(%run_scoped3A_266 : memref<!tpu.dma_semaphore, #tpu.memory_space<semaphore_mem>>) {add = true}
        %dma_wait3A_273 = arith.constant 0 : i32
        %dma_wait3A_274 = tpu.memref_slice %arg7[%run_scoped3A_182, %dma_wait3A_273] : memref<16x128xi32, #tpu.memory_space<vmem>> -> memref<1x128xi32, #tpu.memory_space<vmem>>
        %dma_wait3A_275 = tpu.memref_squeeze %dma_wait3A_274 : memref<1x128xi32, #tpu.memory_space<vmem>> -> memref<128xi32, #tpu.memory_space<vmem>>
        %dma_wait3A_276 = arith.constant 0 : i32
        %dma_wait3A_277 = arith.constant 0 : i32
        %dma_wait3A_278 = tpu.memref_slice %arg10[%dma_wait3A_276, %dma_wait3A_277] : memref<10112x128xf32, #tpu.memory_space<vmem_shared>> -> memref<10112x128xf32, #tpu.memory_space<vmem_shared>>
        tpu.wait_indirect_dma semaphore(%run_scoped3A_266 : memref<!tpu.dma_semaphore, #tpu.memory_space<semaphore_mem>>) src(%arg9 : memref<128x128xf32, #tpu.memory_space<vmem>>) dst(%dma_wait3A_278 : memref<10112x128xf32, #tpu.memory_space<vmem_shared>>)
        tpu.yield
      }) : () -> ()
      %dma_start3A_183 = arith.constant 11 : i32
      %dma_start3A_184 = arith.constant 0 : i32
      %dma_start3A_185 = tpu.memref_slice %arg6[%dma_start3A_183, %dma_start3A_184] : memref<16x128xi32, #tpu.memory_space<vmem>> -> memref<1x128xi32, #tpu.memory_space<vmem>>
      %dma_start3A_186 = tpu.memref_squeeze %dma_start3A_185 : memref<1x128xi32, #tpu.memory_space<vmem>> -> memref<128xi32, #tpu.memory_space<vmem>>
      %dma_start3A_187 = arith.constant 0 : i32
      %dma_start3A_188 = arith.constant 0 : i32
      %dma_start3A_189 = tpu.memref_slice %arg2[%dma_start3A_187, %dma_start3A_188] : memref<20000x128xf32, #tpu.memory_space<hbm>> -> memref<20000x128xf32, #tpu.memory_space<hbm>>
      tpu.enqueue_indirect_dma source(%dma_start3A_189 : memref<20000x128xf32, #tpu.memory_space<hbm>>) target(%arg9 : memref<128x128xf32, #tpu.memory_space<vmem>>) offsets(%dma_start3A_186 : memref<128xi32, #tpu.memory_space<vmem>>) semaphore(%arg12 : memref<!tpu.dma_semaphore, #tpu.memory_space<semaphore_mem>>)
      %dma_wait3A_190 = arith.constant 10 : i32
      %dma_wait3A_191 = arith.constant 0 : i32
      %dma_wait3A_192 = tpu.memref_slice %arg6[%dma_wait3A_190, %dma_wait3A_191] : memref<16x128xi32, #tpu.memory_space<vmem>> -> memref<1x128xi32, #tpu.memory_space<vmem>>
      %dma_wait3A_193 = tpu.memref_squeeze %dma_wait3A_192 : memref<1x128xi32, #tpu.memory_space<vmem>> -> memref<128xi32, #tpu.memory_space<vmem>>
      %dma_wait3A_194 = arith.constant 0 : i32
      %dma_wait3A_195 = arith.constant 0 : i32
      %dma_wait3A_196 = tpu.memref_slice %arg2[%dma_wait3A_194, %dma_wait3A_195] : memref<20000x128xf32, #tpu.memory_space<hbm>> -> memref<20000x128xf32, #tpu.memory_space<hbm>>
      tpu.wait_indirect_dma semaphore(%arg11 : memref<!tpu.dma_semaphore, #tpu.memory_space<semaphore_mem>>) src(%dma_wait3A_196 : memref<20000x128xf32, #tpu.memory_space<hbm>>) dst(%arg8 : memref<128x128xf32, #tpu.memory_space<vmem>>)
      %run_scoped3A_197 = arith.constant 10 : i32
      "tpu.region"() ({
        %run_scoped3A_266 = tpu.sem_alloc : memref<!tpu.dma_semaphore, #tpu.memory_space<semaphore_mem>>
        %dma_start3A_267 = arith.constant 0 : i32
        %dma_start3A_268 = tpu.memref_slice %arg7[%run_scoped3A_197, %dma_start3A_267] : memref<16x128xi32, #tpu.memory_space<vmem>> -> memref<1x128xi32, #tpu.memory_space<vmem>>
        %dma_start3A_269 = tpu.memref_squeeze %dma_start3A_268 : memref<1x128xi32, #tpu.memory_space<vmem>> -> memref<128xi32, #tpu.memory_space<vmem>>
        %dma_start3A_270 = arith.constant 0 : i32
        %dma_start3A_271 = arith.constant 0 : i32
        %dma_start3A_272 = tpu.memref_slice %arg10[%dma_start3A_270, %dma_start3A_271] : memref<10112x128xf32, #tpu.memory_space<vmem_shared>> -> memref<10112x128xf32, #tpu.memory_space<vmem_shared>>
        tpu.enqueue_indirect_dma source(%arg8 : memref<128x128xf32, #tpu.memory_space<vmem>>) target(%dma_start3A_272 : memref<10112x128xf32, #tpu.memory_space<vmem_shared>>) offsets(%dma_start3A_269 : memref<128xi32, #tpu.memory_space<vmem>>) semaphore(%run_scoped3A_266 : memref<!tpu.dma_semaphore, #tpu.memory_space<semaphore_mem>>) {add = true}
        %dma_wait3A_273 = arith.constant 0 : i32
        %dma_wait3A_274 = tpu.memref_slice %arg7[%run_scoped3A_197, %dma_wait3A_273] : memref<16x128xi32, #tpu.memory_space<vmem>> -> memref<1x128xi32, #tpu.memory_space<vmem>>
        %dma_wait3A_275 = tpu.memref_squeeze %dma_wait3A_274 : memref<1x128xi32, #tpu.memory_space<vmem>> -> memref<128xi32, #tpu.memory_space<vmem>>
        %dma_wait3A_276 = arith.constant 0 : i32
        %dma_wait3A_277 = arith.constant 0 : i32
        %dma_wait3A_278 = tpu.memref_slice %arg10[%dma_wait3A_276, %dma_wait3A_277] : memref<10112x128xf32, #tpu.memory_space<vmem_shared>> -> memref<10112x128xf32, #tpu.memory_space<vmem_shared>>
        tpu.wait_indirect_dma semaphore(%run_scoped3A_266 : memref<!tpu.dma_semaphore, #tpu.memory_space<semaphore_mem>>) src(%arg8 : memref<128x128xf32, #tpu.memory_space<vmem>>) dst(%dma_wait3A_278 : memref<10112x128xf32, #tpu.memory_space<vmem_shared>>)
        tpu.yield
      }) : () -> ()
      %dma_start3A_198 = arith.constant 12 : i32
      %dma_start3A_199 = arith.constant 0 : i32
      %dma_start3A_200 = tpu.memref_slice %arg6[%dma_start3A_198, %dma_start3A_199] : memref<16x128xi32, #tpu.memory_space<vmem>> -> memref<1x128xi32, #tpu.memory_space<vmem>>
      %dma_start3A_201 = tpu.memref_squeeze %dma_start3A_200 : memref<1x128xi32, #tpu.memory_space<vmem>> -> memref<128xi32, #tpu.memory_space<vmem>>
      %dma_start3A_202 = arith.constant 0 : i32
      %dma_start3A_203 = arith.constant 0 : i32
      %dma_start3A_204 = tpu.memref_slice %arg2[%dma_start3A_202, %dma_start3A_203] : memref<20000x128xf32, #tpu.memory_space<hbm>> -> memref<20000x128xf32, #tpu.memory_space<hbm>>
      tpu.enqueue_indirect_dma source(%dma_start3A_204 : memref<20000x128xf32, #tpu.memory_space<hbm>>) target(%arg8 : memref<128x128xf32, #tpu.memory_space<vmem>>) offsets(%dma_start3A_201 : memref<128xi32, #tpu.memory_space<vmem>>) semaphore(%arg11 : memref<!tpu.dma_semaphore, #tpu.memory_space<semaphore_mem>>)
      %dma_wait3A_205 = arith.constant 11 : i32
      %dma_wait3A_206 = arith.constant 0 : i32
      %dma_wait3A_207 = tpu.memref_slice %arg6[%dma_wait3A_205, %dma_wait3A_206] : memref<16x128xi32, #tpu.memory_space<vmem>> -> memref<1x128xi32, #tpu.memory_space<vmem>>
      %dma_wait3A_208 = tpu.memref_squeeze %dma_wait3A_207 : memref<1x128xi32, #tpu.memory_space<vmem>> -> memref<128xi32, #tpu.memory_space<vmem>>
      %dma_wait3A_209 = arith.constant 0 : i32
      %dma_wait3A_210 = arith.constant 0 : i32
      %dma_wait3A_211 = tpu.memref_slice %arg2[%dma_wait3A_209, %dma_wait3A_210] : memref<20000x128xf32, #tpu.memory_space<hbm>> -> memref<20000x128xf32, #tpu.memory_space<hbm>>
      tpu.wait_indirect_dma semaphore(%arg12 : memref<!tpu.dma_semaphore, #tpu.memory_space<semaphore_mem>>) src(%dma_wait3A_211 : memref<20000x128xf32, #tpu.memory_space<hbm>>) dst(%arg9 : memref<128x128xf32, #tpu.memory_space<vmem>>)
      %run_scoped3A_212 = arith.constant 11 : i32
      "tpu.region"() ({
        %run_scoped3A_266 = tpu.sem_alloc : memref<!tpu.dma_semaphore, #tpu.memory_space<semaphore_mem>>
        %dma_start3A_267 = arith.constant 0 : i32
        %dma_start3A_268 = tpu.memref_slice %arg7[%run_scoped3A_212, %dma_start3A_267] : memref<16x128xi32, #tpu.memory_space<vmem>> -> memref<1x128xi32, #tpu.memory_space<vmem>>
        %dma_start3A_269 = tpu.memref_squeeze %dma_start3A_268 : memref<1x128xi32, #tpu.memory_space<vmem>> -> memref<128xi32, #tpu.memory_space<vmem>>
        %dma_start3A_270 = arith.constant 0 : i32
        %dma_start3A_271 = arith.constant 0 : i32
        %dma_start3A_272 = tpu.memref_slice %arg10[%dma_start3A_270, %dma_start3A_271] : memref<10112x128xf32, #tpu.memory_space<vmem_shared>> -> memref<10112x128xf32, #tpu.memory_space<vmem_shared>>
        tpu.enqueue_indirect_dma source(%arg9 : memref<128x128xf32, #tpu.memory_space<vmem>>) target(%dma_start3A_272 : memref<10112x128xf32, #tpu.memory_space<vmem_shared>>) offsets(%dma_start3A_269 : memref<128xi32, #tpu.memory_space<vmem>>) semaphore(%run_scoped3A_266 : memref<!tpu.dma_semaphore, #tpu.memory_space<semaphore_mem>>) {add = true}
        %dma_wait3A_273 = arith.constant 0 : i32
        %dma_wait3A_274 = tpu.memref_slice %arg7[%run_scoped3A_212, %dma_wait3A_273] : memref<16x128xi32, #tpu.memory_space<vmem>> -> memref<1x128xi32, #tpu.memory_space<vmem>>
        %dma_wait3A_275 = tpu.memref_squeeze %dma_wait3A_274 : memref<1x128xi32, #tpu.memory_space<vmem>> -> memref<128xi32, #tpu.memory_space<vmem>>
        %dma_wait3A_276 = arith.constant 0 : i32
        %dma_wait3A_277 = arith.constant 0 : i32
        %dma_wait3A_278 = tpu.memref_slice %arg10[%dma_wait3A_276, %dma_wait3A_277] : memref<10112x128xf32, #tpu.memory_space<vmem_shared>> -> memref<10112x128xf32, #tpu.memory_space<vmem_shared>>
        tpu.wait_indirect_dma semaphore(%run_scoped3A_266 : memref<!tpu.dma_semaphore, #tpu.memory_space<semaphore_mem>>) src(%arg9 : memref<128x128xf32, #tpu.memory_space<vmem>>) dst(%dma_wait3A_278 : memref<10112x128xf32, #tpu.memory_space<vmem_shared>>)
        tpu.yield
      }) : () -> ()
      %dma_start3A_213 = arith.constant 13 : i32
      %dma_start3A_214 = arith.constant 0 : i32
      %dma_start3A_215 = tpu.memref_slice %arg6[%dma_start3A_213, %dma_start3A_214] : memref<16x128xi32, #tpu.memory_space<vmem>> -> memref<1x128xi32, #tpu.memory_space<vmem>>
      %dma_start3A_216 = tpu.memref_squeeze %dma_start3A_215 : memref<1x128xi32, #tpu.memory_space<vmem>> -> memref<128xi32, #tpu.memory_space<vmem>>
      %dma_start3A_217 = arith.constant 0 : i32
      %dma_start3A_218 = arith.constant 0 : i32
      %dma_start3A_219 = tpu.memref_slice %arg2[%dma_start3A_217, %dma_start3A_218] : memref<20000x128xf32, #tpu.memory_space<hbm>> -> memref<20000x128xf32, #tpu.memory_space<hbm>>
      tpu.enqueue_indirect_dma source(%dma_start3A_219 : memref<20000x128xf32, #tpu.memory_space<hbm>>) target(%arg9 : memref<128x128xf32, #tpu.memory_space<vmem>>) offsets(%dma_start3A_216 : memref<128xi32, #tpu.memory_space<vmem>>) semaphore(%arg12 : memref<!tpu.dma_semaphore, #tpu.memory_space<semaphore_mem>>)
      %dma_wait3A_220 = arith.constant 12 : i32
      %dma_wait3A_221 = arith.constant 0 : i32
      %dma_wait3A_222 = tpu.memref_slice %arg6[%dma_wait3A_220, %dma_wait3A_221] : memref<16x128xi32, #tpu.memory_space<vmem>> -> memref<1x128xi32, #tpu.memory_space<vmem>>
      %dma_wait3A_223 = tpu.memref_squeeze %dma_wait3A_222 : memref<1x128xi32, #tpu.memory_space<vmem>> -> memref<128xi32, #tpu.memory_space<vmem>>
      %dma_wait3A_224 = arith.constant 0 : i32
      %dma_wait3A_225 = arith.constant 0 : i32
      %dma_wait3A_226 = tpu.memref_slice %arg2[%dma_wait3A_224, %dma_wait3A_225] : memref<20000x128xf32, #tpu.memory_space<hbm>> -> memref<20000x128xf32, #tpu.memory_space<hbm>>
      tpu.wait_indirect_dma semaphore(%arg11 : memref<!tpu.dma_semaphore, #tpu.memory_space<semaphore_mem>>) src(%dma_wait3A_226 : memref<20000x128xf32, #tpu.memory_space<hbm>>) dst(%arg8 : memref<128x128xf32, #tpu.memory_space<vmem>>)
      %run_scoped3A_227 = arith.constant 12 : i32
      "tpu.region"() ({
        %run_scoped3A_266 = tpu.sem_alloc : memref<!tpu.dma_semaphore, #tpu.memory_space<semaphore_mem>>
        %dma_start3A_267 = arith.constant 0 : i32
        %dma_start3A_268 = tpu.memref_slice %arg7[%run_scoped3A_227, %dma_start3A_267] : memref<16x128xi32, #tpu.memory_space<vmem>> -> memref<1x128xi32, #tpu.memory_space<vmem>>
        %dma_start3A_269 = tpu.memref_squeeze %dma_start3A_268 : memref<1x128xi32, #tpu.memory_space<vmem>> -> memref<128xi32, #tpu.memory_space<vmem>>
        %dma_start3A_270 = arith.constant 0 : i32
        %dma_start3A_271 = arith.constant 0 : i32
        %dma_start3A_272 = tpu.memref_slice %arg10[%dma_start3A_270, %dma_start3A_271] : memref<10112x128xf32, #tpu.memory_space<vmem_shared>> -> memref<10112x128xf32, #tpu.memory_space<vmem_shared>>
        tpu.enqueue_indirect_dma source(%arg8 : memref<128x128xf32, #tpu.memory_space<vmem>>) target(%dma_start3A_272 : memref<10112x128xf32, #tpu.memory_space<vmem_shared>>) offsets(%dma_start3A_269 : memref<128xi32, #tpu.memory_space<vmem>>) semaphore(%run_scoped3A_266 : memref<!tpu.dma_semaphore, #tpu.memory_space<semaphore_mem>>) {add = true}
        %dma_wait3A_273 = arith.constant 0 : i32
        %dma_wait3A_274 = tpu.memref_slice %arg7[%run_scoped3A_227, %dma_wait3A_273] : memref<16x128xi32, #tpu.memory_space<vmem>> -> memref<1x128xi32, #tpu.memory_space<vmem>>
        %dma_wait3A_275 = tpu.memref_squeeze %dma_wait3A_274 : memref<1x128xi32, #tpu.memory_space<vmem>> -> memref<128xi32, #tpu.memory_space<vmem>>
        %dma_wait3A_276 = arith.constant 0 : i32
        %dma_wait3A_277 = arith.constant 0 : i32
        %dma_wait3A_278 = tpu.memref_slice %arg10[%dma_wait3A_276, %dma_wait3A_277] : memref<10112x128xf32, #tpu.memory_space<vmem_shared>> -> memref<10112x128xf32, #tpu.memory_space<vmem_shared>>
        tpu.wait_indirect_dma semaphore(%run_scoped3A_266 : memref<!tpu.dma_semaphore, #tpu.memory_space<semaphore_mem>>) src(%arg8 : memref<128x128xf32, #tpu.memory_space<vmem>>) dst(%dma_wait3A_278 : memref<10112x128xf32, #tpu.memory_space<vmem_shared>>)
        tpu.yield
      }) : () -> ()
      %dma_start3A_228 = arith.constant 14 : i32
      %dma_start3A_229 = arith.constant 0 : i32
      %dma_start3A_230 = tpu.memref_slice %arg6[%dma_start3A_228, %dma_start3A_229] : memref<16x128xi32, #tpu.memory_space<vmem>> -> memref<1x128xi32, #tpu.memory_space<vmem>>
      %dma_start3A_231 = tpu.memref_squeeze %dma_start3A_230 : memref<1x128xi32, #tpu.memory_space<vmem>> -> memref<128xi32, #tpu.memory_space<vmem>>
      %dma_start3A_232 = arith.constant 0 : i32
      %dma_start3A_233 = arith.constant 0 : i32
      %dma_start3A_234 = tpu.memref_slice %arg2[%dma_start3A_232, %dma_start3A_233] : memref<20000x128xf32, #tpu.memory_space<hbm>> -> memref<20000x128xf32, #tpu.memory_space<hbm>>
      tpu.enqueue_indirect_dma source(%dma_start3A_234 : memref<20000x128xf32, #tpu.memory_space<hbm>>) target(%arg8 : memref<128x128xf32, #tpu.memory_space<vmem>>) offsets(%dma_start3A_231 : memref<128xi32, #tpu.memory_space<vmem>>) semaphore(%arg11 : memref<!tpu.dma_semaphore, #tpu.memory_space<semaphore_mem>>)
      %dma_wait3A_235 = arith.constant 13 : i32
      %dma_wait3A_236 = arith.constant 0 : i32
      %dma_wait3A_237 = tpu.memref_slice %arg6[%dma_wait3A_235, %dma_wait3A_236] : memref<16x128xi32, #tpu.memory_space<vmem>> -> memref<1x128xi32, #tpu.memory_space<vmem>>
      %dma_wait3A_238 = tpu.memref_squeeze %dma_wait3A_237 : memref<1x128xi32, #tpu.memory_space<vmem>> -> memref<128xi32, #tpu.memory_space<vmem>>
      %dma_wait3A_239 = arith.constant 0 : i32
      %dma_wait3A_240 = arith.constant 0 : i32
      %dma_wait3A_241 = tpu.memref_slice %arg2[%dma_wait3A_239, %dma_wait3A_240] : memref<20000x128xf32, #tpu.memory_space<hbm>> -> memref<20000x128xf32, #tpu.memory_space<hbm>>
      tpu.wait_indirect_dma semaphore(%arg12 : memref<!tpu.dma_semaphore, #tpu.memory_space<semaphore_mem>>) src(%dma_wait3A_241 : memref<20000x128xf32, #tpu.memory_space<hbm>>) dst(%arg9 : memref<128x128xf32, #tpu.memory_space<vmem>>)
      %run_scoped3A_242 = arith.constant 13 : i32
      "tpu.region"() ({
        %run_scoped3A_266 = tpu.sem_alloc : memref<!tpu.dma_semaphore, #tpu.memory_space<semaphore_mem>>
        %dma_start3A_267 = arith.constant 0 : i32
        %dma_start3A_268 = tpu.memref_slice %arg7[%run_scoped3A_242, %dma_start3A_267] : memref<16x128xi32, #tpu.memory_space<vmem>> -> memref<1x128xi32, #tpu.memory_space<vmem>>
        %dma_start3A_269 = tpu.memref_squeeze %dma_start3A_268 : memref<1x128xi32, #tpu.memory_space<vmem>> -> memref<128xi32, #tpu.memory_space<vmem>>
        %dma_start3A_270 = arith.constant 0 : i32
        %dma_start3A_271 = arith.constant 0 : i32
        %dma_start3A_272 = tpu.memref_slice %arg10[%dma_start3A_270, %dma_start3A_271] : memref<10112x128xf32, #tpu.memory_space<vmem_shared>> -> memref<10112x128xf32, #tpu.memory_space<vmem_shared>>
        tpu.enqueue_indirect_dma source(%arg9 : memref<128x128xf32, #tpu.memory_space<vmem>>) target(%dma_start3A_272 : memref<10112x128xf32, #tpu.memory_space<vmem_shared>>) offsets(%dma_start3A_269 : memref<128xi32, #tpu.memory_space<vmem>>) semaphore(%run_scoped3A_266 : memref<!tpu.dma_semaphore, #tpu.memory_space<semaphore_mem>>) {add = true}
        %dma_wait3A_273 = arith.constant 0 : i32
        %dma_wait3A_274 = tpu.memref_slice %arg7[%run_scoped3A_242, %dma_wait3A_273] : memref<16x128xi32, #tpu.memory_space<vmem>> -> memref<1x128xi32, #tpu.memory_space<vmem>>
        %dma_wait3A_275 = tpu.memref_squeeze %dma_wait3A_274 : memref<1x128xi32, #tpu.memory_space<vmem>> -> memref<128xi32, #tpu.memory_space<vmem>>
        %dma_wait3A_276 = arith.constant 0 : i32
        %dma_wait3A_277 = arith.constant 0 : i32
        %dma_wait3A_278 = tpu.memref_slice %arg10[%dma_wait3A_276, %dma_wait3A_277] : memref<10112x128xf32, #tpu.memory_space<vmem_shared>> -> memref<10112x128xf32, #tpu.memory_space<vmem_shared>>
        tpu.wait_indirect_dma semaphore(%run_scoped3A_266 : memref<!tpu.dma_semaphore, #tpu.memory_space<semaphore_mem>>) src(%arg9 : memref<128x128xf32, #tpu.memory_space<vmem>>) dst(%dma_wait3A_278 : memref<10112x128xf32, #tpu.memory_space<vmem_shared>>)
        tpu.yield
      }) : () -> ()
      %dma_start3A_243 = arith.constant 15 : i32
      %dma_start3A_244 = arith.constant 0 : i32
      %dma_start3A_245 = tpu.memref_slice %arg6[%dma_start3A_243, %dma_start3A_244] : memref<16x128xi32, #tpu.memory_space<vmem>> -> memref<1x128xi32, #tpu.memory_space<vmem>>
      %dma_start3A_246 = tpu.memref_squeeze %dma_start3A_245 : memref<1x128xi32, #tpu.memory_space<vmem>> -> memref<128xi32, #tpu.memory_space<vmem>>
      %dma_start3A_247 = arith.constant 0 : i32
      %dma_start3A_248 = arith.constant 0 : i32
      %dma_start3A_249 = tpu.memref_slice %arg2[%dma_start3A_247, %dma_start3A_248] : memref<20000x128xf32, #tpu.memory_space<hbm>> -> memref<20000x128xf32, #tpu.memory_space<hbm>>
      tpu.enqueue_indirect_dma source(%dma_start3A_249 : memref<20000x128xf32, #tpu.memory_space<hbm>>) target(%arg9 : memref<128x128xf32, #tpu.memory_space<vmem>>) offsets(%dma_start3A_246 : memref<128xi32, #tpu.memory_space<vmem>>) semaphore(%arg12 : memref<!tpu.dma_semaphore, #tpu.memory_space<semaphore_mem>>)
      %dma_wait3A_250 = arith.constant 14 : i32
      %dma_wait3A_251 = arith.constant 0 : i32
      %dma_wait3A_252 = tpu.memref_slice %arg6[%dma_wait3A_250, %dma_wait3A_251] : memref<16x128xi32, #tpu.memory_space<vmem>> -> memref<1x128xi32, #tpu.memory_space<vmem>>
      %dma_wait3A_253 = tpu.memref_squeeze %dma_wait3A_252 : memref<1x128xi32, #tpu.memory_space<vmem>> -> memref<128xi32, #tpu.memory_space<vmem>>
      %dma_wait3A_254 = arith.constant 0 : i32
      %dma_wait3A_255 = arith.constant 0 : i32
      %dma_wait3A_256 = tpu.memref_slice %arg2[%dma_wait3A_254, %dma_wait3A_255] : memref<20000x128xf32, #tpu.memory_space<hbm>> -> memref<20000x128xf32, #tpu.memory_space<hbm>>
      tpu.wait_indirect_dma semaphore(%arg11 : memref<!tpu.dma_semaphore, #tpu.memory_space<semaphore_mem>>) src(%dma_wait3A_256 : memref<20000x128xf32, #tpu.memory_space<hbm>>) dst(%arg8 : memref<128x128xf32, #tpu.memory_space<vmem>>)
      %run_scoped3A_257 = arith.constant 14 : i32
      "tpu.region"() ({
        %run_scoped3A_266 = tpu.sem_alloc : memref<!tpu.dma_semaphore, #tpu.memory_space<semaphore_mem>>
        %dma_start3A_267 = arith.constant 0 : i32
        %dma_start3A_268 = tpu.memref_slice %arg7[%run_scoped3A_257, %dma_start3A_267] : memref<16x128xi32, #tpu.memory_space<vmem>> -> memref<1x128xi32, #tpu.memory_space<vmem>>
        %dma_start3A_269 = tpu.memref_squeeze %dma_start3A_268 : memref<1x128xi32, #tpu.memory_space<vmem>> -> memref<128xi32, #tpu.memory_space<vmem>>
        %dma_start3A_270 = arith.constant 0 : i32
        %dma_start3A_271 = arith.constant 0 : i32
        %dma_start3A_272 = tpu.memref_slice %arg10[%dma_start3A_270, %dma_start3A_271] : memref<10112x128xf32, #tpu.memory_space<vmem_shared>> -> memref<10112x128xf32, #tpu.memory_space<vmem_shared>>
        tpu.enqueue_indirect_dma source(%arg8 : memref<128x128xf32, #tpu.memory_space<vmem>>) target(%dma_start3A_272 : memref<10112x128xf32, #tpu.memory_space<vmem_shared>>) offsets(%dma_start3A_269 : memref<128xi32, #tpu.memory_space<vmem>>) semaphore(%run_scoped3A_266 : memref<!tpu.dma_semaphore, #tpu.memory_space<semaphore_mem>>) {add = true}
        %dma_wait3A_273 = arith.constant 0 : i32
        %dma_wait3A_274 = tpu.memref_slice %arg7[%run_scoped3A_257, %dma_wait3A_273] : memref<16x128xi32, #tpu.memory_space<vmem>> -> memref<1x128xi32, #tpu.memory_space<vmem>>
        %dma_wait3A_275 = tpu.memref_squeeze %dma_wait3A_274 : memref<1x128xi32, #tpu.memory_space<vmem>> -> memref<128xi32, #tpu.memory_space<vmem>>
        %dma_wait3A_276 = arith.constant 0 : i32
        %dma_wait3A_277 = arith.constant 0 : i32
        %dma_wait3A_278 = tpu.memref_slice %arg10[%dma_wait3A_276, %dma_wait3A_277] : memref<10112x128xf32, #tpu.memory_space<vmem_shared>> -> memref<10112x128xf32, #tpu.memory_space<vmem_shared>>
        tpu.wait_indirect_dma semaphore(%run_scoped3A_266 : memref<!tpu.dma_semaphore, #tpu.memory_space<semaphore_mem>>) src(%arg8 : memref<128x128xf32, #tpu.memory_space<vmem>>) dst(%dma_wait3A_278 : memref<10112x128xf32, #tpu.memory_space<vmem_shared>>)
        tpu.yield
      }) : () -> ()
      %dma_wait3A_258 = arith.constant 15 : i32
      %dma_wait3A_259 = arith.constant 0 : i32
      %dma_wait3A_260 = tpu.memref_slice %arg6[%dma_wait3A_258, %dma_wait3A_259] : memref<16x128xi32, #tpu.memory_space<vmem>> -> memref<1x128xi32, #tpu.memory_space<vmem>>
      %dma_wait3A_261 = tpu.memref_squeeze %dma_wait3A_260 : memref<1x128xi32, #tpu.memory_space<vmem>> -> memref<128xi32, #tpu.memory_space<vmem>>
      %dma_wait3A_262 = arith.constant 0 : i32
      %dma_wait3A_263 = arith.constant 0 : i32
      %dma_wait3A_264 = tpu.memref_slice %arg2[%dma_wait3A_262, %dma_wait3A_263] : memref<20000x128xf32, #tpu.memory_space<hbm>> -> memref<20000x128xf32, #tpu.memory_space<hbm>>
      tpu.wait_indirect_dma semaphore(%arg12 : memref<!tpu.dma_semaphore, #tpu.memory_space<semaphore_mem>>) src(%dma_wait3A_264 : memref<20000x128xf32, #tpu.memory_space<hbm>>) dst(%arg9 : memref<128x128xf32, #tpu.memory_space<vmem>>)
      %run_scoped3A_265 = arith.constant 15 : i32
      "tpu.region"() ({
        %run_scoped3A_266 = tpu.sem_alloc : memref<!tpu.dma_semaphore, #tpu.memory_space<semaphore_mem>>
        %dma_start3A_267 = arith.constant 0 : i32
        %dma_start3A_268 = tpu.memref_slice %arg7[%run_scoped3A_265, %dma_start3A_267] : memref<16x128xi32, #tpu.memory_space<vmem>> -> memref<1x128xi32, #tpu.memory_space<vmem>>
        %dma_start3A_269 = tpu.memref_squeeze %dma_start3A_268 : memref<1x128xi32, #tpu.memory_space<vmem>> -> memref<128xi32, #tpu.memory_space<vmem>>
        %dma_start3A_270 = arith.constant 0 : i32
        %dma_start3A_271 = arith.constant 0 : i32
        %dma_start3A_272 = tpu.memref_slice %arg10[%dma_start3A_270, %dma_start3A_271] : memref<10112x128xf32, #tpu.memory_space<vmem_shared>> -> memref<10112x128xf32, #tpu.memory_space<vmem_shared>>
        tpu.enqueue_indirect_dma source(%arg9 : memref<128x128xf32, #tpu.memory_space<vmem>>) target(%dma_start3A_272 : memref<10112x128xf32, #tpu.memory_space<vmem_shared>>) offsets(%dma_start3A_269 : memref<128xi32, #tpu.memory_space<vmem>>) semaphore(%run_scoped3A_266 : memref<!tpu.dma_semaphore, #tpu.memory_space<semaphore_mem>>) {add = true}
        %dma_wait3A_273 = arith.constant 0 : i32
        %dma_wait3A_274 = tpu.memref_slice %arg7[%run_scoped3A_265, %dma_wait3A_273] : memref<16x128xi32, #tpu.memory_space<vmem>> -> memref<1x128xi32, #tpu.memory_space<vmem>>
        %dma_wait3A_275 = tpu.memref_squeeze %dma_wait3A_274 : memref<1x128xi32, #tpu.memory_space<vmem>> -> memref<128xi32, #tpu.memory_space<vmem>>
        %dma_wait3A_276 = arith.constant 0 : i32
        %dma_wait3A_277 = arith.constant 0 : i32
        %dma_wait3A_278 = tpu.memref_slice %arg10[%dma_wait3A_276, %dma_wait3A_277] : memref<10112x128xf32, #tpu.memory_space<vmem_shared>> -> memref<10112x128xf32, #tpu.memory_space<vmem_shared>>
        tpu.wait_indirect_dma semaphore(%run_scoped3A_266 : memref<!tpu.dma_semaphore, #tpu.memory_space<semaphore_mem>>) src(%arg9 : memref<128x128xf32, #tpu.memory_space<vmem>>) dst(%dma_wait3A_278 : memref<10112x128xf32, #tpu.memory_space<vmem_shared>>)
        tpu.yield
      }) : () -> ()
    }
    %scan3A_21 = arith.constant 5 : i32
    %barrier3A_22 = arith.constant 0 : index
    tpu.barrier barrier_id(%barrier3A_22)
    "tpu.region"() ({
      %run_scoped3A = tpu.sem_alloc : memref<!tpu.dma_semaphore, #tpu.memory_space<semaphore_mem>>
      %dma_start3A = arith.constant 0 : i32
      %dma_start3A_23 = tpu.memref_slice %arg5[%arg0, %mul3A_0, %dma_start3A] : memref<2x10112x128xf32, #tpu.memory_space<hbm>> -> memref<1x632x128xf32, #tpu.memory_space<hbm>>
      %dma_start3A_24 = tpu.memref_squeeze %dma_start3A_23 : memref<1x632x128xf32, #tpu.memory_space<hbm>> -> memref<632x128xf32, #tpu.memory_space<hbm>>
      %dma_start3A_25 = arith.constant 0 : i32
      %dma_start3A_26 = tpu.memref_slice %arg10[%mul3A_0, %dma_start3A_25] : memref<10112x128xf32, #tpu.memory_space<vmem_shared>> -> memref<632x128xf32, #tpu.memory_space<vmem_shared>>
      tpu.enqueue_dma source(%dma_start3A_26 : memref<632x128xf32, #tpu.memory_space<vmem_shared>>) target(%dma_start3A_24 : memref<632x128xf32, #tpu.memory_space<hbm>>) target_semaphore(%run_scoped3A : memref<!tpu.dma_semaphore, #tpu.memory_space<semaphore_mem>>)
      %dma_wait3A = arith.constant 0 : i32
      %dma_wait3A_27 = tpu.memref_slice %arg5[%arg0, %mul3A_0, %dma_wait3A] : memref<2x10112x128xf32, #tpu.memory_space<hbm>> -> memref<1x632x128xf32, #tpu.memory_space<hbm>>
      %dma_wait3A_28 = tpu.memref_squeeze %dma_wait3A_27 : memref<1x632x128xf32, #tpu.memory_space<hbm>> -> memref<632x128xf32, #tpu.memory_space<hbm>>
      %dma_wait3A_29 = arith.constant 0 : i32
      %dma_wait3A_30 = tpu.memref_slice %arg10[%mul3A_0, %dma_wait3A_29] : memref<10112x128xf32, #tpu.memory_space<vmem_shared>> -> memref<632x128xf32, #tpu.memory_space<vmem_shared>>
      tpu.wait_dma2 semaphore(%run_scoped3A : memref<!tpu.dma_semaphore, #tpu.memory_space<semaphore_mem>>) src(%dma_wait3A_30 : memref<632x128xf32, #tpu.memory_space<vmem_shared>>) dst(%dma_wait3A_28 : memref<632x128xf32, #tpu.memory_space<hbm>>)
      tpu.yield
    }) : () -> ()
    return
  }
}

module attributes {stable_mosaic.version = 14 : i64} {
  func.func @_tc1_body(%arg0: i32, %arg1: memref<2x400x128xf32, #tpu.memory_space<vmem>>, %arg2: memref<400x256xf32, #tpu.memory_space<vmem>>, %arg3: memref<2x400x128xf32, #tpu.memory_space<vmem>>, %arg4: memref<256x512xf32, #tpu.memory_space<vmem>>, %arg5: memref<256x512xf32, #tpu.memory_space<vmem>>, %arg6: memref<1x512xf32, #tpu.memory_space<vmem>>, %arg7: memref<512x256xf32, #tpu.memory_space<vmem>>, %arg8: memref<512x256xf32, #tpu.memory_space<vmem>>, %arg9: memref<1x256xf32, #tpu.memory_space<vmem>>, %arg10: memref<2x400x128xf32, #tpu.memory_space<vmem>>, %arg11: memref<400x256xf32, #tpu.memory_space<vmem>>) attributes {dimension_semantics = [#tpu.dimension_semantics<arbitrary>], iteration_bounds = array<i64: 25>, scalar_prefetch = 0 : i64, scratch_operands = 0 : i64, tpu.core_type = #tpu.core_type<tc>, window_params = [{transform_indices = @transform_0, window_bounds = array<i64: 2, 400, 128>}, {transform_indices = @transform_1, window_bounds = array<i64: 400, 256>}, {transform_indices = @transform_2, window_bounds = array<i64: 2, 400, 128>}, {pipeline_mode = #tpu.pipeline_mode<synchronous>, transform_indices = @transform_3, window_bounds = array<i64: 256, 512>}, {pipeline_mode = #tpu.pipeline_mode<synchronous>, transform_indices = @transform_4, window_bounds = array<i64: 256, 512>}, {pipeline_mode = #tpu.pipeline_mode<synchronous>, transform_indices = @transform_5, window_bounds = array<i64: 1, 512>}, {pipeline_mode = #tpu.pipeline_mode<synchronous>, transform_indices = @transform_6, window_bounds = array<i64: 512, 256>}, {pipeline_mode = #tpu.pipeline_mode<synchronous>, transform_indices = @transform_7, window_bounds = array<i64: 512, 256>}, {pipeline_mode = #tpu.pipeline_mode<synchronous>, transform_indices = @transform_8, window_bounds = array<i64: 1, 256>}, {transform_indices = @transform_9, window_bounds = array<i64: 2, 400, 128>}, {transform_indices = @transform_10, window_bounds = array<i64: 400, 256>}]} {
    %get3A = arith.constant 0 : index
    %get3A_0 = arith.constant 0 : index
    %get3A_1 = arith.constant 0 : index
    %get3A_2 = vector.load %arg3[%get3A, %get3A_0, %get3A_1] : memref<2x400x128xf32, #tpu.memory_space<vmem>>, vector<1x400x1xf32>
    %get3A_3 = vector.shape_cast %get3A_2 : vector<1x400x1xf32> to vector<400x1xf32>
    %get3A_4 = arith.constant 1 : index
    %get3A_5 = arith.constant 0 : index
    %get3A_6 = arith.constant 0 : index
    %get3A_7 = vector.load %arg3[%get3A_4, %get3A_5, %get3A_6] : memref<2x400x128xf32, #tpu.memory_space<vmem>>, vector<1x400x1xf32>
    %get3A_8 = vector.shape_cast %get3A_7 : vector<1x400x1xf32> to vector<400x1xf32>
    %add3A = arith.addf %get3A_3, %get3A_8 : vector<400x1xf32>
    %max3A = arith.constant 1.000000e+00 : f32
    %max3A_9 = vector.broadcast %max3A : f32 to vector<400x1xf32>
    %max3A_10 = arith.maximumf %add3A, %max3A_9 : vector<400x1xf32>
    %div3A = arith.constant 1.000000e+00 : f32
    %div3A_11 = vector.broadcast %div3A : f32 to vector<400x1xf32>
    %div3A_12 = arith.divf %div3A_11, %max3A_10 : vector<400x1xf32>
    %get3A_13 = arith.constant 0 : index
    %get3A_14 = arith.constant 0 : index
    %get3A_15 = arith.constant 0 : index
    %get3A_16 = vector.load %arg1[%get3A_13, %get3A_14, %get3A_15] : memref<2x400x128xf32, #tpu.memory_space<vmem>>, vector<1x400x128xf32>
    %get3A_17 = vector.shape_cast %get3A_16 : vector<1x400x128xf32> to vector<400x128xf32>
    %get3A_18 = arith.constant 0 : index
    %get3A_19 = arith.constant 0 : index
    %get3A_20 = vector.load %arg4[%get3A_18, %get3A_19] : memref<256x512xf32, #tpu.memory_space<vmem>>, vector<128x512xf32>
    %dot_general3A = arith.constant dense<0.000000e+00> : vector<400x512xf32>
    %dot_general3A_21 = tpu.matmul %get3A_17, %get3A_20, %dot_general3A {dimension_numbers = #tpu.dot_dimension_numbers<[1], [0], [0], [1], [0, 0, 1, 1], [], []>, transpose_lhs_hint = false} : vector<400x128xf32>, vector<128x512xf32>, vector<400x512xf32> -> vector<400x512xf32>
    %get3A_22 = arith.constant 1 : index
    %get3A_23 = arith.constant 0 : index
    %get3A_24 = arith.constant 0 : index
    %get3A_25 = vector.load %arg1[%get3A_22, %get3A_23, %get3A_24] : memref<2x400x128xf32, #tpu.memory_space<vmem>>, vector<1x400x128xf32>
    %get3A_26 = vector.shape_cast %get3A_25 : vector<1x400x128xf32> to vector<400x128xf32>
    %get3A_27 = arith.constant 128 : index
    %get3A_28 = arith.constant 0 : index
    %get3A_29 = vector.load %arg4[%get3A_27, %get3A_28] : memref<256x512xf32, #tpu.memory_space<vmem>>, vector<128x512xf32>
    %dot_general3A_30 = arith.constant dense<0.000000e+00> : vector<400x512xf32>
    %dot_general3A_31 = tpu.matmul %get3A_26, %get3A_29, %dot_general3A_30 {dimension_numbers = #tpu.dot_dimension_numbers<[1], [0], [0], [1], [0, 0, 1, 1], [], []>, transpose_lhs_hint = false} : vector<400x128xf32>, vector<128x512xf32>, vector<400x512xf32> -> vector<400x512xf32>
    %add3A_32 = arith.addf %dot_general3A_21, %dot_general3A_31 : vector<400x512xf32>
    %mul3A = vector.broadcast %div3A_12 : vector<400x1xf32> to vector<400x512xf32>
    %mul3A_33 = arith.mulf %add3A_32, %mul3A : vector<400x512xf32>
    %get3A_34 = arith.constant 0 : index
    %get3A_35 = arith.constant 0 : index
    %get3A_36 = vector.load %arg2[%get3A_34, %get3A_35] : memref<400x256xf32, #tpu.memory_space<vmem>>, vector<400x256xf32>
    %get3A_37 = arith.constant 0 : index
    %get3A_38 = arith.constant 0 : index
    %get3A_39 = vector.load %arg5[%get3A_37, %get3A_38] : memref<256x512xf32, #tpu.memory_space<vmem>>, vector<256x512xf32>
    %dot_general3A_40 = arith.constant dense<0.000000e+00> : vector<400x512xf32>
    %dot_general3A_41 = tpu.matmul %get3A_36, %get3A_39, %dot_general3A_40 {dimension_numbers = #tpu.dot_dimension_numbers<[1], [0], [0], [1], [0, 0, 1, 1], [], []>, transpose_lhs_hint = false} : vector<400x256xf32>, vector<256x512xf32>, vector<400x512xf32> -> vector<400x512xf32>
    %add3A_42 = arith.addf %mul3A_33, %dot_general3A_41 : vector<400x512xf32>
    %get3A_43 = arith.constant 0 : index
    %get3A_44 = arith.constant 0 : index
    %get3A_45 = vector.load %arg6[%get3A_43, %get3A_44] : memref<1x512xf32, #tpu.memory_space<vmem>>, vector<1x512xf32>
    %add3A_46 = vector.broadcast %get3A_45 : vector<1x512xf32> to vector<400x512xf32>
    %add3A_47 = arith.addf %add3A_42, %add3A_46 : vector<400x512xf32>
    %max3A_48 = arith.constant 0.000000e+00 : f32
    %max3A_49 = vector.broadcast %max3A_48 : f32 to vector<400x512xf32>
    %max3A_50 = arith.maximumf %add3A_47, %max3A_49 : vector<400x512xf32>
    %get3A_51 = arith.constant 0 : index
    %get3A_52 = arith.constant 0 : index
    %get3A_53 = vector.load %arg7[%get3A_51, %get3A_52] : memref<512x256xf32, #tpu.memory_space<vmem>>, vector<512x256xf32>
    %dot_general3A_54 = arith.constant dense<0.000000e+00> : vector<400x256xf32>
    %dot_general3A_55 = tpu.matmul %max3A_50, %get3A_53, %dot_general3A_54 {dimension_numbers = #tpu.dot_dimension_numbers<[1], [0], [0], [1], [0, 0, 1, 1], [], []>, transpose_lhs_hint = false} : vector<400x512xf32>, vector<512x256xf32>, vector<400x256xf32> -> vector<400x256xf32>
    %slice3A = vector.extract_strided_slice %dot_general3A_55 {offsets = [0, 0], sizes = [400, 128], strides = [1, 1]} : vector<400x256xf32> to vector<400x128xf32>
    %swap3A = arith.constant 0 : index
    %swap3A_56 = arith.constant 0 : index
    %swap3A_57 = arith.constant 0 : index
    %swap3A_58 = vector.load %arg10[%swap3A, %swap3A_56, %swap3A_57] : memref<2x400x128xf32, #tpu.memory_space<vmem>>, vector<1x400x128xf32>
    %swap3A_59 = vector.shape_cast %swap3A_58 : vector<1x400x128xf32> to vector<400x128xf32>
    %swap3A_60 = vector.shape_cast %slice3A : vector<400x128xf32> to vector<1x400x128xf32>
    tpu.vector_store %arg10[%swap3A, %swap3A_56, %swap3A_57], %swap3A_60 {strides = array<i32>} : memref<2x400x128xf32, #tpu.memory_space<vmem>>, vector<1x400x128xf32>,
    %slice3A_61 = vector.extract_strided_slice %dot_general3A_55 {offsets = [0, 128], sizes = [400, 128], strides = [1, 1]} : vector<400x256xf32> to vector<400x128xf32>
    %swap3A_62 = arith.constant 1 : index
    %swap3A_63 = arith.constant 0 : index
    %swap3A_64 = arith.constant 0 : index
    %swap3A_65 = vector.load %arg10[%swap3A_62, %swap3A_63, %swap3A_64] : memref<2x400x128xf32, #tpu.memory_space<vmem>>, vector<1x400x128xf32>
    %swap3A_66 = vector.shape_cast %swap3A_65 : vector<1x400x128xf32> to vector<400x128xf32>
    %swap3A_67 = vector.shape_cast %slice3A_61 : vector<400x128xf32> to vector<1x400x128xf32>
    tpu.vector_store %arg10[%swap3A_62, %swap3A_63, %swap3A_64], %swap3A_67 {strides = array<i32>} : memref<2x400x128xf32, #tpu.memory_space<vmem>>, vector<1x400x128xf32>,
    %get3A_68 = arith.constant 0 : index
    %get3A_69 = arith.constant 0 : index
    %get3A_70 = vector.load %arg8[%get3A_68, %get3A_69] : memref<512x256xf32, #tpu.memory_space<vmem>>, vector<512x256xf32>
    %dot_general3A_71 = arith.constant dense<0.000000e+00> : vector<400x256xf32>
    %dot_general3A_72 = tpu.matmul %max3A_50, %get3A_70, %dot_general3A_71 {dimension_numbers = #tpu.dot_dimension_numbers<[1], [0], [0], [1], [0, 0, 1, 1], [], []>, transpose_lhs_hint = false} : vector<400x512xf32>, vector<512x256xf32>, vector<400x256xf32> -> vector<400x256xf32>
    %get3A_73 = arith.constant 0 : index
    %get3A_74 = arith.constant 0 : index
    %get3A_75 = vector.load %arg9[%get3A_73, %get3A_74] : memref<1x256xf32, #tpu.memory_space<vmem>>, vector<1x256xf32>
    %add3A_76 = vector.broadcast %get3A_75 : vector<1x256xf32> to vector<400x256xf32>
    %add3A_77 = arith.addf %dot_general3A_72, %add3A_76 : vector<400x256xf32>
    %swap3A_78 = arith.constant 0 : index
    %swap3A_79 = arith.constant 0 : index
    %swap3A_80 = vector.load %arg11[%swap3A_78, %swap3A_79] : memref<400x256xf32, #tpu.memory_space<vmem>>, vector<400x256xf32>
    tpu.vector_store %arg11[%swap3A_78, %swap3A_79], %add3A_77 {strides = array<i32>} : memref<400x256xf32, #tpu.memory_space<vmem>>, vector<400x256xf32>,
    return
  }
  func.func @transform_0(%arg0: i32) -> (i32, i32, i32) {
    %c0_i32 = arith.constant 0 : i32
    %c0_i32_0 = arith.constant 0 : i32
    %c0_i32_1 = arith.constant 0 : i32
    return %c0_i32, %arg0, %c0_i32_0 : i32, i32, i32
  }
  func.func @transform_1(%arg0: i32) -> (i32, i32) {
    %c0_i32 = arith.constant 0 : i32
    %c0_i32_0 = arith.constant 0 : i32
    return %arg0, %c0_i32 : i32, i32
  }
  func.func @transform_2(%arg0: i32) -> (i32, i32, i32) {
    %c0_i32 = arith.constant 0 : i32
    %c0_i32_0 = arith.constant 0 : i32
    %c0_i32_1 = arith.constant 0 : i32
    return %c0_i32, %arg0, %c0_i32_0 : i32, i32, i32
  }
  func.func @transform_3(%arg0: i32) -> (i32, i32) {
    %c0_i32 = arith.constant 0 : i32
    %c0_i32_0 = arith.constant 0 : i32
    %c0_i32_1 = arith.constant 0 : i32
    return %c0_i32, %c0_i32_0 : i32, i32
  }
  func.func @transform_4(%arg0: i32) -> (i32, i32) {
    %c0_i32 = arith.constant 0 : i32
    %c0_i32_0 = arith.constant 0 : i32
    %c0_i32_1 = arith.constant 0 : i32
    return %c0_i32, %c0_i32_0 : i32, i32
  }
  func.func @transform_5(%arg0: i32) -> (i32, i32) {
    %c0_i32 = arith.constant 0 : i32
    %c0_i32_0 = arith.constant 0 : i32
    %c0_i32_1 = arith.constant 0 : i32
    return %c0_i32, %c0_i32_0 : i32, i32
  }
  func.func @transform_6(%arg0: i32) -> (i32, i32) {
    %c0_i32 = arith.constant 0 : i32
    %c0_i32_0 = arith.constant 0 : i32
    %c0_i32_1 = arith.constant 0 : i32
    return %c0_i32, %c0_i32_0 : i32, i32
  }
  func.func @transform_7(%arg0: i32) -> (i32, i32) {
    %c0_i32 = arith.constant 0 : i32
    %c0_i32_0 = arith.constant 0 : i32
    %c0_i32_1 = arith.constant 0 : i32
    return %c0_i32, %c0_i32_0 : i32, i32
  }
  func.func @transform_8(%arg0: i32) -> (i32, i32) {
    %c0_i32 = arith.constant 0 : i32
    %c0_i32_0 = arith.constant 0 : i32
    %c0_i32_1 = arith.constant 0 : i32
    return %c0_i32, %c0_i32_0 : i32, i32
  }
  func.func @transform_9(%arg0: i32) -> (i32, i32, i32) {
    %c0_i32 = arith.constant 0 : i32
    %c0_i32_0 = arith.constant 0 : i32
    %c0_i32_1 = arith.constant 0 : i32
    return %c0_i32, %arg0, %c0_i32_0 : i32, i32, i32
  }
  func.func @transform_10(%arg0: i32) -> (i32, i32) {
    %c0_i32 = arith.constant 0 : i32
    %c0_i32_0 = arith.constant 0 : i32
    return %arg0, %c0_i32 : i32, i32
  }
}

module attributes {stable_mosaic.version = 14 : i64} {
  func.func @_tc2_body(%arg0: i32, %arg1: memref<2x400x128xf32, #tpu.memory_space<vmem>>, %arg2: memref<2x400x128xf32, #tpu.memory_space<vmem>>, %arg3: memref<400x256xf32, #tpu.memory_space<vmem>>, %arg4: memref<400x256xf32, #tpu.memory_space<vmem>>) attributes {dimension_semantics = [#tpu.dimension_semantics<arbitrary>], iteration_bounds = array<i64: 25>, scalar_prefetch = 0 : i64, scratch_operands = 0 : i64, tpu.core_type = #tpu.core_type<tc>, window_params = [{transform_indices = @transform_0, window_bounds = array<i64: 2, 400, 128>}, {transform_indices = @transform_1, window_bounds = array<i64: 2, 400, 128>}, {transform_indices = @transform_2, window_bounds = array<i64: 400, 256>}, {transform_indices = @transform_3, window_bounds = array<i64: 400, 256>}]} {
    %get3A = arith.constant 0 : index
    %get3A_0 = arith.constant 0 : index
    %get3A_1 = arith.constant 0 : index
    %get3A_2 = vector.load %arg2[%get3A, %get3A_0, %get3A_1] : memref<2x400x128xf32, #tpu.memory_space<vmem>>, vector<1x400x1xf32>
    %get3A_3 = vector.shape_cast %get3A_2 : vector<1x400x1xf32> to vector<400x1xf32>
    %get3A_4 = arith.constant 1 : index
    %get3A_5 = arith.constant 0 : index
    %get3A_6 = arith.constant 0 : index
    %get3A_7 = vector.load %arg2[%get3A_4, %get3A_5, %get3A_6] : memref<2x400x128xf32, #tpu.memory_space<vmem>>, vector<1x400x1xf32>
    %get3A_8 = vector.shape_cast %get3A_7 : vector<1x400x1xf32> to vector<400x1xf32>
    %add3A = arith.addf %get3A_3, %get3A_8 : vector<400x1xf32>
    %max3A = arith.constant 1.000000e+00 : f32
    %max3A_9 = vector.broadcast %max3A : f32 to vector<400x1xf32>
    %max3A_10 = arith.maximumf %add3A, %max3A_9 : vector<400x1xf32>
    %div3A = arith.constant 1.000000e+00 : f32
    %div3A_11 = vector.broadcast %div3A : f32 to vector<400x1xf32>
    %div3A_12 = arith.divf %div3A_11, %max3A_10 : vector<400x1xf32>
    %get3A_13 = arith.constant 0 : index
    %get3A_14 = arith.constant 0 : index
    %get3A_15 = arith.constant 0 : index
    %get3A_16 = vector.load %arg1[%get3A_13, %get3A_14, %get3A_15] : memref<2x400x128xf32, #tpu.memory_space<vmem>>, vector<1x400x128xf32>
    %get3A_17 = vector.shape_cast %get3A_16 : vector<1x400x128xf32> to vector<400x128xf32>
    %get3A_18 = arith.constant 1 : index
    %get3A_19 = arith.constant 0 : index
    %get3A_20 = arith.constant 0 : index
    %get3A_21 = vector.load %arg1[%get3A_18, %get3A_19, %get3A_20] : memref<2x400x128xf32, #tpu.memory_space<vmem>>, vector<1x400x128xf32>
    %get3A_22 = vector.shape_cast %get3A_21 : vector<1x400x128xf32> to vector<400x128xf32>
    %concatenate3A = tpu.concatenate %get3A_17, %get3A_22 in 1 : vector<400x128xf32>, vector<400x128xf32> -> vector<400x256xf32>
    %mul3A = vector.broadcast %div3A_12 : vector<400x1xf32> to vector<400x256xf32>
    %mul3A_23 = arith.mulf %concatenate3A, %mul3A : vector<400x256xf32>
    %get3A_24 = arith.constant 0 : index
    %get3A_25 = arith.constant 0 : index
    %get3A_26 = vector.load %arg3[%get3A_24, %get3A_25] : memref<400x256xf32, #tpu.memory_space<vmem>>, vector<400x256xf32>
    %add3A_27 = arith.addf %mul3A_23, %get3A_26 : vector<400x256xf32>
    %swap3A = arith.constant 0 : index
    %swap3A_28 = arith.constant 0 : index
    %swap3A_29 = vector.load %arg4[%swap3A, %swap3A_28] : memref<400x256xf32, #tpu.memory_space<vmem>>, vector<400x256xf32>
    tpu.vector_store %arg4[%swap3A, %swap3A_28], %add3A_27 {strides = array<i32>} : memref<400x256xf32, #tpu.memory_space<vmem>>, vector<400x256xf32>,
    return
  }
  func.func @transform_0(%arg0: i32) -> (i32, i32, i32) {
    %c0_i32 = arith.constant 0 : i32
    %c0_i32_0 = arith.constant 0 : i32
    %c0_i32_1 = arith.constant 0 : i32
    return %c0_i32, %arg0, %c0_i32_0 : i32, i32, i32
  }
  func.func @transform_1(%arg0: i32) -> (i32, i32, i32) {
    %c0_i32 = arith.constant 0 : i32
    %c0_i32_0 = arith.constant 0 : i32
    %c0_i32_1 = arith.constant 0 : i32
    return %c0_i32, %arg0, %c0_i32_0 : i32, i32, i32
  }
  func.func @transform_2(%arg0: i32) -> (i32, i32) {
    %c0_i32 = arith.constant 0 : i32
    %c0_i32_0 = arith.constant 0 : i32
    return %arg0, %c0_i32 : i32, i32
  }
  func.func @transform_3(%arg0: i32) -> (i32, i32) {
    %c0_i32 = arith.constant 0 : i32
    %c0_i32_0 = arith.constant 0 : i32
    return %arg0, %c0_i32 : i32, i32
  }
}

</mosaic_0001>

<sc_bundles>
// kernel: kernel.6.cloned.1.call-start
scs
__scs_entry_jumppad:
0x0: {  	(pc) =	sbr.rel $0x88, $3  }
0x1: {  	(tag) =	ssettag $0x0;
	lr =	simm.s32 $0x1  }
0x2: {  	[smem:$0x3F99] =	sst lr;
	_ =	strace $0xD0000000  }
0x3: {  	_ = 	snop  }
0x4: {  	_ = 	snop  }
0x5: {  	_ = 	snop  }
0x6: {  	_ = 	snop  }
0x7: {  	_ = 	snop  }
__scs_overlays_trampoline_lowered:
0x8: {  	[smem:$0x3FA8] =	sst s0  }
0x9: {  	[smem:$0x3FA9] =	sst s1  }
0xa: {  	[smem:$0x3FAA] =	sst s2  }
0xb: {  	[smem:$0x3FAB] =	sst s3  }
0xc: {  	[smem:$0x3FAC] =	sst s4  }
0xd: {  	[smem:$0x3FAD] =	sst s5  }
0xe: {  	[smem:$0x3FAE] =	sst s6  }
0xf: {  	[smem:$0x3FAF] =	sst s7  }
0x10: {  	[smem:$0x3FB0] =	sst s8  }
0x11: {  	[smem:$0x3FB1] =	sst s9;
	s0 =	simm.s32 @!p0 $0x0  }
0x12: {  	s1 =	sld [smem:$0x3F97];
	s0 =	simm.s32 @p0 $0x1  }
0x13: {  	[smem:$0x3FB2] =	sst s0;
	s0 =	simm.s32 @!p1 $0x0  }
0x14: {  	s2 =	sld [smem:$0x3F96];
	s0 =	simm.s32 @p1 $0x1  }
0x15: {  	[smem:$0x3FB3] =	sst s0;
	s0 =	simm.s32 @!p2 $0x0  }
0x16: {  	s3 =	sld [smem:$0x3FDB];
	s0 =	simm.s32 @p2 $0x1  }
0x17: {  	s4 =	simm.s32 $0x1BF5;
	[smem:$0x3FB5] =	sst s0  }
0x18: {  	s0 =	sld [smem:$0x3F98];
	_ =	swait.ge [sflag:s4], $0x0  }
0x19: {  	s7 =	sld [smem:$0x3F99]  }
0x1a: {  	s8 =	sadd.s32 $0xFFFFE003, lr  }
0x1b: {  	s9 =	sadd.s32 $0xFFFFFEF7, lr;
	s5 =	simm.s32 $0xFFFFFFFF;
	p2 =	slt.u32 s8, $0xFFFFF086  }
0x1c: {  	p1 =	slt.u32 s9, $0xF7A;
	s5 =	simm.s32 @!p2 $0x0  }
0x1d: {  	s5 =	simm.s32 @p1 $0x1;
	p0 =	seq.s32 s7, s2  }
0x1e: {  	s7 =	smul.u32 @!p0 $0xF7A, s2;
	p2 =	seq.s32 @!p0 s5, $0x0  }
0x1f: {  	s9 =	smul.u32 $0xF7A, s1;
	s8 =	simm.s32 @!p0 $0x1BF5;
	p2 =	por !p2, p0  }
0x20: {  	[sflag:s8] =	ssyncset.s32 @!p0 $0xFFFFF086;
	s6 =	sadd.s32 @!p0 s3, s7;
	s7 =	simm.s32 @!p0 $0x108  }
0x21: {  	s3 =	sadd.s32 s3, s9;
	s6 =	sadd.s32 @!p0 $0x88, s6;
	s7 =	simm.s32 @p2 $0x1082  }
0x22: {  	[simem:s7], [sflag:s8] =	dma.local @!p0 [hbm:s6], $0xF7A  }
0x23: {  	s9 =	sor.u32 $0xD0000000, s2;
	s6 =	simm.s32 $0x108;
	_ =	swait.ge @!p0 [sflag:s8], $0x0  }
0x24: {  	s3 =	sadd.s32 $0x88, s3;
	s6 =	simm.s32 @!p1 $0x1082;
	[sflag:s4] =	ssyncset.s32 $0xFFFFF086  }
0x25: {  	[simem:s6], [sflag:s4] =	dma.local [hbm:s3], $0xF7A  }
0x26: {  	[smem:$0x3F99] =	sst s1;
	(tag) =	ssettag s2;
	_ =	strace s9  }
0x27: {  	s1 =	sld [smem:$0x3FA9]  }
0x28: {  	s2 =	sld [smem:$0x3FAA]  }
0x29: {  	s4 =	sld [smem:$0x3FAC]  }
0x2a: {  	p0 =	seq.s32 s5, $0x0;
	s5 =	sld [smem:$0x3FAD]  }
0x2b: {  	s6 =	sld [smem:$0x3FAE]  }
0x2c: {  	s7 =	sld [smem:$0x3FAF]  }
0x2d: {  	s3 =	simm.s32 $0x108;
	s8 =	sld [smem:$0x3FB0]  }
0x2e: {  	s3 =	simm.s32 @!p0 $0x1082;
	s9 =	sld [smem:$0x3FB1]  }
0x2f: {  	lr =	sadd.s32 s0, s3;
	s0 =	sld [smem:$0x3FA8]  }
0x30: {  	s3 =	sld [smem:$0x3FAB]  }
0x31: {  	[smem:$0x3FB4] =	sst s10  }
0x32: {  	s10 =	sld [smem:$0x3FB2];
	_ =	sdelay $0x3  }
0x33: {  	p0 =	seq.s32 s10, $0x1;
	s10 =	sld [smem:$0x3FB4];
	_ =	sdelay $0x3  }
0x34: {  	[smem:$0x3FB4] =	sst s10  }
0x35: {  	s10 =	sld [smem:$0x3FB3];
	_ =	sdelay $0x3  }
0x36: {  	p1 =	seq.s32 s10, $0x1;
	s10 =	sld [smem:$0x3FB4];
	_ =	sdelay $0x3  }
0x37: {  	[smem:$0x3FB4] =	sst s10  }
0x38: {  	s10 =	sld [smem:$0x3FB5]  }
0x39: {  	_ = 	snop;
	(pc) =	sbr.ind lr, $3  }
0x3a: {  	_ = 	snop  }
0x3b: {  	_ = 	snop  }
0x3c: {  	p2 =	seq.s32 s10, $0x1;
	s10 =	sld [smem:$0x3FB4]  }
0x3d: {  	_ =	shalt  }
0x3e: {  	_ =	shalt  }
0x3f: {  	_ =	shalt  }
0x40: {  	_ =	shalt  }
0x41: {  	_ =	shalt  }
0x42: {  	_ =	shalt  }
0x43: {  	_ =	shalt  }
0x44: {  	_ =	shalt  }
0x45: {  	_ =	shalt  }
0x46: {  	_ =	shalt  }
0x47: {  	_ =	shalt  }
0x48: {  	_ =	shalt  }
0x49: {  	_ =	shalt  }
0x4a: {  	_ =	shalt  }
0x4b: {  	_ =	shalt  }
0x4c: {  	_ =	shalt  }
0x4d: {  	_ =	shalt  }
0x4e: {  	_ =	shalt  }
0x4f: {  	_ =	shalt  }
0x50: {  	_ =	shalt  }
0x51: {  	_ =	shalt  }
0x52: {  	_ =	shalt  }
0x53: {  	_ =	shalt  }
0x54: {  	_ =	shalt  }
0x55: {  	_ =	shalt  }
0x56: {  	_ =	shalt  }
0x57: {  	_ =	shalt  }
0x58: {  	_ =	shalt  }
0x59: {  	_ =	shalt  }
0x5a: {  	_ =	shalt  }
0x5b: {  	_ =	shalt  }
0x5c: {  	_ =	shalt  }
0x5d: {  	_ =	shalt  }
0x5e: {  	_ =	shalt  }
0x5f: {  	_ =	shalt  }
0x60: {  	_ =	shalt  }
0x61: {  	_ =	shalt  }
0x62: {  	_ =	shalt  }
0x63: {  	_ =	shalt  }
0x64: {  	_ =	shalt  }
0x65: {  	_ =	shalt  }
0x66: {  	_ =	shalt  }
0x67: {  	_ =	shalt  }
0x68: {  	_ =	shalt  }
0x69: {  	_ =	shalt  }
0x6a: {  	_ =	shalt  }
0x6b: {  	_ =	shalt  }
0x6c: {  	_ =	shalt  }
0x6d: {  	_ =	shalt  }
0x6e: {  	_ =	shalt  }
0x6f: {  	_ =	shalt  }
0x70: {  	_ =	shalt  }
0x71: {  	_ =	shalt  }
0x72: {  	_ =	shalt  }
0x73: {  	_ =	shalt  }
0x74: {  	_ =	shalt  }
0x75: {  	_ =	shalt  }
0x76: {  	_ =	shalt  }
0x77: {  	_ =	shalt  }
0x78: {  	_ =	shalt  }
0x79: {  	_ =	shalt  }
0x7a: {  	_ =	shalt  }
0x7b: {  	_ =	shalt  }
0x7c: {  	_ =	shalt  }
0x7d: {  	_ =	shalt  }
0x7e: {  	_ =	shalt  }
0x7f: {  	_ =	shalt  }
0x80: {  	_ =	shalt  }
0x81: {  	_ =	shalt  }
0x82: {  	_ =	shalt  }
0x83: {  	_ =	shalt  }
0x84: {  	_ =	shalt  }
0x85: {  	_ =	shalt  }
0x86: {  	_ =	shalt  }
0x87: {  	_ =	shalt  }
.Lfunc_end0:
.L_simem_size_0:
called_computation_lowered:
.L_overlay_start_0:
0x88: {  	s2 =	sld [smem:$0x3FD9]  }
0x89: {  	s3 =	sld [smem:$0x3FFE];
	_ =	sdelay $0x1  }
0x8a: {  	s1 =	srdreg.scid  }
0x8b: {  	s0 =	sand.u32 $0x1, s1  }
0x8c: {  	s17 =	sshll.u32 s0, $0xA;
	s2 =	sadd.s32 s3, s2  }
0x8d: {  	s2 =	sadd.s32 s2, s17  }
0x8e: {  	[smem:$0x3FC0] =	sst s2  }
0x8f: {  	_ = 	snop  }
0x90: {  	s2 =	sld [smem:$0x3FD0];
	(tm) =	ssettm $0x1  }
0x91: {  	s18 =	sld [smem:$0x3FFB];
	_ =	sdelay $0x3  }
0x92: {  	_ =	strace s18  }
0x93: {  	s3 =	sld [smem:$0x3FFC];
	_ =	sdelay $0x3  }
0x94: {  	_ =	strace s3  }
0x95: {  	s3 =	sld [smem:$0x3FFD];
	_ =	sdelay $0x3  }
0x96: {  	_ =	strace s3  }
0x97: {  	_ =	strace $0x8FFFFFFF  }
0x98: {  	s19 =	sld [smem:$0x3FDB];
	_ =	sdelay $0x1  }
0x99: {  	s4 =	simm.s32 $_scs_section_size  }
0x9a: {  	s5 =	simm.s32 $_size__tile_overlayer_lowered;
	s6 =	simm.s32 $_tile_overlayer_lowered  }
0x9b: {  	s22 =	simm.s32 $0x1BFF;
	s21 =	sshll.u32 s6, $0x1;
	s3 =	sadd.s32 s4, s19  }
0x9c: {  	s7 =	simm.s32 $0x0;
	s20 =	sshll.u32 s5, $0x1;
	s5 =	sadd.s32 s21, s3  }
0x9d: {  	[timem:s7], [sflag:s22] =	dma.local [hbm:s5], s20  }
0x9e: {  	_ =	swait.ge [sflag:s22], s20  }
0x9f: {  	s4 =	ssub.s32 $0x0, s20;
	[sflag:s22] =	ssyncset.done $0x0  }
0xa0: {  	[sflag:s22] =	ssyncadd.s32 s4;
	_ =	sdelay $0x1  }
0xa1: {  	s23 =	simm.s32 $0x1B8B  }
0xa2: {  	_ =	swait.ge [sflag:s23], $0x1  }
0xa3: {  	[sflag:s23] =	ssyncset.done $0x0  }
0xa4: {  	s25 =	simm.s32 $0x1B8E;
	s24 =	sld [smem:$0x3FFE];
	[sflag:s23] =	ssyncadd.s32 $0xFFFFFFFF  }
0xa5: {  	s26 =	simm.s32 $execute0_lowered;
	[smem:$0x3FD2] =	sst s25  }
0xa6: {  	s5 =	sshll.u32 s26, $0x1;
	_ =	strace $0x80000046;
	[dreg:$0x1] =	wrdreg $0xFFFFFFFF  }
0xa7: {  	s28 =	simm.s32 $_size_execute0_lowered;
	s3 =	sadd.s32 s3, s5;
	[dreg:$0x0] =	wrdreg $0x0  }
0xa8: {  	s5 =	sshll.u32 s28, $0x1;
	[dreg:$0x2] =	wrdreg s3  }
0xa9: {  	[dreg:$0x3] =	wrdreg s5  }
0xaa: {  	[dreg:$0x4] =	wrdreg $0xC0  }
0xab: {  	_ =	task [dreg:s7], $0x5FFFF  }
0xac: {  	[dreg:$0x1] =	wrdreg $0xFFFFFFFF  }
0xad: {  	[dreg:$0x0] =	wrdreg $0x60  }
0xae: {  	[dreg:$0x2] =	wrdreg s2  }
0xaf: {  	[dreg:$0x3] =	wrdreg s24  }
0xb0: {  	[dreg:$0x4] =	wrdreg $0x90000  }
0xb1: {  	[dreg:$0x5] =	wrdreg $0x9  }
0xb2: {  	_ =	task.clear_ibuf [dreg:s7], $0x6FFFF;
	_ =	strace $0x90000046  }
0xb3: {  	s29 =	simm.s32 $0x9;
	_ =	strace $0x80000048  }
0xb4: {  	_ =	swait.ge [sflag:s29], $0x1  }
0xb5: {  	[sflag:s29] =	ssyncadd.s32 $0xFFFFFFFF  }
0xb6: {  	_ =	strace $0x90000048  }
0xb7: {  	_ =	sfence  }
0xb8: {  	s30 =	sld [smem:$0x0];
	_ =	sdelay $0x2  }
0xb9: {  	s31 =	sshll.u32 s1, $0xD;
	s1 =	sshrl.u32 s1, $0x2  }
0xba: {  	s3 =	sand.u32 $0x4000, s31;
	s1 =	sadd.s32 s1, s30  }
0xbb: {  	s0 =	sor.u32 s3, s0;
	s1 =	sshll.u32 s1, $0x11  }
0xbc: {  	s0 =	sor.u32 s1, s0  }
0xbd: {  	s0 =	sadd.s32 $0x8F2B, s0  }
0xbe: {  	[sflag:s0] =	ssyncadd.remote.s32 $0x1  }
0xbf: {  	_ =	sfence.sel $0xFFFF  }
0xc0: {  	[dreg:$0x0] =	wrdreg $0xFFFFFFFF;
	(pc) =	sbr.abs _section_cstart, $3  }
0xc1: {  	[dreg:$0x1] =	wrdreg $0xFFFFFFFF  }
0xc2: {  	_ =	task.clear_ibuf [dreg:s7], $0x2FFFF;
	_ =	strace $0x9FFFFFFF  }
0xc3: {  	(tm) =	ssettm $0x7FFFFFFF  }
tec
execute0_lowered:
.L_overlay_start_1:
0x0: {  	(tag) =	ssettag $0x1  }
0x1: {  	s1 =	rddreg [dreg:$0x0]  }
0x2: {  	s0 =	srdreg.scid;
	s2 =	rddreg [dreg:$0x1]  }
0x3: {  	s10 =	stileid.u32;
	s3 =	rddreg [dreg:$0x2];
	s4 =	simm.s32 $0x0  }
0x4: {  	s16 =	simm.s32 $0x100;
	s17 =	simm.s32 $0x180;
	s5 =	smul.u32 $0x2800, s10  }
0x5: {  	s18 =	simm.s32 $0x200;
	s19 =	simm.s32 $0x280;
	s8 =	smul.u32 $0x13C00, s10  }
0x6: {  	s28 =	simm.s32 $0x2;
	s30 =	simm.s32 $0x600;
	s21 =	smul.u32 $0x4F000, s10  }
0x7: {  	s31 =	simm.s32 $0xD80;
	s0 =	sand.u32 $0x1, s0;
	s24 =	smul.u32 $0x28, s10  }
0x8: {  	[smem:$0x7FF] =	sst s4;
	s22 =	sadd.s32 $0x1800, s2;
	s29 =	smul.u32 $0x500, s10  }
0x9: {  	s6 =	smul.u32 $0x28000, s0;
	_ =	strace $0x80000047;
	[dreg:$0x6] =	wrdreg s16  }
0xa: {  	s10 =	simm.s32 $0x700;
	s7 =	smul.u32 $0x13C000, s0;
	[dreg:$0x7] =	wrdreg s17  }
0xb: {  	s23 =	ssub.s32 $0x2, s0;
	s0 =	smul.u32 $0x280, s0;
	[dreg:$0x8] =	wrdreg s18  }
0xc: {  	s16 =	simm.s32 $0x800;
	s17 =	simm.s32 $0x80;
	[dreg:$0x9] =	wrdreg s19  }
0xd: {  	s18 =	simm.s32 $0x5000;
	s19 =	simm.s32 $0x880;
	s9 =	sshrl.u32 s23, $0x1  }
0xe: {  	s14 =	sadd.s32 s29, s22;
	s29 =	simm.s32 $0x580;
	s5 =	sadd.s32 s5, s6  }
0xf: {  	s20 =	sadd.s32 s8, s7;
	s7 =	sshrl.u32 s21, $0x2;
	s0 =	sadd.s32 s24, s0  }
0x10: {  	[dreg:$0x4] =	wrdreg s14;
	s14 =	simm.s32 $0x1000;
	s21 =	simm.s32 $0x380  }
0x11: {  	s24 =	simm.s32 $0xC00;
	[dreg:$0x11] =	wrdreg s29;
	s8 =	simm.s32 $0x0  }
0x12: {  	s5 =	sshrl.u32 s5, $0x3;
	s6 =	sshrl.u32 s20, $0x3;
	[dreg:$0xb] =	wrdreg s21  }
0x13: {  	s11 =	sadd.s32 s7, s3;
	s0 =	sshll.u32 s0, $0x4;
	[dreg:$0xe] =	wrdreg s24  }
0x14: {  	s20 =	simm.s32 $0x300;
	s21 =	simm.s32 $0x980;
	[dreg:$0x12] =	wrdreg s11  }
0x15: {  	s24 =	simm.s32 $0xB00;
	s7 =	sadd.s32 $0x4000, s11;
	[dreg:$0xa] =	wrdreg s20  }
0x16: {  	s5 =	sadd.s32 s5, s2;
	s25 =	sadd.s32 $0x8000, s11;
	[dreg:$0x13] =	wrdreg s7  }
0x17: {  	s2 =	sadd.s32 s6, s2;
	s26 =	sadd.s32 $0xC000, s11;
	[dreg:$0x14] =	wrdreg s25  }
0x18: {  	s6 =	ssub.s32 s23, s9;
	s11 =	sadd.s32 $0x10000, s11;
	[dreg:$0x15] =	wrdreg s26  }
0x19: {  	s20 =	simm.s32 $0x900;
	s23 =	simm.s32 $0x480;
	[dreg:$0x16] =	wrdreg s11  }
0x1a: {  	s12 =	sadd.s32 $0x5F800, s2;
	s2 =	sadd.s32 $0x10800, s2;
	[dreg:$0xd] =	wrdreg s23  }
0x1b: {  	s13 =	smax.u32 s6, $0x1;
	s15 =	sadd.s32 $0x6800, s5;
	[dreg:$0x17] =	wrdreg s12  }
0x1c: {  	s25 =	simm.s32 $0x500;
	s23 =	simm.s32 $0xA80;
	[dreg:$0x18] =	wrdreg s2  }
0x1d: {  	s26 =	simm.s32 $0xC80;
	s11 =	simm.s32 $0xE80;
	[dreg:$0x19] =	wrdreg s13  }
0x1e: {  	s6 =	simm.s32 $0xF00;
	s7 =	simm.s32 $0xF80;
	[dreg:$0x5] =	wrdreg s15  }
0x1f: {  	s13 =	sadd.s32 s0, s22;
	s15 =	simm.s32 $0x3;
	[dreg:$0xf] =	wrdreg s25  }
0x20: {  	s22 =	simm.s32 $0x400;
	[dreg:$0x10] =	wrdreg s26;
	s25 =	simm.s32 $0xB80  }
0x21: {  	s26 =	simm.s32 $0x1;
	s2 =	simm.s32 $0x680;
	s0 =	simm.s32 $0xE00  }
0x22: {  	v0 =	vimm.f32 $0.0e+00;
	v1 =	vimm.f32 $1.000000000e+00;
	s12 =	simm.s32 $0x780;
	[dreg:$0xc] =	wrdreg s22;
	s22 =	simm.s32 $0xA00  }
.LBB2_1:
0x23: {  	s5 =	simm.s32 $0x0;
	s9 =	simm.s32 $0x200  }
.LBB2_2:
0x24: {  	p0 =	sne.s32 s9, $0xFE00;
	[tilespmem:s5+$0x1070] =	vst v0  }
0x25: {  	[tilespmem:s5+$0x1000] =	vst v0  }
0x26: {  	[tilespmem:s5+$0x1010] =	vst v0  }
.Ltmp0:
0x27: {  	[tilespmem:s5+$0x1020] =	vst v0;
	(pc) =	sbr.rel @p0 .LBB2_2-.Ltmp0, $4  }
0x28: {  	[tilespmem:s5+$0x1030] =	vst v0  }
0x29: {  	[tilespmem:s5+$0x1040] =	vst v0  }
0x2a: {  	[tilespmem:s5+$0x1050] =	vst v0  }
0x2b: {  	[tilespmem:s5+$0x1060] =	vst v0;
	s5 =	sshra.s32 s9, $0x2;
	s9 =	sadd.s32 $0x200, s9  }
0x2c: {  	[tilespmem:s5+$0x1070] =	vst v0  }
0x2d: {  	[tilespmem:s5+$0x1000] =	vst v0  }
0x2e: {  	[tilespmem:s5+$0x1010] =	vst v0  }
0x2f: {  	[tilespmem:s5+$0x1020] =	vst v0  }
0x30: {  	[tilespmem:s5+$0x1030] =	vst v0  }
0x31: {  	[tilespmem:s5+$0x1040] =	vst v0  }
0x32: {  	[dreg:$0x1a] =	wrdreg s8;
	[tilespmem:s5+$0x1050] =	vst v0  }
0x33: {  	[tilespmem:s5+$0x1060] =	vst v0;
	s9 =	rddreg [dreg:$0x12]  }
0x34: {  	[spmem:s9] =	stream.linear.scatter [tilespmem:s14], [sflag:$0x3], $0x4000, $0x38;
	[tilespmem:$0x1CC00] =	vst v63  }
0x35: {  	_ =	swait.ge [sflag:s15], $0x4000  }
0x36: {  	[sflag:s15] =	ssyncset.done $0x0  }
0x37: {  	s29 =	rddreg [dreg:$0x13];
	[sflag:s15] =	ssyncadd.s32 $0xFFFFC000  }
0x38: {  	[spmem:s29] =	stream.linear.scatter [tilespmem:s14], [sflag:$0x3], $0x4000, $0x38;
	[tilespmem:$0x1CC00] =	vst v63  }
0x39: {  	_ =	swait.ge [sflag:s15], $0x4000  }
0x3a: {  	[sflag:s15] =	ssyncset.done $0x0  }
0x3b: {  	s8 =	rddreg [dreg:$0x14];
	[sflag:s15] =	ssyncadd.s32 $0xFFFFC000  }
0x3c: {  	[spmem:s8] =	stream.linear.scatter [tilespmem:s14], [sflag:$0x3], $0x4000, $0x38;
	[tilespmem:$0x1CC00] =	vst v63  }
0x3d: {  	_ =	swait.ge [sflag:s15], $0x4000  }
0x3e: {  	[sflag:s15] =	ssyncset.done $0x0  }
0x3f: {  	s9 =	rddreg [dreg:$0x15];
	[sflag:s15] =	ssyncadd.s32 $0xFFFFC000  }
0x40: {  	[spmem:s9] =	stream.linear.scatter [tilespmem:s14], [sflag:$0x3], $0x4000, $0x38;
	[tilespmem:$0x1CC00] =	vst v63  }
0x41: {  	_ =	swait.ge [sflag:s15], $0x4000  }
0x42: {  	[sflag:s15] =	ssyncset.done $0x0  }
0x43: {  	s29 =	rddreg [dreg:$0x16];
	[sflag:s15] =	ssyncadd.s32 $0xFFFFC000  }
0x44: {  	[spmem:s29] =	stream.linear.scatter [tilespmem:s14], [sflag:$0x3], $0x3C00, $0x38;
	[tilespmem:$0x1CC00] =	vst v63  }
0x45: {  	_ =	swait.ge [sflag:s15], $0x3C00  }
0x46: {  	[sflag:s15] =	ssyncset.done $0x0  }
0x47: {  	s5 =	simm.s32 $0x0;
	s9 =	simm.s32 $0x200;
	[sflag:s15] =	ssyncadd.s32 $0xFFFFC400  }
.LBB2_4:
0x48: {  	p0 =	sne.s32 s9, $0xFE00;
	[tilespmem:s5+$0x5070] =	vst v1  }
0x49: {  	[tilespmem:s5+$0x5000] =	vst v1  }
0x4a: {  	[tilespmem:s5+$0x5010] =	vst v1  }
.Ltmp1:
0x4b: {  	[tilespmem:s5+$0x5020] =	vst v1;
	(pc) =	sbr.rel @p0 .LBB2_4-.Ltmp1, $4  }
0x4c: {  	[tilespmem:s5+$0x5030] =	vst v1  }
0x4d: {  	[tilespmem:s5+$0x5040] =	vst v1  }
0x4e: {  	[tilespmem:s5+$0x5050] =	vst v1  }
0x4f: {  	[tilespmem:s5+$0x5060] =	vst v1;
	s5 =	sshra.s32 s9, $0x2;
	s9 =	sadd.s32 $0x200, s9  }
0x50: {  	[tilespmem:s5+$0x5070] =	vst v1  }
0x51: {  	[tilespmem:s5+$0x5000] =	vst v1  }
0x52: {  	[tilespmem:s5+$0x5010] =	vst v1  }
0x53: {  	[tilespmem:s5+$0x5020] =	vst v1  }
0x54: {  	[tilespmem:s5+$0x5030] =	vst v1  }
0x55: {  	[tilespmem:s5+$0x5040] =	vst v1  }
0x56: {  	[tilespmem:s5+$0x5050] =	vst v1  }
0x57: {  	[tilespmem:s5+$0x5060] =	vst v1  }
0x58: {  	s29 =	sadd.s32 $0x0, s13;
	[bflag:$0x0] =	sbarrier.arrive $0xFFFF  }
0x59: {  	[tilespmem:s16], [sflag:$0x3] =	stream.linear.gather [hbm4b:s29+s4], $0x400, $0x38;
	[tilespmem:$0x1CC00] =	vst v63  }
0x5a: {  	_ =	swait.ge [sflag:s15], $0x400  }
0x5b: {  	[sflag:s15] =	ssyncset.done $0x0  }
0x5c: {  	[sflag:s15] =	ssyncadd.s32 $0xFFFFFC00  }
0x5d: {  	[spmem:s3] =	stream.indirect.scatter.add.f32 [tilespmem:s18], [sflag:$0x3], $0x80, s16, s17, $0xb8;
	[tilespmem:$0x1CC00] =	vst v63  }
0x5e: {  	_ =	swait.ge [sflag:s15], $0x4000  }
0x5f: {  	[sflag:s15] =	ssyncset.done $0x0  }
0x60: {  	[sflag:s15] =	ssyncadd.s32 $0xFFFFC000  }
0x61: {  	[spmem:s3] =	stream.indirect.scatter.add.f32 [tilespmem:s18], [sflag:$0x3], $0x80, s19, s17, $0xb8;
	[tilespmem:$0x1CC00] =	vst v63  }
0x62: {  	_ =	swait.ge [sflag:s15], $0x4000  }
0x63: {  	[sflag:s15] =	ssyncset.done $0x0  }
0x64: {  	[sflag:s15] =	ssyncadd.s32 $0xFFFFC000  }
0x65: {  	[spmem:s3] =	stream.indirect.scatter.add.f32 [tilespmem:s18], [sflag:$0x3], $0x80, s20, s17, $0xb8;
	[tilespmem:$0x1CC00] =	vst v63  }
0x66: {  	_ =	swait.ge [sflag:s15], $0x4000  }
0x67: {  	[sflag:s15] =	ssyncset.done $0x0  }
0x68: {  	[sflag:s15] =	ssyncadd.s32 $0xFFFFC000  }
0x69: {  	[spmem:s3] =	stream.indirect.scatter.add.f32 [tilespmem:s18], [sflag:$0x3], $0x80, s21, s17, $0xb8;
	[tilespmem:$0x1CC00] =	vst v63  }
0x6a: {  	_ =	swait.ge [sflag:s15], $0x4000  }
0x6b: {  	[sflag:s15] =	ssyncset.done $0x0  }
0x6c: {  	[sflag:s15] =	ssyncadd.s32 $0xFFFFC000  }
0x6d: {  	[spmem:s3] =	stream.indirect.scatter.add.f32 [tilespmem:s18], [sflag:$0x3], $0x80, s22, s17, $0xb8;
	[tilespmem:$0x1CC00] =	vst v63  }
0x6e: {  	_ =	swait.ge [sflag:s15], $0x4000  }
0x6f: {  	[sflag:s15] =	ssyncset.done $0x0  }
0x70: {  	[sflag:s15] =	ssyncadd.s32 $0xFFFFC000  }
0x71: {  	[spmem:s3] =	stream.indirect.scatter.add.f32 [tilespmem:s18], [sflag:$0x3], $0x80, s23, s17, $0xb8;
	[tilespmem:$0x1CC00] =	vst v63  }
0x72: {  	_ =	swait.ge [sflag:s15], $0x4000  }
0x73: {  	[sflag:s15] =	ssyncset.done $0x0  }
0x74: {  	[sflag:s15] =	ssyncadd.s32 $0xFFFFC000  }
0x75: {  	[spmem:s3] =	stream.indirect.scatter.add.f32 [tilespmem:s18], [sflag:$0x3], $0x80, s24, s17, $0xb8;
	[tilespmem:$0x1CC00] =	vst v63  }
0x76: {  	_ =	swait.ge [sflag:s15], $0x4000  }
0x77: {  	[sflag:s15] =	ssyncset.done $0x0  }
0x78: {  	[sflag:s15] =	ssyncadd.s32 $0xFFFFC000  }
0x79: {  	[spmem:s3] =	stream.indirect.scatter.add.f32 [tilespmem:s18], [sflag:$0x3], $0x80, s25, s17, $0xb8;
	[tilespmem:$0x1CC00] =	vst v63  }
0x7a: {  	_ =	swait.ge [sflag:s15], $0x4000  }
0x7b: {  	s5 =	simm.s32 $0x80;
	s8 =	simm.s32 $0x100;
	[sflag:s15] =	ssyncset.done $0x0  }
.LBB2_6:
0x7c: {  	s29 =	sadd.s32 s5, s13  }
0x7d: {  	[sflag:s15] =	ssyncadd.s32 $0xFFFFC000;
	s5 =	smov.u32 s8;
	s9 =	sadd.s32 $0x80, s8  }
0x7e: {  	[tilespmem:s16], [sflag:$0x3] =	stream.linear.gather [hbm4b:s29+s4], $0x400, $0x38;
	[tilespmem:$0x1CC00] =	vst v63  }
0x7f: {  	p0 =	sne.s32 s8, $0x200;
	_ =	swait.ge [sflag:s15], $0x400  }
0x80: {  	[sflag:s15] =	ssyncset.done $0x0  }
0x81: {  	[sflag:s15] =	ssyncadd.s32 $0xFFFFFC00  }
0x82: {  	[spmem:s3] =	stream.indirect.scatter.add.f32 [tilespmem:s18], [sflag:$0x3], $0x80, s16, s17, $0xb8;
	[tilespmem:$0x1CC00] =	vst v63  }
0x83: {  	_ =	swait.ge [sflag:s15], $0x4000  }
0x84: {  	[sflag:s15] =	ssyncset.done $0x0  }
0x85: {  	[sflag:s15] =	ssyncadd.s32 $0xFFFFC000  }
0x86: {  	[spmem:s3] =	stream.indirect.scatter.add.f32 [tilespmem:s18], [sflag:$0x3], $0x80, s19, s17, $0xb8;
	[tilespmem:$0x1CC00] =	vst v63  }
0x87: {  	_ =	swait.ge [sflag:s15], $0x4000  }
0x88: {  	[sflag:s15] =	ssyncset.done $0x0  }
0x89: {  	[sflag:s15] =	ssyncadd.s32 $0xFFFFC000  }
0x8a: {  	[spmem:s3] =	stream.indirect.scatter.add.f32 [tilespmem:s18], [sflag:$0x3], $0x80, s20, s17, $0xb8;
	[tilespmem:$0x1CC00] =	vst v63  }
0x8b: {  	_ =	swait.ge [sflag:s15], $0x4000  }
0x8c: {  	[sflag:s15] =	ssyncset.done $0x0  }
0x8d: {  	[sflag:s15] =	ssyncadd.s32 $0xFFFFC000  }
0x8e: {  	[spmem:s3] =	stream.indirect.scatter.add.f32 [tilespmem:s18], [sflag:$0x3], $0x80, s21, s17, $0xb8;
	[tilespmem:$0x1CC00] =	vst v63  }
0x8f: {  	_ =	swait.ge [sflag:s15], $0x4000  }
0x90: {  	[sflag:s15] =	ssyncset.done $0x0  }
0x91: {  	[sflag:s15] =	ssyncadd.s32 $0xFFFFC000  }
0x92: {  	[spmem:s3] =	stream.indirect.scatter.add.f32 [tilespmem:s18], [sflag:$0x3], $0x80, s22, s17, $0xb8;
	[tilespmem:$0x1CC00] =	vst v63  }
0x93: {  	_ =	swait.ge [sflag:s15], $0x4000  }
0x94: {  	[sflag:s15] =	ssyncset.done $0x0  }
0x95: {  	[sflag:s15] =	ssyncadd.s32 $0xFFFFC000  }
0x96: {  	[spmem:s3] =	stream.indirect.scatter.add.f32 [tilespmem:s18], [sflag:$0x3], $0x80, s23, s17, $0xb8;
	[tilespmem:$0x1CC00] =	vst v63  }
0x97: {  	_ =	swait.ge [sflag:s15], $0x4000  }
0x98: {  	[sflag:s15] =	ssyncset.done $0x0  }
0x99: {  	[sflag:s15] =	ssyncadd.s32 $0xFFFFC000  }
0x9a: {  	[spmem:s3] =	stream.indirect.scatter.add.f32 [tilespmem:s18], [sflag:$0x3], $0x80, s24, s17, $0xb8;
	[tilespmem:$0x1CC00] =	vst v63  }
0x9b: {  	_ =	swait.ge [sflag:s15], $0x4000  }
.Ltmp2:
0x9c: {  	[sflag:s15] =	ssyncset.done $0x0;
	(pc) =	sbr.rel @p0 .LBB2_6-.Ltmp2, $4  }
0x9d: {  	[sflag:s15] =	ssyncadd.s32 $0xFFFFC000  }
0x9e: {  	[spmem:s3] =	stream.indirect.scatter.add.f32 [tilespmem:s18], [sflag:$0x3], $0x80, s25, s17, $0xb8;
	[tilespmem:$0x1CC00] =	vst v63  }
0x9f: {  	_ =	swait.ge [sflag:s15], $0x4000  }
0xa0: {  	s8 =	smov.u32 s9;
	[sflag:s15] =	ssyncset.done $0x0  }
0xa1: {  	s5 =	sadd.s32 s5, s13;
	[sflag:s15] =	ssyncadd.s32 $0xFFFFC000  }
0xa2: {  	[tilespmem:s16], [sflag:$0x3] =	stream.linear.gather [hbm4b:s5+s4], $0x400, $0x38;
	[tilespmem:$0x1CC00] =	vst v63  }
0xa3: {  	_ =	swait.ge [sflag:s15], $0x400  }
0xa4: {  	[sflag:s15] =	ssyncset.done $0x0  }
0xa5: {  	[sflag:s15] =	ssyncadd.s32 $0xFFFFFC00  }
0xa6: {  	[spmem:s3] =	stream.indirect.scatter.add.f32 [tilespmem:s18], [sflag:$0x3], $0x80, s16, s17, $0xb8;
	[tilespmem:$0x1CC00] =	vst v63  }
0xa7: {  	_ =	swait.ge [sflag:s15], $0x4000  }
0xa8: {  	[sflag:s15] =	ssyncset.done $0x0  }
0xa9: {  	[sflag:s15] =	ssyncadd.s32 $0xFFFFC000  }
0xaa: {  	[spmem:s3] =	stream.indirect.scatter.add.f32 [tilespmem:s18], [sflag:$0x3], $0x80, s19, s17, $0xb8;
	[tilespmem:$0x1CC00] =	vst v63  }
0xab: {  	_ =	swait.ge [sflag:s15], $0x4000  }
0xac: {  	[sflag:s15] =	ssyncset.done $0x0  }
0xad: {  	[sflag:s15] =	ssyncadd.s32 $0xFFFFC000  }
0xae: {  	[spmem:s3] =	stream.indirect.scatter.add.f32 [tilespmem:s18], [sflag:$0x3], $0x80, s20, s17, $0xb8;
	[tilespmem:$0x1CC00] =	vst v63  }
0xaf: {  	_ =	swait.ge [sflag:s15], $0x4000  }
0xb0: {  	[sflag:s15] =	ssyncset.done $0x0  }
0xb1: {  	[sflag:s15] =	ssyncadd.s32 $0xFFFFC000  }
0xb2: {  	[spmem:s3] =	stream.indirect.scatter.add.f32 [tilespmem:s18], [sflag:$0x3], $0x80, s21, s17, $0xb8;
	[tilespmem:$0x1CC00] =	vst v63  }
0xb3: {  	_ =	swait.ge [sflag:s15], $0x4000  }
0xb4: {  	[sflag:s15] =	ssyncset.done $0x0  }
0xb5: {  	[sflag:s15] =	ssyncadd.s32 $0xFFFFC000  }
0xb6: {  	[spmem:s3] =	stream.indirect.scatter.add.f32 [tilespmem:s18], [sflag:$0x3], $0x80, s22, s17, $0xb8;
	[tilespmem:$0x1CC00] =	vst v63  }
0xb7: {  	_ =	swait.ge [sflag:s15], $0x4000  }
0xb8: {  	[sflag:s15] =	ssyncset.done $0x0  }
0xb9: {  	[sflag:s15] =	ssyncadd.s32 $0xFFFFC000  }
0xba: {  	[spmem:s3] =	stream.indirect.scatter.add.f32 [tilespmem:s18], [sflag:$0x3], $0x80, s23, s17, $0xb8;
	[tilespmem:$0x1CC00] =	vst v63  }
0xbb: {  	_ =	swait.ge [sflag:s15], $0x4000  }
0xbc: {  	[sflag:s15] =	ssyncset.done $0x0  }
0xbd: {  	[sflag:s15] =	ssyncadd.s32 $0xFFFFC000  }
0xbe: {  	[spmem:s3] =	stream.indirect.scatter.add.f32 [tilespmem:s18], [sflag:$0x3], $0x80, s24, s17, $0xb8;
	[tilespmem:$0x1CC00] =	vst v63  }
0xbf: {  	_ =	swait.ge [sflag:s15], $0x4000  }
0xc0: {  	[sflag:s15] =	ssyncset.done $0x0  }
0xc1: {  	[sflag:s15] =	ssyncadd.s32 $0xFFFFC000  }
0xc2: {  	[spmem:s3] =	stream.indirect.scatter.add.f32 [tilespmem:s18], [sflag:$0x3], $0x80, s25, s17, $0xb8;
	[tilespmem:$0x1CC00] =	vst v63  }
0xc3: {  	_ =	swait.ge [sflag:s15], $0x4000  }
0xc4: {  	[sflag:s15] =	ssyncset.done $0x0  }
0xc5: {  	s9 =	stileid.u32;
	[sflag:s15] =	ssyncadd.s32 $0xFFFFC000  }
0xc6: {  	s5 =	sshll.u32 s9, $0x6;
	[bflag:$0x0] =	sbarrier.arrive $0xFFFF  }
0xc7: {  	s9 =	sor.u32 $0x1C03, s5;
	s5 =	rddreg [dreg:$0x12]  }
0xc8: {  	s8 =	rddreg [dreg:$0x17]  }
0xc9: {  	[dreg:$0x1b] =	wrdreg s9;
	s29 =	sshrl.u32 s5, $0x3  }
0xca: {  	[dreg:$0x1c] =	wrdreg s29  }
0xcb: {  	[hbm:s8], [sflag:s9] =	dma.local [spmem:s29], $0x2780  }
0xcc: {  	_ =	swait.ge [sflag:s15], $0x2780  }
0xcd: {  	[sflag:s15] =	ssyncset.done $0x0  }
0xce: {  	[sflag:s15] =	ssyncadd.s32 $0xFFFFD880  }
0xcf: {  	[spmem:s5] =	stream.linear.scatter [tilespmem:s14], [sflag:$0x3], $0x4000, $0x38;
	[tilespmem:$0x1CC00] =	vst v63  }
0xd0: {  	_ =	swait.ge [sflag:s15], $0x4000  }
0xd1: {  	[sflag:s15] =	ssyncset.done $0x0  }
0xd2: {  	s29 =	rddreg [dreg:$0x13];
	[sflag:s15] =	ssyncadd.s32 $0xFFFFC000  }
0xd3: {  	[spmem:s29] =	stream.linear.scatter [tilespmem:s14], [sflag:$0x3], $0x4000, $0x38;
	[tilespmem:$0x1CC00] =	vst v63  }
0xd4: {  	_ =	swait.ge [sflag:s15], $0x4000  }
0xd5: {  	[sflag:s15] =	ssyncset.done $0x0  }
0xd6: {  	s8 =	rddreg [dreg:$0x14];
	[sflag:s15] =	ssyncadd.s32 $0xFFFFC000  }
0xd7: {  	[spmem:s8] =	stream.linear.scatter [tilespmem:s14], [sflag:$0x3], $0x4000, $0x38;
	[tilespmem:$0x1CC00] =	vst v63  }
0xd8: {  	_ =	swait.ge [sflag:s15], $0x4000  }
0xd9: {  	[sflag:s15] =	ssyncset.done $0x0  }
0xda: {  	s9 =	rddreg [dreg:$0x15];
	[sflag:s15] =	ssyncadd.s32 $0xFFFFC000  }
0xdb: {  	[spmem:s9] =	stream.linear.scatter [tilespmem:s14], [sflag:$0x3], $0x4000, $0x38;
	[tilespmem:$0x1CC00] =	vst v63  }
0xdc: {  	_ =	swait.ge [sflag:s15], $0x4000  }
0xdd: {  	[sflag:s15] =	ssyncset.done $0x0  }
0xde: {  	s29 =	rddreg [dreg:$0x16];
	[sflag:s15] =	ssyncadd.s32 $0xFFFFC000  }
0xdf: {  	[spmem:s29] =	stream.linear.scatter [tilespmem:s14], [sflag:$0x3], $0x3C00, $0x38;
	[tilespmem:$0x1CC00] =	vst v63  }
0xe0: {  	_ =	swait.ge [sflag:s15], $0x3C00  }
0xe1: {  	[sflag:s15] =	ssyncset.done $0x0  }
0xe2: {  	[sflag:s15] =	ssyncadd.s32 $0xFFFFC400  }
0xe3: {  	[bflag:$0x0] =	sbarrier.arrive $0xFFFF  }
0xe4: {  	s8 =	rddreg [dreg:$0x5]  }
0xe5: {  	s5 =	sadd.s32 $0x0, s8  }
0xe6: {  	[tilespmem:s4], [sflag:$0x3] =	stream.linear.gather [hbm4b:s5+s4], $0x800, $0x38;
	[tilespmem:$0x1CC00] =	vst v63  }
0xe7: {  	_ =	swait.ge [sflag:s15], $0x800  }
0xe8: {  	s9 =	rddreg [dreg:$0x4];
	[sflag:s15] =	ssyncset.done $0x0  }
0xe9: {  	[sflag:s15] =	ssyncadd.s32 $0xFFFFF800;
	s5 =	sadd.s32 $0x0, s9  }
0xea: {  	[tilespmem:s16], [sflag:$0x3] =	stream.linear.gather [hbm4b:s5+s4], $0x800, $0x38;
	[tilespmem:$0x1CC00] =	vst v63  }
0xeb: {  	_ =	swait.ge [sflag:s15], $0x800  }
0xec: {  	[sflag:s15] =	ssyncset.done $0x0  }
0xed: {  	[sflag:s15] =	ssyncadd.s32 $0xFFFFF800  }
0xee: {  	[tilespmem:s14], [sflag:$0x1] =	stream.indirect.gather [hbm4b:s1+s17], $0x80, s4, s17, $0xb8;
	[tilespmem:$0x1CC00] =	vst v63  }
0xef: {  	_ = 	snop  }
0xf0: {  	[tilespmem:s18], [sflag:$0x2] =	stream.indirect.gather [hbm4b:s1+s17], $0x80, s17, s17, $0xb8;
	[tilespmem:$0x1CC00] =	vst v63  }
0xf1: {  	_ =	swait.ge [sflag:s26], $0x4000  }
0xf2: {  	[sflag:s26] =	ssyncset.done $0x0  }
0xf3: {  	[sflag:s26] =	ssyncadd.s32 $0xFFFFC000  }
0xf4: {  	[spmem:s3] =	stream.indirect.scatter.add.f32 [tilespmem:s14], [sflag:$0x3], $0x80, s16, s17, $0xb8;
	[tilespmem:$0x1CC00] =	vst v63  }
0xf5: {  	_ =	swait.ge [sflag:s15], $0x4000  }
0xf6: {  	[sflag:s15] =	ssyncset.done $0x0  }
0xf7: {  	s29 =	rddreg [dreg:$0x6];
	[sflag:s15] =	ssyncadd.s32 $0xFFFFC000  }
0xf8: {  	[tilespmem:s14], [sflag:$0x1] =	stream.indirect.gather [hbm4b:s1+s17], $0x80, s29, s17, $0xb8;
	[tilespmem:$0x1CC00] =	vst v63  }
0xf9: {  	_ =	swait.ge [sflag:s28], $0x4000  }
0xfa: {  	[sflag:s28] =	ssyncset.done $0x0  }
0xfb: {  	[sflag:s28] =	ssyncadd.s32 $0xFFFFC000  }
0xfc: {  	[spmem:s3] =	stream.indirect.scatter.add.f32 [tilespmem:s18], [sflag:$0x3], $0x80, s19, s17, $0xb8;
	[tilespmem:$0x1CC00] =	vst v63  }
0xfd: {  	_ =	swait.ge [sflag:s15], $0x4000  }
0xfe: {  	[sflag:s15] =	ssyncset.done $0x0  }
0xff: {  	s8 =	rddreg [dreg:$0x7];
	[sflag:s15] =	ssyncadd.s32 $0xFFFFC000  }
0x100: {  	[tilespmem:s18], [sflag:$0x2] =	stream.indirect.gather [hbm4b:s1+s17], $0x80, s8, s17, $0xb8;
	[tilespmem:$0x1CC00] =	vst v63  }
0x101: {  	_ =	swait.ge [sflag:s26], $0x4000  }
0x102: {  	[sflag:s26] =	ssyncset.done $0x0  }
0x103: {  	[sflag:s26] =	ssyncadd.s32 $0xFFFFC000  }
0x104: {  	[spmem:s3] =	stream.indirect.scatter.add.f32 [tilespmem:s14], [sflag:$0x3], $0x80, s20, s17, $0xb8;
	[tilespmem:$0x1CC00] =	vst v63  }
0x105: {  	_ =	swait.ge [sflag:s15], $0x4000  }
0x106: {  	[sflag:s15] =	ssyncset.done $0x0  }
0x107: {  	s9 =	rddreg [dreg:$0x8];
	[sflag:s15] =	ssyncadd.s32 $0xFFFFC000  }
0x108: {  	[tilespmem:s14], [sflag:$0x1] =	stream.indirect.gather [hbm4b:s1+s17], $0x80, s9, s17, $0xb8;
	[tilespmem:$0x1CC00] =	vst v63  }
0x109: {  	_ =	swait.ge [sflag:s28], $0x4000  }
0x10a: {  	[sflag:s28] =	ssyncset.done $0x0  }
0x10b: {  	[sflag:s28] =	ssyncadd.s32 $0xFFFFC000  }
0x10c: {  	[spmem:s3] =	stream.indirect.scatter.add.f32 [tilespmem:s18], [sflag:$0x3], $0x80, s21, s17, $0xb8;
	[tilespmem:$0x1CC00] =	vst v63  }
0x10d: {  	_ =	swait.ge [sflag:s15], $0x4000  }
0x10e: {  	[sflag:s15] =	ssyncset.done $0x0  }
0x10f: {  	s29 =	rddreg [dreg:$0x9];
	[sflag:s15] =	ssyncadd.s32 $0xFFFFC000  }
0x110: {  	[tilespmem:s18], [sflag:$0x2] =	stream.indirect.gather [hbm4b:s1+s17], $0x80, s29, s17, $0xb8;
	[tilespmem:$0x1CC00] =	vst v63  }
0x111: {  	_ =	swait.ge [sflag:s26], $0x4000  }
0x112: {  	[sflag:s26] =	ssyncset.done $0x0  }
0x113: {  	[sflag:s26] =	ssyncadd.s32 $0xFFFFC000  }
0x114: {  	[spmem:s3] =	stream.indirect.scatter.add.f32 [tilespmem:s14], [sflag:$0x3], $0x80, s22, s17, $0xb8;
	[tilespmem:$0x1CC00] =	vst v63  }
0x115: {  	_ =	swait.ge [sflag:s15], $0x4000  }
0x116: {  	[sflag:s15] =	ssyncset.done $0x0  }
0x117: {  	s8 =	rddreg [dreg:$0xa];
	[sflag:s15] =	ssyncadd.s32 $0xFFFFC000  }
0x118: {  	[tilespmem:s14], [sflag:$0x1] =	stream.indirect.gather [hbm4b:s1+s17], $0x80, s8, s17, $0xb8;
	[tilespmem:$0x1CC00] =	vst v63  }
0x119: {  	_ =	swait.ge [sflag:s28], $0x4000  }
0x11a: {  	[sflag:s28] =	ssyncset.done $0x0  }
0x11b: {  	[sflag:s28] =	ssyncadd.s32 $0xFFFFC000  }
0x11c: {  	[spmem:s3] =	stream.indirect.scatter.add.f32 [tilespmem:s18], [sflag:$0x3], $0x80, s23, s17, $0xb8;
	[tilespmem:$0x1CC00] =	vst v63  }
0x11d: {  	_ =	swait.ge [sflag:s15], $0x4000  }
0x11e: {  	[sflag:s15] =	ssyncset.done $0x0  }
0x11f: {  	s9 =	rddreg [dreg:$0xb];
	[sflag:s15] =	ssyncadd.s32 $0xFFFFC000  }
0x120: {  	[tilespmem:s18], [sflag:$0x2] =	stream.indirect.gather [hbm4b:s1+s17], $0x80, s9, s17, $0xb8;
	[tilespmem:$0x1CC00] =	vst v63  }
0x121: {  	_ =	swait.ge [sflag:s26], $0x4000  }
0x122: {  	[sflag:s26] =	ssyncset.done $0x0  }
0x123: {  	[sflag:s26] =	ssyncadd.s32 $0xFFFFC000  }
0x124: {  	[spmem:s3] =	stream.indirect.scatter.add.f32 [tilespmem:s14], [sflag:$0x3], $0x80, s24, s17, $0xb8;
	[tilespmem:$0x1CC00] =	vst v63  }
0x125: {  	_ =	swait.ge [sflag:s15], $0x4000  }
0x126: {  	[sflag:s15] =	ssyncset.done $0x0  }
0x127: {  	s29 =	rddreg [dreg:$0xc];
	[sflag:s15] =	ssyncadd.s32 $0xFFFFC000  }
0x128: {  	[tilespmem:s14], [sflag:$0x1] =	stream.indirect.gather [hbm4b:s1+s17], $0x80, s29, s17, $0xb8;
	[tilespmem:$0x1CC00] =	vst v63  }
0x129: {  	_ =	swait.ge [sflag:s28], $0x4000  }
0x12a: {  	[sflag:s28] =	ssyncset.done $0x0  }
0x12b: {  	[sflag:s28] =	ssyncadd.s32 $0xFFFFC000  }
0x12c: {  	[spmem:s3] =	stream.indirect.scatter.add.f32 [tilespmem:s18], [sflag:$0x3], $0x80, s25, s17, $0xb8;
	[tilespmem:$0x1CC00] =	vst v63  }
0x12d: {  	_ =	swait.ge [sflag:s15], $0x4000  }
0x12e: {  	[sflag:s15] =	ssyncset.done $0x0  }
0x12f: {  	s8 =	rddreg [dreg:$0xd];
	[sflag:s15] =	ssyncadd.s32 $0xFFFFC000  }
0x130: {  	[tilespmem:s18], [sflag:$0x2] =	stream.indirect.gather [hbm4b:s1+s17], $0x80, s8, s17, $0xb8;
	[tilespmem:$0x1CC00] =	vst v63  }
0x131: {  	_ =	swait.ge [sflag:s26], $0x4000  }
0x132: {  	[sflag:s26] =	ssyncset.done $0x0  }
0x133: {  	s9 =	rddreg [dreg:$0xe];
	[sflag:s26] =	ssyncadd.s32 $0xFFFFC000  }
0x134: {  	[spmem:s3] =	stream.indirect.scatter.add.f32 [tilespmem:s14], [sflag:$0x3], $0x80, s9, s17, $0xb8;
	[tilespmem:$0x1CC00] =	vst v63  }
0x135: {  	_ =	swait.ge [sflag:s15], $0x4000  }
0x136: {  	[sflag:s15] =	ssyncset.done $0x0  }
0x137: {  	s29 =	rddreg [dreg:$0xf];
	[sflag:s15] =	ssyncadd.s32 $0xFFFFC000  }
0x138: {  	[tilespmem:s14], [sflag:$0x1] =	stream.indirect.gather [hbm4b:s1+s17], $0x80, s29, s17, $0xb8;
	[tilespmem:$0x1CC00] =	vst v63  }
0x139: {  	_ =	swait.ge [sflag:s28], $0x4000  }
0x13a: {  	[sflag:s28] =	ssyncset.done $0x0  }
0x13b: {  	s8 =	rddreg [dreg:$0x10];
	[sflag:s28] =	ssyncadd.s32 $0xFFFFC000  }
0x13c: {  	[spmem:s3] =	stream.indirect.scatter.add.f32 [tilespmem:s18], [sflag:$0x3], $0x80, s8, s17, $0xb8;
	[tilespmem:$0x1CC00] =	vst v63  }
0x13d: {  	_ =	swait.ge [sflag:s15], $0x4000  }
0x13e: {  	[sflag:s15] =	ssyncset.done $0x0  }
0x13f: {  	s9 =	rddreg [dreg:$0x11];
	[sflag:s15] =	ssyncadd.s32 $0xFFFFC000  }
0x140: {  	[tilespmem:s18], [sflag:$0x2] =	stream.indirect.gather [hbm4b:s1+s17], $0x80, s9, s17, $0xb8;
	[tilespmem:$0x1CC00] =	vst v63  }
0x141: {  	_ =	swait.ge [sflag:s26], $0x4000  }
0x142: {  	[sflag:s26] =	ssyncset.done $0x0  }
0x143: {  	s29 =	simm.s32 $0xD00;
	[sflag:s26] =	ssyncadd.s32 $0xFFFFC000  }
0x144: {  	[spmem:s3] =	stream.indirect.scatter.add.f32 [tilespmem:s14], [sflag:$0x3], $0x80, s29, s17, $0xb8;
	[tilespmem:$0x1CC00] =	vst v63  }
0x145: {  	_ =	swait.ge [sflag:s15], $0x4000  }
0x146: {  	[sflag:s15] =	ssyncset.done $0x0  }
0x147: {  	[sflag:s15] =	ssyncadd.s32 $0xFFFFC000  }
0x148: {  	[tilespmem:s14], [sflag:$0x1] =	stream.indirect.gather [hbm4b:s1+s17], $0x80, s30, s17, $0xb8;
	[tilespmem:$0x1CC00] =	vst v63  }
0x149: {  	_ =	swait.ge [sflag:s28], $0x4000  }
0x14a: {  	[sflag:s28] =	ssyncset.done $0x0  }
0x14b: {  	[sflag:s28] =	ssyncadd.s32 $0xFFFFC000  }
0x14c: {  	[spmem:s3] =	stream.indirect.scatter.add.f32 [tilespmem:s18], [sflag:$0x3], $0x80, s31, s17, $0xb8;
	[tilespmem:$0x1CC00] =	vst v63  }
0x14d: {  	_ =	swait.ge [sflag:s15], $0x4000  }
0x14e: {  	[sflag:s15] =	ssyncset.done $0x0  }
0x14f: {  	[sflag:s15] =	ssyncadd.s32 $0xFFFFC000  }
0x150: {  	[tilespmem:s18], [sflag:$0x2] =	stream.indirect.gather [hbm4b:s1+s17], $0x80, s2, s17, $0xb8;
	[tilespmem:$0x1CC00] =	vst v63  }
0x151: {  	_ =	swait.ge [sflag:s26], $0x4000  }
0x152: {  	[sflag:s26] =	ssyncset.done $0x0  }
0x153: {  	[sflag:s26] =	ssyncadd.s32 $0xFFFFC000  }
0x154: {  	[spmem:s3] =	stream.indirect.scatter.add.f32 [tilespmem:s14], [sflag:$0x3], $0x80, s0, s17, $0xb8;
	[tilespmem:$0x1CC00] =	vst v63  }
0x155: {  	_ =	swait.ge [sflag:s15], $0x4000  }
0x156: {  	[sflag:s15] =	ssyncset.done $0x0  }
0x157: {  	[sflag:s15] =	ssyncadd.s32 $0xFFFFC000  }
0x158: {  	[tilespmem:s14], [sflag:$0x1] =	stream.indirect.gather [hbm4b:s1+s17], $0x80, s10, s17, $0xb8;
	[tilespmem:$0x1CC00] =	vst v63  }
0x159: {  	_ =	swait.ge [sflag:s28], $0x4000  }
0x15a: {  	[sflag:s28] =	ssyncset.done $0x0  }
0x15b: {  	[sflag:s28] =	ssyncadd.s32 $0xFFFFC000  }
0x15c: {  	[spmem:s3] =	stream.indirect.scatter.add.f32 [tilespmem:s18], [sflag:$0x3], $0x80, s11, s17, $0xb8;
	[tilespmem:$0x1CC00] =	vst v63  }
0x15d: {  	_ =	swait.ge [sflag:s15], $0x4000  }
0x15e: {  	[sflag:s15] =	ssyncset.done $0x0  }
0x15f: {  	[sflag:s15] =	ssyncadd.s32 $0xFFFFC000  }
0x160: {  	[tilespmem:s18], [sflag:$0x2] =	stream.indirect.gather [hbm4b:s1+s17], $0x80, s12, s17, $0xb8;
	[tilespmem:$0x1CC00] =	vst v63  }
0x161: {  	_ =	swait.ge [sflag:s26], $0x4000  }
0x162: {  	[sflag:s26] =	ssyncset.done $0x0  }
0x163: {  	[sflag:s26] =	ssyncadd.s32 $0xFFFFC000  }
0x164: {  	[spmem:s3] =	stream.indirect.scatter.add.f32 [tilespmem:s14], [sflag:$0x3], $0x80, s6, s17, $0xb8;
	[tilespmem:$0x1CC00] =	vst v63  }
0x165: {  	_ =	swait.ge [sflag:s15], $0x4000  }
0x166: {  	[sflag:s15] =	ssyncset.done $0x0  }
0x167: {  	[sflag:s15] =	ssyncadd.s32 $0xFFFFC000  }
0x168: {  	_ =	swait.ge [sflag:s28], $0x4000  }
0x169: {  	[sflag:s28] =	ssyncset.done $0x0  }
0x16a: {  	[sflag:s28] =	ssyncadd.s32 $0xFFFFC000  }
0x16b: {  	[spmem:s3] =	stream.indirect.scatter.add.f32 [tilespmem:s18], [sflag:$0x3], $0x80, s7, s17, $0xb8;
	[tilespmem:$0x1CC00] =	vst v63  }
0x16c: {  	s5 =	simm.s32 $0x200;
	_ =	swait.ge [sflag:s15], $0x4000  }
0x16d: {  	s9 =	simm.s32 $0x100;
	s8 =	rddreg [dreg:$0x5];
	[sflag:s15] =	ssyncset.done $0x0  }
.LBB2_8:
0x16e: {  	[sflag:s15] =	ssyncadd.s32 $0xFFFFC000;
	s8 =	sadd.s32 s9, s8  }
0x16f: {  	[tilespmem:s4], [sflag:$0x3] =	stream.linear.gather [hbm4b:s8+s4], $0x800, $0x38;
	[tilespmem:$0x1CC00] =	vst v63  }
0x170: {  	_ =	swait.ge [sflag:s15], $0x800  }
0x171: {  	s8 =	rddreg [dreg:$0x4];
	[sflag:s15] =	ssyncset.done $0x0  }
0x172: {  	[sflag:s15] =	ssyncadd.s32 $0xFFFFF800;
	s8 =	sadd.s32 s9, s8  }
0x173: {  	[tilespmem:s16], [sflag:$0x3] =	stream.linear.gather [hbm4b:s8+s4], $0x800, $0x38;
	[tilespmem:$0x1CC00] =	vst v63  }
0x174: {  	_ =	swait.ge [sflag:s15], $0x800  }
0x175: {  	[sflag:s15] =	ssyncset.done $0x0  }
0x176: {  	[sflag:s15] =	ssyncadd.s32 $0xFFFFF800  }
0x177: {  	[tilespmem:s14], [sflag:$0x1] =	stream.indirect.gather [hbm4b:s1+s17], $0x80, s4, s17, $0xb8;
	[tilespmem:$0x1CC00] =	vst v63  }
0x178: {  	_ = 	snop  }
0x179: {  	[tilespmem:s18], [sflag:$0x2] =	stream.indirect.gather [hbm4b:s1+s17], $0x80, s17, s17, $0xb8;
	[tilespmem:$0x1CC00] =	vst v63  }
0x17a: {  	_ =	swait.ge [sflag:s26], $0x4000  }
0x17b: {  	[sflag:s26] =	ssyncset.done $0x0  }
0x17c: {  	[sflag:s26] =	ssyncadd.s32 $0xFFFFC000  }
0x17d: {  	[spmem:s3] =	stream.indirect.scatter.add.f32 [tilespmem:s14], [sflag:$0x3], $0x80, s16, s17, $0xb8;
	[tilespmem:$0x1CC00] =	vst v63  }
0x17e: {  	_ =	swait.ge [sflag:s15], $0x4000  }
0x17f: {  	[sflag:s15] =	ssyncset.done $0x0  }
0x180: {  	s8 =	rddreg [dreg:$0x6];
	[sflag:s15] =	ssyncadd.s32 $0xFFFFC000  }
0x181: {  	[tilespmem:s14], [sflag:$0x1] =	stream.indirect.gather [hbm4b:s1+s17], $0x80, s8, s17, $0xb8;
	[tilespmem:$0x1CC00] =	vst v63  }
0x182: {  	_ =	swait.ge [sflag:s28], $0x4000  }
0x183: {  	[sflag:s28] =	ssyncset.done $0x0  }
0x184: {  	[sflag:s28] =	ssyncadd.s32 $0xFFFFC000  }
0x185: {  	[spmem:s3] =	stream.indirect.scatter.add.f32 [tilespmem:s18], [sflag:$0x3], $0x80, s19, s17, $0xb8;
	[tilespmem:$0x1CC00] =	vst v63  }
0x186: {  	_ =	swait.ge [sflag:s15], $0x4000  }
0x187: {  	[sflag:s15] =	ssyncset.done $0x0  }
0x188: {  	s8 =	rddreg [dreg:$0x7];
	[sflag:s15] =	ssyncadd.s32 $0xFFFFC000  }
0x189: {  	[tilespmem:s18], [sflag:$0x2] =	stream.indirect.gather [hbm4b:s1+s17], $0x80, s8, s17, $0xb8;
	[tilespmem:$0x1CC00] =	vst v63  }
0x18a: {  	_ =	swait.ge [sflag:s26], $0x4000  }
0x18b: {  	[sflag:s26] =	ssyncset.done $0x0  }
0x18c: {  	[sflag:s26] =	ssyncadd.s32 $0xFFFFC000  }
0x18d: {  	[spmem:s3] =	stream.indirect.scatter.add.f32 [tilespmem:s14], [sflag:$0x3], $0x80, s20, s17, $0xb8;
	[tilespmem:$0x1CC00] =	vst v63  }
0x18e: {  	_ =	swait.ge [sflag:s15], $0x4000  }
0x18f: {  	[sflag:s15] =	ssyncset.done $0x0  }
0x190: {  	s8 =	rddreg [dreg:$0x8];
	[sflag:s15] =	ssyncadd.s32 $0xFFFFC000  }
0x191: {  	[tilespmem:s14], [sflag:$0x1] =	stream.indirect.gather [hbm4b:s1+s17], $0x80, s8, s17, $0xb8;
	[tilespmem:$0x1CC00] =	vst v63  }
0x192: {  	_ =	swait.ge [sflag:s28], $0x4000  }
0x193: {  	[sflag:s28] =	ssyncset.done $0x0  }
0x194: {  	[sflag:s28] =	ssyncadd.s32 $0xFFFFC000  }
0x195: {  	[spmem:s3] =	stream.indirect.scatter.add.f32 [tilespmem:s18], [sflag:$0x3], $0x80, s21, s17, $0xb8;
	[tilespmem:$0x1CC00] =	vst v63  }
0x196: {  	_ =	swait.ge [sflag:s15], $0x4000  }
0x197: {  	[sflag:s15] =	ssyncset.done $0x0  }
0x198: {  	s8 =	rddreg [dreg:$0x9];
	[sflag:s15] =	ssyncadd.s32 $0xFFFFC000  }
0x199: {  	[tilespmem:s18], [sflag:$0x2] =	stream.indirect.gather [hbm4b:s1+s17], $0x80, s8, s17, $0xb8;
	[tilespmem:$0x1CC00] =	vst v63  }
0x19a: {  	_ =	swait.ge [sflag:s26], $0x4000  }
0x19b: {  	[sflag:s26] =	ssyncset.done $0x0  }
0x19c: {  	[sflag:s26] =	ssyncadd.s32 $0xFFFFC000  }
0x19d: {  	[spmem:s3] =	stream.indirect.scatter.add.f32 [tilespmem:s14], [sflag:$0x3], $0x80, s22, s17, $0xb8;
	[tilespmem:$0x1CC00] =	vst v63  }
0x19e: {  	_ =	swait.ge [sflag:s15], $0x4000  }
0x19f: {  	[sflag:s15] =	ssyncset.done $0x0  }
0x1a0: {  	s8 =	rddreg [dreg:$0xa];
	[sflag:s15] =	ssyncadd.s32 $0xFFFFC000  }
0x1a1: {  	[tilespmem:s14], [sflag:$0x1] =	stream.indirect.gather [hbm4b:s1+s17], $0x80, s8, s17, $0xb8;
	[tilespmem:$0x1CC00] =	vst v63  }
0x1a2: {  	_ =	swait.ge [sflag:s28], $0x4000  }
0x1a3: {  	[sflag:s28] =	ssyncset.done $0x0  }
0x1a4: {  	[sflag:s28] =	ssyncadd.s32 $0xFFFFC000  }
0x1a5: {  	[spmem:s3] =	stream.indirect.scatter.add.f32 [tilespmem:s18], [sflag:$0x3], $0x80, s23, s17, $0xb8;
	[tilespmem:$0x1CC00] =	vst v63  }
0x1a6: {  	_ =	swait.ge [sflag:s15], $0x4000  }
0x1a7: {  	[sflag:s15] =	ssyncset.done $0x0  }
0x1a8: {  	s8 =	rddreg [dreg:$0xb];
	[sflag:s15] =	ssyncadd.s32 $0xFFFFC000  }
0x1a9: {  	[tilespmem:s18], [sflag:$0x2] =	stream.indirect.gather [hbm4b:s1+s17], $0x80, s8, s17, $0xb8;
	[tilespmem:$0x1CC00] =	vst v63  }
0x1aa: {  	_ =	swait.ge [sflag:s26], $0x4000  }
0x1ab: {  	[sflag:s26] =	ssyncset.done $0x0  }
0x1ac: {  	[sflag:s26] =	ssyncadd.s32 $0xFFFFC000  }
0x1ad: {  	[spmem:s3] =	stream.indirect.scatter.add.f32 [tilespmem:s14], [sflag:$0x3], $0x80, s24, s17, $0xb8;
	[tilespmem:$0x1CC00] =	vst v63  }
0x1ae: {  	_ =	swait.ge [sflag:s15], $0x4000  }
0x1af: {  	[sflag:s15] =	ssyncset.done $0x0  }
0x1b0: {  	s8 =	rddreg [dreg:$0xc];
	[sflag:s15] =	ssyncadd.s32 $0xFFFFC000  }
0x1b1: {  	[tilespmem:s14], [sflag:$0x1] =	stream.indirect.gather [hbm4b:s1+s17], $0x80, s8, s17, $0xb8;
	[tilespmem:$0x1CC00] =	vst v63  }
0x1b2: {  	_ =	swait.ge [sflag:s28], $0x4000  }
0x1b3: {  	[sflag:s28] =	ssyncset.done $0x0  }
0x1b4: {  	[sflag:s28] =	ssyncadd.s32 $0xFFFFC000  }
0x1b5: {  	[spmem:s3] =	stream.indirect.scatter.add.f32 [tilespmem:s18], [sflag:$0x3], $0x80, s25, s17, $0xb8;
	[tilespmem:$0x1CC00] =	vst v63  }
0x1b6: {  	_ =	swait.ge [sflag:s15], $0x4000  }
0x1b7: {  	[sflag:s15] =	ssyncset.done $0x0  }
0x1b8: {  	s8 =	rddreg [dreg:$0xd];
	[sflag:s15] =	ssyncadd.s32 $0xFFFFC000  }
0x1b9: {  	[tilespmem:s18], [sflag:$0x2] =	stream.indirect.gather [hbm4b:s1+s17], $0x80, s8, s17, $0xb8;
	[tilespmem:$0x1CC00] =	vst v63  }
0x1ba: {  	_ =	swait.ge [sflag:s26], $0x4000  }
0x1bb: {  	[sflag:s26] =	ssyncset.done $0x0  }
0x1bc: {  	s8 =	rddreg [dreg:$0xe];
	[sflag:s26] =	ssyncadd.s32 $0xFFFFC000  }
0x1bd: {  	[spmem:s3] =	stream.indirect.scatter.add.f32 [tilespmem:s14], [sflag:$0x3], $0x80, s8, s17, $0xb8;
	[tilespmem:$0x1CC00] =	vst v63  }
0x1be: {  	_ =	swait.ge [sflag:s15], $0x4000  }
0x1bf: {  	[sflag:s15] =	ssyncset.done $0x0  }
0x1c0: {  	s8 =	rddreg [dreg:$0xf];
	[sflag:s15] =	ssyncadd.s32 $0xFFFFC000  }
0x1c1: {  	[tilespmem:s14], [sflag:$0x1] =	stream.indirect.gather [hbm4b:s1+s17], $0x80, s8, s17, $0xb8;
	[tilespmem:$0x1CC00] =	vst v63  }
0x1c2: {  	_ =	swait.ge [sflag:s28], $0x4000  }
0x1c3: {  	[sflag:s28] =	ssyncset.done $0x0  }
0x1c4: {  	s8 =	rddreg [dreg:$0x10];
	[sflag:s28] =	ssyncadd.s32 $0xFFFFC000  }
0x1c5: {  	[spmem:s3] =	stream.indirect.scatter.add.f32 [tilespmem:s18], [sflag:$0x3], $0x80, s8, s17, $0xb8;
	[tilespmem:$0x1CC00] =	vst v63  }
0x1c6: {  	_ =	swait.ge [sflag:s15], $0x4000  }
0x1c7: {  	[sflag:s15] =	ssyncset.done $0x0  }
0x1c8: {  	s8 =	rddreg [dreg:$0x11];
	[sflag:s15] =	ssyncadd.s32 $0xFFFFC000  }
0x1c9: {  	[tilespmem:s18], [sflag:$0x2] =	stream.indirect.gather [hbm4b:s1+s17], $0x80, s8, s17, $0xb8;
	[tilespmem:$0x1CC00] =	vst v63  }
0x1ca: {  	_ =	swait.ge [sflag:s26], $0x4000  }
0x1cb: {  	s29 =	smov.u32 s5;
	[sflag:s26] =	ssyncset.done $0x0  }
0x1cc: {  	s9 =	smov.u32 s29;
	s29 =	simm.s32 $0xD00;
	[sflag:s26] =	ssyncadd.s32 $0xFFFFC000  }
0x1cd: {  	[spmem:s3] =	stream.indirect.scatter.add.f32 [tilespmem:s14], [sflag:$0x3], $0x80, s29, s17, $0xb8;
	[tilespmem:$0x1CC00] =	vst v63  }
0x1ce: {  	_ =	swait.ge [sflag:s15], $0x4000  }
0x1cf: {  	[sflag:s15] =	ssyncset.done $0x0  }
0x1d0: {  	[sflag:s15] =	ssyncadd.s32 $0xFFFFC000  }
0x1d1: {  	[tilespmem:s14], [sflag:$0x1] =	stream.indirect.gather [hbm4b:s1+s17], $0x80, s30, s17, $0xb8;
	[tilespmem:$0x1CC00] =	vst v63  }
0x1d2: {  	_ =	swait.ge [sflag:s28], $0x4000  }
0x1d3: {  	[sflag:s28] =	ssyncset.done $0x0  }
0x1d4: {  	[sflag:s28] =	ssyncadd.s32 $0xFFFFC000  }
0x1d5: {  	[spmem:s3] =	stream.indirect.scatter.add.f32 [tilespmem:s18], [sflag:$0x3], $0x80, s31, s17, $0xb8;
	[tilespmem:$0x1CC00] =	vst v63  }
0x1d6: {  	_ =	swait.ge [sflag:s15], $0x4000  }
0x1d7: {  	[sflag:s15] =	ssyncset.done $0x0  }
0x1d8: {  	[sflag:s15] =	ssyncadd.s32 $0xFFFFC000  }
0x1d9: {  	[tilespmem:s18], [sflag:$0x2] =	stream.indirect.gather [hbm4b:s1+s17], $0x80, s2, s17, $0xb8;
	[tilespmem:$0x1CC00] =	vst v63  }
0x1da: {  	_ =	swait.ge [sflag:s26], $0x4000  }
0x1db: {  	[sflag:s26] =	ssyncset.done $0x0  }
0x1dc: {  	[sflag:s26] =	ssyncadd.s32 $0xFFFFC000  }
0x1dd: {  	[spmem:s3] =	stream.indirect.scatter.add.f32 [tilespmem:s14], [sflag:$0x3], $0x80, s0, s17, $0xb8;
	[tilespmem:$0x1CC00] =	vst v63  }
0x1de: {  	_ =	swait.ge [sflag:s15], $0x4000  }
0x1df: {  	[sflag:s15] =	ssyncset.done $0x0  }
0x1e0: {  	[sflag:s15] =	ssyncadd.s32 $0xFFFFC000  }
0x1e1: {  	[tilespmem:s14], [sflag:$0x1] =	stream.indirect.gather [hbm4b:s1+s17], $0x80, s10, s17, $0xb8;
	[tilespmem:$0x1CC00] =	vst v63  }
0x1e2: {  	_ =	swait.ge [sflag:s28], $0x4000  }
0x1e3: {  	[sflag:s28] =	ssyncset.done $0x0  }
0x1e4: {  	[sflag:s28] =	ssyncadd.s32 $0xFFFFC000  }
0x1e5: {  	[spmem:s3] =	stream.indirect.scatter.add.f32 [tilespmem:s18], [sflag:$0x3], $0x80, s11, s17, $0xb8;
	[tilespmem:$0x1CC00] =	vst v63  }
0x1e6: {  	_ =	swait.ge [sflag:s15], $0x4000  }
0x1e7: {  	[sflag:s15] =	ssyncset.done $0x0  }
0x1e8: {  	[sflag:s15] =	ssyncadd.s32 $0xFFFFC000  }
0x1e9: {  	[tilespmem:s18], [sflag:$0x2] =	stream.indirect.gather [hbm4b:s1+s17], $0x80, s12, s17, $0xb8;
	[tilespmem:$0x1CC00] =	vst v63  }
0x1ea: {  	_ =	swait.ge [sflag:s26], $0x4000  }
0x1eb: {  	[sflag:s26] =	ssyncset.done $0x0  }
0x1ec: {  	[sflag:s26] =	ssyncadd.s32 $0xFFFFC000  }
0x1ed: {  	[spmem:s3] =	stream.indirect.scatter.add.f32 [tilespmem:s14], [sflag:$0x3], $0x80, s6, s17, $0xb8;
	[tilespmem:$0x1CC00] =	vst v63  }
0x1ee: {  	_ =	swait.ge [sflag:s15], $0x4000  }
0x1ef: {  	[sflag:s15] =	ssyncset.done $0x0  }
0x1f0: {  	[sflag:s15] =	ssyncadd.s32 $0xFFFFC000  }
0x1f1: {  	p0 =	sne.s32 s5, $0x400;
	_ =	swait.ge [sflag:s28], $0x4000  }
.Ltmp3:
0x1f2: {  	[sflag:s28] =	ssyncset.done $0x0;
	(pc) =	sbr.rel @p0 .LBB2_8-.Ltmp3, $4  }
0x1f3: {  	[sflag:s28] =	ssyncadd.s32 $0xFFFFC000  }
0x1f4: {  	[spmem:s3] =	stream.indirect.scatter.add.f32 [tilespmem:s18], [sflag:$0x3], $0x80, s7, s17, $0xb8;
	[tilespmem:$0x1CC00] =	vst v63  }
0x1f5: {  	_ =	swait.ge [sflag:s15], $0x4000  }
0x1f6: {  	s5 =	sadd.s32 $0x100, s5;
	s8 =	rddreg [dreg:$0x5];
	[sflag:s15] =	ssyncset.done $0x0  }
0x1f7: {  	[sflag:s15] =	ssyncadd.s32 $0xFFFFC000;
	s5 =	sadd.s32 s9, s8  }
0x1f8: {  	[tilespmem:s4], [sflag:$0x3] =	stream.linear.gather [hbm4b:s5+s4], $0x800, $0x38;
	[tilespmem:$0x1CC00] =	vst v63  }
0x1f9: {  	_ =	swait.ge [sflag:s15], $0x800  }
0x1fa: {  	s8 =	rddreg [dreg:$0x4];
	[sflag:s15] =	ssyncset.done $0x0  }
0x1fb: {  	s5 =	sadd.s32 s9, s8;
	[sflag:s15] =	ssyncadd.s32 $0xFFFFF800  }
0x1fc: {  	[tilespmem:s16], [sflag:$0x3] =	stream.linear.gather [hbm4b:s5+s4], $0x800, $0x38;
	[tilespmem:$0x1CC00] =	vst v63  }
0x1fd: {  	_ =	swait.ge [sflag:s15], $0x800  }
0x1fe: {  	[sflag:s15] =	ssyncset.done $0x0  }
0x1ff: {  	[sflag:s15] =	ssyncadd.s32 $0xFFFFF800  }
0x200: {  	[tilespmem:s14], [sflag:$0x1] =	stream.indirect.gather [hbm4b:s1+s17], $0x80, s4, s17, $0xb8;
	[tilespmem:$0x1CC00] =	vst v63  }
0x201: {  	_ = 	snop  }
0x202: {  	[tilespmem:s18], [sflag:$0x2] =	stream.indirect.gather [hbm4b:s1+s17], $0x80, s17, s17, $0xb8;
	[tilespmem:$0x1CC00] =	vst v63  }
0x203: {  	_ =	swait.ge [sflag:s26], $0x4000  }
0x204: {  	[sflag:s26] =	ssyncset.done $0x0  }
0x205: {  	[sflag:s26] =	ssyncadd.s32 $0xFFFFC000  }
0x206: {  	[spmem:s3] =	stream.indirect.scatter.add.f32 [tilespmem:s14], [sflag:$0x3], $0x80, s16, s17, $0xb8;
	[tilespmem:$0x1CC00] =	vst v63  }
0x207: {  	_ =	swait.ge [sflag:s15], $0x4000  }
0x208: {  	[sflag:s15] =	ssyncset.done $0x0  }
0x209: {  	s8 =	rddreg [dreg:$0x6];
	[sflag:s15] =	ssyncadd.s32 $0xFFFFC000  }
0x20a: {  	[tilespmem:s14], [sflag:$0x1] =	stream.indirect.gather [hbm4b:s1+s17], $0x80, s8, s17, $0xb8;
	[tilespmem:$0x1CC00] =	vst v63  }
0x20b: {  	_ =	swait.ge [sflag:s28], $0x4000  }
0x20c: {  	[sflag:s28] =	ssyncset.done $0x0  }
0x20d: {  	[sflag:s28] =	ssyncadd.s32 $0xFFFFC000  }
0x20e: {  	[spmem:s3] =	stream.indirect.scatter.add.f32 [tilespmem:s18], [sflag:$0x3], $0x80, s19, s17, $0xb8;
	[tilespmem:$0x1CC00] =	vst v63  }
0x20f: {  	_ =	swait.ge [sflag:s15], $0x4000  }
0x210: {  	[sflag:s15] =	ssyncset.done $0x0  }
0x211: {  	s9 =	rddreg [dreg:$0x7];
	[sflag:s15] =	ssyncadd.s32 $0xFFFFC000  }
0x212: {  	[tilespmem:s18], [sflag:$0x2] =	stream.indirect.gather [hbm4b:s1+s17], $0x80, s9, s17, $0xb8;
	[tilespmem:$0x1CC00] =	vst v63  }
0x213: {  	_ =	swait.ge [sflag:s26], $0x4000  }
0x214: {  	[sflag:s26] =	ssyncset.done $0x0  }
0x215: {  	[sflag:s26] =	ssyncadd.s32 $0xFFFFC000  }
0x216: {  	[spmem:s3] =	stream.indirect.scatter.add.f32 [tilespmem:s14], [sflag:$0x3], $0x80, s20, s17, $0xb8;
	[tilespmem:$0x1CC00] =	vst v63  }
0x217: {  	_ =	swait.ge [sflag:s15], $0x4000  }
0x218: {  	[sflag:s15] =	ssyncset.done $0x0  }
0x219: {  	s8 =	rddreg [dreg:$0x8];
	[sflag:s15] =	ssyncadd.s32 $0xFFFFC000  }
0x21a: {  	[tilespmem:s14], [sflag:$0x1] =	stream.indirect.gather [hbm4b:s1+s17], $0x80, s8, s17, $0xb8;
	[tilespmem:$0x1CC00] =	vst v63  }
0x21b: {  	_ =	swait.ge [sflag:s28], $0x4000  }
0x21c: {  	[sflag:s28] =	ssyncset.done $0x0  }
0x21d: {  	[sflag:s28] =	ssyncadd.s32 $0xFFFFC000  }
0x21e: {  	[spmem:s3] =	stream.indirect.scatter.add.f32 [tilespmem:s18], [sflag:$0x3], $0x80, s21, s17, $0xb8;
	[tilespmem:$0x1CC00] =	vst v63  }
0x21f: {  	_ =	swait.ge [sflag:s15], $0x4000  }
0x220: {  	[sflag:s15] =	ssyncset.done $0x0  }
0x221: {  	s9 =	rddreg [dreg:$0x9];
	[sflag:s15] =	ssyncadd.s32 $0xFFFFC000  }
0x222: {  	[tilespmem:s18], [sflag:$0x2] =	stream.indirect.gather [hbm4b:s1+s17], $0x80, s9, s17, $0xb8;
	[tilespmem:$0x1CC00] =	vst v63  }
0x223: {  	_ =	swait.ge [sflag:s26], $0x4000  }
0x224: {  	[sflag:s26] =	ssyncset.done $0x0  }
0x225: {  	[sflag:s26] =	ssyncadd.s32 $0xFFFFC000  }
0x226: {  	[spmem:s3] =	stream.indirect.scatter.add.f32 [tilespmem:s14], [sflag:$0x3], $0x80, s22, s17, $0xb8;
	[tilespmem:$0x1CC00] =	vst v63  }
0x227: {  	_ =	swait.ge [sflag:s15], $0x4000  }
0x228: {  	[sflag:s15] =	ssyncset.done $0x0  }
0x229: {  	s8 =	rddreg [dreg:$0xa];
	[sflag:s15] =	ssyncadd.s32 $0xFFFFC000  }
0x22a: {  	[tilespmem:s14], [sflag:$0x1] =	stream.indirect.gather [hbm4b:s1+s17], $0x80, s8, s17, $0xb8;
	[tilespmem:$0x1CC00] =	vst v63  }
0x22b: {  	_ =	swait.ge [sflag:s28], $0x4000  }
0x22c: {  	[sflag:s28] =	ssyncset.done $0x0  }
0x22d: {  	[sflag:s28] =	ssyncadd.s32 $0xFFFFC000  }
0x22e: {  	[spmem:s3] =	stream.indirect.scatter.add.f32 [tilespmem:s18], [sflag:$0x3], $0x80, s23, s17, $0xb8;
	[tilespmem:$0x1CC00] =	vst v63  }
0x22f: {  	_ =	swait.ge [sflag:s15], $0x4000  }
0x230: {  	[sflag:s15] =	ssyncset.done $0x0  }
0x231: {  	s9 =	rddreg [dreg:$0xb];
	[sflag:s15] =	ssyncadd.s32 $0xFFFFC000  }
0x232: {  	[tilespmem:s18], [sflag:$0x2] =	stream.indirect.gather [hbm4b:s1+s17], $0x80, s9, s17, $0xb8;
	[tilespmem:$0x1CC00] =	vst v63  }
0x233: {  	_ =	swait.ge [sflag:s26], $0x4000  }
0x234: {  	[sflag:s26] =	ssyncset.done $0x0  }
0x235: {  	[sflag:s26] =	ssyncadd.s32 $0xFFFFC000  }
0x236: {  	[spmem:s3] =	stream.indirect.scatter.add.f32 [tilespmem:s14], [sflag:$0x3], $0x80, s24, s17, $0xb8;
	[tilespmem:$0x1CC00] =	vst v63  }
0x237: {  	_ =	swait.ge [sflag:s15], $0x4000  }
0x238: {  	[sflag:s15] =	ssyncset.done $0x0  }
0x239: {  	s8 =	rddreg [dreg:$0xc];
	[sflag:s15] =	ssyncadd.s32 $0xFFFFC000  }
0x23a: {  	[tilespmem:s14], [sflag:$0x1] =	stream.indirect.gather [hbm4b:s1+s17], $0x80, s8, s17, $0xb8;
	[tilespmem:$0x1CC00] =	vst v63  }
0x23b: {  	_ =	swait.ge [sflag:s28], $0x4000  }
0x23c: {  	[sflag:s28] =	ssyncset.done $0x0  }
0x23d: {  	[sflag:s28] =	ssyncadd.s32 $0xFFFFC000  }
0x23e: {  	[spmem:s3] =	stream.indirect.scatter.add.f32 [tilespmem:s18], [sflag:$0x3], $0x80, s25, s17, $0xb8;
	[tilespmem:$0x1CC00] =	vst v63  }
0x23f: {  	_ =	swait.ge [sflag:s15], $0x4000  }
0x240: {  	[sflag:s15] =	ssyncset.done $0x0  }
0x241: {  	s9 =	rddreg [dreg:$0xd];
	[sflag:s15] =	ssyncadd.s32 $0xFFFFC000  }
0x242: {  	[tilespmem:s18], [sflag:$0x2] =	stream.indirect.gather [hbm4b:s1+s17], $0x80, s9, s17, $0xb8;
	[tilespmem:$0x1CC00] =	vst v63  }
0x243: {  	_ =	swait.ge [sflag:s26], $0x4000  }
0x244: {  	[sflag:s26] =	ssyncset.done $0x0  }
0x245: {  	s8 =	rddreg [dreg:$0xe];
	[sflag:s26] =	ssyncadd.s32 $0xFFFFC000  }
0x246: {  	[spmem:s3] =	stream.indirect.scatter.add.f32 [tilespmem:s14], [sflag:$0x3], $0x80, s8, s17, $0xb8;
	[tilespmem:$0x1CC00] =	vst v63  }
0x247: {  	_ =	swait.ge [sflag:s15], $0x4000  }
0x248: {  	[sflag:s15] =	ssyncset.done $0x0  }
0x249: {  	s9 =	rddreg [dreg:$0xf];
	[sflag:s15] =	ssyncadd.s32 $0xFFFFC000  }
0x24a: {  	[tilespmem:s14], [sflag:$0x1] =	stream.indirect.gather [hbm4b:s1+s17], $0x80, s9, s17, $0xb8;
	[tilespmem:$0x1CC00] =	vst v63  }
0x24b: {  	_ =	swait.ge [sflag:s28], $0x4000  }
0x24c: {  	[sflag:s28] =	ssyncset.done $0x0  }
0x24d: {  	s8 =	rddreg [dreg:$0x10];
	[sflag:s28] =	ssyncadd.s32 $0xFFFFC000  }
0x24e: {  	[spmem:s3] =	stream.indirect.scatter.add.f32 [tilespmem:s18], [sflag:$0x3], $0x80, s8, s17, $0xb8;
	[tilespmem:$0x1CC00] =	vst v63  }
0x24f: {  	_ =	swait.ge [sflag:s15], $0x4000  }
0x250: {  	[sflag:s15] =	ssyncset.done $0x0  }
0x251: {  	s9 =	rddreg [dreg:$0x11];
	[sflag:s15] =	ssyncadd.s32 $0xFFFFC000  }
0x252: {  	[tilespmem:s18], [sflag:$0x2] =	stream.indirect.gather [hbm4b:s1+s17], $0x80, s9, s17, $0xb8;
	[tilespmem:$0x1CC00] =	vst v63  }
0x253: {  	_ =	swait.ge [sflag:s26], $0x4000  }
0x254: {  	[sflag:s26] =	ssyncset.done $0x0  }
0x255: {  	[sflag:s26] =	ssyncadd.s32 $0xFFFFC000  }
0x256: {  	[spmem:s3] =	stream.indirect.scatter.add.f32 [tilespmem:s14], [sflag:$0x3], $0x80, s29, s17, $0xb8;
	[tilespmem:$0x1CC00] =	vst v63  }
0x257: {  	_ =	swait.ge [sflag:s15], $0x4000  }
0x258: {  	[sflag:s15] =	ssyncset.done $0x0  }
0x259: {  	[sflag:s15] =	ssyncadd.s32 $0xFFFFC000  }
0x25a: {  	[tilespmem:s14], [sflag:$0x1] =	stream.indirect.gather [hbm4b:s1+s17], $0x80, s30, s17, $0xb8;
	[tilespmem:$0x1CC00] =	vst v63  }
0x25b: {  	_ =	swait.ge [sflag:s28], $0x4000  }
0x25c: {  	[sflag:s28] =	ssyncset.done $0x0  }
0x25d: {  	[sflag:s28] =	ssyncadd.s32 $0xFFFFC000  }
0x25e: {  	[spmem:s3] =	stream.indirect.scatter.add.f32 [tilespmem:s18], [sflag:$0x3], $0x80, s31, s17, $0xb8;
	[tilespmem:$0x1CC00] =	vst v63  }
0x25f: {  	_ =	swait.ge [sflag:s15], $0x4000  }
0x260: {  	[sflag:s15] =	ssyncset.done $0x0  }
0x261: {  	[sflag:s15] =	ssyncadd.s32 $0xFFFFC000  }
0x262: {  	[tilespmem:s18], [sflag:$0x2] =	stream.indirect.gather [hbm4b:s1+s17], $0x80, s2, s17, $0xb8;
	[tilespmem:$0x1CC00] =	vst v63  }
0x263: {  	_ =	swait.ge [sflag:s26], $0x4000  }
0x264: {  	[sflag:s26] =	ssyncset.done $0x0  }
0x265: {  	[sflag:s26] =	ssyncadd.s32 $0xFFFFC000  }
0x266: {  	[spmem:s3] =	stream.indirect.scatter.add.f32 [tilespmem:s14], [sflag:$0x3], $0x80, s0, s17, $0xb8;
	[tilespmem:$0x1CC00] =	vst v63  }
0x267: {  	_ =	swait.ge [sflag:s15], $0x4000  }
0x268: {  	[sflag:s15] =	ssyncset.done $0x0  }
0x269: {  	[sflag:s15] =	ssyncadd.s32 $0xFFFFC000  }
0x26a: {  	[tilespmem:s14], [sflag:$0x1] =	stream.indirect.gather [hbm4b:s1+s17], $0x80, s10, s17, $0xb8;
	[tilespmem:$0x1CC00] =	vst v63  }
0x26b: {  	_ =	swait.ge [sflag:s28], $0x4000  }
0x26c: {  	[sflag:s28] =	ssyncset.done $0x0  }
0x26d: {  	[sflag:s28] =	ssyncadd.s32 $0xFFFFC000  }
0x26e: {  	[spmem:s3] =	stream.indirect.scatter.add.f32 [tilespmem:s18], [sflag:$0x3], $0x80, s11, s17, $0xb8;
	[tilespmem:$0x1CC00] =	vst v63  }
0x26f: {  	_ =	swait.ge [sflag:s15], $0x4000  }
0x270: {  	[sflag:s15] =	ssyncset.done $0x0  }
0x271: {  	[sflag:s15] =	ssyncadd.s32 $0xFFFFC000  }
0x272: {  	[tilespmem:s18], [sflag:$0x2] =	stream.indirect.gather [hbm4b:s1+s17], $0x80, s12, s17, $0xb8;
	[tilespmem:$0x1CC00] =	vst v63  }
0x273: {  	_ =	swait.ge [sflag:s26], $0x4000  }
0x274: {  	[sflag:s26] =	ssyncset.done $0x0  }
0x275: {  	[sflag:s26] =	ssyncadd.s32 $0xFFFFC000  }
0x276: {  	[spmem:s3] =	stream.indirect.scatter.add.f32 [tilespmem:s14], [sflag:$0x3], $0x80, s6, s17, $0xb8;
	[tilespmem:$0x1CC00] =	vst v63  }
0x277: {  	_ =	swait.ge [sflag:s15], $0x4000  }
0x278: {  	[sflag:s15] =	ssyncset.done $0x0  }
0x279: {  	[sflag:s15] =	ssyncadd.s32 $0xFFFFC000  }
0x27a: {  	_ =	swait.ge [sflag:s28], $0x4000  }
0x27b: {  	[sflag:s28] =	ssyncset.done $0x0  }
0x27c: {  	[sflag:s28] =	ssyncadd.s32 $0xFFFFC000  }
0x27d: {  	[spmem:s3] =	stream.indirect.scatter.add.f32 [tilespmem:s18], [sflag:$0x3], $0x80, s7, s17, $0xb8;
	[tilespmem:$0x1CC00] =	vst v63  }
0x27e: {  	_ =	swait.ge [sflag:s15], $0x4000  }
0x27f: {  	[sflag:s15] =	ssyncset.done $0x0  }
0x280: {  	[sflag:s15] =	ssyncadd.s32 $0xFFFFC000  }
0x281: {  	[bflag:$0x0] =	sbarrier.arrive $0xFFFF  }
0x282: {  	s8 =	rddreg [dreg:$0x18]  }
0x283: {  	s9 =	rddreg [dreg:$0x1b]  }
0x284: {  	s29 =	rddreg [dreg:$0x1c]  }
0x285: {  	[hbm:s8], [sflag:s9] =	dma.local [spmem:s29], $0x2780  }
0x286: {  	_ =	swait.ge [sflag:s15], $0x2780  }
0x287: {  	s9 =	rddreg [dreg:$0x1a]  }
0x288: {  	s29 =	rddreg [dreg:$0x19];
	s8 =	sadd.s32 $0x1, s9  }
0x289: {  	p0 =	sne.s32 s8, s29  }
.Ltmp4:
0x28a: {  	_ = 	snop;
	(pc) =	sbr.rel @p0 .LBB2_1-.Ltmp4, $3  }
0x28b: {  	_ =	sdelay $0x1  }
0x28c: {  	[sflag:s15] =	ssyncset.done $0x0  }
0x28d: {  	[sflag:s15] =	ssyncadd.s32 $0xFFFFD880  }
0x28e: {  	_ =	sfence.sel $0x180000  }
0x28f: {  	[bflag:$0x0] =	sbarrier.arrive $0xFFFF  }
0x290: {  	_ =	strace $0x90000047  }
0x291: {  	s0 =	stileid.u32;
	[bflag:$0x2] =	sbarrier.arrive $0xFFFF  }
0x292: {  	p0 =	sne.s32 s0, $0x0;
	s0 =	rddreg [dreg:$0x3]  }
0x293: {  	s0 =	sadd.s32 @!p0 $0x100000, s0  }
0x294: {  	[sflag:s0] =	ssyncadd.tile.s32 @!p0 $0x1;
	_ =	shalt  }
.Lfunc_end2:
_tile_overlayer_lowered:
.L_overlay_start_2:
0x295: {  	(tag) =	ssettag $0x2  }
0x296: {  	s0 =	rddreg [dreg:$0x0];
	s2 =	stileid.u32  }
0x297: {  	s1 =	rddreg [dreg:$0x1];
	p0 =	sne.s32 s2, $0x0  }
0x298: {  	s3 =	rddreg [dreg:$0x2];
	[bflag:$0x3] =	sbarrier.arrive $0xFFFF;
	s2 =	simm.s32 @!p0 $0x1C03  }
0x299: {  	[timem:s3], [sflag:s2] =	dma.local @!p0 [hbm:s0], s1  }
0x29a: {  	s0 =	simm.s32 @!p0 $0x3  }
0x29b: {  	_ =	swait.ge @!p0 [sflag:s0], s1  }
0x29c: {  	s1 =	ssub.s32 @!p0 $0x0, s1;
	[sflag:s0] =	ssyncset.done @!p0 $0x0  }
0x29d: {  	[sflag:s0] =	ssyncadd.s32 @!p0 s1  }
0x29e: {  	[bflag:$0x3] =	sbarrier.arrive $0xFFFF  }
0x29f: {  	_ =	shalt  }

// kernel: kernel.9.cloned.1.call-start
scs
__scs_entry_jumppad:
0x0: {  	(pc) =	sbr.rel $0x88, $3  }
0x1: {  	(tag) =	ssettag $0x0;
	lr =	simm.s32 $0x1  }
0x2: {  	[smem:$0x3F99] =	sst lr;
	_ =	strace $0xD0000000  }
0x3: {  	_ = 	snop  }
0x4: {  	_ = 	snop  }
0x5: {  	_ = 	snop  }
0x6: {  	_ = 	snop  }
0x7: {  	_ = 	snop  }
__scs_overlays_trampoline_lowered:
0x8: {  	[smem:$0x3FA8] =	sst s0  }
0x9: {  	[smem:$0x3FA9] =	sst s1  }
0xa: {  	[smem:$0x3FAA] =	sst s2  }
0xb: {  	[smem:$0x3FAB] =	sst s3  }
0xc: {  	[smem:$0x3FAC] =	sst s4  }
0xd: {  	[smem:$0x3FAD] =	sst s5  }
0xe: {  	[smem:$0x3FAE] =	sst s6  }
0xf: {  	[smem:$0x3FAF] =	sst s7  }
0x10: {  	[smem:$0x3FB0] =	sst s8  }
0x11: {  	[smem:$0x3FB1] =	sst s9;
	s0 =	simm.s32 @!p0 $0x0  }
0x12: {  	s1 =	sld [smem:$0x3F97];
	s0 =	simm.s32 @p0 $0x1  }
0x13: {  	[smem:$0x3FB2] =	sst s0;
	s0 =	simm.s32 @!p1 $0x0  }
0x14: {  	s2 =	sld [smem:$0x3F96];
	s0 =	simm.s32 @p1 $0x1  }
0x15: {  	[smem:$0x3FB3] =	sst s0;
	s0 =	simm.s32 @!p2 $0x0  }
0x16: {  	s3 =	sld [smem:$0x3FDB];
	s0 =	simm.s32 @p2 $0x1  }
0x17: {  	s4 =	simm.s32 $0x1BF5;
	[smem:$0x3FB5] =	sst s0  }
0x18: {  	s0 =	sld [smem:$0x3F98];
	_ =	swait.ge [sflag:s4], $0x0  }
0x19: {  	s7 =	sld [smem:$0x3F99]  }
0x1a: {  	s8 =	sadd.s32 $0xFFFFE003, lr  }
0x1b: {  	s9 =	sadd.s32 $0xFFFFFEF7, lr;
	s5 =	simm.s32 $0xFFFFFFFF;
	p2 =	slt.u32 s8, $0xFFFFF086  }
0x1c: {  	p1 =	slt.u32 s9, $0xF7A;
	s5 =	simm.s32 @!p2 $0x0  }
0x1d: {  	s5 =	simm.s32 @p1 $0x1;
	p0 =	seq.s32 s7, s2  }
0x1e: {  	s7 =	smul.u32 @!p0 $0xF7A, s2;
	p2 =	seq.s32 @!p0 s5, $0x0  }
0x1f: {  	s9 =	smul.u32 $0xF7A, s1;
	s8 =	simm.s32 @!p0 $0x1BF5;
	p2 =	por !p2, p0  }
0x20: {  	[sflag:s8] =	ssyncset.s32 @!p0 $0xFFFFF086;
	s6 =	sadd.s32 @!p0 s3, s7;
	s7 =	simm.s32 @!p0 $0x108  }
0x21: {  	s3 =	sadd.s32 s3, s9;
	s6 =	sadd.s32 @!p0 $0x88, s6;
	s7 =	simm.s32 @p2 $0x1082  }
0x22: {  	[simem:s7], [sflag:s8] =	dma.local @!p0 [hbm:s6], $0xF7A  }
0x23: {  	s9 =	sor.u32 $0xD0000000, s2;
	s6 =	simm.s32 $0x108;
	_ =	swait.ge @!p0 [sflag:s8], $0x0  }
0x24: {  	s3 =	sadd.s32 $0x88, s3;
	s6 =	simm.s32 @!p1 $0x1082;
	[sflag:s4] =	ssyncset.s32 $0xFFFFF086  }
0x25: {  	[simem:s6], [sflag:s4] =	dma.local [hbm:s3], $0xF7A  }
0x26: {  	[smem:$0x3F99] =	sst s1;
	(tag) =	ssettag s2;
	_ =	strace s9  }
0x27: {  	s1 =	sld [smem:$0x3FA9]  }
0x28: {  	s2 =	sld [smem:$0x3FAA]  }
0x29: {  	s4 =	sld [smem:$0x3FAC]  }
0x2a: {  	p0 =	seq.s32 s5, $0x0;
	s5 =	sld [smem:$0x3FAD]  }
0x2b: {  	s6 =	sld [smem:$0x3FAE]  }
0x2c: {  	s7 =	sld [smem:$0x3FAF]  }
0x2d: {  	s3 =	simm.s32 $0x108;
	s8 =	sld [smem:$0x3FB0]  }
0x2e: {  	s3 =	simm.s32 @!p0 $0x1082;
	s9 =	sld [smem:$0x3FB1]  }
0x2f: {  	lr =	sadd.s32 s0, s3;
	s0 =	sld [smem:$0x3FA8]  }
0x30: {  	s3 =	sld [smem:$0x3FAB]  }
0x31: {  	[smem:$0x3FB4] =	sst s10  }
0x32: {  	s10 =	sld [smem:$0x3FB2];
	_ =	sdelay $0x3  }
0x33: {  	p0 =	seq.s32 s10, $0x1;
	s10 =	sld [smem:$0x3FB4];
	_ =	sdelay $0x3  }
0x34: {  	[smem:$0x3FB4] =	sst s10  }
0x35: {  	s10 =	sld [smem:$0x3FB3];
	_ =	sdelay $0x3  }
0x36: {  	p1 =	seq.s32 s10, $0x1;
	s10 =	sld [smem:$0x3FB4];
	_ =	sdelay $0x3  }
0x37: {  	[smem:$0x3FB4] =	sst s10  }
0x38: {  	s10 =	sld [smem:$0x3FB5]  }
0x39: {  	_ = 	snop;
	(pc) =	sbr.ind lr, $3  }
0x3a: {  	_ = 	snop  }
0x3b: {  	_ = 	snop  }
0x3c: {  	p2 =	seq.s32 s10, $0x1;
	s10 =	sld [smem:$0x3FB4]  }
0x3d: {  	_ =	shalt  }
0x3e: {  	_ =	shalt  }
0x3f: {  	_ =	shalt  }
0x40: {  	_ =	shalt  }
0x41: {  	_ =	shalt  }
0x42: {  	_ =	shalt  }
0x43: {  	_ =	shalt  }
0x44: {  	_ =	shalt  }
0x45: {  	_ =	shalt  }
0x46: {  	_ =	shalt  }
0x47: {  	_ =	shalt  }
0x48: {  	_ =	shalt  }
0x49: {  	_ =	shalt  }
0x4a: {  	_ =	shalt  }
0x4b: {  	_ =	shalt  }
0x4c: {  	_ =	shalt  }
0x4d: {  	_ =	shalt  }
0x4e: {  	_ =	shalt  }
0x4f: {  	_ =	shalt  }
0x50: {  	_ =	shalt  }
0x51: {  	_ =	shalt  }
0x52: {  	_ =	shalt  }
0x53: {  	_ =	shalt  }
0x54: {  	_ =	shalt  }
0x55: {  	_ =	shalt  }
0x56: {  	_ =	shalt  }
0x57: {  	_ =	shalt  }
0x58: {  	_ =	shalt  }
0x59: {  	_ =	shalt  }
0x5a: {  	_ =	shalt  }
0x5b: {  	_ =	shalt  }
0x5c: {  	_ =	shalt  }
0x5d: {  	_ =	shalt  }
0x5e: {  	_ =	shalt  }
0x5f: {  	_ =	shalt  }
0x60: {  	_ =	shalt  }
0x61: {  	_ =	shalt  }
0x62: {  	_ =	shalt  }
0x63: {  	_ =	shalt  }
0x64: {  	_ =	shalt  }
0x65: {  	_ =	shalt  }
0x66: {  	_ =	shalt  }
0x67: {  	_ =	shalt  }
0x68: {  	_ =	shalt  }
0x69: {  	_ =	shalt  }
0x6a: {  	_ =	shalt  }
0x6b: {  	_ =	shalt  }
0x6c: {  	_ =	shalt  }
0x6d: {  	_ =	shalt  }
0x6e: {  	_ =	shalt  }
0x6f: {  	_ =	shalt  }
0x70: {  	_ =	shalt  }
0x71: {  	_ =	shalt  }
0x72: {  	_ =	shalt  }
0x73: {  	_ =	shalt  }
0x74: {  	_ =	shalt  }
0x75: {  	_ =	shalt  }
0x76: {  	_ =	shalt  }
0x77: {  	_ =	shalt  }
0x78: {  	_ =	shalt  }
0x79: {  	_ =	shalt  }
0x7a: {  	_ =	shalt  }
0x7b: {  	_ =	shalt  }
0x7c: {  	_ =	shalt  }
0x7d: {  	_ =	shalt  }
0x7e: {  	_ =	shalt  }
0x7f: {  	_ =	shalt  }
0x80: {  	_ =	shalt  }
0x81: {  	_ =	shalt  }
0x82: {  	_ =	shalt  }
0x83: {  	_ =	shalt  }
0x84: {  	_ =	shalt  }
0x85: {  	_ =	shalt  }
0x86: {  	_ =	shalt  }
0x87: {  	_ =	shalt  }
.Lfunc_end0:
.L_simem_size_0:
called_computation.1_lowered:
.L_overlay_start_0:
0x88: {  	s2 =	sld [smem:$0x3FD9]  }
0x89: {  	s3 =	sld [smem:$0x3FFE];
	_ =	sdelay $0x1  }
0x8a: {  	s1 =	srdreg.scid  }
0x8b: {  	s0 =	sand.u32 $0x1, s1  }
0x8c: {  	s17 =	sshll.u32 s0, $0xA;
	s2 =	sadd.s32 s3, s2  }
0x8d: {  	s2 =	sadd.s32 s2, s17  }
0x8e: {  	[smem:$0x3FC0] =	sst s2  }
0x8f: {  	_ = 	snop  }
0x90: {  	s2 =	sld [smem:$0x3FD0];
	(tm) =	ssettm $0x1  }
0x91: {  	s18 =	sld [smem:$0x3FFB];
	_ =	sdelay $0x3  }
0x92: {  	_ =	strace s18  }
0x93: {  	s3 =	sld [smem:$0x3FFC];
	_ =	sdelay $0x3  }
0x94: {  	_ =	strace s3  }
0x95: {  	s3 =	sld [smem:$0x3FFD];
	_ =	sdelay $0x3  }
0x96: {  	_ =	strace s3  }
0x97: {  	_ =	strace $0x8FFFFFFF  }
0x98: {  	s19 =	sld [smem:$0x3FDB];
	_ =	sdelay $0x1  }
0x99: {  	s4 =	simm.s32 $_scs_section_size  }
0x9a: {  	s5 =	simm.s32 $_size__tile_overlayer_lowered;
	s6 =	simm.s32 $_tile_overlayer_lowered  }
0x9b: {  	s22 =	simm.s32 $0x1BFF;
	s21 =	sshll.u32 s6, $0x1;
	s3 =	sadd.s32 s4, s19  }
0x9c: {  	s7 =	simm.s32 $0x0;
	s20 =	sshll.u32 s5, $0x1;
	s5 =	sadd.s32 s21, s3  }
0x9d: {  	[timem:s7], [sflag:s22] =	dma.local [hbm:s5], s20  }
0x9e: {  	_ =	swait.ge [sflag:s22], s20  }
0x9f: {  	s4 =	ssub.s32 $0x0, s20;
	[sflag:s22] =	ssyncset.done $0x0  }
0xa0: {  	[sflag:s22] =	ssyncadd.s32 s4;
	_ =	sdelay $0x1  }
0xa1: {  	s23 =	simm.s32 $0x1B8B  }
0xa2: {  	_ =	swait.ge [sflag:s23], $0x1  }
0xa3: {  	[sflag:s23] =	ssyncset.done $0x0  }
0xa4: {  	s25 =	simm.s32 $0x1B8E;
	s24 =	sld [smem:$0x3FFE];
	[sflag:s23] =	ssyncadd.s32 $0xFFFFFFFF  }
0xa5: {  	s26 =	simm.s32 $execute0_lowered;
	[smem:$0x3FD2] =	sst s25  }
0xa6: {  	s5 =	sshll.u32 s26, $0x1;
	_ =	strace $0x80000049;
	[dreg:$0x1] =	wrdreg $0xFFFFFFFF  }
0xa7: {  	s28 =	simm.s32 $_size_execute0_lowered;
	s3 =	sadd.s32 s3, s5;
	[dreg:$0x0] =	wrdreg $0x0  }
0xa8: {  	s5 =	sshll.u32 s28, $0x1;
	[dreg:$0x2] =	wrdreg s3  }
0xa9: {  	[dreg:$0x3] =	wrdreg s5  }
0xaa: {  	[dreg:$0x4] =	wrdreg $0xC0  }
0xab: {  	_ =	task [dreg:s7], $0x5FFFF  }
0xac: {  	[dreg:$0x1] =	wrdreg $0xFFFFFFFF  }
0xad: {  	[dreg:$0x0] =	wrdreg $0x60  }
0xae: {  	[dreg:$0x2] =	wrdreg s2  }
0xaf: {  	[dreg:$0x3] =	wrdreg s24  }
0xb0: {  	[dreg:$0x4] =	wrdreg $0x90000  }
0xb1: {  	[dreg:$0x5] =	wrdreg $0x9  }
0xb2: {  	_ =	task.clear_ibuf [dreg:s7], $0x6FFFF;
	_ =	strace $0x90000049  }
0xb3: {  	s29 =	simm.s32 $0x9;
	_ =	strace $0x8000004B  }
0xb4: {  	_ =	swait.ge [sflag:s29], $0x1  }
0xb5: {  	[sflag:s29] =	ssyncadd.s32 $0xFFFFFFFF  }
0xb6: {  	_ =	strace $0x9000004B  }
0xb7: {  	_ =	sfence  }
0xb8: {  	s30 =	sld [smem:$0x0];
	_ =	sdelay $0x2  }
0xb9: {  	s31 =	sshll.u32 s1, $0xD;
	s1 =	sshrl.u32 s1, $0x2  }
0xba: {  	s3 =	sand.u32 $0x4000, s31;
	s1 =	sadd.s32 s1, s30  }
0xbb: {  	s0 =	sor.u32 s3, s0;
	s1 =	sshll.u32 s1, $0x11  }
0xbc: {  	s0 =	sor.u32 s1, s0  }
0xbd: {  	s0 =	sadd.s32 $0x8F2B, s0  }
0xbe: {  	[sflag:s0] =	ssyncadd.remote.s32 $0x1  }
0xbf: {  	_ =	sfence.sel $0xFFFF  }
0xc0: {  	[dreg:$0x0] =	wrdreg $0xFFFFFFFF;
	(pc) =	sbr.abs _section_cstart, $3  }
0xc1: {  	[dreg:$0x1] =	wrdreg $0xFFFFFFFF  }
0xc2: {  	_ =	task.clear_ibuf [dreg:s7], $0x2FFFF;
	_ =	strace $0x9FFFFFFF  }
0xc3: {  	(tm) =	ssettm $0x7FFFFFFF  }
tec
execute0_lowered:
.L_overlay_start_1:
0x0: {  	(tag) =	ssettag $0x1  }
0x1: {  	s1 =	rddreg [dreg:$0x0]  }
0x2: {  	s0 =	srdreg.scid;
	s2 =	rddreg [dreg:$0x1]  }
0x3: {  	s9 =	stileid.u32;
	s3 =	rddreg [dreg:$0x2];
	s4 =	simm.s32 $0x0  }
0x4: {  	s13 =	simm.s32 $0x100;
	s14 =	simm.s32 $0x880;
	s16 =	simm.s32 $0x180  }
0x5: {  	s18 =	simm.s32 $0x900;
	s19 =	simm.s32 $0x200;
	[smem:$0x7FF] =	sst s4  }
0x6: {  	s20 =	simm.s32 $0x980;
	_ =	strace $0x8000004A;
	[dreg:$0x6] =	wrdreg s13  }
0x7: {  	s21 =	simm.s32 $0x280;
	s22 =	simm.s32 $0xA00;
	[dreg:$0x7] =	wrdreg s14  }
0x8: {  	s23 =	simm.s32 $0x300;
	s24 =	simm.s32 $0xA80;
	[dreg:$0x8] =	wrdreg s16  }
0x9: {  	s28 =	simm.s32 $0x600;
	s5 =	smul.u32 $0x2800, s9;
	[dreg:$0x9] =	wrdreg s18  }
0xa: {  	s29 =	simm.s32 $0xD80;
	s7 =	smul.u32 $0x500, s9;
	[dreg:$0xa] =	wrdreg s19  }
0xb: {  	s30 =	simm.s32 $0x680;
	s8 =	smul.u32 $0x13C00, s9;
	[dreg:$0xb] =	wrdreg s20  }
0xc: {  	s0 =	sand.u32 $0x1, s0;
	s9 =	smul.u32 $0x4F000, s9;
	[dreg:$0xc] =	wrdreg s21  }
0xd: {  	s31 =	simm.s32 $0xE00;
	s6 =	smul.u32 $0x28000, s0;
	[dreg:$0xd] =	wrdreg s22  }
0xe: {  	s25 =	smul.u32 $0x13C000, s0;
	s0 =	ssub.s32 $0x2, s0;
	[dreg:$0xe] =	wrdreg s23  }
0xf: {  	s13 =	simm.s32 $0x3;
	s14 =	simm.s32 $0x800;
	[dreg:$0xf] =	wrdreg s24  }
0x10: {  	s16 =	simm.s32 $0x5000;
	s18 =	simm.s32 $0x2;
	s19 =	simm.s32 $0x400  }
0x11: {  	s20 =	simm.s32 $0xB80;
	s21 =	simm.s32 $0x480;
	s22 =	simm.s32 $0xC00  }
0x12: {  	s23 =	simm.s32 $0x500;
	s24 =	simm.s32 $0xC80;
	s7 =	sadd.s32 s7, s2  }
0x13: {  	s26 =	sshrl.u32 s0, $0x1;
	s11 =	sshrl.u32 s9, $0x2;
	s9 =	simm.s32 $0x0  }
0x14: {  	s5 =	sadd.s32 s5, s6;
	s6 =	sadd.s32 s8, s25;
	s10 =	sadd.s32 $0x1800, s7  }
0x15: {  	s0 =	ssub.s32 s0, s26;
	s12 =	sadd.s32 s11, s3;
	[dreg:$0x4] =	wrdreg s10  }
0x16: {  	s25 =	simm.s32 $0x380;
	s26 =	simm.s32 $0xB00;
	[dreg:$0x12] =	wrdreg s12  }
0x17: {  	s8 =	simm.s32 $0xF80;
	s5 =	sshrl.u32 s5, $0x3;
	[dreg:$0x10] =	wrdreg s25  }
0x18: {  	s6 =	sshrl.u32 s6, $0x3;
	s7 =	sadd.s32 $0x4000, s12;
	[dreg:$0x11] =	wrdreg s26  }
0x19: {  	s15 =	sadd.s32 $0x8000, s12;
	s17 =	sadd.s32 $0xC000, s12;
	[dreg:$0x13] =	wrdreg s7  }
0x1a: {  	s0 =	smax.u32 s0, $0x1;
	s25 =	simm.s32 $0x580;
	[dreg:$0x14] =	wrdreg s15  }
0x1b: {  	s26 =	simm.s32 $0xD00;
	s5 =	sadd.s32 s5, s2;
	[dreg:$0x15] =	wrdreg s17  }
0x1c: {  	s2 =	sadd.s32 s6, s2;
	s6 =	sadd.s32 $0x10000, s12;
	[dreg:$0x18] =	wrdreg s0  }
0x1d: {  	s12 =	simm.s32 $0x1000;
	s15 =	simm.s32 $0x80;
	s17 =	simm.s32 $0x1  }
0x1e: {  	s0 =	simm.s32 $0xE80;
	s5 =	sadd.s32 $0x6800, s5;
	[dreg:$0x16] =	wrdreg s6  }
0x1f: {  	s7 =	simm.s32 $0xF00;
	s2 =	sadd.s32 $0x10800, s2;
	[dreg:$0x5] =	wrdreg s5  }
0x20: {  	v0 =	vimm.f32 $0.0e+00;
	s6 =	simm.s32 $0x780;
	[dreg:$0x17] =	wrdreg s2;
	s2 =	simm.s32 $0x700  }
.LBB2_1:
0x21: {  	s10 =	simm.s32 $0x0;
	s11 =	simm.s32 $0x200  }
.LBB2_2:
0x22: {  	p0 =	sne.s32 s11, $0xFE00;
	[tilespmem:s10+$0x1070] =	vst v0  }
0x23: {  	[tilespmem:s10+$0x1000] =	vst v0  }
0x24: {  	[tilespmem:s10+$0x1010] =	vst v0  }
.Ltmp0:
0x25: {  	[tilespmem:s10+$0x1020] =	vst v0;
	(pc) =	sbr.rel @p0 .LBB2_2-.Ltmp0, $4  }
0x26: {  	[tilespmem:s10+$0x1030] =	vst v0  }
0x27: {  	[tilespmem:s10+$0x1040] =	vst v0  }
0x28: {  	[tilespmem:s10+$0x1050] =	vst v0  }
0x29: {  	[tilespmem:s10+$0x1060] =	vst v0;
	s10 =	sshra.s32 s11, $0x2;
	s11 =	sadd.s32 $0x200, s11  }
0x2a: {  	[tilespmem:s10+$0x1070] =	vst v0  }
0x2b: {  	[tilespmem:s10+$0x1000] =	vst v0  }
0x2c: {  	[tilespmem:s10+$0x1010] =	vst v0  }
0x2d: {  	[tilespmem:s10+$0x1020] =	vst v0  }
0x2e: {  	[tilespmem:s10+$0x1030] =	vst v0  }
0x2f: {  	[tilespmem:s10+$0x1040] =	vst v0  }
0x30: {  	[dreg:$0x19] =	wrdreg s9;
	[tilespmem:s10+$0x1050] =	vst v0  }
0x31: {  	[tilespmem:s10+$0x1060] =	vst v0;
	s5 =	rddreg [dreg:$0x12]  }
0x32: {  	[spmem:s5] =	stream.linear.scatter [tilespmem:s12], [sflag:$0x3], $0x4000, $0x38;
	[tilespmem:$0x1CC00] =	vst v63  }
0x33: {  	_ =	swait.ge [sflag:s13], $0x4000  }
0x34: {  	[sflag:s13] =	ssyncset.done $0x0  }
0x35: {  	s9 =	rddreg [dreg:$0x13];
	[sflag:s13] =	ssyncadd.s32 $0xFFFFC000  }
0x36: {  	[spmem:s9] =	stream.linear.scatter [tilespmem:s12], [sflag:$0x3], $0x4000, $0x38;
	[tilespmem:$0x1CC00] =	vst v63  }
0x37: {  	_ =	swait.ge [sflag:s13], $0x4000  }
0x38: {  	[sflag:s13] =	ssyncset.done $0x0  }
0x39: {  	s10 =	rddreg [dreg:$0x14];
	[sflag:s13] =	ssyncadd.s32 $0xFFFFC000  }
0x3a: {  	[spmem:s10] =	stream.linear.scatter [tilespmem:s12], [sflag:$0x3], $0x4000, $0x38;
	[tilespmem:$0x1CC00] =	vst v63  }
0x3b: {  	_ =	swait.ge [sflag:s13], $0x4000  }
0x3c: {  	[sflag:s13] =	ssyncset.done $0x0  }
0x3d: {  	s11 =	rddreg [dreg:$0x15];
	[sflag:s13] =	ssyncadd.s32 $0xFFFFC000  }
0x3e: {  	[spmem:s11] =	stream.linear.scatter [tilespmem:s12], [sflag:$0x3], $0x4000, $0x38;
	[tilespmem:$0x1CC00] =	vst v63  }
0x3f: {  	_ =	swait.ge [sflag:s13], $0x4000  }
0x40: {  	[sflag:s13] =	ssyncset.done $0x0  }
0x41: {  	s9 =	rddreg [dreg:$0x16];
	[sflag:s13] =	ssyncadd.s32 $0xFFFFC000  }
0x42: {  	[spmem:s9] =	stream.linear.scatter [tilespmem:s12], [sflag:$0x3], $0x3C00, $0x38;
	[tilespmem:$0x1CC00] =	vst v63  }
0x43: {  	_ =	swait.ge [sflag:s13], $0x3C00  }
0x44: {  	[sflag:s13] =	ssyncset.done $0x0  }
0x45: {  	[sflag:s13] =	ssyncadd.s32 $0xFFFFC400  }
0x46: {  	[bflag:$0x0] =	sbarrier.arrive $0xFFFF  }
0x47: {  	s10 =	rddreg [dreg:$0x5]  }
0x48: {  	s5 =	sadd.s32 $0x0, s10  }
0x49: {  	[tilespmem:s4], [sflag:$0x3] =	stream.linear.gather [hbm4b:s5+s4], $0x800, $0x38;
	[tilespmem:$0x1CC00] =	vst v63  }
0x4a: {  	_ =	swait.ge [sflag:s13], $0x800  }
0x4b: {  	s11 =	rddreg [dreg:$0x4];
	[sflag:s13] =	ssyncset.done $0x0  }
0x4c: {  	[sflag:s13] =	ssyncadd.s32 $0xFFFFF800;
	s5 =	sadd.s32 $0x0, s11  }
0x4d: {  	[tilespmem:s14], [sflag:$0x3] =	stream.linear.gather [hbm4b:s5+s4], $0x800, $0x38;
	[tilespmem:$0x1CC00] =	vst v63  }
0x4e: {  	_ =	swait.ge [sflag:s13], $0x800  }
0x4f: {  	[sflag:s13] =	ssyncset.done $0x0  }
0x50: {  	[sflag:s13] =	ssyncadd.s32 $0xFFFFF800  }
0x51: {  	[tilespmem:s12], [sflag:$0x1] =	stream.indirect.gather [hbm4b:s1+s15], $0x80, s4, s15, $0xb8;
	[tilespmem:$0x1CC00] =	vst v63  }
0x52: {  	_ = 	snop  }
0x53: {  	[tilespmem:s16], [sflag:$0x2] =	stream.indirect.gather [hbm4b:s1+s15], $0x80, s15, s15, $0xb8;
	[tilespmem:$0x1CC00] =	vst v63  }
0x54: {  	_ =	swait.ge [sflag:s17], $0x4000  }
0x55: {  	[sflag:s17] =	ssyncset.done $0x0  }
0x56: {  	[sflag:s17] =	ssyncadd.s32 $0xFFFFC000  }
0x57: {  	[spmem:s3] =	stream.indirect.scatter.add.f32 [tilespmem:s12], [sflag:$0x3], $0x80, s14, s15, $0xb8;
	[tilespmem:$0x1CC00] =	vst v63  }
0x58: {  	_ =	swait.ge [sflag:s13], $0x4000  }
0x59: {  	[sflag:s13] =	ssyncset.done $0x0  }
0x5a: {  	s9 =	rddreg [dreg:$0x6];
	[sflag:s13] =	ssyncadd.s32 $0xFFFFC000  }
0x5b: {  	[tilespmem:s12], [sflag:$0x1] =	stream.indirect.gather [hbm4b:s1+s15], $0x80, s9, s15, $0xb8;
	[tilespmem:$0x1CC00] =	vst v63  }
0x5c: {  	_ =	swait.ge [sflag:s18], $0x4000  }
0x5d: {  	[sflag:s18] =	ssyncset.done $0x0  }
0x5e: {  	s10 =	rddreg [dreg:$0x7];
	[sflag:s18] =	ssyncadd.s32 $0xFFFFC000  }
0x5f: {  	[spmem:s3] =	stream.indirect.scatter.add.f32 [tilespmem:s16], [sflag:$0x3], $0x80, s10, s15, $0xb8;
	[tilespmem:$0x1CC00] =	vst v63  }
0x60: {  	_ =	swait.ge [sflag:s13], $0x4000  }
0x61: {  	[sflag:s13] =	ssyncset.done $0x0  }
0x62: {  	s11 =	rddreg [dreg:$0x8];
	[sflag:s13] =	ssyncadd.s32 $0xFFFFC000  }
0x63: {  	[tilespmem:s16], [sflag:$0x2] =	stream.indirect.gather [hbm4b:s1+s15], $0x80, s11, s15, $0xb8;
	[tilespmem:$0x1CC00] =	vst v63  }
0x64: {  	_ =	swait.ge [sflag:s17], $0x4000  }
0x65: {  	[sflag:s17] =	ssyncset.done $0x0  }
0x66: {  	s9 =	rddreg [dreg:$0x9];
	[sflag:s17] =	ssyncadd.s32 $0xFFFFC000  }
0x67: {  	[spmem:s3] =	stream.indirect.scatter.add.f32 [tilespmem:s12], [sflag:$0x3], $0x80, s9, s15, $0xb8;
	[tilespmem:$0x1CC00] =	vst v63  }
0x68: {  	_ =	swait.ge [sflag:s13], $0x4000  }
0x69: {  	[sflag:s13] =	ssyncset.done $0x0  }
0x6a: {  	s10 =	rddreg [dreg:$0xa];
	[sflag:s13] =	ssyncadd.s32 $0xFFFFC000  }
0x6b: {  	[tilespmem:s12], [sflag:$0x1] =	stream.indirect.gather [hbm4b:s1+s15], $0x80, s10, s15, $0xb8;
	[tilespmem:$0x1CC00] =	vst v63  }
0x6c: {  	_ =	swait.ge [sflag:s18], $0x4000  }
0x6d: {  	[sflag:s18] =	ssyncset.done $0x0  }
0x6e: {  	s11 =	rddreg [dreg:$0xb];
	[sflag:s18] =	ssyncadd.s32 $0xFFFFC000  }
0x6f: {  	[spmem:s3] =	stream.indirect.scatter.add.f32 [tilespmem:s16], [sflag:$0x3], $0x80, s11, s15, $0xb8;
	[tilespmem:$0x1CC00] =	vst v63  }
0x70: {  	_ =	swait.ge [sflag:s13], $0x4000  }
0x71: {  	[sflag:s13] =	ssyncset.done $0x0  }
0x72: {  	s9 =	rddreg [dreg:$0xc];
	[sflag:s13] =	ssyncadd.s32 $0xFFFFC000  }
0x73: {  	[tilespmem:s16], [sflag:$0x2] =	stream.indirect.gather [hbm4b:s1+s15], $0x80, s9, s15, $0xb8;
	[tilespmem:$0x1CC00] =	vst v63  }
0x74: {  	_ =	swait.ge [sflag:s17], $0x4000  }
0x75: {  	[sflag:s17] =	ssyncset.done $0x0  }
0x76: {  	s10 =	rddreg [dreg:$0xd];
	[sflag:s17] =	ssyncadd.s32 $0xFFFFC000  }
0x77: {  	[spmem:s3] =	stream.indirect.scatter.add.f32 [tilespmem:s12], [sflag:$0x3], $0x80, s10, s15, $0xb8;
	[tilespmem:$0x1CC00] =	vst v63  }
0x78: {  	_ =	swait.ge [sflag:s13], $0x4000  }
0x79: {  	[sflag:s13] =	ssyncset.done $0x0  }
0x7a: {  	s11 =	rddreg [dreg:$0xe];
	[sflag:s13] =	ssyncadd.s32 $0xFFFFC000  }
0x7b: {  	[tilespmem:s12], [sflag:$0x1] =	stream.indirect.gather [hbm4b:s1+s15], $0x80, s11, s15, $0xb8;
	[tilespmem:$0x1CC00] =	vst v63  }
0x7c: {  	_ =	swait.ge [sflag:s18], $0x4000  }
0x7d: {  	[sflag:s18] =	ssyncset.done $0x0  }
0x7e: {  	s9 =	rddreg [dreg:$0xf];
	[sflag:s18] =	ssyncadd.s32 $0xFFFFC000  }
0x7f: {  	[spmem:s3] =	stream.indirect.scatter.add.f32 [tilespmem:s16], [sflag:$0x3], $0x80, s9, s15, $0xb8;
	[tilespmem:$0x1CC00] =	vst v63  }
0x80: {  	_ =	swait.ge [sflag:s13], $0x4000  }
0x81: {  	[sflag:s13] =	ssyncset.done $0x0  }
0x82: {  	s10 =	rddreg [dreg:$0x10];
	[sflag:s13] =	ssyncadd.s32 $0xFFFFC000  }
0x83: {  	[tilespmem:s16], [sflag:$0x2] =	stream.indirect.gather [hbm4b:s1+s15], $0x80, s10, s15, $0xb8;
	[tilespmem:$0x1CC00] =	vst v63  }
0x84: {  	_ =	swait.ge [sflag:s17], $0x4000  }
0x85: {  	[sflag:s17] =	ssyncset.done $0x0  }
0x86: {  	s11 =	rddreg [dreg:$0x11];
	[sflag:s17] =	ssyncadd.s32 $0xFFFFC000  }
0x87: {  	[spmem:s3] =	stream.indirect.scatter.add.f32 [tilespmem:s12], [sflag:$0x3], $0x80, s11, s15, $0xb8;
	[tilespmem:$0x1CC00] =	vst v63  }
0x88: {  	_ =	swait.ge [sflag:s13], $0x4000  }
0x89: {  	[sflag:s13] =	ssyncset.done $0x0  }
0x8a: {  	[sflag:s13] =	ssyncadd.s32 $0xFFFFC000  }
0x8b: {  	[tilespmem:s12], [sflag:$0x1] =	stream.indirect.gather [hbm4b:s1+s15], $0x80, s19, s15, $0xb8;
	[tilespmem:$0x1CC00] =	vst v63  }
0x8c: {  	_ =	swait.ge [sflag:s18], $0x4000  }
0x8d: {  	[sflag:s18] =	ssyncset.done $0x0  }
0x8e: {  	[sflag:s18] =	ssyncadd.s32 $0xFFFFC000  }
0x8f: {  	[spmem:s3] =	stream.indirect.scatter.add.f32 [tilespmem:s16], [sflag:$0x3], $0x80, s20, s15, $0xb8;
	[tilespmem:$0x1CC00] =	vst v63  }
0x90: {  	_ =	swait.ge [sflag:s13], $0x4000  }
0x91: {  	[sflag:s13] =	ssyncset.done $0x0  }
0x92: {  	[sflag:s13] =	ssyncadd.s32 $0xFFFFC000  }
0x93: {  	[tilespmem:s16], [sflag:$0x2] =	stream.indirect.gather [hbm4b:s1+s15], $0x80, s21, s15, $0xb8;
	[tilespmem:$0x1CC00] =	vst v63  }
0x94: {  	_ =	swait.ge [sflag:s17], $0x4000  }
0x95: {  	[sflag:s17] =	ssyncset.done $0x0  }
0x96: {  	[sflag:s17] =	ssyncadd.s32 $0xFFFFC000  }
0x97: {  	[spmem:s3] =	stream.indirect.scatter.add.f32 [tilespmem:s12], [sflag:$0x3], $0x80, s22, s15, $0xb8;
	[tilespmem:$0x1CC00] =	vst v63  }
0x98: {  	_ =	swait.ge [sflag:s13], $0x4000  }
0x99: {  	[sflag:s13] =	ssyncset.done $0x0  }
0x9a: {  	[sflag:s13] =	ssyncadd.s32 $0xFFFFC000  }
0x9b: {  	[tilespmem:s12], [sflag:$0x1] =	stream.indirect.gather [hbm4b:s1+s15], $0x80, s23, s15, $0xb8;
	[tilespmem:$0x1CC00] =	vst v63  }
0x9c: {  	_ =	swait.ge [sflag:s18], $0x4000  }
0x9d: {  	[sflag:s18] =	ssyncset.done $0x0  }
0x9e: {  	[sflag:s18] =	ssyncadd.s32 $0xFFFFC000  }
0x9f: {  	[spmem:s3] =	stream.indirect.scatter.add.f32 [tilespmem:s16], [sflag:$0x3], $0x80, s24, s15, $0xb8;
	[tilespmem:$0x1CC00] =	vst v63  }
0xa0: {  	_ =	swait.ge [sflag:s13], $0x4000  }
0xa1: {  	[sflag:s13] =	ssyncset.done $0x0  }
0xa2: {  	[sflag:s13] =	ssyncadd.s32 $0xFFFFC000  }
0xa3: {  	[tilespmem:s16], [sflag:$0x2] =	stream.indirect.gather [hbm4b:s1+s15], $0x80, s25, s15, $0xb8;
	[tilespmem:$0x1CC00] =	vst v63  }
0xa4: {  	_ =	swait.ge [sflag:s17], $0x4000  }
0xa5: {  	[sflag:s17] =	ssyncset.done $0x0  }
0xa6: {  	[sflag:s17] =	ssyncadd.s32 $0xFFFFC000  }
0xa7: {  	[spmem:s3] =	stream.indirect.scatter.add.f32 [tilespmem:s12], [sflag:$0x3], $0x80, s26, s15, $0xb8;
	[tilespmem:$0x1CC00] =	vst v63  }
0xa8: {  	_ =	swait.ge [sflag:s13], $0x4000  }
0xa9: {  	[sflag:s13] =	ssyncset.done $0x0  }
0xaa: {  	[sflag:s13] =	ssyncadd.s32 $0xFFFFC000  }
0xab: {  	[tilespmem:s12], [sflag:$0x1] =	stream.indirect.gather [hbm4b:s1+s15], $0x80, s28, s15, $0xb8;
	[tilespmem:$0x1CC00] =	vst v63  }
0xac: {  	_ =	swait.ge [sflag:s18], $0x4000  }
0xad: {  	[sflag:s18] =	ssyncset.done $0x0  }
0xae: {  	[sflag:s18] =	ssyncadd.s32 $0xFFFFC000  }
0xaf: {  	[spmem:s3] =	stream.indirect.scatter.add.f32 [tilespmem:s16], [sflag:$0x3], $0x80, s29, s15, $0xb8;
	[tilespmem:$0x1CC00] =	vst v63  }
0xb0: {  	_ =	swait.ge [sflag:s13], $0x4000  }
0xb1: {  	[sflag:s13] =	ssyncset.done $0x0  }
0xb2: {  	[sflag:s13] =	ssyncadd.s32 $0xFFFFC000  }
0xb3: {  	[tilespmem:s16], [sflag:$0x2] =	stream.indirect.gather [hbm4b:s1+s15], $0x80, s30, s15, $0xb8;
	[tilespmem:$0x1CC00] =	vst v63  }
0xb4: {  	_ =	swait.ge [sflag:s17], $0x4000  }
0xb5: {  	[sflag:s17] =	ssyncset.done $0x0  }
0xb6: {  	[sflag:s17] =	ssyncadd.s32 $0xFFFFC000  }
0xb7: {  	[spmem:s3] =	stream.indirect.scatter.add.f32 [tilespmem:s12], [sflag:$0x3], $0x80, s31, s15, $0xb8;
	[tilespmem:$0x1CC00] =	vst v63  }
0xb8: {  	_ =	swait.ge [sflag:s13], $0x4000  }
0xb9: {  	[sflag:s13] =	ssyncset.done $0x0  }
0xba: {  	[sflag:s13] =	ssyncadd.s32 $0xFFFFC000  }
0xbb: {  	[tilespmem:s12], [sflag:$0x1] =	stream.indirect.gather [hbm4b:s1+s15], $0x80, s2, s15, $0xb8;
	[tilespmem:$0x1CC00] =	vst v63  }
0xbc: {  	_ =	swait.ge [sflag:s18], $0x4000  }
0xbd: {  	[sflag:s18] =	ssyncset.done $0x0  }
0xbe: {  	[sflag:s18] =	ssyncadd.s32 $0xFFFFC000  }
0xbf: {  	[spmem:s3] =	stream.indirect.scatter.add.f32 [tilespmem:s16], [sflag:$0x3], $0x80, s0, s15, $0xb8;
	[tilespmem:$0x1CC00] =	vst v63  }
0xc0: {  	_ =	swait.ge [sflag:s13], $0x4000  }
0xc1: {  	[sflag:s13] =	ssyncset.done $0x0  }
0xc2: {  	[sflag:s13] =	ssyncadd.s32 $0xFFFFC000  }
0xc3: {  	[tilespmem:s16], [sflag:$0x2] =	stream.indirect.gather [hbm4b:s1+s15], $0x80, s6, s15, $0xb8;
	[tilespmem:$0x1CC00] =	vst v63  }
0xc4: {  	_ =	swait.ge [sflag:s17], $0x4000  }
0xc5: {  	[sflag:s17] =	ssyncset.done $0x0  }
0xc6: {  	[sflag:s17] =	ssyncadd.s32 $0xFFFFC000  }
0xc7: {  	[spmem:s3] =	stream.indirect.scatter.add.f32 [tilespmem:s12], [sflag:$0x3], $0x80, s7, s15, $0xb8;
	[tilespmem:$0x1CC00] =	vst v63  }
0xc8: {  	_ =	swait.ge [sflag:s13], $0x4000  }
0xc9: {  	[sflag:s13] =	ssyncset.done $0x0  }
0xca: {  	[sflag:s13] =	ssyncadd.s32 $0xFFFFC000  }
0xcb: {  	_ =	swait.ge [sflag:s18], $0x4000  }
0xcc: {  	[sflag:s18] =	ssyncset.done $0x0  }
0xcd: {  	[sflag:s18] =	ssyncadd.s32 $0xFFFFC000  }
0xce: {  	[spmem:s3] =	stream.indirect.scatter.add.f32 [tilespmem:s16], [sflag:$0x3], $0x80, s8, s15, $0xb8;
	[tilespmem:$0x1CC00] =	vst v63  }
0xcf: {  	s10 =	simm.s32 $0x100;
	_ =	swait.ge [sflag:s13], $0x4000  }
0xd0: {  	s11 =	simm.s32 $0x200;
	s5 =	rddreg [dreg:$0x5];
	[sflag:s13] =	ssyncset.done $0x0  }
.LBB2_4:
0xd1: {  	[sflag:s13] =	ssyncadd.s32 $0xFFFFC000;
	s5 =	sadd.s32 s10, s5  }
0xd2: {  	[tilespmem:s4], [sflag:$0x3] =	stream.linear.gather [hbm4b:s5+s4], $0x800, $0x38;
	[tilespmem:$0x1CC00] =	vst v63  }
0xd3: {  	_ =	swait.ge [sflag:s13], $0x800  }
0xd4: {  	s5 =	rddreg [dreg:$0x4];
	[sflag:s13] =	ssyncset.done $0x0  }
0xd5: {  	[sflag:s13] =	ssyncadd.s32 $0xFFFFF800;
	s5 =	sadd.s32 s10, s5  }
0xd6: {  	[tilespmem:s14], [sflag:$0x3] =	stream.linear.gather [hbm4b:s5+s4], $0x800, $0x38;
	[tilespmem:$0x1CC00] =	vst v63  }
0xd7: {  	_ =	swait.ge [sflag:s13], $0x800  }
0xd8: {  	[sflag:s13] =	ssyncset.done $0x0  }
0xd9: {  	[sflag:s13] =	ssyncadd.s32 $0xFFFFF800  }
0xda: {  	[tilespmem:s12], [sflag:$0x1] =	stream.indirect.gather [hbm4b:s1+s15], $0x80, s4, s15, $0xb8;
	[tilespmem:$0x1CC00] =	vst v63  }
0xdb: {  	_ = 	snop  }
0xdc: {  	[tilespmem:s16], [sflag:$0x2] =	stream.indirect.gather [hbm4b:s1+s15], $0x80, s15, s15, $0xb8;
	[tilespmem:$0x1CC00] =	vst v63  }
0xdd: {  	_ =	swait.ge [sflag:s17], $0x4000  }
0xde: {  	[sflag:s17] =	ssyncset.done $0x0  }
0xdf: {  	[sflag:s17] =	ssyncadd.s32 $0xFFFFC000  }
0xe0: {  	[spmem:s3] =	stream.indirect.scatter.add.f32 [tilespmem:s12], [sflag:$0x3], $0x80, s14, s15, $0xb8;
	[tilespmem:$0x1CC00] =	vst v63  }
0xe1: {  	_ =	swait.ge [sflag:s13], $0x4000  }
0xe2: {  	s9 =	smov.u32 s11;
	[sflag:s13] =	ssyncset.done $0x0  }
0xe3: {  	s10 =	smov.u32 s9;
	s9 =	rddreg [dreg:$0x6];
	[sflag:s13] =	ssyncadd.s32 $0xFFFFC000  }
0xe4: {  	[tilespmem:s12], [sflag:$0x1] =	stream.indirect.gather [hbm4b:s1+s15], $0x80, s9, s15, $0xb8;
	[tilespmem:$0x1CC00] =	vst v63  }
0xe5: {  	_ =	swait.ge [sflag:s18], $0x4000  }
0xe6: {  	[sflag:s18] =	ssyncset.done $0x0  }
0xe7: {  	s9 =	rddreg [dreg:$0x7];
	[sflag:s18] =	ssyncadd.s32 $0xFFFFC000  }
0xe8: {  	[spmem:s3] =	stream.indirect.scatter.add.f32 [tilespmem:s16], [sflag:$0x3], $0x80, s9, s15, $0xb8;
	[tilespmem:$0x1CC00] =	vst v63  }
0xe9: {  	_ =	swait.ge [sflag:s13], $0x4000  }
0xea: {  	[sflag:s13] =	ssyncset.done $0x0  }
0xeb: {  	s9 =	rddreg [dreg:$0x8];
	[sflag:s13] =	ssyncadd.s32 $0xFFFFC000  }
0xec: {  	[tilespmem:s16], [sflag:$0x2] =	stream.indirect.gather [hbm4b:s1+s15], $0x80, s9, s15, $0xb8;
	[tilespmem:$0x1CC00] =	vst v63  }
0xed: {  	_ =	swait.ge [sflag:s17], $0x4000  }
0xee: {  	[sflag:s17] =	ssyncset.done $0x0  }
0xef: {  	s9 =	rddreg [dreg:$0x9];
	[sflag:s17] =	ssyncadd.s32 $0xFFFFC000  }
0xf0: {  	[spmem:s3] =	stream.indirect.scatter.add.f32 [tilespmem:s12], [sflag:$0x3], $0x80, s9, s15, $0xb8;
	[tilespmem:$0x1CC00] =	vst v63  }
0xf1: {  	_ =	swait.ge [sflag:s13], $0x4000  }
0xf2: {  	[sflag:s13] =	ssyncset.done $0x0  }
0xf3: {  	s9 =	rddreg [dreg:$0xa];
	[sflag:s13] =	ssyncadd.s32 $0xFFFFC000  }
0xf4: {  	[tilespmem:s12], [sflag:$0x1] =	stream.indirect.gather [hbm4b:s1+s15], $0x80, s9, s15, $0xb8;
	[tilespmem:$0x1CC00] =	vst v63  }
0xf5: {  	_ =	swait.ge [sflag:s18], $0x4000  }
0xf6: {  	[sflag:s18] =	ssyncset.done $0x0  }
0xf7: {  	s9 =	rddreg [dreg:$0xb];
	[sflag:s18] =	ssyncadd.s32 $0xFFFFC000  }
0xf8: {  	[spmem:s3] =	stream.indirect.scatter.add.f32 [tilespmem:s16], [sflag:$0x3], $0x80, s9, s15, $0xb8;
	[tilespmem:$0x1CC00] =	vst v63  }
0xf9: {  	_ =	swait.ge [sflag:s13], $0x4000  }
0xfa: {  	[sflag:s13] =	ssyncset.done $0x0  }
0xfb: {  	s9 =	rddreg [dreg:$0xc];
	[sflag:s13] =	ssyncadd.s32 $0xFFFFC000  }
0xfc: {  	[tilespmem:s16], [sflag:$0x2] =	stream.indirect.gather [hbm4b:s1+s15], $0x80, s9, s15, $0xb8;
	[tilespmem:$0x1CC00] =	vst v63  }
0xfd: {  	_ =	swait.ge [sflag:s17], $0x4000  }
0xfe: {  	[sflag:s17] =	ssyncset.done $0x0  }
0xff: {  	s9 =	rddreg [dreg:$0xd];
	[sflag:s17] =	ssyncadd.s32 $0xFFFFC000  }
0x100: {  	[spmem:s3] =	stream.indirect.scatter.add.f32 [tilespmem:s12], [sflag:$0x3], $0x80, s9, s15, $0xb8;
	[tilespmem:$0x1CC00] =	vst v63  }
0x101: {  	_ =	swait.ge [sflag:s13], $0x4000  }
0x102: {  	[sflag:s13] =	ssyncset.done $0x0  }
0x103: {  	s9 =	rddreg [dreg:$0xe];
	[sflag:s13] =	ssyncadd.s32 $0xFFFFC000  }
0x104: {  	[tilespmem:s12], [sflag:$0x1] =	stream.indirect.gather [hbm4b:s1+s15], $0x80, s9, s15, $0xb8;
	[tilespmem:$0x1CC00] =	vst v63  }
0x105: {  	_ =	swait.ge [sflag:s18], $0x4000  }
0x106: {  	[sflag:s18] =	ssyncset.done $0x0  }
0x107: {  	s9 =	rddreg [dreg:$0xf];
	[sflag:s18] =	ssyncadd.s32 $0xFFFFC000  }
0x108: {  	[spmem:s3] =	stream.indirect.scatter.add.f32 [tilespmem:s16], [sflag:$0x3], $0x80, s9, s15, $0xb8;
	[tilespmem:$0x1CC00] =	vst v63  }
0x109: {  	_ =	swait.ge [sflag:s13], $0x4000  }
0x10a: {  	[sflag:s13] =	ssyncset.done $0x0  }
0x10b: {  	s9 =	rddreg [dreg:$0x10];
	[sflag:s13] =	ssyncadd.s32 $0xFFFFC000  }
0x10c: {  	[tilespmem:s16], [sflag:$0x2] =	stream.indirect.gather [hbm4b:s1+s15], $0x80, s9, s15, $0xb8;
	[tilespmem:$0x1CC00] =	vst v63  }
0x10d: {  	_ =	swait.ge [sflag:s17], $0x4000  }
0x10e: {  	[sflag:s17] =	ssyncset.done $0x0  }
0x10f: {  	s9 =	rddreg [dreg:$0x11];
	[sflag:s17] =	ssyncadd.s32 $0xFFFFC000  }
0x110: {  	[spmem:s3] =	stream.indirect.scatter.add.f32 [tilespmem:s12], [sflag:$0x3], $0x80, s9, s15, $0xb8;
	[tilespmem:$0x1CC00] =	vst v63  }
0x111: {  	_ =	swait.ge [sflag:s13], $0x4000  }
0x112: {  	[sflag:s13] =	ssyncset.done $0x0  }
0x113: {  	[sflag:s13] =	ssyncadd.s32 $0xFFFFC000  }
0x114: {  	[tilespmem:s12], [sflag:$0x1] =	stream.indirect.gather [hbm4b:s1+s15], $0x80, s19, s15, $0xb8;
	[tilespmem:$0x1CC00] =	vst v63  }
0x115: {  	_ =	swait.ge [sflag:s18], $0x4000  }
0x116: {  	[sflag:s18] =	ssyncset.done $0x0  }
0x117: {  	[sflag:s18] =	ssyncadd.s32 $0xFFFFC000  }
0x118: {  	[spmem:s3] =	stream.indirect.scatter.add.f32 [tilespmem:s16], [sflag:$0x3], $0x80, s20, s15, $0xb8;
	[tilespmem:$0x1CC00] =	vst v63  }
0x119: {  	_ =	swait.ge [sflag:s13], $0x4000  }
0x11a: {  	[sflag:s13] =	ssyncset.done $0x0  }
0x11b: {  	[sflag:s13] =	ssyncadd.s32 $0xFFFFC000  }
0x11c: {  	[tilespmem:s16], [sflag:$0x2] =	stream.indirect.gather [hbm4b:s1+s15], $0x80, s21, s15, $0xb8;
	[tilespmem:$0x1CC00] =	vst v63  }
0x11d: {  	_ =	swait.ge [sflag:s17], $0x4000  }
0x11e: {  	[sflag:s17] =	ssyncset.done $0x0  }
0x11f: {  	[sflag:s17] =	ssyncadd.s32 $0xFFFFC000  }
0x120: {  	[spmem:s3] =	stream.indirect.scatter.add.f32 [tilespmem:s12], [sflag:$0x3], $0x80, s22, s15, $0xb8;
	[tilespmem:$0x1CC00] =	vst v63  }
0x121: {  	_ =	swait.ge [sflag:s13], $0x4000  }
0x122: {  	[sflag:s13] =	ssyncset.done $0x0  }
0x123: {  	[sflag:s13] =	ssyncadd.s32 $0xFFFFC000  }
0x124: {  	[tilespmem:s12], [sflag:$0x1] =	stream.indirect.gather [hbm4b:s1+s15], $0x80, s23, s15, $0xb8;
	[tilespmem:$0x1CC00] =	vst v63  }
0x125: {  	_ =	swait.ge [sflag:s18], $0x4000  }
0x126: {  	[sflag:s18] =	ssyncset.done $0x0  }
0x127: {  	[sflag:s18] =	ssyncadd.s32 $0xFFFFC000  }
0x128: {  	[spmem:s3] =	stream.indirect.scatter.add.f32 [tilespmem:s16], [sflag:$0x3], $0x80, s24, s15, $0xb8;
	[tilespmem:$0x1CC00] =	vst v63  }
0x129: {  	_ =	swait.ge [sflag:s13], $0x4000  }
0x12a: {  	[sflag:s13] =	ssyncset.done $0x0  }
0x12b: {  	[sflag:s13] =	ssyncadd.s32 $0xFFFFC000  }
0x12c: {  	[tilespmem:s16], [sflag:$0x2] =	stream.indirect.gather [hbm4b:s1+s15], $0x80, s25, s15, $0xb8;
	[tilespmem:$0x1CC00] =	vst v63  }
0x12d: {  	_ =	swait.ge [sflag:s17], $0x4000  }
0x12e: {  	[sflag:s17] =	ssyncset.done $0x0  }
0x12f: {  	[sflag:s17] =	ssyncadd.s32 $0xFFFFC000  }
0x130: {  	[spmem:s3] =	stream.indirect.scatter.add.f32 [tilespmem:s12], [sflag:$0x3], $0x80, s26, s15, $0xb8;
	[tilespmem:$0x1CC00] =	vst v63  }
0x131: {  	_ =	swait.ge [sflag:s13], $0x4000  }
0x132: {  	[sflag:s13] =	ssyncset.done $0x0  }
0x133: {  	[sflag:s13] =	ssyncadd.s32 $0xFFFFC000  }
0x134: {  	[tilespmem:s12], [sflag:$0x1] =	stream.indirect.gather [hbm4b:s1+s15], $0x80, s28, s15, $0xb8;
	[tilespmem:$0x1CC00] =	vst v63  }
0x135: {  	_ =	swait.ge [sflag:s18], $0x4000  }
0x136: {  	[sflag:s18] =	ssyncset.done $0x0  }
0x137: {  	[sflag:s18] =	ssyncadd.s32 $0xFFFFC000  }
0x138: {  	[spmem:s3] =	stream.indirect.scatter.add.f32 [tilespmem:s16], [sflag:$0x3], $0x80, s29, s15, $0xb8;
	[tilespmem:$0x1CC00] =	vst v63  }
0x139: {  	_ =	swait.ge [sflag:s13], $0x4000  }
0x13a: {  	[sflag:s13] =	ssyncset.done $0x0  }
0x13b: {  	[sflag:s13] =	ssyncadd.s32 $0xFFFFC000  }
0x13c: {  	[tilespmem:s16], [sflag:$0x2] =	stream.indirect.gather [hbm4b:s1+s15], $0x80, s30, s15, $0xb8;
	[tilespmem:$0x1CC00] =	vst v63  }
0x13d: {  	_ =	swait.ge [sflag:s17], $0x4000  }
0x13e: {  	[sflag:s17] =	ssyncset.done $0x0  }
0x13f: {  	[sflag:s17] =	ssyncadd.s32 $0xFFFFC000  }
0x140: {  	[spmem:s3] =	stream.indirect.scatter.add.f32 [tilespmem:s12], [sflag:$0x3], $0x80, s31, s15, $0xb8;
	[tilespmem:$0x1CC00] =	vst v63  }
0x141: {  	_ =	swait.ge [sflag:s13], $0x4000  }
0x142: {  	[sflag:s13] =	ssyncset.done $0x0  }
0x143: {  	[sflag:s13] =	ssyncadd.s32 $0xFFFFC000  }
0x144: {  	[tilespmem:s12], [sflag:$0x1] =	stream.indirect.gather [hbm4b:s1+s15], $0x80, s2, s15, $0xb8;
	[tilespmem:$0x1CC00] =	vst v63  }
0x145: {  	_ =	swait.ge [sflag:s18], $0x4000  }
0x146: {  	[sflag:s18] =	ssyncset.done $0x0  }
0x147: {  	[sflag:s18] =	ssyncadd.s32 $0xFFFFC000  }
0x148: {  	[spmem:s3] =	stream.indirect.scatter.add.f32 [tilespmem:s16], [sflag:$0x3], $0x80, s0, s15, $0xb8;
	[tilespmem:$0x1CC00] =	vst v63  }
0x149: {  	_ =	swait.ge [sflag:s13], $0x4000  }
0x14a: {  	[sflag:s13] =	ssyncset.done $0x0  }
0x14b: {  	[sflag:s13] =	ssyncadd.s32 $0xFFFFC000  }
0x14c: {  	[tilespmem:s16], [sflag:$0x2] =	stream.indirect.gather [hbm4b:s1+s15], $0x80, s6, s15, $0xb8;
	[tilespmem:$0x1CC00] =	vst v63  }
0x14d: {  	_ =	swait.ge [sflag:s17], $0x4000  }
0x14e: {  	[sflag:s17] =	ssyncset.done $0x0  }
0x14f: {  	[sflag:s17] =	ssyncadd.s32 $0xFFFFC000  }
0x150: {  	[spmem:s3] =	stream.indirect.scatter.add.f32 [tilespmem:s12], [sflag:$0x3], $0x80, s7, s15, $0xb8;
	[tilespmem:$0x1CC00] =	vst v63  }
0x151: {  	_ =	swait.ge [sflag:s13], $0x4000  }
0x152: {  	[sflag:s13] =	ssyncset.done $0x0  }
0x153: {  	[sflag:s13] =	ssyncadd.s32 $0xFFFFC000  }
0x154: {  	p0 =	sne.s32 s11, $0x400;
	_ =	swait.ge [sflag:s18], $0x4000  }
.Ltmp1:
0x155: {  	[sflag:s18] =	ssyncset.done $0x0;
	(pc) =	sbr.rel @p0 .LBB2_4-.Ltmp1, $4  }
0x156: {  	[sflag:s18] =	ssyncadd.s32 $0xFFFFC000  }
0x157: {  	[spmem:s3] =	stream.indirect.scatter.add.f32 [tilespmem:s16], [sflag:$0x3], $0x80, s8, s15, $0xb8;
	[tilespmem:$0x1CC00] =	vst v63  }
0x158: {  	_ =	swait.ge [sflag:s13], $0x4000  }
0x159: {  	s11 =	sadd.s32 $0x100, s11;
	s5 =	rddreg [dreg:$0x5];
	[sflag:s13] =	ssyncset.done $0x0  }
0x15a: {  	[sflag:s13] =	ssyncadd.s32 $0xFFFFC000;
	s5 =	sadd.s32 s10, s5  }
0x15b: {  	[tilespmem:s4], [sflag:$0x3] =	stream.linear.gather [hbm4b:s5+s4], $0x800, $0x38;
	[tilespmem:$0x1CC00] =	vst v63  }
0x15c: {  	_ =	swait.ge [sflag:s13], $0x800  }
0x15d: {  	s9 =	rddreg [dreg:$0x4];
	[sflag:s13] =	ssyncset.done $0x0  }
0x15e: {  	[sflag:s13] =	ssyncadd.s32 $0xFFFFF800;
	s5 =	sadd.s32 s10, s9  }
0x15f: {  	[tilespmem:s14], [sflag:$0x3] =	stream.linear.gather [hbm4b:s5+s4], $0x800, $0x38;
	[tilespmem:$0x1CC00] =	vst v63  }
0x160: {  	_ =	swait.ge [sflag:s13], $0x800  }
0x161: {  	[sflag:s13] =	ssyncset.done $0x0  }
0x162: {  	[sflag:s13] =	ssyncadd.s32 $0xFFFFF800  }
0x163: {  	[tilespmem:s12], [sflag:$0x1] =	stream.indirect.gather [hbm4b:s1+s15], $0x80, s4, s15, $0xb8;
	[tilespmem:$0x1CC00] =	vst v63  }
0x164: {  	_ = 	snop  }
0x165: {  	[tilespmem:s16], [sflag:$0x2] =	stream.indirect.gather [hbm4b:s1+s15], $0x80, s15, s15, $0xb8;
	[tilespmem:$0x1CC00] =	vst v63  }
0x166: {  	_ =	swait.ge [sflag:s17], $0x4000  }
0x167: {  	[sflag:s17] =	ssyncset.done $0x0  }
0x168: {  	[sflag:s17] =	ssyncadd.s32 $0xFFFFC000  }
0x169: {  	[spmem:s3] =	stream.indirect.scatter.add.f32 [tilespmem:s12], [sflag:$0x3], $0x80, s14, s15, $0xb8;
	[tilespmem:$0x1CC00] =	vst v63  }
0x16a: {  	_ =	swait.ge [sflag:s13], $0x4000  }
0x16b: {  	[sflag:s13] =	ssyncset.done $0x0  }
0x16c: {  	s10 =	rddreg [dreg:$0x6];
	[sflag:s13] =	ssyncadd.s32 $0xFFFFC000  }
0x16d: {  	[tilespmem:s12], [sflag:$0x1] =	stream.indirect.gather [hbm4b:s1+s15], $0x80, s10, s15, $0xb8;
	[tilespmem:$0x1CC00] =	vst v63  }
0x16e: {  	_ =	swait.ge [sflag:s18], $0x4000  }
0x16f: {  	[sflag:s18] =	ssyncset.done $0x0  }
0x170: {  	s11 =	rddreg [dreg:$0x7];
	[sflag:s18] =	ssyncadd.s32 $0xFFFFC000  }
0x171: {  	[spmem:s3] =	stream.indirect.scatter.add.f32 [tilespmem:s16], [sflag:$0x3], $0x80, s11, s15, $0xb8;
	[tilespmem:$0x1CC00] =	vst v63  }
0x172: {  	_ =	swait.ge [sflag:s13], $0x4000  }
0x173: {  	[sflag:s13] =	ssyncset.done $0x0  }
0x174: {  	s9 =	rddreg [dreg:$0x8];
	[sflag:s13] =	ssyncadd.s32 $0xFFFFC000  }
0x175: {  	[tilespmem:s16], [sflag:$0x2] =	stream.indirect.gather [hbm4b:s1+s15], $0x80, s9, s15, $0xb8;
	[tilespmem:$0x1CC00] =	vst v63  }
0x176: {  	_ =	swait.ge [sflag:s17], $0x4000  }
0x177: {  	[sflag:s17] =	ssyncset.done $0x0  }
0x178: {  	s10 =	rddreg [dreg:$0x9];
	[sflag:s17] =	ssyncadd.s32 $0xFFFFC000  }
0x179: {  	[spmem:s3] =	stream.indirect.scatter.add.f32 [tilespmem:s12], [sflag:$0x3], $0x80, s10, s15, $0xb8;
	[tilespmem:$0x1CC00] =	vst v63  }
0x17a: {  	_ =	swait.ge [sflag:s13], $0x4000  }
0x17b: {  	[sflag:s13] =	ssyncset.done $0x0  }
0x17c: {  	s11 =	rddreg [dreg:$0xa];
	[sflag:s13] =	ssyncadd.s32 $0xFFFFC000  }
0x17d: {  	[tilespmem:s12], [sflag:$0x1] =	stream.indirect.gather [hbm4b:s1+s15], $0x80, s11, s15, $0xb8;
	[tilespmem:$0x1CC00] =	vst v63  }
0x17e: {  	_ =	swait.ge [sflag:s18], $0x4000  }
0x17f: {  	[sflag:s18] =	ssyncset.done $0x0  }
0x180: {  	s9 =	rddreg [dreg:$0xb];
	[sflag:s18] =	ssyncadd.s32 $0xFFFFC000  }
0x181: {  	[spmem:s3] =	stream.indirect.scatter.add.f32 [tilespmem:s16], [sflag:$0x3], $0x80, s9, s15, $0xb8;
	[tilespmem:$0x1CC00] =	vst v63  }
0x182: {  	_ =	swait.ge [sflag:s13], $0x4000  }
0x183: {  	[sflag:s13] =	ssyncset.done $0x0  }
0x184: {  	s10 =	rddreg [dreg:$0xc];
	[sflag:s13] =	ssyncadd.s32 $0xFFFFC000  }
0x185: {  	[tilespmem:s16], [sflag:$0x2] =	stream.indirect.gather [hbm4b:s1+s15], $0x80, s10, s15, $0xb8;
	[tilespmem:$0x1CC00] =	vst v63  }
0x186: {  	_ =	swait.ge [sflag:s17], $0x4000  }
0x187: {  	[sflag:s17] =	ssyncset.done $0x0  }
0x188: {  	s11 =	rddreg [dreg:$0xd];
	[sflag:s17] =	ssyncadd.s32 $0xFFFFC000  }
0x189: {  	[spmem:s3] =	stream.indirect.scatter.add.f32 [tilespmem:s12], [sflag:$0x3], $0x80, s11, s15, $0xb8;
	[tilespmem:$0x1CC00] =	vst v63  }
0x18a: {  	_ =	swait.ge [sflag:s13], $0x4000  }
0x18b: {  	[sflag:s13] =	ssyncset.done $0x0  }
0x18c: {  	s9 =	rddreg [dreg:$0xe];
	[sflag:s13] =	ssyncadd.s32 $0xFFFFC000  }
0x18d: {  	[tilespmem:s12], [sflag:$0x1] =	stream.indirect.gather [hbm4b:s1+s15], $0x80, s9, s15, $0xb8;
	[tilespmem:$0x1CC00] =	vst v63  }
0x18e: {  	_ =	swait.ge [sflag:s18], $0x4000  }
0x18f: {  	[sflag:s18] =	ssyncset.done $0x0  }
0x190: {  	s10 =	rddreg [dreg:$0xf];
	[sflag:s18] =	ssyncadd.s32 $0xFFFFC000  }
0x191: {  	[spmem:s3] =	stream.indirect.scatter.add.f32 [tilespmem:s16], [sflag:$0x3], $0x80, s10, s15, $0xb8;
	[tilespmem:$0x1CC00] =	vst v63  }
0x192: {  	_ =	swait.ge [sflag:s13], $0x4000  }
0x193: {  	[sflag:s13] =	ssyncset.done $0x0  }
0x194: {  	s11 =	rddreg [dreg:$0x10];
	[sflag:s13] =	ssyncadd.s32 $0xFFFFC000  }
0x195: {  	[tilespmem:s16], [sflag:$0x2] =	stream.indirect.gather [hbm4b:s1+s15], $0x80, s11, s15, $0xb8;
	[tilespmem:$0x1CC00] =	vst v63  }
0x196: {  	_ =	swait.ge [sflag:s17], $0x4000  }
0x197: {  	[sflag:s17] =	ssyncset.done $0x0  }
0x198: {  	s9 =	rddreg [dreg:$0x11];
	[sflag:s17] =	ssyncadd.s32 $0xFFFFC000  }
0x199: {  	[spmem:s3] =	stream.indirect.scatter.add.f32 [tilespmem:s12], [sflag:$0x3], $0x80, s9, s15, $0xb8;
	[tilespmem:$0x1CC00] =	vst v63  }
0x19a: {  	_ =	swait.ge [sflag:s13], $0x4000  }
0x19b: {  	[sflag:s13] =	ssyncset.done $0x0  }
0x19c: {  	[sflag:s13] =	ssyncadd.s32 $0xFFFFC000  }
0x19d: {  	[tilespmem:s12], [sflag:$0x1] =	stream.indirect.gather [hbm4b:s1+s15], $0x80, s19, s15, $0xb8;
	[tilespmem:$0x1CC00] =	vst v63  }
0x19e: {  	_ =	swait.ge [sflag:s18], $0x4000  }
0x19f: {  	[sflag:s18] =	ssyncset.done $0x0  }
0x1a0: {  	[sflag:s18] =	ssyncadd.s32 $0xFFFFC000  }
0x1a1: {  	[spmem:s3] =	stream.indirect.scatter.add.f32 [tilespmem:s16], [sflag:$0x3], $0x80, s20, s15, $0xb8;
	[tilespmem:$0x1CC00] =	vst v63  }
0x1a2: {  	_ =	swait.ge [sflag:s13], $0x4000  }
0x1a3: {  	[sflag:s13] =	ssyncset.done $0x0  }
0x1a4: {  	[sflag:s13] =	ssyncadd.s32 $0xFFFFC000  }
0x1a5: {  	[tilespmem:s16], [sflag:$0x2] =	stream.indirect.gather [hbm4b:s1+s15], $0x80, s21, s15, $0xb8;
	[tilespmem:$0x1CC00] =	vst v63  }
0x1a6: {  	_ =	swait.ge [sflag:s17], $0x4000  }
0x1a7: {  	[sflag:s17] =	ssyncset.done $0x0  }
0x1a8: {  	[sflag:s17] =	ssyncadd.s32 $0xFFFFC000  }
0x1a9: {  	[spmem:s3] =	stream.indirect.scatter.add.f32 [tilespmem:s12], [sflag:$0x3], $0x80, s22, s15, $0xb8;
	[tilespmem:$0x1CC00] =	vst v63  }
0x1aa: {  	_ =	swait.ge [sflag:s13], $0x4000  }
0x1ab: {  	[sflag:s13] =	ssyncset.done $0x0  }
0x1ac: {  	[sflag:s13] =	ssyncadd.s32 $0xFFFFC000  }
0x1ad: {  	[tilespmem:s12], [sflag:$0x1] =	stream.indirect.gather [hbm4b:s1+s15], $0x80, s23, s15, $0xb8;
	[tilespmem:$0x1CC00] =	vst v63  }
0x1ae: {  	_ =	swait.ge [sflag:s18], $0x4000  }
0x1af: {  	[sflag:s18] =	ssyncset.done $0x0  }
0x1b0: {  	[sflag:s18] =	ssyncadd.s32 $0xFFFFC000  }
0x1b1: {  	[spmem:s3] =	stream.indirect.scatter.add.f32 [tilespmem:s16], [sflag:$0x3], $0x80, s24, s15, $0xb8;
	[tilespmem:$0x1CC00] =	vst v63  }
0x1b2: {  	_ =	swait.ge [sflag:s13], $0x4000  }
0x1b3: {  	[sflag:s13] =	ssyncset.done $0x0  }
0x1b4: {  	[sflag:s13] =	ssyncadd.s32 $0xFFFFC000  }
0x1b5: {  	[tilespmem:s16], [sflag:$0x2] =	stream.indirect.gather [hbm4b:s1+s15], $0x80, s25, s15, $0xb8;
	[tilespmem:$0x1CC00] =	vst v63  }
0x1b6: {  	_ =	swait.ge [sflag:s17], $0x4000  }
0x1b7: {  	[sflag:s17] =	ssyncset.done $0x0  }
0x1b8: {  	[sflag:s17] =	ssyncadd.s32 $0xFFFFC000  }
0x1b9: {  	[spmem:s3] =	stream.indirect.scatter.add.f32 [tilespmem:s12], [sflag:$0x3], $0x80, s26, s15, $0xb8;
	[tilespmem:$0x1CC00] =	vst v63  }
0x1ba: {  	_ =	swait.ge [sflag:s13], $0x4000  }
0x1bb: {  	[sflag:s13] =	ssyncset.done $0x0  }
0x1bc: {  	[sflag:s13] =	ssyncadd.s32 $0xFFFFC000  }
0x1bd: {  	[tilespmem:s12], [sflag:$0x1] =	stream.indirect.gather [hbm4b:s1+s15], $0x80, s28, s15, $0xb8;
	[tilespmem:$0x1CC00] =	vst v63  }
0x1be: {  	_ =	swait.ge [sflag:s18], $0x4000  }
0x1bf: {  	[sflag:s18] =	ssyncset.done $0x0  }
0x1c0: {  	[sflag:s18] =	ssyncadd.s32 $0xFFFFC000  }
0x1c1: {  	[spmem:s3] =	stream.indirect.scatter.add.f32 [tilespmem:s16], [sflag:$0x3], $0x80, s29, s15, $0xb8;
	[tilespmem:$0x1CC00] =	vst v63  }
0x1c2: {  	_ =	swait.ge [sflag:s13], $0x4000  }
0x1c3: {  	[sflag:s13] =	ssyncset.done $0x0  }
0x1c4: {  	[sflag:s13] =	ssyncadd.s32 $0xFFFFC000  }
0x1c5: {  	[tilespmem:s16], [sflag:$0x2] =	stream.indirect.gather [hbm4b:s1+s15], $0x80, s30, s15, $0xb8;
	[tilespmem:$0x1CC00] =	vst v63  }
0x1c6: {  	_ =	swait.ge [sflag:s17], $0x4000  }
0x1c7: {  	[sflag:s17] =	ssyncset.done $0x0  }
0x1c8: {  	[sflag:s17] =	ssyncadd.s32 $0xFFFFC000  }
0x1c9: {  	[spmem:s3] =	stream.indirect.scatter.add.f32 [tilespmem:s12], [sflag:$0x3], $0x80, s31, s15, $0xb8;
	[tilespmem:$0x1CC00] =	vst v63  }
0x1ca: {  	_ =	swait.ge [sflag:s13], $0x4000  }
0x1cb: {  	[sflag:s13] =	ssyncset.done $0x0  }
0x1cc: {  	[sflag:s13] =	ssyncadd.s32 $0xFFFFC000  }
0x1cd: {  	[tilespmem:s12], [sflag:$0x1] =	stream.indirect.gather [hbm4b:s1+s15], $0x80, s2, s15, $0xb8;
	[tilespmem:$0x1CC00] =	vst v63  }
0x1ce: {  	_ =	swait.ge [sflag:s18], $0x4000  }
0x1cf: {  	[sflag:s18] =	ssyncset.done $0x0  }
0x1d0: {  	[sflag:s18] =	ssyncadd.s32 $0xFFFFC000  }
0x1d1: {  	[spmem:s3] =	stream.indirect.scatter.add.f32 [tilespmem:s16], [sflag:$0x3], $0x80, s0, s15, $0xb8;
	[tilespmem:$0x1CC00] =	vst v63  }
0x1d2: {  	_ =	swait.ge [sflag:s13], $0x4000  }
0x1d3: {  	[sflag:s13] =	ssyncset.done $0x0  }
0x1d4: {  	[sflag:s13] =	ssyncadd.s32 $0xFFFFC000  }
0x1d5: {  	[tilespmem:s16], [sflag:$0x2] =	stream.indirect.gather [hbm4b:s1+s15], $0x80, s6, s15, $0xb8;
	[tilespmem:$0x1CC00] =	vst v63  }
0x1d6: {  	_ =	swait.ge [sflag:s17], $0x4000  }
0x1d7: {  	[sflag:s17] =	ssyncset.done $0x0  }
0x1d8: {  	[sflag:s17] =	ssyncadd.s32 $0xFFFFC000  }
0x1d9: {  	[spmem:s3] =	stream.indirect.scatter.add.f32 [tilespmem:s12], [sflag:$0x3], $0x80, s7, s15, $0xb8;
	[tilespmem:$0x1CC00] =	vst v63  }
0x1da: {  	_ =	swait.ge [sflag:s13], $0x4000  }
0x1db: {  	[sflag:s13] =	ssyncset.done $0x0  }
0x1dc: {  	[sflag:s13] =	ssyncadd.s32 $0xFFFFC000  }
0x1dd: {  	_ =	swait.ge [sflag:s18], $0x4000  }
0x1de: {  	[sflag:s18] =	ssyncset.done $0x0  }
0x1df: {  	[sflag:s18] =	ssyncadd.s32 $0xFFFFC000  }
0x1e0: {  	[spmem:s3] =	stream.indirect.scatter.add.f32 [tilespmem:s16], [sflag:$0x3], $0x80, s8, s15, $0xb8;
	[tilespmem:$0x1CC00] =	vst v63  }
0x1e1: {  	_ =	swait.ge [sflag:s13], $0x4000  }
0x1e2: {  	[sflag:s13] =	ssyncset.done $0x0  }
0x1e3: {  	[sflag:s13] =	ssyncadd.s32 $0xFFFFC000  }
0x1e4: {  	s10 =	stileid.u32;
	[bflag:$0x0] =	sbarrier.arrive $0xFFFF  }
0x1e5: {  	s5 =	sshll.u32 s10, $0x6;
	s9 =	rddreg [dreg:$0x12]  }
0x1e6: {  	s5 =	sor.u32 $0x1C03, s5;
	s11 =	rddreg [dreg:$0x17];
	s9 =	sshrl.u32 s9, $0x3  }
0x1e7: {  	[hbm:s11], [sflag:s5] =	dma.local [spmem:s9], $0x2780  }
0x1e8: {  	_ =	swait.ge [sflag:s13], $0x2780  }
0x1e9: {  	s10 =	rddreg [dreg:$0x19]  }
0x1ea: {  	s11 =	rddreg [dreg:$0x18];
	s9 =	sadd.s32 $0x1, s10  }
0x1eb: {  	p0 =	sne.s32 s9, s11  }
.Ltmp2:
0x1ec: {  	_ = 	snop;
	(pc) =	sbr.rel @p0 .LBB2_1-.Ltmp2, $3  }
0x1ed: {  	_ =	sdelay $0x1  }
0x1ee: {  	[sflag:s13] =	ssyncset.done $0x0  }
0x1ef: {  	[sflag:s13] =	ssyncadd.s32 $0xFFFFD880  }
0x1f0: {  	_ =	sfence.sel $0x180000  }
0x1f1: {  	[bflag:$0x0] =	sbarrier.arrive $0xFFFF  }
0x1f2: {  	_ =	strace $0x9000004A  }
0x1f3: {  	s0 =	stileid.u32;
	[bflag:$0x2] =	sbarrier.arrive $0xFFFF  }
0x1f4: {  	p0 =	sne.s32 s0, $0x0;
	s0 =	rddreg [dreg:$0x3]  }
0x1f5: {  	s0 =	sadd.s32 @!p0 $0x100000, s0  }
0x1f6: {  	[sflag:s0] =	ssyncadd.tile.s32 @!p0 $0x1;
	_ =	shalt  }
.Lfunc_end2:
_tile_overlayer_lowered:
.L_overlay_start_2:
0x1f7: {  	(tag) =	ssettag $0x2  }
0x1f8: {  	s0 =	rddreg [dreg:$0x0];
	s2 =	stileid.u32  }
0x1f9: {  	s1 =	rddreg [dreg:$0x1];
	p0 =	sne.s32 s2, $0x0  }
0x1fa: {  	s3 =	rddreg [dreg:$0x2];
	[bflag:$0x3] =	sbarrier.arrive $0xFFFF;
	s2 =	simm.s32 @!p0 $0x1C03  }
0x1fb: {  	[timem:s3], [sflag:s2] =	dma.local @!p0 [hbm:s0], s1  }
0x1fc: {  	s0 =	simm.s32 @!p0 $0x3  }
0x1fd: {  	_ =	swait.ge @!p0 [sflag:s0], s1  }
0x1fe: {  	s1 =	ssub.s32 @!p0 $0x0, s1;
	[sflag:s0] =	ssyncset.done @!p0 $0x0  }
0x1ff: {  	[sflag:s0] =	ssyncadd.s32 @!p0 s1  }
0x200: {  	[bflag:$0x3] =	sbarrier.arrive $0xFFFF  }
0x201: {  	_ =	shalt  }

</sc_bundles>
